<compile_context>
chip_gen: v7x
topology: tpu7x:2x2x1
jax: 0.10.2.dev20260603
libtpu: 0.0.44.dev20260713+nightly
codegen_flags: <defaults>
</compile_context>

<pallas_src>
import functools

import jax
import jax.numpy as jnp
from jax import lax
from jax.experimental import pallas as pl
from jax.experimental.pallas import tpu as pltpu

def _dot(a, b):
    return lax.dot_general(a, b, (((1,), (0,)), ((), ())),
                           preferred_element_type=jnp.float32)


def _elu(x):
    return jnp.where(x > 0, x, jnp.exp(jnp.minimum(x, 0.0)) - 1.0)



def _xw_kernel(x_ref, w_ref, out_ref):
    out_ref[0] = _dot(x_ref[...], w_ref[0]).astype(jnp.bfloat16)


def _xw(x, W):
    kk, fin, fout = W.shape
    n = x.shape[0]
    return pl.pallas_call(
        _xw_kernel,
        grid=(kk,),
        in_specs=[
            pl.BlockSpec((n, fin), lambda k: (0, 0)),
            pl.BlockSpec((1, fin, fout), lambda k: (k, 0, 0)),
        ],
        out_specs=pl.BlockSpec((1, n, fout), lambda k: (k, 0, 0)),
        out_shape=jax.ShapeDtypeStruct((kk, n, fout), jnp.bfloat16),
    )(x, W)



def _pair_geometry(pos_d_ref, pos_sT_ref, i, j, ti, tj, r):
    pd = pos_d_ref[...]
    ps = pos_sT_ref[...]
    dx = pd[:, 0:1] - ps[0:1, :]
    dy = pd[:, 1:2] - ps[1:2, :]
    dz = pd[:, 2:3] - ps[2:3, :]
    d2 = dx * dx + dy * dy + dz * dz
    ig = i * ti + lax.broadcasted_iota(jnp.int32, (ti, tj), 0)
    jg = j * tj + lax.broadcasted_iota(jnp.int32, (ti, tj), 1)
    maskf = ((d2 < r * r) & (ig != jg)).astype(jnp.float32)
    c = lax.broadcasted_iota(jnp.int32, (5, ti, tj), 0).astype(jnp.float32)
    bs = []
    for dd in (dx, dy, dz):
        v = jnp.clip(dd * (0.5 / r) + 0.5, 0.0, 1.0) * 4.0
        bs.append(jnp.maximum(1.0 - jnp.abs(v[None] - c), 0.0))
    bs[0] = bs[0] * maskf[None]
    return maskf, bs



def _layer_kernel(pos_d_ref, pos_sT_ref, xw_ref, xd_ref, root_ref, b_ref,
                  out_ref, acc_ref, cnt_ref, *, r, ti, tj, j_tiles, o_dim):
    i = pl.program_id(0)
    j = pl.program_id(1)

    @pl.when(j == 0)
    def _():
        acc_ref[...] = jnp.zeros_like(acc_ref)
        cnt_ref[...] = jnp.zeros_like(cnt_ref)

    zd = pos_d_ref[...][:, 2:3]
    zs = pos_sT_ref[...][2:3, :]
    gap = jnp.maximum(jnp.min(zd) - jnp.max(zs), jnp.min(zs) - jnp.max(zd))

    @pl.when(gap < r)
    def _():
        maskf, (b0, b1, b2) = _pair_geometry(pos_d_ref, pos_sT_ref,
                                             i, j, ti, tj, r)
        cnt_ref[...] += jnp.sum(maskf, axis=1, keepdims=True)

        b0 = b0.astype(jnp.bfloat16)
        b1 = b1.astype(jnp.bfloat16)
        b2 = b2.astype(jnp.bfloat16)
        acc = jnp.zeros((ti, o_dim), jnp.float32)
        for k0 in range(5):
            for k1 in range(5):
                p01 = b0[k0] * b1[k1]
                a5 = jnp.concatenate([p01 * b2[k2] for k2 in range(5)], axis=1)
                x5 = xw_ref[k0 * 25 + k1 * 5:k0 * 25 + k1 * 5 + 5]
                acc += _dot(a5, x5.reshape(5 * tj, o_dim))
        acc_ref[...] += acc

    @pl.when(j == j_tiles - 1)
    def _():
        agg = acc_ref[...] / jnp.maximum(cnt_ref[...], 1.0)
        res = agg + _dot(xd_ref[...], root_ref[...]) + b_ref[...]
        out_ref[...] = _elu(res)


def _spline_layer(pos_pad, posT, x, W, root, b, r, xw_const=None,
                  ti=256, tj=128):
    n = pos_pad.shape[0]
    fin, fout = root.shape
    i_tiles, j_tiles = n // ti, n // tj
    if xw_const is not None:
        xw = jnp.broadcast_to(xw_const.astype(jnp.bfloat16)[:, None, :],
                              (125, tj, fout))
        xw_spec = pl.BlockSpec((125, tj, fout), lambda i, j: (0, 0, 0))
    else:
        xw = _xw(x, W)
        xw_spec = pl.BlockSpec((125, tj, fout), lambda i, j: (0, j, 0))
    body = functools.partial(_layer_kernel, r=r, ti=ti, tj=tj,
                             j_tiles=j_tiles, o_dim=fout)
    return pl.pallas_call(
        body,
        grid=(i_tiles, j_tiles),
        in_specs=[
            pl.BlockSpec((ti, 8), lambda i, j: (i, 0)),
            pl.BlockSpec((8, tj), lambda i, j: (0, j)),
            xw_spec,
            pl.BlockSpec((ti, fin), lambda i, j: (i, 0)),
            pl.BlockSpec((fin, fout), lambda i, j: (0, 0)),
            pl.BlockSpec((1, fout), lambda i, j: (0, 0)),
        ],
        out_specs=pl.BlockSpec((ti, fout), lambda i, j: (i, 0)),
        out_shape=jax.ShapeDtypeStruct((n, fout), jnp.float32),
        scratch_shapes=[pltpu.VMEM((ti, fout), jnp.float32),
                        pltpu.VMEM((ti, 1), jnp.float32)],
        compiler_params=pltpu.CompilerParams(
            dimension_semantics=("arbitrary", "arbitrary")),
    )(pos_pad, posT, xw, x, root, b.reshape(1, fout))



def _fps_kernel(pos8_ref, pos_ref, x_ref, pos_sel_ref, x_sel_ref, dist_ref,
                *, n, m, nc):
    colidx = (lax.broadcasted_iota(jnp.int32, (8, nc), 0) * nc
              + lax.broadcasted_iota(jnp.int32, (8, nc), 1))
    xs = pos8_ref[0:8, :]
    ys = pos8_ref[8:16, :]
    zs = pos8_ref[16:24, :]
    dist_ref[...] = jnp.full((8, nc), jnp.inf, jnp.float32)

    def body(it, cur):
        pos_sel_ref[pl.ds(it, 1), :] = pos_ref[pl.ds(cur, 1), :]
        x_sel_ref[pl.ds(it, 1), :] = x_ref[pl.ds(cur, 1), :]
        px = pos_ref[cur, 0]
        py = pos_ref[cur, 1]
        pz = pos_ref[cur, 2]
        d = (xs - px) ** 2 + (ys - py) ** 2 + (zs - pz) ** 2
        dist = jnp.minimum(dist_ref[...], d)
        dist_ref[...] = dist
        mx = jnp.max(dist)
        return jnp.min(jnp.where(dist == mx, colidx, n)).astype(jnp.int32)

    lax.fori_loop(0, m, body, jnp.int32(0))


def _fps(pos_pad, posT, x, m):
    n, f = x.shape
    nc = n // 8
    pos8 = jnp.concatenate([posT[0].reshape(8, nc), posT[1].reshape(8, nc),
                            posT[2].reshape(8, nc)], axis=0)
    body = functools.partial(_fps_kernel, n=n, m=m, nc=nc)
    return pl.pallas_call(
        body,
        in_specs=[
            pl.BlockSpec((24, nc), lambda: (0, 0)),
            pl.BlockSpec((n, 8), lambda: (0, 0)),
            pl.BlockSpec((n, f), lambda: (0, 0)),
        ],
        out_specs=[
            pl.BlockSpec((m, 8), lambda: (0, 0)),
            pl.BlockSpec((m, f), lambda: (0, 0)),
        ],
        out_shape=[jax.ShapeDtypeStruct((m, 8), jnp.float32),
                   jax.ShapeDtypeStruct((m, f), jnp.float32)],
        scratch_shapes=[pltpu.VMEM((8, nc), jnp.float32)],
    )(pos8, pos_pad, x)



def _head_kernel(x_ref, w1_ref, b1_ref, w2_ref, b2_ref, w3_ref, b3_ref,
                 out_ref, *, n):
    h = jnp.sum(x_ref[...], axis=0, keepdims=True) * (1.0 / n)
    h = _elu(_dot(h, w1_ref[...]) + b1_ref[...])
    h = _elu(_dot(h, w2_ref[...]) + b2_ref[...])
    o = _dot(h, w3_ref[...]) + b3_ref[...]
    mx = jnp.max(o)
    out_ref[...] = o - mx - jnp.log(jnp.sum(jnp.exp(o - mx)))


def _head(x, lw1, lb1, lw2, lb2, lw3, lb3):
    n, f = x.shape
    body = functools.partial(_head_kernel, n=n)
    return pl.pallas_call(
        body,
        out_shape=jax.ShapeDtypeStruct((1, 10), jnp.float32),
    )(x, lw1, lb1.reshape(1, -1), lw2, lb2.reshape(1, -1),
      lw3, lb3.reshape(1, -1))



def _pad8(p):
    n = p.shape[0]
    return jnp.concatenate([p, jnp.zeros((n, 5), jnp.float32)], axis=1)


def kernel(pos, batch, W1, root1, b1, W2, root2, b2, W3, root3, b3,
           lw1, lb1, lw2, lb2, lw3, lb3):
    n = pos.shape[0]
    pos_pad = _pad8(pos)
    posT = pos_pad.T

    perm0 = jnp.argsort(pos[:, 2])
    rank0 = jnp.argsort(perm0)
    pos_pad_s = pos_pad[perm0]
    ones = jnp.ones((n, 1), jnp.float32)
    x1 = _spline_layer(pos_pad_s, pos_pad_s.T, ones, W1, root1, b1, r=0.2,
                       xw_const=W1[:, 0, :])[rank0]

    m1 = n // 2
    pos1_pad, x1s = _fps(pos_pad, posT, x1, m1)

    perm1 = jnp.argsort(pos1_pad[:, 2])
    rank1 = jnp.argsort(perm1)
    pos1_pad_s = pos1_pad[perm1]
    x2 = _spline_layer(pos1_pad_s, pos1_pad_s.T, x1s[perm1], W2, root2, b2,
                       r=0.4)[rank1]

    m2 = m1 // 4
    pos2_pad, x2s = _fps(pos1_pad, pos1_pad.T, x2, m2)

    x3 = _spline_layer(pos2_pad, pos2_pad.T, x2s, W3, root3, b3, r=1.0)

    return _head(x3, lw1, lb1, lw2, lb2, lw3, lb3)

# --- scband reference (transcript-rebuilt; emitter-appended) ---
"""Pipeline reference for scband-net-8126078124451 (READ-ONLY COPY).

The authoritative reference and input builder live on the scoring server;
editing this copy changes nothing except your own understanding.
"""

import jax, jax.numpy as jnp
import numpy as np

N = 4096
K = 5
NUM_CLASSES = 10


def setup_inputs(seed: int = 0):
    key = jax.random.key(seed)
    ks = jax.random.split(key, 12)
    inp = {}
    inp['pos'] = jax.random.uniform(ks[0], (N, 3), dtype=jnp.float32)
    inp['batch'] = jnp.zeros((N,), dtype=jnp.int32)

    def w(k, shape, fan):
        return jax.random.normal(k, shape, dtype=jnp.float32) / np.sqrt(fan)

    inp['W1'] = w(ks[1], (K ** 3, 1, 64), 8.0)
    inp['root1'] = w(ks[2], (1, 64), 1.0)
    inp['b1'] = jnp.zeros((64,), jnp.float32)
    inp['W2'] = w(ks[3], (K ** 3, 64, 64), 64.0 * 8)
    inp['root2'] = w(ks[4], (64, 64), 64.0)
    inp['b2'] = jnp.zeros((64,), jnp.float32)
    inp['W3'] = w(ks[5], (K ** 3, 64, 128), 64.0 * 8)
    inp['root3'] = w(ks[6], (64, 128), 64.0)
    inp['b3'] = jnp.zeros((128,), jnp.float32)
    inp['lw1'] = w(ks[7], (128, 256), 128.0)
    inp['lb1'] = jnp.zeros((256,), jnp.float32)
    inp['lw2'] = w(ks[8], (256, 256), 256.0)
    inp['lb2'] = jnp.zeros((256,), jnp.float32)
    inp['lw3'] = w(ks[9], (256, NUM_CLASSES), 256.0)
    inp['lb3'] = jnp.zeros((NUM_CLASSES,), jnp.float32)
    return inp


def radius_graph(pos, r, batch):
    d2 = jnp.sum((pos[:, None, :] - pos[None, :, :]) ** 2, axis=-1)
    n = pos.shape[0]
    mask = (d2 < r * r) & (~jnp.eye(n, dtype=bool)) & (batch[:, None] == batch[None, :])
    src, dst = jnp.nonzero(mask, size=n * n, fill_value=n)
    return jnp.stack([src, dst]).astype(jnp.int32)


def fps_np(pos, ratio):
    n = pos.shape[0]
    m = int(np.ceil(ratio * n))
    dist0 = jnp.full((n,), jnp.inf, dtype=pos.dtype)
    idx0 = jnp.zeros((m,), dtype=jnp.int32)
    cur0 = jnp.int32(0)

    def body(i, carry):
        dist, idx, cur = carry
        idx = idx.at[i].set(cur)
        d = ((pos - pos[cur]) ** 2).sum(axis=1)
        dist = jnp.minimum(dist, d)
        cur = jnp.argmax(dist).astype(jnp.int32)
        return dist, idx, cur

    dist, idx, cur = jax.lax.fori_loop(0, m, body, (dist0, idx0, cur0))
    return idx


def spline_conv(x, edge_index, pseudo, W, root, bias):
    # SplineConv, dim=3, kernel_size=5, degree-1 open B-splines, aggr='mean', root weight + bias
    src, dst = edge_index[0], edge_index[1]
    n = x.shape[0]
    out_dim = W.shape[2]
    v = pseudo * (K - 1)
    i0 = jnp.clip(jnp.floor(v), 0, K - 2).astype(jnp.int32)
    frac = v - i0.astype(v.dtype)
    XW = jnp.einsum('ni,kio->nko', x, W)
    E = src.shape[0]
    msg = jnp.zeros((E, out_dim), dtype=x.dtype)
    for s0 in (0, 1):
        for s1 in (0, 1):
            for s2 in (0, 1):
                b = ((frac[:, 0] if s0 else 1 - frac[:, 0])
                     * (frac[:, 1] if s1 else 1 - frac[:, 1])
                     * (frac[:, 2] if s2 else 1 - frac[:, 2]))
                kidx = (i0[:, 0] + s0) + K * (i0[:, 1] + s1) + K * K * (i0[:, 2] + s2)
                msg = msg + b[:, None] * XW[src, kidx]
    agg = jnp.zeros((n, out_dim), dtype=x.dtype).at[dst].add(msg)
    cnt = jnp.zeros((n,), dtype=x.dtype).at[dst].add(1.0)
    agg = agg / jnp.clip(cnt, 1.0, None)[:, None]
    return agg + x @ root + bias


def reference(pos, batch, W1, root1, b1, W2, root2, b2, W3, root3, b3, lw1, lb1, lw2, lb2, lw3, lb3):
    x = jnp.ones((pos.shape[0], 1), dtype=pos.dtype)
    r = 0.2
    e = radius_graph(pos, r, batch)
    pseudo = jnp.clip((pos[e[1]] - pos[e[0]]) / (2 * r) + 0.5, 0.0, 1.0)
    x = jax.nn.elu(spline_conv(x, e, pseudo, W1, root1, b1))
    idx = fps_np(pos, 0.5)
    x, pos, batch = x[idx], pos[idx], batch[idx]
    r = 0.4
    e = radius_graph(pos, r, batch)
    pseudo = jnp.clip((pos[e[1]] - pos[e[0]]) / (2 * r) + 0.5, 0.0, 1.0)
    x = jax.nn.elu(spline_conv(x, e, pseudo, W2, root2, b2))
    idx = fps_np(pos, 0.25)
    x, pos, batch = x[idx], pos[idx], batch[idx]
    r = 1.0
    e = radius_graph(pos, r, batch)
    pseudo = jnp.clip((pos[e[1]] - pos[e[0]]) / (2 * r) + 0.5, 0.0, 1.0)
    x = jax.nn.elu(spline_conv(x, e, pseudo, W3, root3, b3))
    nb = 1
    sums = jnp.zeros((nb, x.shape[1]), dtype=x.dtype).at[batch].add(x)
    cnts = jnp.zeros((nb,), dtype=x.dtype).at[batch].add(1.0)
    x = sums / jnp.clip(cnts, 1.0, None)[:, None]
    x = jax.nn.elu(x @ lw1 + lb1)
    x = jax.nn.elu(x @ lw2 + lb2)
    # dropout p=0.5 is identity in eval mode
    x = x @ lw3 + lb3
    return jax.nn.log_softmax(x, axis=-1)

if __name__ == "__main__":
    import jax
    _d = setup_inputs()
    print(jax.jit(kernel)(*tuple(_d.values())))

</pallas_src>

<mosaic_0001>
module attributes {stable_mosaic.version = 14 : i64} {
  func.func @_layer_kernel(%arg0: i32, %arg1: i32, %arg2: memref<256x8xf32, #tpu.memory_space<vmem>>, %arg3: memref<8x128xf32, #tpu.memory_space<vmem>>, %arg4: memref<125x128x64xbf16, #tpu.memory_space<vmem>>, %arg5: memref<256x1xf32, #tpu.memory_space<vmem>>, %arg6: memref<1x64xf32, #tpu.memory_space<vmem>>, %arg7: memref<1x64xf32, #tpu.memory_space<vmem>>, %arg8: memref<256x64xf32, #tpu.memory_space<vmem>>, %arg9: memref<256x64xf32, #tpu.memory_space<vmem>>, %arg10: memref<256x1xf32, #tpu.memory_space<vmem>>) attributes {dimension_semantics = [#tpu.dimension_semantics<arbitrary>, #tpu.dimension_semantics<arbitrary>], iteration_bounds = array<i64: 16, 32>, scalar_prefetch = 0 : i64, scratch_operands = 2 : i64, tpu.core_type = #tpu.core_type<tc>, window_params = [{transform_indices = @transform_0, window_bounds = array<i64: 256, 8>}, {transform_indices = @transform_1, window_bounds = array<i64: 8, 128>}, {pipeline_mode = #tpu.pipeline_mode<synchronous>, transform_indices = @transform_2, window_bounds = array<i64: 125, 128, 64>}, {transform_indices = @transform_3, window_bounds = array<i64: 256, 1>}, {pipeline_mode = #tpu.pipeline_mode<synchronous>, transform_indices = @transform_4, window_bounds = array<i64: 1, 64>}, {pipeline_mode = #tpu.pipeline_mode<synchronous>, transform_indices = @transform_5, window_bounds = array<i64: 1, 64>}, {transform_indices = @transform_6, window_bounds = array<i64: 256, 64>}]} {
    %eq3A = arith.constant 0 : i32
    %eq3A_0 = arith.cmpi eq, %arg1, %eq3A : i32
    %convert_element_type3A = arith.extui %eq3A_0 : i1 to i32
    %cond3A = arith.constant 0 : i32
    %cond3A_1 = arith.cmpi ne, %convert_element_type3A, %cond3A : i32
    scf.if %cond3A_1 {
      %broadcast_in_dim3A = arith.constant 0.000000e+00 : f32
      %broadcast_in_dim3A_36 = vector.broadcast %broadcast_in_dim3A : f32 to vector<256x64xf32>
      %swap3A = arith.constant 0 : index
      %swap3A_37 = arith.constant 0 : index
      %swap3A_38 = vector.load %arg9[%swap3A, %swap3A_37] : memref<256x64xf32, #tpu.memory_space<vmem>>, vector<256x64xf32>
      tpu.vector_store %arg9[%swap3A, %swap3A_37], %broadcast_in_dim3A_36 {strides = array<i32>} : memref<256x64xf32, #tpu.memory_space<vmem>>, vector<256x64xf32>,
      %broadcast_in_dim3A_39 = arith.constant 0.000000e+00 : f32
      %broadcast_in_dim3A_40 = vector.broadcast %broadcast_in_dim3A_39 : f32 to vector<256x1xf32>
      %swap3A_41 = arith.constant 0 : index
      %swap3A_42 = arith.constant 0 : index
      %swap3A_43 = vector.load %arg10[%swap3A_41, %swap3A_42] : memref<256x1xf32, #tpu.memory_space<vmem>>, vector<256x1xf32>
      tpu.vector_store %arg10[%swap3A_41, %swap3A_42], %broadcast_in_dim3A_40 {strides = array<i32>} : memref<256x1xf32, #tpu.memory_space<vmem>>, vector<256x1xf32>,
    } else {
    }
    %get3A = arith.constant 0 : index
    %get3A_2 = arith.constant 0 : index
    %get3A_3 = vector.load %arg2[%get3A, %get3A_2] : memref<256x8xf32, #tpu.memory_space<vmem>>, vector<256x8xf32>
    %slice3A = vector.extract_strided_slice %get3A_3 {offsets = [0, 2], sizes = [256, 1], strides = [1, 1]} : vector<256x8xf32> to vector<256x1xf32>
    %get3A_4 = arith.constant 0 : index
    %get3A_5 = arith.constant 0 : index
    %get3A_6 = vector.load %arg3[%get3A_4, %get3A_5] : memref<8x128xf32, #tpu.memory_space<vmem>>, vector<8x128xf32>
    %slice3A_7 = vector.extract_strided_slice %get3A_6 {offsets = [2, 0], sizes = [1, 128], strides = [1, 1]} : vector<8x128xf32> to vector<1x128xf32>
    %reduce_min3A = vector.shape_cast %slice3A : vector<256x1xf32> to vector<1x256x1xf32>
    %reduce_min3A_8 = arith.constant dense<0x7F800000> : vector<1xf32>
    %reduce_min3A_9 = vector.multi_reduction <minimumf>, %reduce_min3A, %reduce_min3A_8 [1, 2] : vector<1x256x1xf32> to vector<1xf32>
    %reduce_min3A_10 = vector.shape_cast %reduce_min3A_9 : vector<1xf32> to vector<1x1x1xf32>
    %reduce_min3A_11 = vector.extract %reduce_min3A_10[0, 0, 0] : f32 from vector<1x1x1xf32>
    %reduce_max3A = vector.shape_cast %slice3A_7 : vector<1x128xf32> to vector<1x1x128xf32>
    %reduce_max3A_12 = arith.constant dense<0xFF800000> : vector<1xf32>
    %reduce_max3A_13 = vector.multi_reduction <maximumf>, %reduce_max3A, %reduce_max3A_12 [1, 2] : vector<1x1x128xf32> to vector<1xf32>
    %reduce_max3A_14 = vector.shape_cast %reduce_max3A_13 : vector<1xf32> to vector<1x1x1xf32>
    %reduce_max3A_15 = vector.extract %reduce_max3A_14[0, 0, 0] : f32 from vector<1x1x1xf32>
    %sub3A = arith.subf %reduce_min3A_11, %reduce_max3A_15 : f32
    %reduce_min3A_16 = vector.shape_cast %slice3A_7 : vector<1x128xf32> to vector<1x1x128xf32>
    %reduce_min3A_17 = arith.constant dense<0x7F800000> : vector<1xf32>
    %reduce_min3A_18 = vector.multi_reduction <minimumf>, %reduce_min3A_16, %reduce_min3A_17 [1, 2] : vector<1x1x128xf32> to vector<1xf32>
    %reduce_min3A_19 = vector.shape_cast %reduce_min3A_18 : vector<1xf32> to vector<1x1x1xf32>
    %reduce_min3A_20 = vector.extract %reduce_min3A_19[0, 0, 0] : f32 from vector<1x1x1xf32>
    %reduce_max3A_21 = vector.shape_cast %slice3A : vector<256x1xf32> to vector<1x256x1xf32>
    %reduce_max3A_22 = arith.constant dense<0xFF800000> : vector<1xf32>
    %reduce_max3A_23 = vector.multi_reduction <maximumf>, %reduce_max3A_21, %reduce_max3A_22 [1, 2] : vector<1x256x1xf32> to vector<1xf32>
    %reduce_max3A_24 = vector.shape_cast %reduce_max3A_23 : vector<1xf32> to vector<1x1x1xf32>
    %reduce_max3A_25 = vector.extract %reduce_max3A_24[0, 0, 0] : f32 from vector<1x1x1xf32>
    %sub3A_26 = arith.subf %reduce_min3A_20, %reduce_max3A_25 : f32
    %max3A = arith.maximumf %sub3A, %sub3A_26 : f32
    %lt3A = arith.constant 2.000000e-01 : f32
    %lt3A_27 = arith.cmpf olt, %max3A, %lt3A : f32
    %convert_element_type3A_28 = arith.extui %lt3A_27 : i1 to i32
    %cond3A_29 = arith.constant 0 : i32
    %cond3A_30 = arith.cmpi ne, %convert_element_type3A_28, %cond3A_29 : i32
    scf.if %cond3A_30 {
      %get3A_36 = arith.constant 0 : index
      %get3A_37 = arith.constant 0 : index
      %get3A_38 = vector.load %arg2[%get3A_36, %get3A_37] : memref<256x8xf32, #tpu.memory_space<vmem>>, vector<256x8xf32>
      %get3A_39 = arith.constant 0 : index
      %get3A_40 = arith.constant 0 : index
      %get3A_41 = vector.load %arg3[%get3A_39, %get3A_40] : memref<8x128xf32, #tpu.memory_space<vmem>>, vector<8x128xf32>
      %slice3A_42 = vector.extract_strided_slice %get3A_38 {offsets = [0, 0], sizes = [256, 1], strides = [1, 1]} : vector<256x8xf32> to vector<256x1xf32>
      %slice3A_43 = vector.extract_strided_slice %get3A_41 {offsets = [0, 0], sizes = [1, 128], strides = [1, 1]} : vector<8x128xf32> to vector<1x128xf32>
      %sub3A_44 = vector.broadcast %slice3A_42 : vector<256x1xf32> to vector<256x128xf32>
      %sub3A_45 = vector.broadcast %slice3A_43 : vector<1x128xf32> to vector<256x128xf32>
      %sub3A_46 = arith.subf %sub3A_44, %sub3A_45 : vector<256x128xf32>
      %slice3A_47 = vector.extract_strided_slice %get3A_38 {offsets = [0, 1], sizes = [256, 1], strides = [1, 1]} : vector<256x8xf32> to vector<256x1xf32>
      %slice3A_48 = vector.extract_strided_slice %get3A_41 {offsets = [1, 0], sizes = [1, 128], strides = [1, 1]} : vector<8x128xf32> to vector<1x128xf32>
      %sub3A_49 = vector.broadcast %slice3A_47 : vector<256x1xf32> to vector<256x128xf32>
      %sub3A_50 = vector.broadcast %slice3A_48 : vector<1x128xf32> to vector<256x128xf32>
      %sub3A_51 = arith.subf %sub3A_49, %sub3A_50 : vector<256x128xf32>
      %slice3A_52 = vector.extract_strided_slice %get3A_38 {offsets = [0, 2], sizes = [256, 1], strides = [1, 1]} : vector<256x8xf32> to vector<256x1xf32>
      %slice3A_53 = vector.extract_strided_slice %get3A_41 {offsets = [2, 0], sizes = [1, 128], strides = [1, 1]} : vector<8x128xf32> to vector<1x128xf32>
      %sub3A_54 = vector.broadcast %slice3A_52 : vector<256x1xf32> to vector<256x128xf32>
      %sub3A_55 = vector.broadcast %slice3A_53 : vector<1x128xf32> to vector<256x128xf32>
      %sub3A_56 = arith.subf %sub3A_54, %sub3A_55 : vector<256x128xf32>
      %mul3A = arith.mulf %sub3A_46, %sub3A_46 : vector<256x128xf32>
      %mul3A_57 = arith.mulf %sub3A_51, %sub3A_51 : vector<256x128xf32>
      %add3A = arith.addf %mul3A, %mul3A_57 : vector<256x128xf32>
      %mul3A_58 = arith.mulf %sub3A_56, %sub3A_56 : vector<256x128xf32>
      %add3A_59 = arith.addf %add3A, %mul3A_58 : vector<256x128xf32>
      %mul3A_60 = arith.constant 256 : i32
      %mul3A_61 = arith.muli %arg0, %mul3A_60 : i32
      %iota3A = tpu.iota {dimensions = array<i32: 0>} : vector<256x128xi32>
      %add3A_62 = vector.broadcast %mul3A_61 : i32 to vector<256x128xi32>
      %add3A_63 = arith.addi %add3A_62, %iota3A : vector<256x128xi32>
      %mul3A_64 = arith.constant 128 : i32
      %mul3A_65 = arith.muli %arg1, %mul3A_64 : i32
      %iota3A_66 = tpu.iota {dimensions = array<i32: 1>} : vector<256x128xi32>
      %add3A_67 = vector.broadcast %mul3A_65 : i32 to vector<256x128xi32>
      %add3A_68 = arith.addi %add3A_67, %iota3A_66 : vector<256x128xi32>
      %lt3A_69 = arith.constant 4.000000e-02 : f32
      %lt3A_70 = vector.broadcast %lt3A_69 : f32 to vector<256x128xf32>
      %lt3A_71 = arith.cmpf olt, %add3A_59, %lt3A_70 : vector<256x128xf32>
      %ne3A = arith.cmpi ne, %add3A_63, %add3A_68 : vector<256x128xi32>
      %and3A = arith.andi %lt3A_71, %ne3A : vector<256x128xi1>
      %convert_element_type3A_72 = arith.extui %and3A : vector<256x128xi1> to vector<256x128xi32>
      %convert_element_type3A_73 = arith.sitofp %convert_element_type3A_72 : vector<256x128xi32> to vector<256x128xf32>
      %iota3A_74 = tpu.iota {dimensions = array<i32: 0>} : vector<5x256x128xi32>
      %convert_element_type3A_75 = arith.sitofp %iota3A_74 : vector<5x256x128xi32> to vector<5x256x128xf32>
      %mul3A_76 = arith.constant 2.500000e+00 : f32
      %mul3A_77 = vector.broadcast %mul3A_76 : f32 to vector<256x128xf32>
      %mul3A_78 = arith.mulf %sub3A_46, %mul3A_77 : vector<256x128xf32>
      %add3A_79 = arith.constant 5.000000e-01 : f32
      %add3A_80 = vector.broadcast %add3A_79 : f32 to vector<256x128xf32>
      %add3A_81 = arith.addf %mul3A_78, %add3A_80 : vector<256x128xf32>
      %jit3A = arith.constant 0.000000e+00 : f32
      %jit3A_82 = arith.constant 1.000000e+00 : f32
      %max3A_83 = vector.broadcast %jit3A : f32 to vector<256x128xf32>
      %max3A_84 = arith.maximumf %max3A_83, %add3A_81 : vector<256x128xf32>
      %min3A = vector.broadcast %jit3A_82 : f32 to vector<256x128xf32>
      %min3A_85 = arith.minimumf %min3A, %max3A_84 : vector<256x128xf32>
      %mul3A_86 = arith.constant 4.000000e+00 : f32
      %mul3A_87 = vector.broadcast %mul3A_86 : f32 to vector<256x128xf32>
      %mul3A_88 = arith.mulf %min3A_85, %mul3A_87 : vector<256x128xf32>
      %broadcast_in_dim3A = vector.shape_cast %mul3A_88 : vector<256x128xf32> to vector<1x256x128xf32>
      %sub3A_89 = vector.broadcast %broadcast_in_dim3A : vector<1x256x128xf32> to vector<5x256x128xf32>
      %sub3A_90 = arith.subf %sub3A_89, %convert_element_type3A_75 : vector<5x256x128xf32>
      %abs3A = math.absf %sub3A_90 : vector<5x256x128xf32>
      %sub3A_91 = arith.constant 1.000000e+00 : f32
      %sub3A_92 = vector.broadcast %sub3A_91 : f32 to vector<5x256x128xf32>
      %sub3A_93 = arith.subf %sub3A_92, %abs3A : vector<5x256x128xf32>
      %max3A_94 = arith.constant 0.000000e+00 : f32
      %max3A_95 = vector.broadcast %max3A_94 : f32 to vector<5x256x128xf32>
      %max3A_96 = arith.maximumf %sub3A_93, %max3A_95 : vector<5x256x128xf32>
      %mul3A_97 = arith.constant 2.500000e+00 : f32
      %mul3A_98 = vector.broadcast %mul3A_97 : f32 to vector<256x128xf32>
      %mul3A_99 = arith.mulf %sub3A_51, %mul3A_98 : vector<256x128xf32>
      %add3A_100 = arith.constant 5.000000e-01 : f32
      %add3A_101 = vector.broadcast %add3A_100 : f32 to vector<256x128xf32>
      %add3A_102 = arith.addf %mul3A_99, %add3A_101 : vector<256x128xf32>
      %jit3A_103 = arith.constant 0.000000e+00 : f32
      %jit3A_104 = arith.constant 1.000000e+00 : f32
      %max3A_105 = vector.broadcast %jit3A_103 : f32 to vector<256x128xf32>
      %max3A_106 = arith.maximumf %max3A_105, %add3A_102 : vector<256x128xf32>
      %min3A_107 = vector.broadcast %jit3A_104 : f32 to vector<256x128xf32>
      %min3A_108 = arith.minimumf %min3A_107, %max3A_106 : vector<256x128xf32>
      %mul3A_109 = arith.constant 4.000000e+00 : f32
      %mul3A_110 = vector.broadcast %mul3A_109 : f32 to vector<256x128xf32>
      %mul3A_111 = arith.mulf %min3A_108, %mul3A_110 : vector<256x128xf32>
      %broadcast_in_dim3A_112 = vector.shape_cast %mul3A_111 : vector<256x128xf32> to vector<1x256x128xf32>
      %sub3A_113 = vector.broadcast %broadcast_in_dim3A_112 : vector<1x256x128xf32> to vector<5x256x128xf32>
      %sub3A_114 = arith.subf %sub3A_113, %convert_element_type3A_75 : vector<5x256x128xf32>
      %abs3A_115 = math.absf %sub3A_114 : vector<5x256x128xf32>
      %sub3A_116 = arith.constant 1.000000e+00 : f32
      %sub3A_117 = vector.broadcast %sub3A_116 : f32 to vector<5x256x128xf32>
      %sub3A_118 = arith.subf %sub3A_117, %abs3A_115 : vector<5x256x128xf32>
      %max3A_119 = arith.constant 0.000000e+00 : f32
      %max3A_120 = vector.broadcast %max3A_119 : f32 to vector<5x256x128xf32>
      %max3A_121 = arith.maximumf %sub3A_118, %max3A_120 : vector<5x256x128xf32>
      %mul3A_122 = arith.constant 2.500000e+00 : f32
      %mul3A_123 = vector.broadcast %mul3A_122 : f32 to vector<256x128xf32>
      %mul3A_124 = arith.mulf %sub3A_56, %mul3A_123 : vector<256x128xf32>
      %add3A_125 = arith.constant 5.000000e-01 : f32
      %add3A_126 = vector.broadcast %add3A_125 : f32 to vector<256x128xf32>
      %add3A_127 = arith.addf %mul3A_124, %add3A_126 : vector<256x128xf32>
      %jit3A_128 = arith.constant 0.000000e+00 : f32
      %jit3A_129 = arith.constant 1.000000e+00 : f32
      %max3A_130 = vector.broadcast %jit3A_128 : f32 to vector<256x128xf32>
      %max3A_131 = arith.maximumf %max3A_130, %add3A_127 : vector<256x128xf32>
      %min3A_132 = vector.broadcast %jit3A_129 : f32 to vector<256x128xf32>
      %min3A_133 = arith.minimumf %min3A_132, %max3A_131 : vector<256x128xf32>
      %mul3A_134 = arith.constant 4.000000e+00 : f32
      %mul3A_135 = vector.broadcast %mul3A_134 : f32 to vector<256x128xf32>
      %mul3A_136 = arith.mulf %min3A_133, %mul3A_135 : vector<256x128xf32>
      %broadcast_in_dim3A_137 = vector.shape_cast %mul3A_136 : vector<256x128xf32> to vector<1x256x128xf32>
      %sub3A_138 = vector.broadcast %broadcast_in_dim3A_137 : vector<1x256x128xf32> to vector<5x256x128xf32>
      %sub3A_139 = arith.subf %sub3A_138, %convert_element_type3A_75 : vector<5x256x128xf32>
      %abs3A_140 = math.absf %sub3A_139 : vector<5x256x128xf32>
      %sub3A_141 = arith.constant 1.000000e+00 : f32
      %sub3A_142 = vector.broadcast %sub3A_141 : f32 to vector<5x256x128xf32>
      %sub3A_143 = arith.subf %sub3A_142, %abs3A_140 : vector<5x256x128xf32>
      %max3A_144 = arith.constant 0.000000e+00 : f32
      %max3A_145 = vector.broadcast %max3A_144 : f32 to vector<5x256x128xf32>
      %max3A_146 = arith.maximumf %sub3A_143, %max3A_145 : vector<5x256x128xf32>
      %broadcast_in_dim3A_147 = vector.shape_cast %convert_element_type3A_73 : vector<256x128xf32> to vector<1x256x128xf32>
      %mul3A_148 = vector.broadcast %broadcast_in_dim3A_147 : vector<1x256x128xf32> to vector<5x256x128xf32>
      %mul3A_149 = arith.mulf %max3A_96, %mul3A_148 : vector<5x256x128xf32>
      %get3A_150 = arith.constant 0 : index
      %get3A_151 = arith.constant 0 : index
      %get3A_152 = vector.load %arg10[%get3A_150, %get3A_151] : memref<256x1xf32, #tpu.memory_space<vmem>>, vector<256x1xf32>
      %reduce_sum3A = arith.constant dense<0.000000e+00> : vector<256xf32>
      %reduce_sum3A_153 = vector.multi_reduction <add>, %convert_element_type3A_73, %reduce_sum3A [1] : vector<256x128xf32> to vector<256xf32>
      %broadcast_in_dim3A_154 = vector.shape_cast %reduce_sum3A_153 : vector<256xf32> to vector<256x1xf32>
      %add3A_155 = arith.addf %get3A_152, %broadcast_in_dim3A_154 : vector<256x1xf32>
      %swap3A = arith.constant 0 : index
      %swap3A_156 = arith.constant 0 : index
      %swap3A_157 = vector.load %arg10[%swap3A, %swap3A_156] : memref<256x1xf32, #tpu.memory_space<vmem>>, vector<256x1xf32>
      tpu.vector_store %arg10[%swap3A, %swap3A_156], %add3A_155 {strides = array<i32>} : memref<256x1xf32, #tpu.memory_space<vmem>>, vector<256x1xf32>,
      %convert_element_type3A_158 = arith.truncf %mul3A_149 : vector<5x256x128xf32> to vector<5x256x128xbf16>
      %convert_element_type3A_159 = arith.truncf %max3A_121 : vector<5x256x128xf32> to vector<5x256x128xbf16>
      %convert_element_type3A_160 = arith.truncf %max3A_146 : vector<5x256x128xf32> to vector<5x256x128xbf16>
      %broadcast_in_dim3A_161 = arith.constant 0.000000e+00 : f32
      %broadcast_in_dim3A_162 = vector.broadcast %broadcast_in_dim3A_161 : f32 to vector<256x64xf32>
      %slice3A_163 = vector.extract_strided_slice %convert_element_type3A_158 {offsets = [0, 0, 0], sizes = [1, 256, 128], strides = [1, 1, 1]} : vector<5x256x128xbf16> to vector<1x256x128xbf16>
      %squeeze3A = vector.shape_cast %slice3A_163 : vector<1x256x128xbf16> to vector<256x128xbf16>
      %slice3A_164 = vector.extract_strided_slice %convert_element_type3A_159 {offsets = [0, 0, 0], sizes = [1, 256, 128], strides = [1, 1, 1]} : vector<5x256x128xbf16> to vector<1x256x128xbf16>
      %squeeze3A_165 = vector.shape_cast %slice3A_164 : vector<1x256x128xbf16> to vector<256x128xbf16>
      %mul3A_166 = arith.mulf %squeeze3A, %squeeze3A_165 : vector<256x128xbf16>
      %slice3A_167 = vector.extract_strided_slice %convert_element_type3A_160 {offsets = [0, 0, 0], sizes = [1, 256, 128], strides = [1, 1, 1]} : vector<5x256x128xbf16> to vector<1x256x128xbf16>
      %squeeze3A_168 = vector.shape_cast %slice3A_167 : vector<1x256x128xbf16> to vector<256x128xbf16>
      %mul3A_169 = arith.mulf %mul3A_166, %squeeze3A_168 : vector<256x128xbf16>
      %slice3A_170 = vector.extract_strided_slice %convert_element_type3A_160 {offsets = [1, 0, 0], sizes = [1, 256, 128], strides = [1, 1, 1]} : vector<5x256x128xbf16> to vector<1x256x128xbf16>
      %squeeze3A_171 = vector.shape_cast %slice3A_170 : vector<1x256x128xbf16> to vector<256x128xbf16>
      %mul3A_172 = arith.mulf %mul3A_166, %squeeze3A_171 : vector<256x128xbf16>
      %slice3A_173 = vector.extract_strided_slice %convert_element_type3A_160 {offsets = [2, 0, 0], sizes = [1, 256, 128], strides = [1, 1, 1]} : vector<5x256x128xbf16> to vector<1x256x128xbf16>
      %squeeze3A_174 = vector.shape_cast %slice3A_173 : vector<1x256x128xbf16> to vector<256x128xbf16>
      %mul3A_175 = arith.mulf %mul3A_166, %squeeze3A_174 : vector<256x128xbf16>
      %slice3A_176 = vector.extract_strided_slice %convert_element_type3A_160 {offsets = [3, 0, 0], sizes = [1, 256, 128], strides = [1, 1, 1]} : vector<5x256x128xbf16> to vector<1x256x128xbf16>
      %squeeze3A_177 = vector.shape_cast %slice3A_176 : vector<1x256x128xbf16> to vector<256x128xbf16>
      %mul3A_178 = arith.mulf %mul3A_166, %squeeze3A_177 : vector<256x128xbf16>
      %slice3A_179 = vector.extract_strided_slice %convert_element_type3A_160 {offsets = [4, 0, 0], sizes = [1, 256, 128], strides = [1, 1, 1]} : vector<5x256x128xbf16> to vector<1x256x128xbf16>
      %squeeze3A_180 = vector.shape_cast %slice3A_179 : vector<1x256x128xbf16> to vector<256x128xbf16>
      %mul3A_181 = arith.mulf %mul3A_166, %squeeze3A_180 : vector<256x128xbf16>
      %concatenate3A = tpu.concatenate %mul3A_169, %mul3A_172, %mul3A_175, %mul3A_178, %mul3A_181 in 1 : vector<256x128xbf16>, vector<256x128xbf16>, vector<256x128xbf16>, vector<256x128xbf16>, vector<256x128xbf16> -> vector<256x640xbf16>
      %get3A_182 = arith.constant 0 : index
      %get3A_183 = arith.constant 0 : index
      %get3A_184 = arith.constant 0 : index
      %get3A_185 = vector.load %arg4[%get3A_182, %get3A_183, %get3A_184] : memref<125x128x64xbf16, #tpu.memory_space<vmem>>, vector<5x128x64xbf16>
      %reshape3A = vector.shape_cast %get3A_185 : vector<5x128x64xbf16> to vector<640x64xbf16>
      %dot_general3A = arith.constant dense<0.000000e+00> : vector<256x64xf32>
      %dot_general3A_186 = tpu.matmul %concatenate3A, %reshape3A, %dot_general3A {dimension_numbers = #tpu.dot_dimension_numbers<[1], [0], [0], [1], [0, 0, 1, 1], [], []>, transpose_lhs_hint = false} : vector<256x640xbf16>, vector<640x64xbf16>, vector<256x64xf32> -> vector<256x64xf32>
      %add3A_187 = arith.addf %broadcast_in_dim3A_162, %dot_general3A_186 : vector<256x64xf32>
      %slice3A_188 = vector.extract_strided_slice %convert_element_type3A_158 {offsets = [0, 0, 0], sizes = [1, 256, 128], strides = [1, 1, 1]} : vector<5x256x128xbf16> to vector<1x256x128xbf16>
      %squeeze3A_189 = vector.shape_cast %slice3A_188 : vector<1x256x128xbf16> to vector<256x128xbf16>
      %slice3A_190 = vector.extract_strided_slice %convert_element_type3A_159 {offsets = [1, 0, 0], sizes = [1, 256, 128], strides = [1, 1, 1]} : vector<5x256x128xbf16> to vector<1x256x128xbf16>
      %squeeze3A_191 = vector.shape_cast %slice3A_190 : vector<1x256x128xbf16> to vector<256x128xbf16>
      %mul3A_192 = arith.mulf %squeeze3A_189, %squeeze3A_191 : vector<256x128xbf16>
      %slice3A_193 = vector.extract_strided_slice %convert_element_type3A_160 {offsets = [0, 0, 0], sizes = [1, 256, 128], strides = [1, 1, 1]} : vector<5x256x128xbf16> to vector<1x256x128xbf16>
      %squeeze3A_194 = vector.shape_cast %slice3A_193 : vector<1x256x128xbf16> to vector<256x128xbf16>
      %mul3A_195 = arith.mulf %mul3A_192, %squeeze3A_194 : vector<256x128xbf16>
      %slice3A_196 = vector.extract_strided_slice %convert_element_type3A_160 {offsets = [1, 0, 0], sizes = [1, 256, 128], strides = [1, 1, 1]} : vector<5x256x128xbf16> to vector<1x256x128xbf16>
      %squeeze3A_197 = vector.shape_cast %slice3A_196 : vector<1x256x128xbf16> to vector<256x128xbf16>
      %mul3A_198 = arith.mulf %mul3A_192, %squeeze3A_197 : vector<256x128xbf16>
      %slice3A_199 = vector.extract_strided_slice %convert_element_type3A_160 {offsets = [2, 0, 0], sizes = [1, 256, 128], strides = [1, 1, 1]} : vector<5x256x128xbf16> to vector<1x256x128xbf16>
      %squeeze3A_200 = vector.shape_cast %slice3A_199 : vector<1x256x128xbf16> to vector<256x128xbf16>
      %mul3A_201 = arith.mulf %mul3A_192, %squeeze3A_200 : vector<256x128xbf16>
      %slice3A_202 = vector.extract_strided_slice %convert_element_type3A_160 {offsets = [3, 0, 0], sizes = [1, 256, 128], strides = [1, 1, 1]} : vector<5x256x128xbf16> to vector<1x256x128xbf16>
      %squeeze3A_203 = vector.shape_cast %slice3A_202 : vector<1x256x128xbf16> to vector<256x128xbf16>
      %mul3A_204 = arith.mulf %mul3A_192, %squeeze3A_203 : vector<256x128xbf16>
      %slice3A_205 = vector.extract_strided_slice %convert_element_type3A_160 {offsets = [4, 0, 0], sizes = [1, 256, 128], strides = [1, 1, 1]} : vector<5x256x128xbf16> to vector<1x256x128xbf16>
      %squeeze3A_206 = vector.shape_cast %slice3A_205 : vector<1x256x128xbf16> to vector<256x128xbf16>
      %mul3A_207 = arith.mulf %mul3A_192, %squeeze3A_206 : vector<256x128xbf16>
      %concatenate3A_208 = tpu.concatenate %mul3A_195, %mul3A_198, %mul3A_201, %mul3A_204, %mul3A_207 in 1 : vector<256x128xbf16>, vector<256x128xbf16>, vector<256x128xbf16>, vector<256x128xbf16>, vector<256x128xbf16> -> vector<256x640xbf16>
      %get3A_209 = arith.constant 5 : index
      %get3A_210 = arith.constant 0 : index
      %get3A_211 = arith.constant 0 : index
      %get3A_212 = vector.load %arg4[%get3A_209, %get3A_210, %get3A_211] : memref<125x128x64xbf16, #tpu.memory_space<vmem>>, vector<5x128x64xbf16>
      %reshape3A_213 = vector.shape_cast %get3A_212 : vector<5x128x64xbf16> to vector<640x64xbf16>
      %dot_general3A_214 = arith.constant dense<0.000000e+00> : vector<256x64xf32>
      %dot_general3A_215 = tpu.matmul %concatenate3A_208, %reshape3A_213, %dot_general3A_214 {dimension_numbers = #tpu.dot_dimension_numbers<[1], [0], [0], [1], [0, 0, 1, 1], [], []>, transpose_lhs_hint = false} : vector<256x640xbf16>, vector<640x64xbf16>, vector<256x64xf32> -> vector<256x64xf32>
      %add3A_216 = arith.addf %add3A_187, %dot_general3A_215 : vector<256x64xf32>
      %slice3A_217 = vector.extract_strided_slice %convert_element_type3A_158 {offsets = [0, 0, 0], sizes = [1, 256, 128], strides = [1, 1, 1]} : vector<5x256x128xbf16> to vector<1x256x128xbf16>
      %squeeze3A_218 = vector.shape_cast %slice3A_217 : vector<1x256x128xbf16> to vector<256x128xbf16>
      %slice3A_219 = vector.extract_strided_slice %convert_element_type3A_159 {offsets = [2, 0, 0], sizes = [1, 256, 128], strides = [1, 1, 1]} : vector<5x256x128xbf16> to vector<1x256x128xbf16>
      %squeeze3A_220 = vector.shape_cast %slice3A_219 : vector<1x256x128xbf16> to vector<256x128xbf16>
      %mul3A_221 = arith.mulf %squeeze3A_218, %squeeze3A_220 : vector<256x128xbf16>
      %slice3A_222 = vector.extract_strided_slice %convert_element_type3A_160 {offsets = [0, 0, 0], sizes = [1, 256, 128], strides = [1, 1, 1]} : vector<5x256x128xbf16> to vector<1x256x128xbf16>
      %squeeze3A_223 = vector.shape_cast %slice3A_222 : vector<1x256x128xbf16> to vector<256x128xbf16>
      %mul3A_224 = arith.mulf %mul3A_221, %squeeze3A_223 : vector<256x128xbf16>
      %slice3A_225 = vector.extract_strided_slice %convert_element_type3A_160 {offsets = [1, 0, 0], sizes = [1, 256, 128], strides = [1, 1, 1]} : vector<5x256x128xbf16> to vector<1x256x128xbf16>
      %squeeze3A_226 = vector.shape_cast %slice3A_225 : vector<1x256x128xbf16> to vector<256x128xbf16>
      %mul3A_227 = arith.mulf %mul3A_221, %squeeze3A_226 : vector<256x128xbf16>
      %slice3A_228 = vector.extract_strided_slice %convert_element_type3A_160 {offsets = [2, 0, 0], sizes = [1, 256, 128], strides = [1, 1, 1]} : vector<5x256x128xbf16> to vector<1x256x128xbf16>
      %squeeze3A_229 = vector.shape_cast %slice3A_228 : vector<1x256x128xbf16> to vector<256x128xbf16>
      %mul3A_230 = arith.mulf %mul3A_221, %squeeze3A_229 : vector<256x128xbf16>
      %slice3A_231 = vector.extract_strided_slice %convert_element_type3A_160 {offsets = [3, 0, 0], sizes = [1, 256, 128], strides = [1, 1, 1]} : vector<5x256x128xbf16> to vector<1x256x128xbf16>
      %squeeze3A_232 = vector.shape_cast %slice3A_231 : vector<1x256x128xbf16> to vector<256x128xbf16>
      %mul3A_233 = arith.mulf %mul3A_221, %squeeze3A_232 : vector<256x128xbf16>
      %slice3A_234 = vector.extract_strided_slice %convert_element_type3A_160 {offsets = [4, 0, 0], sizes = [1, 256, 128], strides = [1, 1, 1]} : vector<5x256x128xbf16> to vector<1x256x128xbf16>
      %squeeze3A_235 = vector.shape_cast %slice3A_234 : vector<1x256x128xbf16> to vector<256x128xbf16>
      %mul3A_236 = arith.mulf %mul3A_221, %squeeze3A_235 : vector<256x128xbf16>
      %concatenate3A_237 = tpu.concatenate %mul3A_224, %mul3A_227, %mul3A_230, %mul3A_233, %mul3A_236 in 1 : vector<256x128xbf16>, vector<256x128xbf16>, vector<256x128xbf16>, vector<256x128xbf16>, vector<256x128xbf16> -> vector<256x640xbf16>
      %get3A_238 = arith.constant 10 : index
      %get3A_239 = arith.constant 0 : index
      %get3A_240 = arith.constant 0 : index
      %get3A_241 = vector.load %arg4[%get3A_238, %get3A_239, %get3A_240] : memref<125x128x64xbf16, #tpu.memory_space<vmem>>, vector<5x128x64xbf16>
      %reshape3A_242 = vector.shape_cast %get3A_241 : vector<5x128x64xbf16> to vector<640x64xbf16>
      %dot_general3A_243 = arith.constant dense<0.000000e+00> : vector<256x64xf32>
      %dot_general3A_244 = tpu.matmul %concatenate3A_237, %reshape3A_242, %dot_general3A_243 {dimension_numbers = #tpu.dot_dimension_numbers<[1], [0], [0], [1], [0, 0, 1, 1], [], []>, transpose_lhs_hint = false} : vector<256x640xbf16>, vector<640x64xbf16>, vector<256x64xf32> -> vector<256x64xf32>
      %add3A_245 = arith.addf %add3A_216, %dot_general3A_244 : vector<256x64xf32>
      %slice3A_246 = vector.extract_strided_slice %convert_element_type3A_158 {offsets = [0, 0, 0], sizes = [1, 256, 128], strides = [1, 1, 1]} : vector<5x256x128xbf16> to vector<1x256x128xbf16>
      %squeeze3A_247 = vector.shape_cast %slice3A_246 : vector<1x256x128xbf16> to vector<256x128xbf16>
      %slice3A_248 = vector.extract_strided_slice %convert_element_type3A_159 {offsets = [3, 0, 0], sizes = [1, 256, 128], strides = [1, 1, 1]} : vector<5x256x128xbf16> to vector<1x256x128xbf16>
      %squeeze3A_249 = vector.shape_cast %slice3A_248 : vector<1x256x128xbf16> to vector<256x128xbf16>
      %mul3A_250 = arith.mulf %squeeze3A_247, %squeeze3A_249 : vector<256x128xbf16>
      %slice3A_251 = vector.extract_strided_slice %convert_element_type3A_160 {offsets = [0, 0, 0], sizes = [1, 256, 128], strides = [1, 1, 1]} : vector<5x256x128xbf16> to vector<1x256x128xbf16>
      %squeeze3A_252 = vector.shape_cast %slice3A_251 : vector<1x256x128xbf16> to vector<256x128xbf16>
      %mul3A_253 = arith.mulf %mul3A_250, %squeeze3A_252 : vector<256x128xbf16>
      %slice3A_254 = vector.extract_strided_slice %convert_element_type3A_160 {offsets = [1, 0, 0], sizes = [1, 256, 128], strides = [1, 1, 1]} : vector<5x256x128xbf16> to vector<1x256x128xbf16>
      %squeeze3A_255 = vector.shape_cast %slice3A_254 : vector<1x256x128xbf16> to vector<256x128xbf16>
      %mul3A_256 = arith.mulf %mul3A_250, %squeeze3A_255 : vector<256x128xbf16>
      %slice3A_257 = vector.extract_strided_slice %convert_element_type3A_160 {offsets = [2, 0, 0], sizes = [1, 256, 128], strides = [1, 1, 1]} : vector<5x256x128xbf16> to vector<1x256x128xbf16>
      %squeeze3A_258 = vector.shape_cast %slice3A_257 : vector<1x256x128xbf16> to vector<256x128xbf16>
      %mul3A_259 = arith.mulf %mul3A_250, %squeeze3A_258 : vector<256x128xbf16>
      %slice3A_260 = vector.extract_strided_slice %convert_element_type3A_160 {offsets = [3, 0, 0], sizes = [1, 256, 128], strides = [1, 1, 1]} : vector<5x256x128xbf16> to vector<1x256x128xbf16>
      %squeeze3A_261 = vector.shape_cast %slice3A_260 : vector<1x256x128xbf16> to vector<256x128xbf16>
      %mul3A_262 = arith.mulf %mul3A_250, %squeeze3A_261 : vector<256x128xbf16>
      %slice3A_263 = vector.extract_strided_slice %convert_element_type3A_160 {offsets = [4, 0, 0], sizes = [1, 256, 128], strides = [1, 1, 1]} : vector<5x256x128xbf16> to vector<1x256x128xbf16>
      %squeeze3A_264 = vector.shape_cast %slice3A_263 : vector<1x256x128xbf16> to vector<256x128xbf16>
      %mul3A_265 = arith.mulf %mul3A_250, %squeeze3A_264 : vector<256x128xbf16>
      %concatenate3A_266 = tpu.concatenate %mul3A_253, %mul3A_256, %mul3A_259, %mul3A_262, %mul3A_265 in 1 : vector<256x128xbf16>, vector<256x128xbf16>, vector<256x128xbf16>, vector<256x128xbf16>, vector<256x128xbf16> -> vector<256x640xbf16>
      %get3A_267 = arith.constant 15 : index
      %get3A_268 = arith.constant 0 : index
      %get3A_269 = arith.constant 0 : index
      %get3A_270 = vector.load %arg4[%get3A_267, %get3A_268, %get3A_269] : memref<125x128x64xbf16, #tpu.memory_space<vmem>>, vector<5x128x64xbf16>
      %reshape3A_271 = vector.shape_cast %get3A_270 : vector<5x128x64xbf16> to vector<640x64xbf16>
      %dot_general3A_272 = arith.constant dense<0.000000e+00> : vector<256x64xf32>
      %dot_general3A_273 = tpu.matmul %concatenate3A_266, %reshape3A_271, %dot_general3A_272 {dimension_numbers = #tpu.dot_dimension_numbers<[1], [0], [0], [1], [0, 0, 1, 1], [], []>, transpose_lhs_hint = false} : vector<256x640xbf16>, vector<640x64xbf16>, vector<256x64xf32> -> vector<256x64xf32>
      %add3A_274 = arith.addf %add3A_245, %dot_general3A_273 : vector<256x64xf32>
      %slice3A_275 = vector.extract_strided_slice %convert_element_type3A_158 {offsets = [0, 0, 0], sizes = [1, 256, 128], strides = [1, 1, 1]} : vector<5x256x128xbf16> to vector<1x256x128xbf16>
      %squeeze3A_276 = vector.shape_cast %slice3A_275 : vector<1x256x128xbf16> to vector<256x128xbf16>
      %slice3A_277 = vector.extract_strided_slice %convert_element_type3A_159 {offsets = [4, 0, 0], sizes = [1, 256, 128], strides = [1, 1, 1]} : vector<5x256x128xbf16> to vector<1x256x128xbf16>
      %squeeze3A_278 = vector.shape_cast %slice3A_277 : vector<1x256x128xbf16> to vector<256x128xbf16>
      %mul3A_279 = arith.mulf %squeeze3A_276, %squeeze3A_278 : vector<256x128xbf16>
      %slice3A_280 = vector.extract_strided_slice %convert_element_type3A_160 {offsets = [0, 0, 0], sizes = [1, 256, 128], strides = [1, 1, 1]} : vector<5x256x128xbf16> to vector<1x256x128xbf16>
      %squeeze3A_281 = vector.shape_cast %slice3A_280 : vector<1x256x128xbf16> to vector<256x128xbf16>
      %mul3A_282 = arith.mulf %mul3A_279, %squeeze3A_281 : vector<256x128xbf16>
      %slice3A_283 = vector.extract_strided_slice %convert_element_type3A_160 {offsets = [1, 0, 0], sizes = [1, 256, 128], strides = [1, 1, 1]} : vector<5x256x128xbf16> to vector<1x256x128xbf16>
      %squeeze3A_284 = vector.shape_cast %slice3A_283 : vector<1x256x128xbf16> to vector<256x128xbf16>
      %mul3A_285 = arith.mulf %mul3A_279, %squeeze3A_284 : vector<256x128xbf16>
      %slice3A_286 = vector.extract_strided_slice %convert_element_type3A_160 {offsets = [2, 0, 0], sizes = [1, 256, 128], strides = [1, 1, 1]} : vector<5x256x128xbf16> to vector<1x256x128xbf16>
      %squeeze3A_287 = vector.shape_cast %slice3A_286 : vector<1x256x128xbf16> to vector<256x128xbf16>
      %mul3A_288 = arith.mulf %mul3A_279, %squeeze3A_287 : vector<256x128xbf16>
      %slice3A_289 = vector.extract_strided_slice %convert_element_type3A_160 {offsets = [3, 0, 0], sizes = [1, 256, 128], strides = [1, 1, 1]} : vector<5x256x128xbf16> to vector<1x256x128xbf16>
      %squeeze3A_290 = vector.shape_cast %slice3A_289 : vector<1x256x128xbf16> to vector<256x128xbf16>
      %mul3A_291 = arith.mulf %mul3A_279, %squeeze3A_290 : vector<256x128xbf16>
      %slice3A_292 = vector.extract_strided_slice %convert_element_type3A_160 {offsets = [4, 0, 0], sizes = [1, 256, 128], strides = [1, 1, 1]} : vector<5x256x128xbf16> to vector<1x256x128xbf16>
      %squeeze3A_293 = vector.shape_cast %slice3A_292 : vector<1x256x128xbf16> to vector<256x128xbf16>
      %mul3A_294 = arith.mulf %mul3A_279, %squeeze3A_293 : vector<256x128xbf16>
      %concatenate3A_295 = tpu.concatenate %mul3A_282, %mul3A_285, %mul3A_288, %mul3A_291, %mul3A_294 in 1 : vector<256x128xbf16>, vector<256x128xbf16>, vector<256x128xbf16>, vector<256x128xbf16>, vector<256x128xbf16> -> vector<256x640xbf16>
      %get3A_296 = arith.constant 20 : index
      %get3A_297 = arith.constant 0 : index
      %get3A_298 = arith.constant 0 : index
      %get3A_299 = vector.load %arg4[%get3A_296, %get3A_297, %get3A_298] : memref<125x128x64xbf16, #tpu.memory_space<vmem>>, vector<5x128x64xbf16>
      %reshape3A_300 = vector.shape_cast %get3A_299 : vector<5x128x64xbf16> to vector<640x64xbf16>
      %dot_general3A_301 = arith.constant dense<0.000000e+00> : vector<256x64xf32>
      %dot_general3A_302 = tpu.matmul %concatenate3A_295, %reshape3A_300, %dot_general3A_301 {dimension_numbers = #tpu.dot_dimension_numbers<[1], [0], [0], [1], [0, 0, 1, 1], [], []>, transpose_lhs_hint = false} : vector<256x640xbf16>, vector<640x64xbf16>, vector<256x64xf32> -> vector<256x64xf32>
      %add3A_303 = arith.addf %add3A_274, %dot_general3A_302 : vector<256x64xf32>
      %slice3A_304 = vector.extract_strided_slice %convert_element_type3A_158 {offsets = [1, 0, 0], sizes = [1, 256, 128], strides = [1, 1, 1]} : vector<5x256x128xbf16> to vector<1x256x128xbf16>
      %squeeze3A_305 = vector.shape_cast %slice3A_304 : vector<1x256x128xbf16> to vector<256x128xbf16>
      %slice3A_306 = vector.extract_strided_slice %convert_element_type3A_159 {offsets = [0, 0, 0], sizes = [1, 256, 128], strides = [1, 1, 1]} : vector<5x256x128xbf16> to vector<1x256x128xbf16>
      %squeeze3A_307 = vector.shape_cast %slice3A_306 : vector<1x256x128xbf16> to vector<256x128xbf16>
      %mul3A_308 = arith.mulf %squeeze3A_305, %squeeze3A_307 : vector<256x128xbf16>
      %slice3A_309 = vector.extract_strided_slice %convert_element_type3A_160 {offsets = [0, 0, 0], sizes = [1, 256, 128], strides = [1, 1, 1]} : vector<5x256x128xbf16> to vector<1x256x128xbf16>
      %squeeze3A_310 = vector.shape_cast %slice3A_309 : vector<1x256x128xbf16> to vector<256x128xbf16>
      %mul3A_311 = arith.mulf %mul3A_308, %squeeze3A_310 : vector<256x128xbf16>
      %slice3A_312 = vector.extract_strided_slice %convert_element_type3A_160 {offsets = [1, 0, 0], sizes = [1, 256, 128], strides = [1, 1, 1]} : vector<5x256x128xbf16> to vector<1x256x128xbf16>
      %squeeze3A_313 = vector.shape_cast %slice3A_312 : vector<1x256x128xbf16> to vector<256x128xbf16>
      %mul3A_314 = arith.mulf %mul3A_308, %squeeze3A_313 : vector<256x128xbf16>
      %slice3A_315 = vector.extract_strided_slice %convert_element_type3A_160 {offsets = [2, 0, 0], sizes = [1, 256, 128], strides = [1, 1, 1]} : vector<5x256x128xbf16> to vector<1x256x128xbf16>
      %squeeze3A_316 = vector.shape_cast %slice3A_315 : vector<1x256x128xbf16> to vector<256x128xbf16>
      %mul3A_317 = arith.mulf %mul3A_308, %squeeze3A_316 : vector<256x128xbf16>
      %slice3A_318 = vector.extract_strided_slice %convert_element_type3A_160 {offsets = [3, 0, 0], sizes = [1, 256, 128], strides = [1, 1, 1]} : vector<5x256x128xbf16> to vector<1x256x128xbf16>
      %squeeze3A_319 = vector.shape_cast %slice3A_318 : vector<1x256x128xbf16> to vector<256x128xbf16>
      %mul3A_320 = arith.mulf %mul3A_308, %squeeze3A_319 : vector<256x128xbf16>
      %slice3A_321 = vector.extract_strided_slice %convert_element_type3A_160 {offsets = [4, 0, 0], sizes = [1, 256, 128], strides = [1, 1, 1]} : vector<5x256x128xbf16> to vector<1x256x128xbf16>
      %squeeze3A_322 = vector.shape_cast %slice3A_321 : vector<1x256x128xbf16> to vector<256x128xbf16>
      %mul3A_323 = arith.mulf %mul3A_308, %squeeze3A_322 : vector<256x128xbf16>
      %concatenate3A_324 = tpu.concatenate %mul3A_311, %mul3A_314, %mul3A_317, %mul3A_320, %mul3A_323 in 1 : vector<256x128xbf16>, vector<256x128xbf16>, vector<256x128xbf16>, vector<256x128xbf16>, vector<256x128xbf16> -> vector<256x640xbf16>
      %get3A_325 = arith.constant 25 : index
      %get3A_326 = arith.constant 0 : index
      %get3A_327 = arith.constant 0 : index
      %get3A_328 = vector.load %arg4[%get3A_325, %get3A_326, %get3A_327] : memref<125x128x64xbf16, #tpu.memory_space<vmem>>, vector<5x128x64xbf16>
      %reshape3A_329 = vector.shape_cast %get3A_328 : vector<5x128x64xbf16> to vector<640x64xbf16>
      %dot_general3A_330 = arith.constant dense<0.000000e+00> : vector<256x64xf32>
      %dot_general3A_331 = tpu.matmul %concatenate3A_324, %reshape3A_329, %dot_general3A_330 {dimension_numbers = #tpu.dot_dimension_numbers<[1], [0], [0], [1], [0, 0, 1, 1], [], []>, transpose_lhs_hint = false} : vector<256x640xbf16>, vector<640x64xbf16>, vector<256x64xf32> -> vector<256x64xf32>
      %add3A_332 = arith.addf %add3A_303, %dot_general3A_331 : vector<256x64xf32>
      %slice3A_333 = vector.extract_strided_slice %convert_element_type3A_158 {offsets = [1, 0, 0], sizes = [1, 256, 128], strides = [1, 1, 1]} : vector<5x256x128xbf16> to vector<1x256x128xbf16>
      %squeeze3A_334 = vector.shape_cast %slice3A_333 : vector<1x256x128xbf16> to vector<256x128xbf16>
      %slice3A_335 = vector.extract_strided_slice %convert_element_type3A_159 {offsets = [1, 0, 0], sizes = [1, 256, 128], strides = [1, 1, 1]} : vector<5x256x128xbf16> to vector<1x256x128xbf16>
      %squeeze3A_336 = vector.shape_cast %slice3A_335 : vector<1x256x128xbf16> to vector<256x128xbf16>
      %mul3A_337 = arith.mulf %squeeze3A_334, %squeeze3A_336 : vector<256x128xbf16>
      %slice3A_338 = vector.extract_strided_slice %convert_element_type3A_160 {offsets = [0, 0, 0], sizes = [1, 256, 128], strides = [1, 1, 1]} : vector<5x256x128xbf16> to vector<1x256x128xbf16>
      %squeeze3A_339 = vector.shape_cast %slice3A_338 : vector<1x256x128xbf16> to vector<256x128xbf16>
      %mul3A_340 = arith.mulf %mul3A_337, %squeeze3A_339 : vector<256x128xbf16>
      %slice3A_341 = vector.extract_strided_slice %convert_element_type3A_160 {offsets = [1, 0, 0], sizes = [1, 256, 128], strides = [1, 1, 1]} : vector<5x256x128xbf16> to vector<1x256x128xbf16>
      %squeeze3A_342 = vector.shape_cast %slice3A_341 : vector<1x256x128xbf16> to vector<256x128xbf16>
      %mul3A_343 = arith.mulf %mul3A_337, %squeeze3A_342 : vector<256x128xbf16>
      %slice3A_344 = vector.extract_strided_slice %convert_element_type3A_160 {offsets = [2, 0, 0], sizes = [1, 256, 128], strides = [1, 1, 1]} : vector<5x256x128xbf16> to vector<1x256x128xbf16>
      %squeeze3A_345 = vector.shape_cast %slice3A_344 : vector<1x256x128xbf16> to vector<256x128xbf16>
      %mul3A_346 = arith.mulf %mul3A_337, %squeeze3A_345 : vector<256x128xbf16>
      %slice3A_347 = vector.extract_strided_slice %convert_element_type3A_160 {offsets = [3, 0, 0], sizes = [1, 256, 128], strides = [1, 1, 1]} : vector<5x256x128xbf16> to vector<1x256x128xbf16>
      %squeeze3A_348 = vector.shape_cast %slice3A_347 : vector<1x256x128xbf16> to vector<256x128xbf16>
      %mul3A_349 = arith.mulf %mul3A_337, %squeeze3A_348 : vector<256x128xbf16>
      %slice3A_350 = vector.extract_strided_slice %convert_element_type3A_160 {offsets = [4, 0, 0], sizes = [1, 256, 128], strides = [1, 1, 1]} : vector<5x256x128xbf16> to vector<1x256x128xbf16>
      %squeeze3A_351 = vector.shape_cast %slice3A_350 : vector<1x256x128xbf16> to vector<256x128xbf16>
      %mul3A_352 = arith.mulf %mul3A_337, %squeeze3A_351 : vector<256x128xbf16>
      %concatenate3A_353 = tpu.concatenate %mul3A_340, %mul3A_343, %mul3A_346, %mul3A_349, %mul3A_352 in 1 : vector<256x128xbf16>, vector<256x128xbf16>, vector<256x128xbf16>, vector<256x128xbf16>, vector<256x128xbf16> -> vector<256x640xbf16>
      %get3A_354 = arith.constant 30 : index
      %get3A_355 = arith.constant 0 : index
      %get3A_356 = arith.constant 0 : index
      %get3A_357 = vector.load %arg4[%get3A_354, %get3A_355, %get3A_356] : memref<125x128x64xbf16, #tpu.memory_space<vmem>>, vector<5x128x64xbf16>
      %reshape3A_358 = vector.shape_cast %get3A_357 : vector<5x128x64xbf16> to vector<640x64xbf16>
      %dot_general3A_359 = arith.constant dense<0.000000e+00> : vector<256x64xf32>
      %dot_general3A_360 = tpu.matmul %concatenate3A_353, %reshape3A_358, %dot_general3A_359 {dimension_numbers = #tpu.dot_dimension_numbers<[1], [0], [0], [1], [0, 0, 1, 1], [], []>, transpose_lhs_hint = false} : vector<256x640xbf16>, vector<640x64xbf16>, vector<256x64xf32> -> vector<256x64xf32>
      %add3A_361 = arith.addf %add3A_332, %dot_general3A_360 : vector<256x64xf32>
      %slice3A_362 = vector.extract_strided_slice %convert_element_type3A_158 {offsets = [1, 0, 0], sizes = [1, 256, 128], strides = [1, 1, 1]} : vector<5x256x128xbf16> to vector<1x256x128xbf16>
      %squeeze3A_363 = vector.shape_cast %slice3A_362 : vector<1x256x128xbf16> to vector<256x128xbf16>
      %slice3A_364 = vector.extract_strided_slice %convert_element_type3A_159 {offsets = [2, 0, 0], sizes = [1, 256, 128], strides = [1, 1, 1]} : vector<5x256x128xbf16> to vector<1x256x128xbf16>
      %squeeze3A_365 = vector.shape_cast %slice3A_364 : vector<1x256x128xbf16> to vector<256x128xbf16>
      %mul3A_366 = arith.mulf %squeeze3A_363, %squeeze3A_365 : vector<256x128xbf16>
      %slice3A_367 = vector.extract_strided_slice %convert_element_type3A_160 {offsets = [0, 0, 0], sizes = [1, 256, 128], strides = [1, 1, 1]} : vector<5x256x128xbf16> to vector<1x256x128xbf16>
      %squeeze3A_368 = vector.shape_cast %slice3A_367 : vector<1x256x128xbf16> to vector<256x128xbf16>
      %mul3A_369 = arith.mulf %mul3A_366, %squeeze3A_368 : vector<256x128xbf16>
      %slice3A_370 = vector.extract_strided_slice %convert_element_type3A_160 {offsets = [1, 0, 0], sizes = [1, 256, 128], strides = [1, 1, 1]} : vector<5x256x128xbf16> to vector<1x256x128xbf16>
      %squeeze3A_371 = vector.shape_cast %slice3A_370 : vector<1x256x128xbf16> to vector<256x128xbf16>
      %mul3A_372 = arith.mulf %mul3A_366, %squeeze3A_371 : vector<256x128xbf16>
      %slice3A_373 = vector.extract_strided_slice %convert_element_type3A_160 {offsets = [2, 0, 0], sizes = [1, 256, 128], strides = [1, 1, 1]} : vector<5x256x128xbf16> to vector<1x256x128xbf16>
      %squeeze3A_374 = vector.shape_cast %slice3A_373 : vector<1x256x128xbf16> to vector<256x128xbf16>
      %mul3A_375 = arith.mulf %mul3A_366, %squeeze3A_374 : vector<256x128xbf16>
      %slice3A_376 = vector.extract_strided_slice %convert_element_type3A_160 {offsets = [3, 0, 0], sizes = [1, 256, 128], strides = [1, 1, 1]} : vector<5x256x128xbf16> to vector<1x256x128xbf16>
      %squeeze3A_377 = vector.shape_cast %slice3A_376 : vector<1x256x128xbf16> to vector<256x128xbf16>
      %mul3A_378 = arith.mulf %mul3A_366, %squeeze3A_377 : vector<256x128xbf16>
      %slice3A_379 = vector.extract_strided_slice %convert_element_type3A_160 {offsets = [4, 0, 0], sizes = [1, 256, 128], strides = [1, 1, 1]} : vector<5x256x128xbf16> to vector<1x256x128xbf16>
      %squeeze3A_380 = vector.shape_cast %slice3A_379 : vector<1x256x128xbf16> to vector<256x128xbf16>
      %mul3A_381 = arith.mulf %mul3A_366, %squeeze3A_380 : vector<256x128xbf16>
      %concatenate3A_382 = tpu.concatenate %mul3A_369, %mul3A_372, %mul3A_375, %mul3A_378, %mul3A_381 in 1 : vector<256x128xbf16>, vector<256x128xbf16>, vector<256x128xbf16>, vector<256x128xbf16>, vector<256x128xbf16> -> vector<256x640xbf16>
      %get3A_383 = arith.constant 35 : index
      %get3A_384 = arith.constant 0 : index
      %get3A_385 = arith.constant 0 : index
      %get3A_386 = vector.load %arg4[%get3A_383, %get3A_384, %get3A_385] : memref<125x128x64xbf16, #tpu.memory_space<vmem>>, vector<5x128x64xbf16>
      %reshape3A_387 = vector.shape_cast %get3A_386 : vector<5x128x64xbf16> to vector<640x64xbf16>
      %dot_general3A_388 = arith.constant dense<0.000000e+00> : vector<256x64xf32>
      %dot_general3A_389 = tpu.matmul %concatenate3A_382, %reshape3A_387, %dot_general3A_388 {dimension_numbers = #tpu.dot_dimension_numbers<[1], [0], [0], [1], [0, 0, 1, 1], [], []>, transpose_lhs_hint = false} : vector<256x640xbf16>, vector<640x64xbf16>, vector<256x64xf32> -> vector<256x64xf32>
      %add3A_390 = arith.addf %add3A_361, %dot_general3A_389 : vector<256x64xf32>
      %slice3A_391 = vector.extract_strided_slice %convert_element_type3A_158 {offsets = [1, 0, 0], sizes = [1, 256, 128], strides = [1, 1, 1]} : vector<5x256x128xbf16> to vector<1x256x128xbf16>
      %squeeze3A_392 = vector.shape_cast %slice3A_391 : vector<1x256x128xbf16> to vector<256x128xbf16>
      %slice3A_393 = vector.extract_strided_slice %convert_element_type3A_159 {offsets = [3, 0, 0], sizes = [1, 256, 128], strides = [1, 1, 1]} : vector<5x256x128xbf16> to vector<1x256x128xbf16>
      %squeeze3A_394 = vector.shape_cast %slice3A_393 : vector<1x256x128xbf16> to vector<256x128xbf16>
      %mul3A_395 = arith.mulf %squeeze3A_392, %squeeze3A_394 : vector<256x128xbf16>
      %slice3A_396 = vector.extract_strided_slice %convert_element_type3A_160 {offsets = [0, 0, 0], sizes = [1, 256, 128], strides = [1, 1, 1]} : vector<5x256x128xbf16> to vector<1x256x128xbf16>
      %squeeze3A_397 = vector.shape_cast %slice3A_396 : vector<1x256x128xbf16> to vector<256x128xbf16>
      %mul3A_398 = arith.mulf %mul3A_395, %squeeze3A_397 : vector<256x128xbf16>
      %slice3A_399 = vector.extract_strided_slice %convert_element_type3A_160 {offsets = [1, 0, 0], sizes = [1, 256, 128], strides = [1, 1, 1]} : vector<5x256x128xbf16> to vector<1x256x128xbf16>
      %squeeze3A_400 = vector.shape_cast %slice3A_399 : vector<1x256x128xbf16> to vector<256x128xbf16>
      %mul3A_401 = arith.mulf %mul3A_395, %squeeze3A_400 : vector<256x128xbf16>
      %slice3A_402 = vector.extract_strided_slice %convert_element_type3A_160 {offsets = [2, 0, 0], sizes = [1, 256, 128], strides = [1, 1, 1]} : vector<5x256x128xbf16> to vector<1x256x128xbf16>
      %squeeze3A_403 = vector.shape_cast %slice3A_402 : vector<1x256x128xbf16> to vector<256x128xbf16>
      %mul3A_404 = arith.mulf %mul3A_395, %squeeze3A_403 : vector<256x128xbf16>
      %slice3A_405 = vector.extract_strided_slice %convert_element_type3A_160 {offsets = [3, 0, 0], sizes = [1, 256, 128], strides = [1, 1, 1]} : vector<5x256x128xbf16> to vector<1x256x128xbf16>
      %squeeze3A_406 = vector.shape_cast %slice3A_405 : vector<1x256x128xbf16> to vector<256x128xbf16>
      %mul3A_407 = arith.mulf %mul3A_395, %squeeze3A_406 : vector<256x128xbf16>
      %slice3A_408 = vector.extract_strided_slice %convert_element_type3A_160 {offsets = [4, 0, 0], sizes = [1, 256, 128], strides = [1, 1, 1]} : vector<5x256x128xbf16> to vector<1x256x128xbf16>
      %squeeze3A_409 = vector.shape_cast %slice3A_408 : vector<1x256x128xbf16> to vector<256x128xbf16>
      %mul3A_410 = arith.mulf %mul3A_395, %squeeze3A_409 : vector<256x128xbf16>
      %concatenate3A_411 = tpu.concatenate %mul3A_398, %mul3A_401, %mul3A_404, %mul3A_407, %mul3A_410 in 1 : vector<256x128xbf16>, vector<256x128xbf16>, vector<256x128xbf16>, vector<256x128xbf16>, vector<256x128xbf16> -> vector<256x640xbf16>
      %get3A_412 = arith.constant 40 : index
      %get3A_413 = arith.constant 0 : index
      %get3A_414 = arith.constant 0 : index
      %get3A_415 = vector.load %arg4[%get3A_412, %get3A_413, %get3A_414] : memref<125x128x64xbf16, #tpu.memory_space<vmem>>, vector<5x128x64xbf16>
      %reshape3A_416 = vector.shape_cast %get3A_415 : vector<5x128x64xbf16> to vector<640x64xbf16>
      %dot_general3A_417 = arith.constant dense<0.000000e+00> : vector<256x64xf32>
      %dot_general3A_418 = tpu.matmul %concatenate3A_411, %reshape3A_416, %dot_general3A_417 {dimension_numbers = #tpu.dot_dimension_numbers<[1], [0], [0], [1], [0, 0, 1, 1], [], []>, transpose_lhs_hint = false} : vector<256x640xbf16>, vector<640x64xbf16>, vector<256x64xf32> -> vector<256x64xf32>
      %add3A_419 = arith.addf %add3A_390, %dot_general3A_418 : vector<256x64xf32>
      %slice3A_420 = vector.extract_strided_slice %convert_element_type3A_158 {offsets = [1, 0, 0], sizes = [1, 256, 128], strides = [1, 1, 1]} : vector<5x256x128xbf16> to vector<1x256x128xbf16>
      %squeeze3A_421 = vector.shape_cast %slice3A_420 : vector<1x256x128xbf16> to vector<256x128xbf16>
      %slice3A_422 = vector.extract_strided_slice %convert_element_type3A_159 {offsets = [4, 0, 0], sizes = [1, 256, 128], strides = [1, 1, 1]} : vector<5x256x128xbf16> to vector<1x256x128xbf16>
      %squeeze3A_423 = vector.shape_cast %slice3A_422 : vector<1x256x128xbf16> to vector<256x128xbf16>
      %mul3A_424 = arith.mulf %squeeze3A_421, %squeeze3A_423 : vector<256x128xbf16>
      %slice3A_425 = vector.extract_strided_slice %convert_element_type3A_160 {offsets = [0, 0, 0], sizes = [1, 256, 128], strides = [1, 1, 1]} : vector<5x256x128xbf16> to vector<1x256x128xbf16>
      %squeeze3A_426 = vector.shape_cast %slice3A_425 : vector<1x256x128xbf16> to vector<256x128xbf16>
      %mul3A_427 = arith.mulf %mul3A_424, %squeeze3A_426 : vector<256x128xbf16>
      %slice3A_428 = vector.extract_strided_slice %convert_element_type3A_160 {offsets = [1, 0, 0], sizes = [1, 256, 128], strides = [1, 1, 1]} : vector<5x256x128xbf16> to vector<1x256x128xbf16>
      %squeeze3A_429 = vector.shape_cast %slice3A_428 : vector<1x256x128xbf16> to vector<256x128xbf16>
      %mul3A_430 = arith.mulf %mul3A_424, %squeeze3A_429 : vector<256x128xbf16>
      %slice3A_431 = vector.extract_strided_slice %convert_element_type3A_160 {offsets = [2, 0, 0], sizes = [1, 256, 128], strides = [1, 1, 1]} : vector<5x256x128xbf16> to vector<1x256x128xbf16>
      %squeeze3A_432 = vector.shape_cast %slice3A_431 : vector<1x256x128xbf16> to vector<256x128xbf16>
      %mul3A_433 = arith.mulf %mul3A_424, %squeeze3A_432 : vector<256x128xbf16>
      %slice3A_434 = vector.extract_strided_slice %convert_element_type3A_160 {offsets = [3, 0, 0], sizes = [1, 256, 128], strides = [1, 1, 1]} : vector<5x256x128xbf16> to vector<1x256x128xbf16>
      %squeeze3A_435 = vector.shape_cast %slice3A_434 : vector<1x256x128xbf16> to vector<256x128xbf16>
      %mul3A_436 = arith.mulf %mul3A_424, %squeeze3A_435 : vector<256x128xbf16>
      %slice3A_437 = vector.extract_strided_slice %convert_element_type3A_160 {offsets = [4, 0, 0], sizes = [1, 256, 128], strides = [1, 1, 1]} : vector<5x256x128xbf16> to vector<1x256x128xbf16>
      %squeeze3A_438 = vector.shape_cast %slice3A_437 : vector<1x256x128xbf16> to vector<256x128xbf16>
      %mul3A_439 = arith.mulf %mul3A_424, %squeeze3A_438 : vector<256x128xbf16>
      %concatenate3A_440 = tpu.concatenate %mul3A_427, %mul3A_430, %mul3A_433, %mul3A_436, %mul3A_439 in 1 : vector<256x128xbf16>, vector<256x128xbf16>, vector<256x128xbf16>, vector<256x128xbf16>, vector<256x128xbf16> -> vector<256x640xbf16>
      %get3A_441 = arith.constant 45 : index
      %get3A_442 = arith.constant 0 : index
      %get3A_443 = arith.constant 0 : index
      %get3A_444 = vector.load %arg4[%get3A_441, %get3A_442, %get3A_443] : memref<125x128x64xbf16, #tpu.memory_space<vmem>>, vector<5x128x64xbf16>
      %reshape3A_445 = vector.shape_cast %get3A_444 : vector<5x128x64xbf16> to vector<640x64xbf16>
      %dot_general3A_446 = arith.constant dense<0.000000e+00> : vector<256x64xf32>
      %dot_general3A_447 = tpu.matmul %concatenate3A_440, %reshape3A_445, %dot_general3A_446 {dimension_numbers = #tpu.dot_dimension_numbers<[1], [0], [0], [1], [0, 0, 1, 1], [], []>, transpose_lhs_hint = false} : vector<256x640xbf16>, vector<640x64xbf16>, vector<256x64xf32> -> vector<256x64xf32>
      %add3A_448 = arith.addf %add3A_419, %dot_general3A_447 : vector<256x64xf32>
      %slice3A_449 = vector.extract_strided_slice %convert_element_type3A_158 {offsets = [2, 0, 0], sizes = [1, 256, 128], strides = [1, 1, 1]} : vector<5x256x128xbf16> to vector<1x256x128xbf16>
      %squeeze3A_450 = vector.shape_cast %slice3A_449 : vector<1x256x128xbf16> to vector<256x128xbf16>
      %slice3A_451 = vector.extract_strided_slice %convert_element_type3A_159 {offsets = [0, 0, 0], sizes = [1, 256, 128], strides = [1, 1, 1]} : vector<5x256x128xbf16> to vector<1x256x128xbf16>
      %squeeze3A_452 = vector.shape_cast %slice3A_451 : vector<1x256x128xbf16> to vector<256x128xbf16>
      %mul3A_453 = arith.mulf %squeeze3A_450, %squeeze3A_452 : vector<256x128xbf16>
      %slice3A_454 = vector.extract_strided_slice %convert_element_type3A_160 {offsets = [0, 0, 0], sizes = [1, 256, 128], strides = [1, 1, 1]} : vector<5x256x128xbf16> to vector<1x256x128xbf16>
      %squeeze3A_455 = vector.shape_cast %slice3A_454 : vector<1x256x128xbf16> to vector<256x128xbf16>
      %mul3A_456 = arith.mulf %mul3A_453, %squeeze3A_455 : vector<256x128xbf16>
      %slice3A_457 = vector.extract_strided_slice %convert_element_type3A_160 {offsets = [1, 0, 0], sizes = [1, 256, 128], strides = [1, 1, 1]} : vector<5x256x128xbf16> to vector<1x256x128xbf16>
      %squeeze3A_458 = vector.shape_cast %slice3A_457 : vector<1x256x128xbf16> to vector<256x128xbf16>
      %mul3A_459 = arith.mulf %mul3A_453, %squeeze3A_458 : vector<256x128xbf16>
      %slice3A_460 = vector.extract_strided_slice %convert_element_type3A_160 {offsets = [2, 0, 0], sizes = [1, 256, 128], strides = [1, 1, 1]} : vector<5x256x128xbf16> to vector<1x256x128xbf16>
      %squeeze3A_461 = vector.shape_cast %slice3A_460 : vector<1x256x128xbf16> to vector<256x128xbf16>
      %mul3A_462 = arith.mulf %mul3A_453, %squeeze3A_461 : vector<256x128xbf16>
      %slice3A_463 = vector.extract_strided_slice %convert_element_type3A_160 {offsets = [3, 0, 0], sizes = [1, 256, 128], strides = [1, 1, 1]} : vector<5x256x128xbf16> to vector<1x256x128xbf16>
      %squeeze3A_464 = vector.shape_cast %slice3A_463 : vector<1x256x128xbf16> to vector<256x128xbf16>
      %mul3A_465 = arith.mulf %mul3A_453, %squeeze3A_464 : vector<256x128xbf16>
      %slice3A_466 = vector.extract_strided_slice %convert_element_type3A_160 {offsets = [4, 0, 0], sizes = [1, 256, 128], strides = [1, 1, 1]} : vector<5x256x128xbf16> to vector<1x256x128xbf16>
      %squeeze3A_467 = vector.shape_cast %slice3A_466 : vector<1x256x128xbf16> to vector<256x128xbf16>
      %mul3A_468 = arith.mulf %mul3A_453, %squeeze3A_467 : vector<256x128xbf16>
      %concatenate3A_469 = tpu.concatenate %mul3A_456, %mul3A_459, %mul3A_462, %mul3A_465, %mul3A_468 in 1 : vector<256x128xbf16>, vector<256x128xbf16>, vector<256x128xbf16>, vector<256x128xbf16>, vector<256x128xbf16> -> vector<256x640xbf16>
      %get3A_470 = arith.constant 50 : index
      %get3A_471 = arith.constant 0 : index
      %get3A_472 = arith.constant 0 : index
      %get3A_473 = vector.load %arg4[%get3A_470, %get3A_471, %get3A_472] : memref<125x128x64xbf16, #tpu.memory_space<vmem>>, vector<5x128x64xbf16>
      %reshape3A_474 = vector.shape_cast %get3A_473 : vector<5x128x64xbf16> to vector<640x64xbf16>
      %dot_general3A_475 = arith.constant dense<0.000000e+00> : vector<256x64xf32>
      %dot_general3A_476 = tpu.matmul %concatenate3A_469, %reshape3A_474, %dot_general3A_475 {dimension_numbers = #tpu.dot_dimension_numbers<[1], [0], [0], [1], [0, 0, 1, 1], [], []>, transpose_lhs_hint = false} : vector<256x640xbf16>, vector<640x64xbf16>, vector<256x64xf32> -> vector<256x64xf32>
      %add3A_477 = arith.addf %add3A_448, %dot_general3A_476 : vector<256x64xf32>
      %slice3A_478 = vector.extract_strided_slice %convert_element_type3A_158 {offsets = [2, 0, 0], sizes = [1, 256, 128], strides = [1, 1, 1]} : vector<5x256x128xbf16> to vector<1x256x128xbf16>
      %squeeze3A_479 = vector.shape_cast %slice3A_478 : vector<1x256x128xbf16> to vector<256x128xbf16>
      %slice3A_480 = vector.extract_strided_slice %convert_element_type3A_159 {offsets = [1, 0, 0], sizes = [1, 256, 128], strides = [1, 1, 1]} : vector<5x256x128xbf16> to vector<1x256x128xbf16>
      %squeeze3A_481 = vector.shape_cast %slice3A_480 : vector<1x256x128xbf16> to vector<256x128xbf16>
      %mul3A_482 = arith.mulf %squeeze3A_479, %squeeze3A_481 : vector<256x128xbf16>
      %slice3A_483 = vector.extract_strided_slice %convert_element_type3A_160 {offsets = [0, 0, 0], sizes = [1, 256, 128], strides = [1, 1, 1]} : vector<5x256x128xbf16> to vector<1x256x128xbf16>
      %squeeze3A_484 = vector.shape_cast %slice3A_483 : vector<1x256x128xbf16> to vector<256x128xbf16>
      %mul3A_485 = arith.mulf %mul3A_482, %squeeze3A_484 : vector<256x128xbf16>
      %slice3A_486 = vector.extract_strided_slice %convert_element_type3A_160 {offsets = [1, 0, 0], sizes = [1, 256, 128], strides = [1, 1, 1]} : vector<5x256x128xbf16> to vector<1x256x128xbf16>
      %squeeze3A_487 = vector.shape_cast %slice3A_486 : vector<1x256x128xbf16> to vector<256x128xbf16>
      %mul3A_488 = arith.mulf %mul3A_482, %squeeze3A_487 : vector<256x128xbf16>
      %slice3A_489 = vector.extract_strided_slice %convert_element_type3A_160 {offsets = [2, 0, 0], sizes = [1, 256, 128], strides = [1, 1, 1]} : vector<5x256x128xbf16> to vector<1x256x128xbf16>
      %squeeze3A_490 = vector.shape_cast %slice3A_489 : vector<1x256x128xbf16> to vector<256x128xbf16>
      %mul3A_491 = arith.mulf %mul3A_482, %squeeze3A_490 : vector<256x128xbf16>
      %slice3A_492 = vector.extract_strided_slice %convert_element_type3A_160 {offsets = [3, 0, 0], sizes = [1, 256, 128], strides = [1, 1, 1]} : vector<5x256x128xbf16> to vector<1x256x128xbf16>
      %squeeze3A_493 = vector.shape_cast %slice3A_492 : vector<1x256x128xbf16> to vector<256x128xbf16>
      %mul3A_494 = arith.mulf %mul3A_482, %squeeze3A_493 : vector<256x128xbf16>
      %slice3A_495 = vector.extract_strided_slice %convert_element_type3A_160 {offsets = [4, 0, 0], sizes = [1, 256, 128], strides = [1, 1, 1]} : vector<5x256x128xbf16> to vector<1x256x128xbf16>
      %squeeze3A_496 = vector.shape_cast %slice3A_495 : vector<1x256x128xbf16> to vector<256x128xbf16>
      %mul3A_497 = arith.mulf %mul3A_482, %squeeze3A_496 : vector<256x128xbf16>
      %concatenate3A_498 = tpu.concatenate %mul3A_485, %mul3A_488, %mul3A_491, %mul3A_494, %mul3A_497 in 1 : vector<256x128xbf16>, vector<256x128xbf16>, vector<256x128xbf16>, vector<256x128xbf16>, vector<256x128xbf16> -> vector<256x640xbf16>
      %get3A_499 = arith.constant 55 : index
      %get3A_500 = arith.constant 0 : index
      %get3A_501 = arith.constant 0 : index
      %get3A_502 = vector.load %arg4[%get3A_499, %get3A_500, %get3A_501] : memref<125x128x64xbf16, #tpu.memory_space<vmem>>, vector<5x128x64xbf16>
      %reshape3A_503 = vector.shape_cast %get3A_502 : vector<5x128x64xbf16> to vector<640x64xbf16>
      %dot_general3A_504 = arith.constant dense<0.000000e+00> : vector<256x64xf32>
      %dot_general3A_505 = tpu.matmul %concatenate3A_498, %reshape3A_503, %dot_general3A_504 {dimension_numbers = #tpu.dot_dimension_numbers<[1], [0], [0], [1], [0, 0, 1, 1], [], []>, transpose_lhs_hint = false} : vector<256x640xbf16>, vector<640x64xbf16>, vector<256x64xf32> -> vector<256x64xf32>
      %add3A_506 = arith.addf %add3A_477, %dot_general3A_505 : vector<256x64xf32>
      %slice3A_507 = vector.extract_strided_slice %convert_element_type3A_158 {offsets = [2, 0, 0], sizes = [1, 256, 128], strides = [1, 1, 1]} : vector<5x256x128xbf16> to vector<1x256x128xbf16>
      %squeeze3A_508 = vector.shape_cast %slice3A_507 : vector<1x256x128xbf16> to vector<256x128xbf16>
      %slice3A_509 = vector.extract_strided_slice %convert_element_type3A_159 {offsets = [2, 0, 0], sizes = [1, 256, 128], strides = [1, 1, 1]} : vector<5x256x128xbf16> to vector<1x256x128xbf16>
      %squeeze3A_510 = vector.shape_cast %slice3A_509 : vector<1x256x128xbf16> to vector<256x128xbf16>
      %mul3A_511 = arith.mulf %squeeze3A_508, %squeeze3A_510 : vector<256x128xbf16>
      %slice3A_512 = vector.extract_strided_slice %convert_element_type3A_160 {offsets = [0, 0, 0], sizes = [1, 256, 128], strides = [1, 1, 1]} : vector<5x256x128xbf16> to vector<1x256x128xbf16>
      %squeeze3A_513 = vector.shape_cast %slice3A_512 : vector<1x256x128xbf16> to vector<256x128xbf16>
      %mul3A_514 = arith.mulf %mul3A_511, %squeeze3A_513 : vector<256x128xbf16>
      %slice3A_515 = vector.extract_strided_slice %convert_element_type3A_160 {offsets = [1, 0, 0], sizes = [1, 256, 128], strides = [1, 1, 1]} : vector<5x256x128xbf16> to vector<1x256x128xbf16>
      %squeeze3A_516 = vector.shape_cast %slice3A_515 : vector<1x256x128xbf16> to vector<256x128xbf16>
      %mul3A_517 = arith.mulf %mul3A_511, %squeeze3A_516 : vector<256x128xbf16>
      %slice3A_518 = vector.extract_strided_slice %convert_element_type3A_160 {offsets = [2, 0, 0], sizes = [1, 256, 128], strides = [1, 1, 1]} : vector<5x256x128xbf16> to vector<1x256x128xbf16>
      %squeeze3A_519 = vector.shape_cast %slice3A_518 : vector<1x256x128xbf16> to vector<256x128xbf16>
      %mul3A_520 = arith.mulf %mul3A_511, %squeeze3A_519 : vector<256x128xbf16>
      %slice3A_521 = vector.extract_strided_slice %convert_element_type3A_160 {offsets = [3, 0, 0], sizes = [1, 256, 128], strides = [1, 1, 1]} : vector<5x256x128xbf16> to vector<1x256x128xbf16>
      %squeeze3A_522 = vector.shape_cast %slice3A_521 : vector<1x256x128xbf16> to vector<256x128xbf16>
      %mul3A_523 = arith.mulf %mul3A_511, %squeeze3A_522 : vector<256x128xbf16>
      %slice3A_524 = vector.extract_strided_slice %convert_element_type3A_160 {offsets = [4, 0, 0], sizes = [1, 256, 128], strides = [1, 1, 1]} : vector<5x256x128xbf16> to vector<1x256x128xbf16>
      %squeeze3A_525 = vector.shape_cast %slice3A_524 : vector<1x256x128xbf16> to vector<256x128xbf16>
      %mul3A_526 = arith.mulf %mul3A_511, %squeeze3A_525 : vector<256x128xbf16>
      %concatenate3A_527 = tpu.concatenate %mul3A_514, %mul3A_517, %mul3A_520, %mul3A_523, %mul3A_526 in 1 : vector<256x128xbf16>, vector<256x128xbf16>, vector<256x128xbf16>, vector<256x128xbf16>, vector<256x128xbf16> -> vector<256x640xbf16>
      %get3A_528 = arith.constant 60 : index
      %get3A_529 = arith.constant 0 : index
      %get3A_530 = arith.constant 0 : index
      %get3A_531 = vector.load %arg4[%get3A_528, %get3A_529, %get3A_530] : memref<125x128x64xbf16, #tpu.memory_space<vmem>>, vector<5x128x64xbf16>
      %reshape3A_532 = vector.shape_cast %get3A_531 : vector<5x128x64xbf16> to vector<640x64xbf16>
      %dot_general3A_533 = arith.constant dense<0.000000e+00> : vector<256x64xf32>
      %dot_general3A_534 = tpu.matmul %concatenate3A_527, %reshape3A_532, %dot_general3A_533 {dimension_numbers = #tpu.dot_dimension_numbers<[1], [0], [0], [1], [0, 0, 1, 1], [], []>, transpose_lhs_hint = false} : vector<256x640xbf16>, vector<640x64xbf16>, vector<256x64xf32> -> vector<256x64xf32>
      %add3A_535 = arith.addf %add3A_506, %dot_general3A_534 : vector<256x64xf32>
      %slice3A_536 = vector.extract_strided_slice %convert_element_type3A_158 {offsets = [2, 0, 0], sizes = [1, 256, 128], strides = [1, 1, 1]} : vector<5x256x128xbf16> to vector<1x256x128xbf16>
      %squeeze3A_537 = vector.shape_cast %slice3A_536 : vector<1x256x128xbf16> to vector<256x128xbf16>
      %slice3A_538 = vector.extract_strided_slice %convert_element_type3A_159 {offsets = [3, 0, 0], sizes = [1, 256, 128], strides = [1, 1, 1]} : vector<5x256x128xbf16> to vector<1x256x128xbf16>
      %squeeze3A_539 = vector.shape_cast %slice3A_538 : vector<1x256x128xbf16> to vector<256x128xbf16>
      %mul3A_540 = arith.mulf %squeeze3A_537, %squeeze3A_539 : vector<256x128xbf16>
      %slice3A_541 = vector.extract_strided_slice %convert_element_type3A_160 {offsets = [0, 0, 0], sizes = [1, 256, 128], strides = [1, 1, 1]} : vector<5x256x128xbf16> to vector<1x256x128xbf16>
      %squeeze3A_542 = vector.shape_cast %slice3A_541 : vector<1x256x128xbf16> to vector<256x128xbf16>
      %mul3A_543 = arith.mulf %mul3A_540, %squeeze3A_542 : vector<256x128xbf16>
      %slice3A_544 = vector.extract_strided_slice %convert_element_type3A_160 {offsets = [1, 0, 0], sizes = [1, 256, 128], strides = [1, 1, 1]} : vector<5x256x128xbf16> to vector<1x256x128xbf16>
      %squeeze3A_545 = vector.shape_cast %slice3A_544 : vector<1x256x128xbf16> to vector<256x128xbf16>
      %mul3A_546 = arith.mulf %mul3A_540, %squeeze3A_545 : vector<256x128xbf16>
      %slice3A_547 = vector.extract_strided_slice %convert_element_type3A_160 {offsets = [2, 0, 0], sizes = [1, 256, 128], strides = [1, 1, 1]} : vector<5x256x128xbf16> to vector<1x256x128xbf16>
      %squeeze3A_548 = vector.shape_cast %slice3A_547 : vector<1x256x128xbf16> to vector<256x128xbf16>
      %mul3A_549 = arith.mulf %mul3A_540, %squeeze3A_548 : vector<256x128xbf16>
      %slice3A_550 = vector.extract_strided_slice %convert_element_type3A_160 {offsets = [3, 0, 0], sizes = [1, 256, 128], strides = [1, 1, 1]} : vector<5x256x128xbf16> to vector<1x256x128xbf16>
      %squeeze3A_551 = vector.shape_cast %slice3A_550 : vector<1x256x128xbf16> to vector<256x128xbf16>
      %mul3A_552 = arith.mulf %mul3A_540, %squeeze3A_551 : vector<256x128xbf16>
      %slice3A_553 = vector.extract_strided_slice %convert_element_type3A_160 {offsets = [4, 0, 0], sizes = [1, 256, 128], strides = [1, 1, 1]} : vector<5x256x128xbf16> to vector<1x256x128xbf16>
      %squeeze3A_554 = vector.shape_cast %slice3A_553 : vector<1x256x128xbf16> to vector<256x128xbf16>
      %mul3A_555 = arith.mulf %mul3A_540, %squeeze3A_554 : vector<256x128xbf16>
      %concatenate3A_556 = tpu.concatenate %mul3A_543, %mul3A_546, %mul3A_549, %mul3A_552, %mul3A_555 in 1 : vector<256x128xbf16>, vector<256x128xbf16>, vector<256x128xbf16>, vector<256x128xbf16>, vector<256x128xbf16> -> vector<256x640xbf16>
      %get3A_557 = arith.constant 65 : index
      %get3A_558 = arith.constant 0 : index
      %get3A_559 = arith.constant 0 : index
      %get3A_560 = vector.load %arg4[%get3A_557, %get3A_558, %get3A_559] : memref<125x128x64xbf16, #tpu.memory_space<vmem>>, vector<5x128x64xbf16>
      %reshape3A_561 = vector.shape_cast %get3A_560 : vector<5x128x64xbf16> to vector<640x64xbf16>
      %dot_general3A_562 = arith.constant dense<0.000000e+00> : vector<256x64xf32>
      %dot_general3A_563 = tpu.matmul %concatenate3A_556, %reshape3A_561, %dot_general3A_562 {dimension_numbers = #tpu.dot_dimension_numbers<[1], [0], [0], [1], [0, 0, 1, 1], [], []>, transpose_lhs_hint = false} : vector<256x640xbf16>, vector<640x64xbf16>, vector<256x64xf32> -> vector<256x64xf32>
      %add3A_564 = arith.addf %add3A_535, %dot_general3A_563 : vector<256x64xf32>
      %slice3A_565 = vector.extract_strided_slice %convert_element_type3A_158 {offsets = [2, 0, 0], sizes = [1, 256, 128], strides = [1, 1, 1]} : vector<5x256x128xbf16> to vector<1x256x128xbf16>
      %squeeze3A_566 = vector.shape_cast %slice3A_565 : vector<1x256x128xbf16> to vector<256x128xbf16>
      %slice3A_567 = vector.extract_strided_slice %convert_element_type3A_159 {offsets = [4, 0, 0], sizes = [1, 256, 128], strides = [1, 1, 1]} : vector<5x256x128xbf16> to vector<1x256x128xbf16>
      %squeeze3A_568 = vector.shape_cast %slice3A_567 : vector<1x256x128xbf16> to vector<256x128xbf16>
      %mul3A_569 = arith.mulf %squeeze3A_566, %squeeze3A_568 : vector<256x128xbf16>
      %slice3A_570 = vector.extract_strided_slice %convert_element_type3A_160 {offsets = [0, 0, 0], sizes = [1, 256, 128], strides = [1, 1, 1]} : vector<5x256x128xbf16> to vector<1x256x128xbf16>
      %squeeze3A_571 = vector.shape_cast %slice3A_570 : vector<1x256x128xbf16> to vector<256x128xbf16>
      %mul3A_572 = arith.mulf %mul3A_569, %squeeze3A_571 : vector<256x128xbf16>
      %slice3A_573 = vector.extract_strided_slice %convert_element_type3A_160 {offsets = [1, 0, 0], sizes = [1, 256, 128], strides = [1, 1, 1]} : vector<5x256x128xbf16> to vector<1x256x128xbf16>
      %squeeze3A_574 = vector.shape_cast %slice3A_573 : vector<1x256x128xbf16> to vector<256x128xbf16>
      %mul3A_575 = arith.mulf %mul3A_569, %squeeze3A_574 : vector<256x128xbf16>
      %slice3A_576 = vector.extract_strided_slice %convert_element_type3A_160 {offsets = [2, 0, 0], sizes = [1, 256, 128], strides = [1, 1, 1]} : vector<5x256x128xbf16> to vector<1x256x128xbf16>
      %squeeze3A_577 = vector.shape_cast %slice3A_576 : vector<1x256x128xbf16> to vector<256x128xbf16>
      %mul3A_578 = arith.mulf %mul3A_569, %squeeze3A_577 : vector<256x128xbf16>
      %slice3A_579 = vector.extract_strided_slice %convert_element_type3A_160 {offsets = [3, 0, 0], sizes = [1, 256, 128], strides = [1, 1, 1]} : vector<5x256x128xbf16> to vector<1x256x128xbf16>
      %squeeze3A_580 = vector.shape_cast %slice3A_579 : vector<1x256x128xbf16> to vector<256x128xbf16>
      %mul3A_581 = arith.mulf %mul3A_569, %squeeze3A_580 : vector<256x128xbf16>
      %slice3A_582 = vector.extract_strided_slice %convert_element_type3A_160 {offsets = [4, 0, 0], sizes = [1, 256, 128], strides = [1, 1, 1]} : vector<5x256x128xbf16> to vector<1x256x128xbf16>
      %squeeze3A_583 = vector.shape_cast %slice3A_582 : vector<1x256x128xbf16> to vector<256x128xbf16>
      %mul3A_584 = arith.mulf %mul3A_569, %squeeze3A_583 : vector<256x128xbf16>
      %concatenate3A_585 = tpu.concatenate %mul3A_572, %mul3A_575, %mul3A_578, %mul3A_581, %mul3A_584 in 1 : vector<256x128xbf16>, vector<256x128xbf16>, vector<256x128xbf16>, vector<256x128xbf16>, vector<256x128xbf16> -> vector<256x640xbf16>
      %get3A_586 = arith.constant 70 : index
      %get3A_587 = arith.constant 0 : index
      %get3A_588 = arith.constant 0 : index
      %get3A_589 = vector.load %arg4[%get3A_586, %get3A_587, %get3A_588] : memref<125x128x64xbf16, #tpu.memory_space<vmem>>, vector<5x128x64xbf16>
      %reshape3A_590 = vector.shape_cast %get3A_589 : vector<5x128x64xbf16> to vector<640x64xbf16>
      %dot_general3A_591 = arith.constant dense<0.000000e+00> : vector<256x64xf32>
      %dot_general3A_592 = tpu.matmul %concatenate3A_585, %reshape3A_590, %dot_general3A_591 {dimension_numbers = #tpu.dot_dimension_numbers<[1], [0], [0], [1], [0, 0, 1, 1], [], []>, transpose_lhs_hint = false} : vector<256x640xbf16>, vector<640x64xbf16>, vector<256x64xf32> -> vector<256x64xf32>
      %add3A_593 = arith.addf %add3A_564, %dot_general3A_592 : vector<256x64xf32>
      %slice3A_594 = vector.extract_strided_slice %convert_element_type3A_158 {offsets = [3, 0, 0], sizes = [1, 256, 128], strides = [1, 1, 1]} : vector<5x256x128xbf16> to vector<1x256x128xbf16>
      %squeeze3A_595 = vector.shape_cast %slice3A_594 : vector<1x256x128xbf16> to vector<256x128xbf16>
      %slice3A_596 = vector.extract_strided_slice %convert_element_type3A_159 {offsets = [0, 0, 0], sizes = [1, 256, 128], strides = [1, 1, 1]} : vector<5x256x128xbf16> to vector<1x256x128xbf16>
      %squeeze3A_597 = vector.shape_cast %slice3A_596 : vector<1x256x128xbf16> to vector<256x128xbf16>
      %mul3A_598 = arith.mulf %squeeze3A_595, %squeeze3A_597 : vector<256x128xbf16>
      %slice3A_599 = vector.extract_strided_slice %convert_element_type3A_160 {offsets = [0, 0, 0], sizes = [1, 256, 128], strides = [1, 1, 1]} : vector<5x256x128xbf16> to vector<1x256x128xbf16>
      %squeeze3A_600 = vector.shape_cast %slice3A_599 : vector<1x256x128xbf16> to vector<256x128xbf16>
      %mul3A_601 = arith.mulf %mul3A_598, %squeeze3A_600 : vector<256x128xbf16>
      %slice3A_602 = vector.extract_strided_slice %convert_element_type3A_160 {offsets = [1, 0, 0], sizes = [1, 256, 128], strides = [1, 1, 1]} : vector<5x256x128xbf16> to vector<1x256x128xbf16>
      %squeeze3A_603 = vector.shape_cast %slice3A_602 : vector<1x256x128xbf16> to vector<256x128xbf16>
      %mul3A_604 = arith.mulf %mul3A_598, %squeeze3A_603 : vector<256x128xbf16>
      %slice3A_605 = vector.extract_strided_slice %convert_element_type3A_160 {offsets = [2, 0, 0], sizes = [1, 256, 128], strides = [1, 1, 1]} : vector<5x256x128xbf16> to vector<1x256x128xbf16>
      %squeeze3A_606 = vector.shape_cast %slice3A_605 : vector<1x256x128xbf16> to vector<256x128xbf16>
      %mul3A_607 = arith.mulf %mul3A_598, %squeeze3A_606 : vector<256x128xbf16>
      %slice3A_608 = vector.extract_strided_slice %convert_element_type3A_160 {offsets = [3, 0, 0], sizes = [1, 256, 128], strides = [1, 1, 1]} : vector<5x256x128xbf16> to vector<1x256x128xbf16>
      %squeeze3A_609 = vector.shape_cast %slice3A_608 : vector<1x256x128xbf16> to vector<256x128xbf16>
      %mul3A_610 = arith.mulf %mul3A_598, %squeeze3A_609 : vector<256x128xbf16>
      %slice3A_611 = vector.extract_strided_slice %convert_element_type3A_160 {offsets = [4, 0, 0], sizes = [1, 256, 128], strides = [1, 1, 1]} : vector<5x256x128xbf16> to vector<1x256x128xbf16>
      %squeeze3A_612 = vector.shape_cast %slice3A_611 : vector<1x256x128xbf16> to vector<256x128xbf16>
      %mul3A_613 = arith.mulf %mul3A_598, %squeeze3A_612 : vector<256x128xbf16>
      %concatenate3A_614 = tpu.concatenate %mul3A_601, %mul3A_604, %mul3A_607, %mul3A_610, %mul3A_613 in 1 : vector<256x128xbf16>, vector<256x128xbf16>, vector<256x128xbf16>, vector<256x128xbf16>, vector<256x128xbf16> -> vector<256x640xbf16>
      %get3A_615 = arith.constant 75 : index
      %get3A_616 = arith.constant 0 : index
      %get3A_617 = arith.constant 0 : index
      %get3A_618 = vector.load %arg4[%get3A_615, %get3A_616, %get3A_617] : memref<125x128x64xbf16, #tpu.memory_space<vmem>>, vector<5x128x64xbf16>
      %reshape3A_619 = vector.shape_cast %get3A_618 : vector<5x128x64xbf16> to vector<640x64xbf16>
      %dot_general3A_620 = arith.constant dense<0.000000e+00> : vector<256x64xf32>
      %dot_general3A_621 = tpu.matmul %concatenate3A_614, %reshape3A_619, %dot_general3A_620 {dimension_numbers = #tpu.dot_dimension_numbers<[1], [0], [0], [1], [0, 0, 1, 1], [], []>, transpose_lhs_hint = false} : vector<256x640xbf16>, vector<640x64xbf16>, vector<256x64xf32> -> vector<256x64xf32>
      %add3A_622 = arith.addf %add3A_593, %dot_general3A_621 : vector<256x64xf32>
      %slice3A_623 = vector.extract_strided_slice %convert_element_type3A_158 {offsets = [3, 0, 0], sizes = [1, 256, 128], strides = [1, 1, 1]} : vector<5x256x128xbf16> to vector<1x256x128xbf16>
      %squeeze3A_624 = vector.shape_cast %slice3A_623 : vector<1x256x128xbf16> to vector<256x128xbf16>
      %slice3A_625 = vector.extract_strided_slice %convert_element_type3A_159 {offsets = [1, 0, 0], sizes = [1, 256, 128], strides = [1, 1, 1]} : vector<5x256x128xbf16> to vector<1x256x128xbf16>
      %squeeze3A_626 = vector.shape_cast %slice3A_625 : vector<1x256x128xbf16> to vector<256x128xbf16>
      %mul3A_627 = arith.mulf %squeeze3A_624, %squeeze3A_626 : vector<256x128xbf16>
      %slice3A_628 = vector.extract_strided_slice %convert_element_type3A_160 {offsets = [0, 0, 0], sizes = [1, 256, 128], strides = [1, 1, 1]} : vector<5x256x128xbf16> to vector<1x256x128xbf16>
      %squeeze3A_629 = vector.shape_cast %slice3A_628 : vector<1x256x128xbf16> to vector<256x128xbf16>
      %mul3A_630 = arith.mulf %mul3A_627, %squeeze3A_629 : vector<256x128xbf16>
      %slice3A_631 = vector.extract_strided_slice %convert_element_type3A_160 {offsets = [1, 0, 0], sizes = [1, 256, 128], strides = [1, 1, 1]} : vector<5x256x128xbf16> to vector<1x256x128xbf16>
      %squeeze3A_632 = vector.shape_cast %slice3A_631 : vector<1x256x128xbf16> to vector<256x128xbf16>
      %mul3A_633 = arith.mulf %mul3A_627, %squeeze3A_632 : vector<256x128xbf16>
      %slice3A_634 = vector.extract_strided_slice %convert_element_type3A_160 {offsets = [2, 0, 0], sizes = [1, 256, 128], strides = [1, 1, 1]} : vector<5x256x128xbf16> to vector<1x256x128xbf16>
      %squeeze3A_635 = vector.shape_cast %slice3A_634 : vector<1x256x128xbf16> to vector<256x128xbf16>
      %mul3A_636 = arith.mulf %mul3A_627, %squeeze3A_635 : vector<256x128xbf16>
      %slice3A_637 = vector.extract_strided_slice %convert_element_type3A_160 {offsets = [3, 0, 0], sizes = [1, 256, 128], strides = [1, 1, 1]} : vector<5x256x128xbf16> to vector<1x256x128xbf16>
      %squeeze3A_638 = vector.shape_cast %slice3A_637 : vector<1x256x128xbf16> to vector<256x128xbf16>
      %mul3A_639 = arith.mulf %mul3A_627, %squeeze3A_638 : vector<256x128xbf16>
      %slice3A_640 = vector.extract_strided_slice %convert_element_type3A_160 {offsets = [4, 0, 0], sizes = [1, 256, 128], strides = [1, 1, 1]} : vector<5x256x128xbf16> to vector<1x256x128xbf16>
      %squeeze3A_641 = vector.shape_cast %slice3A_640 : vector<1x256x128xbf16> to vector<256x128xbf16>
      %mul3A_642 = arith.mulf %mul3A_627, %squeeze3A_641 : vector<256x128xbf16>
      %concatenate3A_643 = tpu.concatenate %mul3A_630, %mul3A_633, %mul3A_636, %mul3A_639, %mul3A_642 in 1 : vector<256x128xbf16>, vector<256x128xbf16>, vector<256x128xbf16>, vector<256x128xbf16>, vector<256x128xbf16> -> vector<256x640xbf16>
      %get3A_644 = arith.constant 80 : index
      %get3A_645 = arith.constant 0 : index
      %get3A_646 = arith.constant 0 : index
      %get3A_647 = vector.load %arg4[%get3A_644, %get3A_645, %get3A_646] : memref<125x128x64xbf16, #tpu.memory_space<vmem>>, vector<5x128x64xbf16>
      %reshape3A_648 = vector.shape_cast %get3A_647 : vector<5x128x64xbf16> to vector<640x64xbf16>
      %dot_general3A_649 = arith.constant dense<0.000000e+00> : vector<256x64xf32>
      %dot_general3A_650 = tpu.matmul %concatenate3A_643, %reshape3A_648, %dot_general3A_649 {dimension_numbers = #tpu.dot_dimension_numbers<[1], [0], [0], [1], [0, 0, 1, 1], [], []>, transpose_lhs_hint = false} : vector<256x640xbf16>, vector<640x64xbf16>, vector<256x64xf32> -> vector<256x64xf32>
      %add3A_651 = arith.addf %add3A_622, %dot_general3A_650 : vector<256x64xf32>
      %slice3A_652 = vector.extract_strided_slice %convert_element_type3A_158 {offsets = [3, 0, 0], sizes = [1, 256, 128], strides = [1, 1, 1]} : vector<5x256x128xbf16> to vector<1x256x128xbf16>
      %squeeze3A_653 = vector.shape_cast %slice3A_652 : vector<1x256x128xbf16> to vector<256x128xbf16>
      %slice3A_654 = vector.extract_strided_slice %convert_element_type3A_159 {offsets = [2, 0, 0], sizes = [1, 256, 128], strides = [1, 1, 1]} : vector<5x256x128xbf16> to vector<1x256x128xbf16>
      %squeeze3A_655 = vector.shape_cast %slice3A_654 : vector<1x256x128xbf16> to vector<256x128xbf16>
      %mul3A_656 = arith.mulf %squeeze3A_653, %squeeze3A_655 : vector<256x128xbf16>
      %slice3A_657 = vector.extract_strided_slice %convert_element_type3A_160 {offsets = [0, 0, 0], sizes = [1, 256, 128], strides = [1, 1, 1]} : vector<5x256x128xbf16> to vector<1x256x128xbf16>
      %squeeze3A_658 = vector.shape_cast %slice3A_657 : vector<1x256x128xbf16> to vector<256x128xbf16>
      %mul3A_659 = arith.mulf %mul3A_656, %squeeze3A_658 : vector<256x128xbf16>
      %slice3A_660 = vector.extract_strided_slice %convert_element_type3A_160 {offsets = [1, 0, 0], sizes = [1, 256, 128], strides = [1, 1, 1]} : vector<5x256x128xbf16> to vector<1x256x128xbf16>
      %squeeze3A_661 = vector.shape_cast %slice3A_660 : vector<1x256x128xbf16> to vector<256x128xbf16>
      %mul3A_662 = arith.mulf %mul3A_656, %squeeze3A_661 : vector<256x128xbf16>
      %slice3A_663 = vector.extract_strided_slice %convert_element_type3A_160 {offsets = [2, 0, 0], sizes = [1, 256, 128], strides = [1, 1, 1]} : vector<5x256x128xbf16> to vector<1x256x128xbf16>
      %squeeze3A_664 = vector.shape_cast %slice3A_663 : vector<1x256x128xbf16> to vector<256x128xbf16>
      %mul3A_665 = arith.mulf %mul3A_656, %squeeze3A_664 : vector<256x128xbf16>
      %slice3A_666 = vector.extract_strided_slice %convert_element_type3A_160 {offsets = [3, 0, 0], sizes = [1, 256, 128], strides = [1, 1, 1]} : vector<5x256x128xbf16> to vector<1x256x128xbf16>
      %squeeze3A_667 = vector.shape_cast %slice3A_666 : vector<1x256x128xbf16> to vector<256x128xbf16>
      %mul3A_668 = arith.mulf %mul3A_656, %squeeze3A_667 : vector<256x128xbf16>
      %slice3A_669 = vector.extract_strided_slice %convert_element_type3A_160 {offsets = [4, 0, 0], sizes = [1, 256, 128], strides = [1, 1, 1]} : vector<5x256x128xbf16> to vector<1x256x128xbf16>
      %squeeze3A_670 = vector.shape_cast %slice3A_669 : vector<1x256x128xbf16> to vector<256x128xbf16>
      %mul3A_671 = arith.mulf %mul3A_656, %squeeze3A_670 : vector<256x128xbf16>
      %concatenate3A_672 = tpu.concatenate %mul3A_659, %mul3A_662, %mul3A_665, %mul3A_668, %mul3A_671 in 1 : vector<256x128xbf16>, vector<256x128xbf16>, vector<256x128xbf16>, vector<256x128xbf16>, vector<256x128xbf16> -> vector<256x640xbf16>
      %get3A_673 = arith.constant 85 : index
      %get3A_674 = arith.constant 0 : index
      %get3A_675 = arith.constant 0 : index
      %get3A_676 = vector.load %arg4[%get3A_673, %get3A_674, %get3A_675] : memref<125x128x64xbf16, #tpu.memory_space<vmem>>, vector<5x128x64xbf16>
      %reshape3A_677 = vector.shape_cast %get3A_676 : vector<5x128x64xbf16> to vector<640x64xbf16>
      %dot_general3A_678 = arith.constant dense<0.000000e+00> : vector<256x64xf32>
      %dot_general3A_679 = tpu.matmul %concatenate3A_672, %reshape3A_677, %dot_general3A_678 {dimension_numbers = #tpu.dot_dimension_numbers<[1], [0], [0], [1], [0, 0, 1, 1], [], []>, transpose_lhs_hint = false} : vector<256x640xbf16>, vector<640x64xbf16>, vector<256x64xf32> -> vector<256x64xf32>
      %add3A_680 = arith.addf %add3A_651, %dot_general3A_679 : vector<256x64xf32>
      %slice3A_681 = vector.extract_strided_slice %convert_element_type3A_158 {offsets = [3, 0, 0], sizes = [1, 256, 128], strides = [1, 1, 1]} : vector<5x256x128xbf16> to vector<1x256x128xbf16>
      %squeeze3A_682 = vector.shape_cast %slice3A_681 : vector<1x256x128xbf16> to vector<256x128xbf16>
      %slice3A_683 = vector.extract_strided_slice %convert_element_type3A_159 {offsets = [3, 0, 0], sizes = [1, 256, 128], strides = [1, 1, 1]} : vector<5x256x128xbf16> to vector<1x256x128xbf16>
      %squeeze3A_684 = vector.shape_cast %slice3A_683 : vector<1x256x128xbf16> to vector<256x128xbf16>
      %mul3A_685 = arith.mulf %squeeze3A_682, %squeeze3A_684 : vector<256x128xbf16>
      %slice3A_686 = vector.extract_strided_slice %convert_element_type3A_160 {offsets = [0, 0, 0], sizes = [1, 256, 128], strides = [1, 1, 1]} : vector<5x256x128xbf16> to vector<1x256x128xbf16>
      %squeeze3A_687 = vector.shape_cast %slice3A_686 : vector<1x256x128xbf16> to vector<256x128xbf16>
      %mul3A_688 = arith.mulf %mul3A_685, %squeeze3A_687 : vector<256x128xbf16>
      %slice3A_689 = vector.extract_strided_slice %convert_element_type3A_160 {offsets = [1, 0, 0], sizes = [1, 256, 128], strides = [1, 1, 1]} : vector<5x256x128xbf16> to vector<1x256x128xbf16>
      %squeeze3A_690 = vector.shape_cast %slice3A_689 : vector<1x256x128xbf16> to vector<256x128xbf16>
      %mul3A_691 = arith.mulf %mul3A_685, %squeeze3A_690 : vector<256x128xbf16>
      %slice3A_692 = vector.extract_strided_slice %convert_element_type3A_160 {offsets = [2, 0, 0], sizes = [1, 256, 128], strides = [1, 1, 1]} : vector<5x256x128xbf16> to vector<1x256x128xbf16>
      %squeeze3A_693 = vector.shape_cast %slice3A_692 : vector<1x256x128xbf16> to vector<256x128xbf16>
      %mul3A_694 = arith.mulf %mul3A_685, %squeeze3A_693 : vector<256x128xbf16>
      %slice3A_695 = vector.extract_strided_slice %convert_element_type3A_160 {offsets = [3, 0, 0], sizes = [1, 256, 128], strides = [1, 1, 1]} : vector<5x256x128xbf16> to vector<1x256x128xbf16>
      %squeeze3A_696 = vector.shape_cast %slice3A_695 : vector<1x256x128xbf16> to vector<256x128xbf16>
      %mul3A_697 = arith.mulf %mul3A_685, %squeeze3A_696 : vector<256x128xbf16>
      %slice3A_698 = vector.extract_strided_slice %convert_element_type3A_160 {offsets = [4, 0, 0], sizes = [1, 256, 128], strides = [1, 1, 1]} : vector<5x256x128xbf16> to vector<1x256x128xbf16>
      %squeeze3A_699 = vector.shape_cast %slice3A_698 : vector<1x256x128xbf16> to vector<256x128xbf16>
      %mul3A_700 = arith.mulf %mul3A_685, %squeeze3A_699 : vector<256x128xbf16>
      %concatenate3A_701 = tpu.concatenate %mul3A_688, %mul3A_691, %mul3A_694, %mul3A_697, %mul3A_700 in 1 : vector<256x128xbf16>, vector<256x128xbf16>, vector<256x128xbf16>, vector<256x128xbf16>, vector<256x128xbf16> -> vector<256x640xbf16>
      %get3A_702 = arith.constant 90 : index
      %get3A_703 = arith.constant 0 : index
      %get3A_704 = arith.constant 0 : index
      %get3A_705 = vector.load %arg4[%get3A_702, %get3A_703, %get3A_704] : memref<125x128x64xbf16, #tpu.memory_space<vmem>>, vector<5x128x64xbf16>
      %reshape3A_706 = vector.shape_cast %get3A_705 : vector<5x128x64xbf16> to vector<640x64xbf16>
      %dot_general3A_707 = arith.constant dense<0.000000e+00> : vector<256x64xf32>
      %dot_general3A_708 = tpu.matmul %concatenate3A_701, %reshape3A_706, %dot_general3A_707 {dimension_numbers = #tpu.dot_dimension_numbers<[1], [0], [0], [1], [0, 0, 1, 1], [], []>, transpose_lhs_hint = false} : vector<256x640xbf16>, vector<640x64xbf16>, vector<256x64xf32> -> vector<256x64xf32>
      %add3A_709 = arith.addf %add3A_680, %dot_general3A_708 : vector<256x64xf32>
      %slice3A_710 = vector.extract_strided_slice %convert_element_type3A_158 {offsets = [3, 0, 0], sizes = [1, 256, 128], strides = [1, 1, 1]} : vector<5x256x128xbf16> to vector<1x256x128xbf16>
      %squeeze3A_711 = vector.shape_cast %slice3A_710 : vector<1x256x128xbf16> to vector<256x128xbf16>
      %slice3A_712 = vector.extract_strided_slice %convert_element_type3A_159 {offsets = [4, 0, 0], sizes = [1, 256, 128], strides = [1, 1, 1]} : vector<5x256x128xbf16> to vector<1x256x128xbf16>
      %squeeze3A_713 = vector.shape_cast %slice3A_712 : vector<1x256x128xbf16> to vector<256x128xbf16>
      %mul3A_714 = arith.mulf %squeeze3A_711, %squeeze3A_713 : vector<256x128xbf16>
      %slice3A_715 = vector.extract_strided_slice %convert_element_type3A_160 {offsets = [0, 0, 0], sizes = [1, 256, 128], strides = [1, 1, 1]} : vector<5x256x128xbf16> to vector<1x256x128xbf16>
      %squeeze3A_716 = vector.shape_cast %slice3A_715 : vector<1x256x128xbf16> to vector<256x128xbf16>
      %mul3A_717 = arith.mulf %mul3A_714, %squeeze3A_716 : vector<256x128xbf16>
      %slice3A_718 = vector.extract_strided_slice %convert_element_type3A_160 {offsets = [1, 0, 0], sizes = [1, 256, 128], strides = [1, 1, 1]} : vector<5x256x128xbf16> to vector<1x256x128xbf16>
      %squeeze3A_719 = vector.shape_cast %slice3A_718 : vector<1x256x128xbf16> to vector<256x128xbf16>
      %mul3A_720 = arith.mulf %mul3A_714, %squeeze3A_719 : vector<256x128xbf16>
      %slice3A_721 = vector.extract_strided_slice %convert_element_type3A_160 {offsets = [2, 0, 0], sizes = [1, 256, 128], strides = [1, 1, 1]} : vector<5x256x128xbf16> to vector<1x256x128xbf16>
      %squeeze3A_722 = vector.shape_cast %slice3A_721 : vector<1x256x128xbf16> to vector<256x128xbf16>
      %mul3A_723 = arith.mulf %mul3A_714, %squeeze3A_722 : vector<256x128xbf16>
      %slice3A_724 = vector.extract_strided_slice %convert_element_type3A_160 {offsets = [3, 0, 0], sizes = [1, 256, 128], strides = [1, 1, 1]} : vector<5x256x128xbf16> to vector<1x256x128xbf16>
      %squeeze3A_725 = vector.shape_cast %slice3A_724 : vector<1x256x128xbf16> to vector<256x128xbf16>
      %mul3A_726 = arith.mulf %mul3A_714, %squeeze3A_725 : vector<256x128xbf16>
      %slice3A_727 = vector.extract_strided_slice %convert_element_type3A_160 {offsets = [4, 0, 0], sizes = [1, 256, 128], strides = [1, 1, 1]} : vector<5x256x128xbf16> to vector<1x256x128xbf16>
      %squeeze3A_728 = vector.shape_cast %slice3A_727 : vector<1x256x128xbf16> to vector<256x128xbf16>
      %mul3A_729 = arith.mulf %mul3A_714, %squeeze3A_728 : vector<256x128xbf16>
      %concatenate3A_730 = tpu.concatenate %mul3A_717, %mul3A_720, %mul3A_723, %mul3A_726, %mul3A_729 in 1 : vector<256x128xbf16>, vector<256x128xbf16>, vector<256x128xbf16>, vector<256x128xbf16>, vector<256x128xbf16> -> vector<256x640xbf16>
      %get3A_731 = arith.constant 95 : index
      %get3A_732 = arith.constant 0 : index
      %get3A_733 = arith.constant 0 : index
      %get3A_734 = vector.load %arg4[%get3A_731, %get3A_732, %get3A_733] : memref<125x128x64xbf16, #tpu.memory_space<vmem>>, vector<5x128x64xbf16>
      %reshape3A_735 = vector.shape_cast %get3A_734 : vector<5x128x64xbf16> to vector<640x64xbf16>
      %dot_general3A_736 = arith.constant dense<0.000000e+00> : vector<256x64xf32>
      %dot_general3A_737 = tpu.matmul %concatenate3A_730, %reshape3A_735, %dot_general3A_736 {dimension_numbers = #tpu.dot_dimension_numbers<[1], [0], [0], [1], [0, 0, 1, 1], [], []>, transpose_lhs_hint = false} : vector<256x640xbf16>, vector<640x64xbf16>, vector<256x64xf32> -> vector<256x64xf32>
      %add3A_738 = arith.addf %add3A_709, %dot_general3A_737 : vector<256x64xf32>
      %slice3A_739 = vector.extract_strided_slice %convert_element_type3A_158 {offsets = [4, 0, 0], sizes = [1, 256, 128], strides = [1, 1, 1]} : vector<5x256x128xbf16> to vector<1x256x128xbf16>
      %squeeze3A_740 = vector.shape_cast %slice3A_739 : vector<1x256x128xbf16> to vector<256x128xbf16>
      %slice3A_741 = vector.extract_strided_slice %convert_element_type3A_159 {offsets = [0, 0, 0], sizes = [1, 256, 128], strides = [1, 1, 1]} : vector<5x256x128xbf16> to vector<1x256x128xbf16>
      %squeeze3A_742 = vector.shape_cast %slice3A_741 : vector<1x256x128xbf16> to vector<256x128xbf16>
      %mul3A_743 = arith.mulf %squeeze3A_740, %squeeze3A_742 : vector<256x128xbf16>
      %slice3A_744 = vector.extract_strided_slice %convert_element_type3A_160 {offsets = [0, 0, 0], sizes = [1, 256, 128], strides = [1, 1, 1]} : vector<5x256x128xbf16> to vector<1x256x128xbf16>
      %squeeze3A_745 = vector.shape_cast %slice3A_744 : vector<1x256x128xbf16> to vector<256x128xbf16>
      %mul3A_746 = arith.mulf %mul3A_743, %squeeze3A_745 : vector<256x128xbf16>
      %slice3A_747 = vector.extract_strided_slice %convert_element_type3A_160 {offsets = [1, 0, 0], sizes = [1, 256, 128], strides = [1, 1, 1]} : vector<5x256x128xbf16> to vector<1x256x128xbf16>
      %squeeze3A_748 = vector.shape_cast %slice3A_747 : vector<1x256x128xbf16> to vector<256x128xbf16>
      %mul3A_749 = arith.mulf %mul3A_743, %squeeze3A_748 : vector<256x128xbf16>
      %slice3A_750 = vector.extract_strided_slice %convert_element_type3A_160 {offsets = [2, 0, 0], sizes = [1, 256, 128], strides = [1, 1, 1]} : vector<5x256x128xbf16> to vector<1x256x128xbf16>
      %squeeze3A_751 = vector.shape_cast %slice3A_750 : vector<1x256x128xbf16> to vector<256x128xbf16>
      %mul3A_752 = arith.mulf %mul3A_743, %squeeze3A_751 : vector<256x128xbf16>
      %slice3A_753 = vector.extract_strided_slice %convert_element_type3A_160 {offsets = [3, 0, 0], sizes = [1, 256, 128], strides = [1, 1, 1]} : vector<5x256x128xbf16> to vector<1x256x128xbf16>
      %squeeze3A_754 = vector.shape_cast %slice3A_753 : vector<1x256x128xbf16> to vector<256x128xbf16>
      %mul3A_755 = arith.mulf %mul3A_743, %squeeze3A_754 : vector<256x128xbf16>
      %slice3A_756 = vector.extract_strided_slice %convert_element_type3A_160 {offsets = [4, 0, 0], sizes = [1, 256, 128], strides = [1, 1, 1]} : vector<5x256x128xbf16> to vector<1x256x128xbf16>
      %squeeze3A_757 = vector.shape_cast %slice3A_756 : vector<1x256x128xbf16> to vector<256x128xbf16>
      %mul3A_758 = arith.mulf %mul3A_743, %squeeze3A_757 : vector<256x128xbf16>
      %concatenate3A_759 = tpu.concatenate %mul3A_746, %mul3A_749, %mul3A_752, %mul3A_755, %mul3A_758 in 1 : vector<256x128xbf16>, vector<256x128xbf16>, vector<256x128xbf16>, vector<256x128xbf16>, vector<256x128xbf16> -> vector<256x640xbf16>
      %get3A_760 = arith.constant 100 : index
      %get3A_761 = arith.constant 0 : index
      %get3A_762 = arith.constant 0 : index
      %get3A_763 = vector.load %arg4[%get3A_760, %get3A_761, %get3A_762] : memref<125x128x64xbf16, #tpu.memory_space<vmem>>, vector<5x128x64xbf16>
      %reshape3A_764 = vector.shape_cast %get3A_763 : vector<5x128x64xbf16> to vector<640x64xbf16>
      %dot_general3A_765 = arith.constant dense<0.000000e+00> : vector<256x64xf32>
      %dot_general3A_766 = tpu.matmul %concatenate3A_759, %reshape3A_764, %dot_general3A_765 {dimension_numbers = #tpu.dot_dimension_numbers<[1], [0], [0], [1], [0, 0, 1, 1], [], []>, transpose_lhs_hint = false} : vector<256x640xbf16>, vector<640x64xbf16>, vector<256x64xf32> -> vector<256x64xf32>
      %add3A_767 = arith.addf %add3A_738, %dot_general3A_766 : vector<256x64xf32>
      %slice3A_768 = vector.extract_strided_slice %convert_element_type3A_158 {offsets = [4, 0, 0], sizes = [1, 256, 128], strides = [1, 1, 1]} : vector<5x256x128xbf16> to vector<1x256x128xbf16>
      %squeeze3A_769 = vector.shape_cast %slice3A_768 : vector<1x256x128xbf16> to vector<256x128xbf16>
      %slice3A_770 = vector.extract_strided_slice %convert_element_type3A_159 {offsets = [1, 0, 0], sizes = [1, 256, 128], strides = [1, 1, 1]} : vector<5x256x128xbf16> to vector<1x256x128xbf16>
      %squeeze3A_771 = vector.shape_cast %slice3A_770 : vector<1x256x128xbf16> to vector<256x128xbf16>
      %mul3A_772 = arith.mulf %squeeze3A_769, %squeeze3A_771 : vector<256x128xbf16>
      %slice3A_773 = vector.extract_strided_slice %convert_element_type3A_160 {offsets = [0, 0, 0], sizes = [1, 256, 128], strides = [1, 1, 1]} : vector<5x256x128xbf16> to vector<1x256x128xbf16>
      %squeeze3A_774 = vector.shape_cast %slice3A_773 : vector<1x256x128xbf16> to vector<256x128xbf16>
      %mul3A_775 = arith.mulf %mul3A_772, %squeeze3A_774 : vector<256x128xbf16>
      %slice3A_776 = vector.extract_strided_slice %convert_element_type3A_160 {offsets = [1, 0, 0], sizes = [1, 256, 128], strides = [1, 1, 1]} : vector<5x256x128xbf16> to vector<1x256x128xbf16>
      %squeeze3A_777 = vector.shape_cast %slice3A_776 : vector<1x256x128xbf16> to vector<256x128xbf16>
      %mul3A_778 = arith.mulf %mul3A_772, %squeeze3A_777 : vector<256x128xbf16>
      %slice3A_779 = vector.extract_strided_slice %convert_element_type3A_160 {offsets = [2, 0, 0], sizes = [1, 256, 128], strides = [1, 1, 1]} : vector<5x256x128xbf16> to vector<1x256x128xbf16>
      %squeeze3A_780 = vector.shape_cast %slice3A_779 : vector<1x256x128xbf16> to vector<256x128xbf16>
      %mul3A_781 = arith.mulf %mul3A_772, %squeeze3A_780 : vector<256x128xbf16>
      %slice3A_782 = vector.extract_strided_slice %convert_element_type3A_160 {offsets = [3, 0, 0], sizes = [1, 256, 128], strides = [1, 1, 1]} : vector<5x256x128xbf16> to vector<1x256x128xbf16>
      %squeeze3A_783 = vector.shape_cast %slice3A_782 : vector<1x256x128xbf16> to vector<256x128xbf16>
      %mul3A_784 = arith.mulf %mul3A_772, %squeeze3A_783 : vector<256x128xbf16>
      %slice3A_785 = vector.extract_strided_slice %convert_element_type3A_160 {offsets = [4, 0, 0], sizes = [1, 256, 128], strides = [1, 1, 1]} : vector<5x256x128xbf16> to vector<1x256x128xbf16>
      %squeeze3A_786 = vector.shape_cast %slice3A_785 : vector<1x256x128xbf16> to vector<256x128xbf16>
      %mul3A_787 = arith.mulf %mul3A_772, %squeeze3A_786 : vector<256x128xbf16>
      %concatenate3A_788 = tpu.concatenate %mul3A_775, %mul3A_778, %mul3A_781, %mul3A_784, %mul3A_787 in 1 : vector<256x128xbf16>, vector<256x128xbf16>, vector<256x128xbf16>, vector<256x128xbf16>, vector<256x128xbf16> -> vector<256x640xbf16>
      %get3A_789 = arith.constant 105 : index
      %get3A_790 = arith.constant 0 : index
      %get3A_791 = arith.constant 0 : index
      %get3A_792 = vector.load %arg4[%get3A_789, %get3A_790, %get3A_791] : memref<125x128x64xbf16, #tpu.memory_space<vmem>>, vector<5x128x64xbf16>
      %reshape3A_793 = vector.shape_cast %get3A_792 : vector<5x128x64xbf16> to vector<640x64xbf16>
      %dot_general3A_794 = arith.constant dense<0.000000e+00> : vector<256x64xf32>
      %dot_general3A_795 = tpu.matmul %concatenate3A_788, %reshape3A_793, %dot_general3A_794 {dimension_numbers = #tpu.dot_dimension_numbers<[1], [0], [0], [1], [0, 0, 1, 1], [], []>, transpose_lhs_hint = false} : vector<256x640xbf16>, vector<640x64xbf16>, vector<256x64xf32> -> vector<256x64xf32>
      %add3A_796 = arith.addf %add3A_767, %dot_general3A_795 : vector<256x64xf32>
      %slice3A_797 = vector.extract_strided_slice %convert_element_type3A_158 {offsets = [4, 0, 0], sizes = [1, 256, 128], strides = [1, 1, 1]} : vector<5x256x128xbf16> to vector<1x256x128xbf16>
      %squeeze3A_798 = vector.shape_cast %slice3A_797 : vector<1x256x128xbf16> to vector<256x128xbf16>
      %slice3A_799 = vector.extract_strided_slice %convert_element_type3A_159 {offsets = [2, 0, 0], sizes = [1, 256, 128], strides = [1, 1, 1]} : vector<5x256x128xbf16> to vector<1x256x128xbf16>
      %squeeze3A_800 = vector.shape_cast %slice3A_799 : vector<1x256x128xbf16> to vector<256x128xbf16>
      %mul3A_801 = arith.mulf %squeeze3A_798, %squeeze3A_800 : vector<256x128xbf16>
      %slice3A_802 = vector.extract_strided_slice %convert_element_type3A_160 {offsets = [0, 0, 0], sizes = [1, 256, 128], strides = [1, 1, 1]} : vector<5x256x128xbf16> to vector<1x256x128xbf16>
      %squeeze3A_803 = vector.shape_cast %slice3A_802 : vector<1x256x128xbf16> to vector<256x128xbf16>
      %mul3A_804 = arith.mulf %mul3A_801, %squeeze3A_803 : vector<256x128xbf16>
      %slice3A_805 = vector.extract_strided_slice %convert_element_type3A_160 {offsets = [1, 0, 0], sizes = [1, 256, 128], strides = [1, 1, 1]} : vector<5x256x128xbf16> to vector<1x256x128xbf16>
      %squeeze3A_806 = vector.shape_cast %slice3A_805 : vector<1x256x128xbf16> to vector<256x128xbf16>
      %mul3A_807 = arith.mulf %mul3A_801, %squeeze3A_806 : vector<256x128xbf16>
      %slice3A_808 = vector.extract_strided_slice %convert_element_type3A_160 {offsets = [2, 0, 0], sizes = [1, 256, 128], strides = [1, 1, 1]} : vector<5x256x128xbf16> to vector<1x256x128xbf16>
      %squeeze3A_809 = vector.shape_cast %slice3A_808 : vector<1x256x128xbf16> to vector<256x128xbf16>
      %mul3A_810 = arith.mulf %mul3A_801, %squeeze3A_809 : vector<256x128xbf16>
      %slice3A_811 = vector.extract_strided_slice %convert_element_type3A_160 {offsets = [3, 0, 0], sizes = [1, 256, 128], strides = [1, 1, 1]} : vector<5x256x128xbf16> to vector<1x256x128xbf16>
      %squeeze3A_812 = vector.shape_cast %slice3A_811 : vector<1x256x128xbf16> to vector<256x128xbf16>
      %mul3A_813 = arith.mulf %mul3A_801, %squeeze3A_812 : vector<256x128xbf16>
      %slice3A_814 = vector.extract_strided_slice %convert_element_type3A_160 {offsets = [4, 0, 0], sizes = [1, 256, 128], strides = [1, 1, 1]} : vector<5x256x128xbf16> to vector<1x256x128xbf16>
      %squeeze3A_815 = vector.shape_cast %slice3A_814 : vector<1x256x128xbf16> to vector<256x128xbf16>
      %mul3A_816 = arith.mulf %mul3A_801, %squeeze3A_815 : vector<256x128xbf16>
      %concatenate3A_817 = tpu.concatenate %mul3A_804, %mul3A_807, %mul3A_810, %mul3A_813, %mul3A_816 in 1 : vector<256x128xbf16>, vector<256x128xbf16>, vector<256x128xbf16>, vector<256x128xbf16>, vector<256x128xbf16> -> vector<256x640xbf16>
      %get3A_818 = arith.constant 110 : index
      %get3A_819 = arith.constant 0 : index
      %get3A_820 = arith.constant 0 : index
      %get3A_821 = vector.load %arg4[%get3A_818, %get3A_819, %get3A_820] : memref<125x128x64xbf16, #tpu.memory_space<vmem>>, vector<5x128x64xbf16>
      %reshape3A_822 = vector.shape_cast %get3A_821 : vector<5x128x64xbf16> to vector<640x64xbf16>
      %dot_general3A_823 = arith.constant dense<0.000000e+00> : vector<256x64xf32>
      %dot_general3A_824 = tpu.matmul %concatenate3A_817, %reshape3A_822, %dot_general3A_823 {dimension_numbers = #tpu.dot_dimension_numbers<[1], [0], [0], [1], [0, 0, 1, 1], [], []>, transpose_lhs_hint = false} : vector<256x640xbf16>, vector<640x64xbf16>, vector<256x64xf32> -> vector<256x64xf32>
      %add3A_825 = arith.addf %add3A_796, %dot_general3A_824 : vector<256x64xf32>
      %slice3A_826 = vector.extract_strided_slice %convert_element_type3A_158 {offsets = [4, 0, 0], sizes = [1, 256, 128], strides = [1, 1, 1]} : vector<5x256x128xbf16> to vector<1x256x128xbf16>
      %squeeze3A_827 = vector.shape_cast %slice3A_826 : vector<1x256x128xbf16> to vector<256x128xbf16>
      %slice3A_828 = vector.extract_strided_slice %convert_element_type3A_159 {offsets = [3, 0, 0], sizes = [1, 256, 128], strides = [1, 1, 1]} : vector<5x256x128xbf16> to vector<1x256x128xbf16>
      %squeeze3A_829 = vector.shape_cast %slice3A_828 : vector<1x256x128xbf16> to vector<256x128xbf16>
      %mul3A_830 = arith.mulf %squeeze3A_827, %squeeze3A_829 : vector<256x128xbf16>
      %slice3A_831 = vector.extract_strided_slice %convert_element_type3A_160 {offsets = [0, 0, 0], sizes = [1, 256, 128], strides = [1, 1, 1]} : vector<5x256x128xbf16> to vector<1x256x128xbf16>
      %squeeze3A_832 = vector.shape_cast %slice3A_831 : vector<1x256x128xbf16> to vector<256x128xbf16>
      %mul3A_833 = arith.mulf %mul3A_830, %squeeze3A_832 : vector<256x128xbf16>
      %slice3A_834 = vector.extract_strided_slice %convert_element_type3A_160 {offsets = [1, 0, 0], sizes = [1, 256, 128], strides = [1, 1, 1]} : vector<5x256x128xbf16> to vector<1x256x128xbf16>
      %squeeze3A_835 = vector.shape_cast %slice3A_834 : vector<1x256x128xbf16> to vector<256x128xbf16>
      %mul3A_836 = arith.mulf %mul3A_830, %squeeze3A_835 : vector<256x128xbf16>
      %slice3A_837 = vector.extract_strided_slice %convert_element_type3A_160 {offsets = [2, 0, 0], sizes = [1, 256, 128], strides = [1, 1, 1]} : vector<5x256x128xbf16> to vector<1x256x128xbf16>
      %squeeze3A_838 = vector.shape_cast %slice3A_837 : vector<1x256x128xbf16> to vector<256x128xbf16>
      %mul3A_839 = arith.mulf %mul3A_830, %squeeze3A_838 : vector<256x128xbf16>
      %slice3A_840 = vector.extract_strided_slice %convert_element_type3A_160 {offsets = [3, 0, 0], sizes = [1, 256, 128], strides = [1, 1, 1]} : vector<5x256x128xbf16> to vector<1x256x128xbf16>
      %squeeze3A_841 = vector.shape_cast %slice3A_840 : vector<1x256x128xbf16> to vector<256x128xbf16>
      %mul3A_842 = arith.mulf %mul3A_830, %squeeze3A_841 : vector<256x128xbf16>
      %slice3A_843 = vector.extract_strided_slice %convert_element_type3A_160 {offsets = [4, 0, 0], sizes = [1, 256, 128], strides = [1, 1, 1]} : vector<5x256x128xbf16> to vector<1x256x128xbf16>
      %squeeze3A_844 = vector.shape_cast %slice3A_843 : vector<1x256x128xbf16> to vector<256x128xbf16>
      %mul3A_845 = arith.mulf %mul3A_830, %squeeze3A_844 : vector<256x128xbf16>
      %concatenate3A_846 = tpu.concatenate %mul3A_833, %mul3A_836, %mul3A_839, %mul3A_842, %mul3A_845 in 1 : vector<256x128xbf16>, vector<256x128xbf16>, vector<256x128xbf16>, vector<256x128xbf16>, vector<256x128xbf16> -> vector<256x640xbf16>
      %get3A_847 = arith.constant 115 : index
      %get3A_848 = arith.constant 0 : index
      %get3A_849 = arith.constant 0 : index
      %get3A_850 = vector.load %arg4[%get3A_847, %get3A_848, %get3A_849] : memref<125x128x64xbf16, #tpu.memory_space<vmem>>, vector<5x128x64xbf16>
      %reshape3A_851 = vector.shape_cast %get3A_850 : vector<5x128x64xbf16> to vector<640x64xbf16>
      %dot_general3A_852 = arith.constant dense<0.000000e+00> : vector<256x64xf32>
      %dot_general3A_853 = tpu.matmul %concatenate3A_846, %reshape3A_851, %dot_general3A_852 {dimension_numbers = #tpu.dot_dimension_numbers<[1], [0], [0], [1], [0, 0, 1, 1], [], []>, transpose_lhs_hint = false} : vector<256x640xbf16>, vector<640x64xbf16>, vector<256x64xf32> -> vector<256x64xf32>
      %add3A_854 = arith.addf %add3A_825, %dot_general3A_853 : vector<256x64xf32>
      %slice3A_855 = vector.extract_strided_slice %convert_element_type3A_158 {offsets = [4, 0, 0], sizes = [1, 256, 128], strides = [1, 1, 1]} : vector<5x256x128xbf16> to vector<1x256x128xbf16>
      %squeeze3A_856 = vector.shape_cast %slice3A_855 : vector<1x256x128xbf16> to vector<256x128xbf16>
      %slice3A_857 = vector.extract_strided_slice %convert_element_type3A_159 {offsets = [4, 0, 0], sizes = [1, 256, 128], strides = [1, 1, 1]} : vector<5x256x128xbf16> to vector<1x256x128xbf16>
      %squeeze3A_858 = vector.shape_cast %slice3A_857 : vector<1x256x128xbf16> to vector<256x128xbf16>
      %mul3A_859 = arith.mulf %squeeze3A_856, %squeeze3A_858 : vector<256x128xbf16>
      %slice3A_860 = vector.extract_strided_slice %convert_element_type3A_160 {offsets = [0, 0, 0], sizes = [1, 256, 128], strides = [1, 1, 1]} : vector<5x256x128xbf16> to vector<1x256x128xbf16>
      %squeeze3A_861 = vector.shape_cast %slice3A_860 : vector<1x256x128xbf16> to vector<256x128xbf16>
      %mul3A_862 = arith.mulf %mul3A_859, %squeeze3A_861 : vector<256x128xbf16>
      %slice3A_863 = vector.extract_strided_slice %convert_element_type3A_160 {offsets = [1, 0, 0], sizes = [1, 256, 128], strides = [1, 1, 1]} : vector<5x256x128xbf16> to vector<1x256x128xbf16>
      %squeeze3A_864 = vector.shape_cast %slice3A_863 : vector<1x256x128xbf16> to vector<256x128xbf16>
      %mul3A_865 = arith.mulf %mul3A_859, %squeeze3A_864 : vector<256x128xbf16>
      %slice3A_866 = vector.extract_strided_slice %convert_element_type3A_160 {offsets = [2, 0, 0], sizes = [1, 256, 128], strides = [1, 1, 1]} : vector<5x256x128xbf16> to vector<1x256x128xbf16>
      %squeeze3A_867 = vector.shape_cast %slice3A_866 : vector<1x256x128xbf16> to vector<256x128xbf16>
      %mul3A_868 = arith.mulf %mul3A_859, %squeeze3A_867 : vector<256x128xbf16>
      %slice3A_869 = vector.extract_strided_slice %convert_element_type3A_160 {offsets = [3, 0, 0], sizes = [1, 256, 128], strides = [1, 1, 1]} : vector<5x256x128xbf16> to vector<1x256x128xbf16>
      %squeeze3A_870 = vector.shape_cast %slice3A_869 : vector<1x256x128xbf16> to vector<256x128xbf16>
      %mul3A_871 = arith.mulf %mul3A_859, %squeeze3A_870 : vector<256x128xbf16>
      %slice3A_872 = vector.extract_strided_slice %convert_element_type3A_160 {offsets = [4, 0, 0], sizes = [1, 256, 128], strides = [1, 1, 1]} : vector<5x256x128xbf16> to vector<1x256x128xbf16>
      %squeeze3A_873 = vector.shape_cast %slice3A_872 : vector<1x256x128xbf16> to vector<256x128xbf16>
      %mul3A_874 = arith.mulf %mul3A_859, %squeeze3A_873 : vector<256x128xbf16>
      %concatenate3A_875 = tpu.concatenate %mul3A_862, %mul3A_865, %mul3A_868, %mul3A_871, %mul3A_874 in 1 : vector<256x128xbf16>, vector<256x128xbf16>, vector<256x128xbf16>, vector<256x128xbf16>, vector<256x128xbf16> -> vector<256x640xbf16>
      %get3A_876 = arith.constant 120 : index
      %get3A_877 = arith.constant 0 : index
      %get3A_878 = arith.constant 0 : index
      %get3A_879 = vector.load %arg4[%get3A_876, %get3A_877, %get3A_878] : memref<125x128x64xbf16, #tpu.memory_space<vmem>>, vector<5x128x64xbf16>
      %reshape3A_880 = vector.shape_cast %get3A_879 : vector<5x128x64xbf16> to vector<640x64xbf16>
      %dot_general3A_881 = arith.constant dense<0.000000e+00> : vector<256x64xf32>
      %dot_general3A_882 = tpu.matmul %concatenate3A_875, %reshape3A_880, %dot_general3A_881 {dimension_numbers = #tpu.dot_dimension_numbers<[1], [0], [0], [1], [0, 0, 1, 1], [], []>, transpose_lhs_hint = false} : vector<256x640xbf16>, vector<640x64xbf16>, vector<256x64xf32> -> vector<256x64xf32>
      %add3A_883 = arith.addf %add3A_854, %dot_general3A_882 : vector<256x64xf32>
      %get3A_884 = arith.constant 0 : index
      %get3A_885 = arith.constant 0 : index
      %get3A_886 = vector.load %arg9[%get3A_884, %get3A_885] : memref<256x64xf32, #tpu.memory_space<vmem>>, vector<256x64xf32>
      %add3A_887 = arith.addf %get3A_886, %add3A_883 : vector<256x64xf32>
      %swap3A_888 = arith.constant 0 : index
      %swap3A_889 = arith.constant 0 : index
      %swap3A_890 = vector.load %arg9[%swap3A_888, %swap3A_889] : memref<256x64xf32, #tpu.memory_space<vmem>>, vector<256x64xf32>
      tpu.vector_store %arg9[%swap3A_888, %swap3A_889], %add3A_887 {strides = array<i32>} : memref<256x64xf32, #tpu.memory_space<vmem>>, vector<256x64xf32>,
    } else {
    }
    %eq3A_31 = arith.constant 31 : i32
    %eq3A_32 = arith.cmpi eq, %arg1, %eq3A_31 : i32
    %convert_element_type3A_33 = arith.extui %eq3A_32 : i1 to i32
    %cond3A_34 = arith.constant 0 : i32
    %cond3A_35 = arith.cmpi ne, %convert_element_type3A_33, %cond3A_34 : i32
    scf.if %cond3A_35 {
      %get3A_36 = arith.constant 0 : index
      %get3A_37 = arith.constant 0 : index
      %get3A_38 = vector.load %arg9[%get3A_36, %get3A_37] : memref<256x64xf32, #tpu.memory_space<vmem>>, vector<256x64xf32>
      %get3A_39 = arith.constant 0 : index
      %get3A_40 = arith.constant 0 : index
      %get3A_41 = vector.load %arg10[%get3A_39, %get3A_40] : memref<256x1xf32, #tpu.memory_space<vmem>>, vector<256x1xf32>
      %max3A_42 = arith.constant 1.000000e+00 : f32
      %max3A_43 = vector.broadcast %max3A_42 : f32 to vector<256x1xf32>
      %max3A_44 = arith.maximumf %get3A_41, %max3A_43 : vector<256x1xf32>
      %div3A = vector.broadcast %max3A_44 : vector<256x1xf32> to vector<256x64xf32>
      %div3A_45 = arith.divf %get3A_38, %div3A : vector<256x64xf32>
      %get3A_46 = arith.constant 0 : index
      %get3A_47 = arith.constant 0 : index
      %get3A_48 = vector.load %arg5[%get3A_46, %get3A_47] : memref<256x1xf32, #tpu.memory_space<vmem>>, vector<256x1xf32>
      %get3A_49 = arith.constant 0 : index
      %get3A_50 = arith.constant 0 : index
      %get3A_51 = vector.load %arg6[%get3A_49, %get3A_50] : memref<1x64xf32, #tpu.memory_space<vmem>>, vector<1x64xf32>
      %dot_general3A = arith.constant dense<0.000000e+00> : vector<256x64xf32>
      %dot_general3A_52 = tpu.matmul %get3A_48, %get3A_51, %dot_general3A {dimension_numbers = #tpu.dot_dimension_numbers<[1], [0], [0], [1], [0, 0, 1, 1], [], []>, transpose_lhs_hint = false} : vector<256x1xf32>, vector<1x64xf32>, vector<256x64xf32> -> vector<256x64xf32>
      %add3A = arith.addf %div3A_45, %dot_general3A_52 : vector<256x64xf32>
      %get3A_53 = arith.constant 0 : index
      %get3A_54 = arith.constant 0 : index
      %get3A_55 = vector.load %arg7[%get3A_53, %get3A_54] : memref<1x64xf32, #tpu.memory_space<vmem>>, vector<1x64xf32>
      %add3A_56 = vector.broadcast %get3A_55 : vector<1x64xf32> to vector<256x64xf32>
      %add3A_57 = arith.addf %add3A, %add3A_56 : vector<256x64xf32>
      %gt3A = arith.constant 0.000000e+00 : f32
      %gt3A_58 = vector.broadcast %gt3A : f32 to vector<256x64xf32>
      %gt3A_59 = arith.cmpf ogt, %add3A_57, %gt3A_58 : vector<256x64xf32>
      %min3A = arith.constant 0.000000e+00 : f32
      %min3A_60 = vector.broadcast %min3A : f32 to vector<256x64xf32>
      %min3A_61 = arith.minimumf %add3A_57, %min3A_60 : vector<256x64xf32>
      %exp3A = math.exp %min3A_61 : vector<256x64xf32>
      %sub3A_62 = arith.constant 1.000000e+00 : f32
      %sub3A_63 = vector.broadcast %sub3A_62 : f32 to vector<256x64xf32>
      %sub3A_64 = arith.subf %exp3A, %sub3A_63 : vector<256x64xf32>
      %select_n3A = arith.select %gt3A_59, %add3A_57, %sub3A_64 : vector<256x64xi1>, vector<256x64xf32>
      %swap3A = arith.constant 0 : index
      %swap3A_65 = arith.constant 0 : index
      %swap3A_66 = vector.load %arg8[%swap3A, %swap3A_65] : memref<256x64xf32, #tpu.memory_space<vmem>>, vector<256x64xf32>
      tpu.vector_store %arg8[%swap3A, %swap3A_65], %select_n3A {strides = array<i32>} : memref<256x64xf32, #tpu.memory_space<vmem>>, vector<256x64xf32>,
    } else {
    }
    return
  }
  func.func @transform_0(%arg0: i32, %arg1: i32) -> (i32, i32) {
    %c0_i32 = arith.constant 0 : i32
    %c0_i32_0 = arith.constant 0 : i32
    return %arg0, %c0_i32 : i32, i32
  }
  func.func @transform_1(%arg0: i32, %arg1: i32) -> (i32, i32) {
    %c0_i32 = arith.constant 0 : i32
    %c0_i32_0 = arith.constant 0 : i32
    return %c0_i32, %arg1 : i32, i32
  }
  func.func @transform_2(%arg0: i32, %arg1: i32) -> (i32, i32, i32) {
    %c0_i32 = arith.constant 0 : i32
    %c0_i32_0 = arith.constant 0 : i32
    %c0_i32_1 = arith.constant 0 : i32
    %c0_i32_2 = arith.constant 0 : i32
    return %c0_i32, %c0_i32_0, %c0_i32_1 : i32, i32, i32
  }
  func.func @transform_3(%arg0: i32, %arg1: i32) -> (i32, i32) {
    %c0_i32 = arith.constant 0 : i32
    %c0_i32_0 = arith.constant 0 : i32
    return %arg0, %c0_i32 : i32, i32
  }
  func.func @transform_4(%arg0: i32, %arg1: i32) -> (i32, i32) {
    %c0_i32 = arith.constant 0 : i32
    %c0_i32_0 = arith.constant 0 : i32
    %c0_i32_1 = arith.constant 0 : i32
    return %c0_i32, %c0_i32_0 : i32, i32
  }
  func.func @transform_5(%arg0: i32, %arg1: i32) -> (i32, i32) {
    %c0_i32 = arith.constant 0 : i32
    %c0_i32_0 = arith.constant 0 : i32
    %c0_i32_1 = arith.constant 0 : i32
    return %c0_i32, %c0_i32_0 : i32, i32
  }
  func.func @transform_6(%arg0: i32, %arg1: i32) -> (i32, i32) {
    %c0_i32 = arith.constant 0 : i32
    %c0_i32_0 = arith.constant 0 : i32
    return %arg0, %c0_i32 : i32, i32
  }
}

module attributes {stable_mosaic.version = 14 : i64} {
  func.func @_fps_kernel(%arg0: memref<24x512xf32, #tpu.memory_space<vmem>>, %arg1: memref<4096x8xf32, #tpu.memory_space<vmem>>, %arg2: memref<4096x64xf32, #tpu.memory_space<vmem>>, %arg3: memref<2048x8xf32, #tpu.memory_space<vmem>>, %arg4: memref<2048x64xf32, #tpu.memory_space<vmem>>, %arg5: memref<8x512xf32, #tpu.memory_space<vmem>>) attributes {dimension_semantics = [], scalar_prefetch = 0 : i64, scratch_operands = 1 : i64, tpu.core_type = #tpu.core_type<tc>} {
    %iota3A = tpu.iota {dimensions = array<i32: 0>} : vector<8x512xi32>
    %mul3A = arith.constant 512 : i32
    %mul3A_0 = vector.broadcast %mul3A : i32 to vector<8x512xi32>
    %mul3A_1 = arith.muli %iota3A, %mul3A_0 : vector<8x512xi32>
    %iota3A_2 = tpu.iota {dimensions = array<i32: 1>} : vector<8x512xi32>
    %add3A = arith.addi %mul3A_1, %iota3A_2 : vector<8x512xi32>
    %get3A = arith.constant 0 : index
    %get3A_3 = arith.constant 0 : index
    %get3A_4 = vector.load %arg0[%get3A, %get3A_3] : memref<24x512xf32, #tpu.memory_space<vmem>>, vector<8x512xf32>
    %get3A_5 = arith.constant 8 : index
    %get3A_6 = arith.constant 0 : index
    %get3A_7 = vector.load %arg0[%get3A_5, %get3A_6] : memref<24x512xf32, #tpu.memory_space<vmem>>, vector<8x512xf32>
    %get3A_8 = arith.constant 16 : index
    %get3A_9 = arith.constant 0 : index
    %get3A_10 = vector.load %arg0[%get3A_8, %get3A_9] : memref<24x512xf32, #tpu.memory_space<vmem>>, vector<8x512xf32>
    %broadcast_in_dim3A = arith.constant 0x7F800000 : f32
    %broadcast_in_dim3A_11 = vector.broadcast %broadcast_in_dim3A : f32 to vector<8x512xf32>
    %swap3A = arith.constant 0 : index
    %swap3A_12 = arith.constant 0 : index
    %swap3A_13 = vector.load %arg5[%swap3A, %swap3A_12] : memref<8x512xf32, #tpu.memory_space<vmem>>, vector<8x512xf32>
    tpu.vector_store %arg5[%swap3A, %swap3A_12], %broadcast_in_dim3A_11 {strides = array<i32>} : memref<8x512xf32, #tpu.memory_space<vmem>>, vector<8x512xf32>,
    %scan3A = arith.constant 0 : i32
    %scan3A_14 = arith.constant 0 : i32
    %scan3A_15 = arith.constant 2048 : i32
    %scan3A_16 = arith.addi %scan3A_14, %scan3A_15 : i32
    %scan3A_17 = arith.constant 1 : i32
    %scan3A_18 = scf.for %scan3A_20 = %scan3A_14 to %scan3A_16 step %scan3A_17 iter_args(%scan3A_21 = %scan3A) -> (i32)  : i32 {
      %get3A_22 = arith.index_cast %scan3A_21 : i32 to index
      %get3A_23 = arith.constant 0 : index
      %get3A_24 = vector.load %arg1[%get3A_22, %get3A_23] : memref<4096x8xf32, #tpu.memory_space<vmem>>, vector<1x8xf32>
      %swap3A_25 = arith.index_cast %scan3A_20 : i32 to index
      %swap3A_26 = arith.constant 0 : index
      %swap3A_27 = vector.load %arg3[%swap3A_25, %swap3A_26] : memref<2048x8xf32, #tpu.memory_space<vmem>>, vector<1x8xf32>
      tpu.vector_store %arg3[%swap3A_25, %swap3A_26], %get3A_24 {strides = array<i32>} : memref<2048x8xf32, #tpu.memory_space<vmem>>, vector<1x8xf32>,
      %get3A_28 = arith.index_cast %scan3A_21 : i32 to index
      %get3A_29 = arith.constant 0 : index
      %get3A_30 = vector.load %arg2[%get3A_28, %get3A_29] : memref<4096x64xf32, #tpu.memory_space<vmem>>, vector<1x64xf32>
      %swap3A_31 = arith.index_cast %scan3A_20 : i32 to index
      %swap3A_32 = arith.constant 0 : index
      %swap3A_33 = vector.load %arg4[%swap3A_31, %swap3A_32] : memref<2048x64xf32, #tpu.memory_space<vmem>>, vector<1x64xf32>
      tpu.vector_store %arg4[%swap3A_31, %swap3A_32], %get3A_30 {strides = array<i32>} : memref<2048x64xf32, #tpu.memory_space<vmem>>, vector<1x64xf32>,
      %get3A_34 = arith.index_cast %scan3A_21 : i32 to index
      %get3A_35 = arith.constant 0 : index
      %get3A_36 = vector.load %arg1[%get3A_34, %get3A_35] : memref<4096x8xf32, #tpu.memory_space<vmem>>, vector<1x1xf32>
      %get3A_37 = vector.extract %get3A_36[0, 0] : f32 from vector<1x1xf32>
      %get3A_38 = arith.index_cast %scan3A_21 : i32 to index
      %get3A_39 = arith.constant 1 : index
      %get3A_40 = vector.load %arg1[%get3A_38, %get3A_39] : memref<4096x8xf32, #tpu.memory_space<vmem>>, vector<1x1xf32>
      %get3A_41 = vector.extract %get3A_40[0, 0] : f32 from vector<1x1xf32>
      %get3A_42 = arith.index_cast %scan3A_21 : i32 to index
      %get3A_43 = arith.constant 2 : index
      %get3A_44 = vector.load %arg1[%get3A_42, %get3A_43] : memref<4096x8xf32, #tpu.memory_space<vmem>>, vector<1x1xf32>
      %get3A_45 = vector.extract %get3A_44[0, 0] : f32 from vector<1x1xf32>
      %sub3A = vector.broadcast %get3A_37 : f32 to vector<8x512xf32>
      %sub3A_46 = arith.subf %get3A_4, %sub3A : vector<8x512xf32>
      %integer_pow3A = arith.mulf %sub3A_46, %sub3A_46 : vector<8x512xf32>
      %sub3A_47 = vector.broadcast %get3A_41 : f32 to vector<8x512xf32>
      %sub3A_48 = arith.subf %get3A_7, %sub3A_47 : vector<8x512xf32>
      %integer_pow3A_49 = arith.mulf %sub3A_48, %sub3A_48 : vector<8x512xf32>
      %add3A_50 = arith.addf %integer_pow3A, %integer_pow3A_49 : vector<8x512xf32>
      %sub3A_51 = vector.broadcast %get3A_45 : f32 to vector<8x512xf32>
      %sub3A_52 = arith.subf %get3A_10, %sub3A_51 : vector<8x512xf32>
      %integer_pow3A_53 = arith.mulf %sub3A_52, %sub3A_52 : vector<8x512xf32>
      %add3A_54 = arith.addf %add3A_50, %integer_pow3A_53 : vector<8x512xf32>
      %get3A_55 = arith.constant 0 : index
      %get3A_56 = arith.constant 0 : index
      %get3A_57 = vector.load %arg5[%get3A_55, %get3A_56] : memref<8x512xf32, #tpu.memory_space<vmem>>, vector<8x512xf32>
      %min3A = arith.minimumf %get3A_57, %add3A_54 : vector<8x512xf32>
      %swap3A_58 = arith.constant 0 : index
      %swap3A_59 = arith.constant 0 : index
      %swap3A_60 = vector.load %arg5[%swap3A_58, %swap3A_59] : memref<8x512xf32, #tpu.memory_space<vmem>>, vector<8x512xf32>
      tpu.vector_store %arg5[%swap3A_58, %swap3A_59], %min3A {strides = array<i32>} : memref<8x512xf32, #tpu.memory_space<vmem>>, vector<8x512xf32>,
      %reduce_max3A = vector.shape_cast %min3A : vector<8x512xf32> to vector<1x8x512xf32>
      %reduce_max3A_61 = arith.constant dense<0xFF800000> : vector<1xf32>
      %reduce_max3A_62 = vector.multi_reduction <maximumf>, %reduce_max3A, %reduce_max3A_61 [1, 2] : vector<1x8x512xf32> to vector<1xf32>
      %reduce_max3A_63 = vector.shape_cast %reduce_max3A_62 : vector<1xf32> to vector<1x1x1xf32>
      %reduce_max3A_64 = vector.extract %reduce_max3A_63[0, 0, 0] : f32 from vector<1x1x1xf32>
      %eq3A = vector.broadcast %reduce_max3A_64 : f32 to vector<8x512xf32>
      %eq3A_65 = arith.cmpf oeq, %min3A, %eq3A : vector<8x512xf32>
      %jit3A = arith.constant 4096 : i32
      %broadcast_in_dim3A_66 = vector.broadcast %jit3A : i32 to vector<8x512xi32>
      %select_n3A = arith.select %eq3A_65, %add3A, %broadcast_in_dim3A_66 : vector<8x512xi1>, vector<8x512xi32>
      %reduce_min3A = vector.shape_cast %select_n3A : vector<8x512xi32> to vector<1x8x512xi32>
      %reduce_min3A_67 = arith.constant dense<2147483647> : vector<1xi32>
      %reduce_min3A_68 = vector.multi_reduction <minsi>, %reduce_min3A, %reduce_min3A_67 [1, 2] : vector<1x8x512xi32> to vector<1xi32>
      %reduce_min3A_69 = vector.shape_cast %reduce_min3A_68 : vector<1xi32> to vector<1x1x1xi32>
      %reduce_min3A_70 = vector.extract %reduce_min3A_69[0, 0, 0] : i32 from vector<1x1x1xi32>
      scf.yield %reduce_min3A_70 : i32
    }
    %scan3A_19 = arith.constant 2048 : i32
    return
  }
}

module attributes {stable_mosaic.version = 14 : i64} {
  func.func @_xw_kernel(%arg0: i32, %arg1: memref<2048x64xf32, #tpu.memory_space<vmem>>, %arg2: memref<1x64x64xf32, #tpu.memory_space<vmem>>, %arg3: memref<1x2048x64xbf16, #tpu.memory_space<vmem>>) attributes {dimension_semantics = [#tpu.dimension_semantics<arbitrary>], iteration_bounds = array<i64: 125>, scalar_prefetch = 0 : i64, scratch_operands = 0 : i64, tpu.core_type = #tpu.core_type<tc>, window_params = [{pipeline_mode = #tpu.pipeline_mode<synchronous>, transform_indices = @transform_0, window_bounds = array<i64: 2048, 64>}, {transform_indices = @transform_1, window_bounds = array<i64: 1, 64, 64>}, {transform_indices = @transform_2, window_bounds = array<i64: 1, 2048, 64>}]} {
    %get3A = arith.constant 0 : index
    %get3A_0 = arith.constant 0 : index
    %get3A_1 = vector.load %arg1[%get3A, %get3A_0] : memref<2048x64xf32, #tpu.memory_space<vmem>>, vector<2048x64xf32>
    %get3A_2 = arith.constant 0 : index
    %get3A_3 = arith.constant 0 : index
    %get3A_4 = arith.constant 0 : index
    %get3A_5 = vector.load %arg2[%get3A_2, %get3A_3, %get3A_4] : memref<1x64x64xf32, #tpu.memory_space<vmem>>, vector<1x64x64xf32>
    %get3A_6 = vector.shape_cast %get3A_5 : vector<1x64x64xf32> to vector<64x64xf32>
    %dot_general3A = arith.constant dense<0.000000e+00> : vector<2048x64xf32>
    %dot_general3A_7 = tpu.matmul %get3A_1, %get3A_6, %dot_general3A {dimension_numbers = #tpu.dot_dimension_numbers<[1], [0], [0], [1], [0, 0, 1, 1], [], []>, transpose_lhs_hint = false} : vector<2048x64xf32>, vector<64x64xf32>, vector<2048x64xf32> -> vector<2048x64xf32>
    %convert_element_type3A = arith.truncf %dot_general3A_7 : vector<2048x64xf32> to vector<2048x64xbf16>
    %swap3A = arith.constant 0 : index
    %swap3A_8 = arith.constant 0 : index
    %swap3A_9 = arith.constant 0 : index
    %swap3A_10 = vector.load %arg3[%swap3A, %swap3A_8, %swap3A_9] : memref<1x2048x64xbf16, #tpu.memory_space<vmem>>, vector<1x2048x64xbf16>
    %swap3A_11 = vector.shape_cast %swap3A_10 : vector<1x2048x64xbf16> to vector<2048x64xbf16>
    %swap3A_12 = vector.shape_cast %convert_element_type3A : vector<2048x64xbf16> to vector<1x2048x64xbf16>
    tpu.vector_store %arg3[%swap3A, %swap3A_8, %swap3A_9], %swap3A_12 {strides = array<i32>} : memref<1x2048x64xbf16, #tpu.memory_space<vmem>>, vector<1x2048x64xbf16>,
    return
  }
  func.func @transform_0(%arg0: i32) -> (i32, i32) {
    %c0_i32 = arith.constant 0 : i32
    %c0_i32_0 = arith.constant 0 : i32
    %c0_i32_1 = arith.constant 0 : i32
    return %c0_i32, %c0_i32_0 : i32, i32
  }
  func.func @transform_1(%arg0: i32) -> (i32, i32, i32) {
    %c0_i32 = arith.constant 0 : i32
    %c0_i32_0 = arith.constant 0 : i32
    %c0_i32_1 = arith.constant 0 : i32
    return %arg0, %c0_i32, %c0_i32_0 : i32, i32, i32
  }
  func.func @transform_2(%arg0: i32) -> (i32, i32, i32) {
    %c0_i32 = arith.constant 0 : i32
    %c0_i32_0 = arith.constant 0 : i32
    %c0_i32_1 = arith.constant 0 : i32
    return %arg0, %c0_i32, %c0_i32_0 : i32, i32, i32
  }
}

module attributes {stable_mosaic.version = 14 : i64} {
  func.func @_layer_kernel(%arg0: i32, %arg1: i32, %arg2: memref<256x8xf32, #tpu.memory_space<vmem>>, %arg3: memref<8x128xf32, #tpu.memory_space<vmem>>, %arg4: memref<125x128x64xbf16, #tpu.memory_space<vmem>>, %arg5: memref<256x64xf32, #tpu.memory_space<vmem>>, %arg6: memref<64x64xf32, #tpu.memory_space<vmem>>, %arg7: memref<1x64xf32, #tpu.memory_space<vmem>>, %arg8: memref<256x64xf32, #tpu.memory_space<vmem>>, %arg9: memref<256x64xf32, #tpu.memory_space<vmem>>, %arg10: memref<256x1xf32, #tpu.memory_space<vmem>>) attributes {dimension_semantics = [#tpu.dimension_semantics<arbitrary>, #tpu.dimension_semantics<arbitrary>], iteration_bounds = array<i64: 8, 16>, scalar_prefetch = 0 : i64, scratch_operands = 2 : i64, tpu.core_type = #tpu.core_type<tc>, window_params = [{transform_indices = @transform_0, window_bounds = array<i64: 256, 8>}, {transform_indices = @transform_1, window_bounds = array<i64: 8, 128>}, {transform_indices = @transform_2, window_bounds = array<i64: 125, 128, 64>}, {transform_indices = @transform_3, window_bounds = array<i64: 256, 64>}, {pipeline_mode = #tpu.pipeline_mode<synchronous>, transform_indices = @transform_4, window_bounds = array<i64: 64, 64>}, {pipeline_mode = #tpu.pipeline_mode<synchronous>, transform_indices = @transform_5, window_bounds = array<i64: 1, 64>}, {transform_indices = @transform_6, window_bounds = array<i64: 256, 64>}]} {
    %eq3A = arith.constant 0 : i32
    %eq3A_0 = arith.cmpi eq, %arg1, %eq3A : i32
    %convert_element_type3A = arith.extui %eq3A_0 : i1 to i32
    %cond3A = arith.constant 0 : i32
    %cond3A_1 = arith.cmpi ne, %convert_element_type3A, %cond3A : i32
    scf.if %cond3A_1 {
      %broadcast_in_dim3A = arith.constant 0.000000e+00 : f32
      %broadcast_in_dim3A_36 = vector.broadcast %broadcast_in_dim3A : f32 to vector<256x64xf32>
      %swap3A = arith.constant 0 : index
      %swap3A_37 = arith.constant 0 : index
      %swap3A_38 = vector.load %arg9[%swap3A, %swap3A_37] : memref<256x64xf32, #tpu.memory_space<vmem>>, vector<256x64xf32>
      tpu.vector_store %arg9[%swap3A, %swap3A_37], %broadcast_in_dim3A_36 {strides = array<i32>} : memref<256x64xf32, #tpu.memory_space<vmem>>, vector<256x64xf32>,
      %broadcast_in_dim3A_39 = arith.constant 0.000000e+00 : f32
      %broadcast_in_dim3A_40 = vector.broadcast %broadcast_in_dim3A_39 : f32 to vector<256x1xf32>
      %swap3A_41 = arith.constant 0 : index
      %swap3A_42 = arith.constant 0 : index
      %swap3A_43 = vector.load %arg10[%swap3A_41, %swap3A_42] : memref<256x1xf32, #tpu.memory_space<vmem>>, vector<256x1xf32>
      tpu.vector_store %arg10[%swap3A_41, %swap3A_42], %broadcast_in_dim3A_40 {strides = array<i32>} : memref<256x1xf32, #tpu.memory_space<vmem>>, vector<256x1xf32>,
    } else {
    }
    %get3A = arith.constant 0 : index
    %get3A_2 = arith.constant 0 : index
    %get3A_3 = vector.load %arg2[%get3A, %get3A_2] : memref<256x8xf32, #tpu.memory_space<vmem>>, vector<256x8xf32>
    %slice3A = vector.extract_strided_slice %get3A_3 {offsets = [0, 2], sizes = [256, 1], strides = [1, 1]} : vector<256x8xf32> to vector<256x1xf32>
    %get3A_4 = arith.constant 0 : index
    %get3A_5 = arith.constant 0 : index
    %get3A_6 = vector.load %arg3[%get3A_4, %get3A_5] : memref<8x128xf32, #tpu.memory_space<vmem>>, vector<8x128xf32>
    %slice3A_7 = vector.extract_strided_slice %get3A_6 {offsets = [2, 0], sizes = [1, 128], strides = [1, 1]} : vector<8x128xf32> to vector<1x128xf32>
    %reduce_min3A = vector.shape_cast %slice3A : vector<256x1xf32> to vector<1x256x1xf32>
    %reduce_min3A_8 = arith.constant dense<0x7F800000> : vector<1xf32>
    %reduce_min3A_9 = vector.multi_reduction <minimumf>, %reduce_min3A, %reduce_min3A_8 [1, 2] : vector<1x256x1xf32> to vector<1xf32>
    %reduce_min3A_10 = vector.shape_cast %reduce_min3A_9 : vector<1xf32> to vector<1x1x1xf32>
    %reduce_min3A_11 = vector.extract %reduce_min3A_10[0, 0, 0] : f32 from vector<1x1x1xf32>
    %reduce_max3A = vector.shape_cast %slice3A_7 : vector<1x128xf32> to vector<1x1x128xf32>
    %reduce_max3A_12 = arith.constant dense<0xFF800000> : vector<1xf32>
    %reduce_max3A_13 = vector.multi_reduction <maximumf>, %reduce_max3A, %reduce_max3A_12 [1, 2] : vector<1x1x128xf32> to vector<1xf32>
    %reduce_max3A_14 = vector.shape_cast %reduce_max3A_13 : vector<1xf32> to vector<1x1x1xf32>
    %reduce_max3A_15 = vector.extract %reduce_max3A_14[0, 0, 0] : f32 from vector<1x1x1xf32>
    %sub3A = arith.subf %reduce_min3A_11, %reduce_max3A_15 : f32
    %reduce_min3A_16 = vector.shape_cast %slice3A_7 : vector<1x128xf32> to vector<1x1x128xf32>
    %reduce_min3A_17 = arith.constant dense<0x7F800000> : vector<1xf32>
    %reduce_min3A_18 = vector.multi_reduction <minimumf>, %reduce_min3A_16, %reduce_min3A_17 [1, 2] : vector<1x1x128xf32> to vector<1xf32>
    %reduce_min3A_19 = vector.shape_cast %reduce_min3A_18 : vector<1xf32> to vector<1x1x1xf32>
    %reduce_min3A_20 = vector.extract %reduce_min3A_19[0, 0, 0] : f32 from vector<1x1x1xf32>
    %reduce_max3A_21 = vector.shape_cast %slice3A : vector<256x1xf32> to vector<1x256x1xf32>
    %reduce_max3A_22 = arith.constant dense<0xFF800000> : vector<1xf32>
    %reduce_max3A_23 = vector.multi_reduction <maximumf>, %reduce_max3A_21, %reduce_max3A_22 [1, 2] : vector<1x256x1xf32> to vector<1xf32>
    %reduce_max3A_24 = vector.shape_cast %reduce_max3A_23 : vector<1xf32> to vector<1x1x1xf32>
    %reduce_max3A_25 = vector.extract %reduce_max3A_24[0, 0, 0] : f32 from vector<1x1x1xf32>
    %sub3A_26 = arith.subf %reduce_min3A_20, %reduce_max3A_25 : f32
    %max3A = arith.maximumf %sub3A, %sub3A_26 : f32
    %lt3A = arith.constant 4.000000e-01 : f32
    %lt3A_27 = arith.cmpf olt, %max3A, %lt3A : f32
    %convert_element_type3A_28 = arith.extui %lt3A_27 : i1 to i32
    %cond3A_29 = arith.constant 0 : i32
    %cond3A_30 = arith.cmpi ne, %convert_element_type3A_28, %cond3A_29 : i32
    scf.if %cond3A_30 {
      %get3A_36 = arith.constant 0 : index
      %get3A_37 = arith.constant 0 : index
      %get3A_38 = vector.load %arg2[%get3A_36, %get3A_37] : memref<256x8xf32, #tpu.memory_space<vmem>>, vector<256x8xf32>
      %get3A_39 = arith.constant 0 : index
      %get3A_40 = arith.constant 0 : index
      %get3A_41 = vector.load %arg3[%get3A_39, %get3A_40] : memref<8x128xf32, #tpu.memory_space<vmem>>, vector<8x128xf32>
      %slice3A_42 = vector.extract_strided_slice %get3A_38 {offsets = [0, 0], sizes = [256, 1], strides = [1, 1]} : vector<256x8xf32> to vector<256x1xf32>
      %slice3A_43 = vector.extract_strided_slice %get3A_41 {offsets = [0, 0], sizes = [1, 128], strides = [1, 1]} : vector<8x128xf32> to vector<1x128xf32>
      %sub3A_44 = vector.broadcast %slice3A_42 : vector<256x1xf32> to vector<256x128xf32>
      %sub3A_45 = vector.broadcast %slice3A_43 : vector<1x128xf32> to vector<256x128xf32>
      %sub3A_46 = arith.subf %sub3A_44, %sub3A_45 : vector<256x128xf32>
      %slice3A_47 = vector.extract_strided_slice %get3A_38 {offsets = [0, 1], sizes = [256, 1], strides = [1, 1]} : vector<256x8xf32> to vector<256x1xf32>
      %slice3A_48 = vector.extract_strided_slice %get3A_41 {offsets = [1, 0], sizes = [1, 128], strides = [1, 1]} : vector<8x128xf32> to vector<1x128xf32>
      %sub3A_49 = vector.broadcast %slice3A_47 : vector<256x1xf32> to vector<256x128xf32>
      %sub3A_50 = vector.broadcast %slice3A_48 : vector<1x128xf32> to vector<256x128xf32>
      %sub3A_51 = arith.subf %sub3A_49, %sub3A_50 : vector<256x128xf32>
      %slice3A_52 = vector.extract_strided_slice %get3A_38 {offsets = [0, 2], sizes = [256, 1], strides = [1, 1]} : vector<256x8xf32> to vector<256x1xf32>
      %slice3A_53 = vector.extract_strided_slice %get3A_41 {offsets = [2, 0], sizes = [1, 128], strides = [1, 1]} : vector<8x128xf32> to vector<1x128xf32>
      %sub3A_54 = vector.broadcast %slice3A_52 : vector<256x1xf32> to vector<256x128xf32>
      %sub3A_55 = vector.broadcast %slice3A_53 : vector<1x128xf32> to vector<256x128xf32>
      %sub3A_56 = arith.subf %sub3A_54, %sub3A_55 : vector<256x128xf32>
      %mul3A = arith.mulf %sub3A_46, %sub3A_46 : vector<256x128xf32>
      %mul3A_57 = arith.mulf %sub3A_51, %sub3A_51 : vector<256x128xf32>
      %add3A = arith.addf %mul3A, %mul3A_57 : vector<256x128xf32>
      %mul3A_58 = arith.mulf %sub3A_56, %sub3A_56 : vector<256x128xf32>
      %add3A_59 = arith.addf %add3A, %mul3A_58 : vector<256x128xf32>
      %mul3A_60 = arith.constant 256 : i32
      %mul3A_61 = arith.muli %arg0, %mul3A_60 : i32
      %iota3A = tpu.iota {dimensions = array<i32: 0>} : vector<256x128xi32>
      %add3A_62 = vector.broadcast %mul3A_61 : i32 to vector<256x128xi32>
      %add3A_63 = arith.addi %add3A_62, %iota3A : vector<256x128xi32>
      %mul3A_64 = arith.constant 128 : i32
      %mul3A_65 = arith.muli %arg1, %mul3A_64 : i32
      %iota3A_66 = tpu.iota {dimensions = array<i32: 1>} : vector<256x128xi32>
      %add3A_67 = vector.broadcast %mul3A_65 : i32 to vector<256x128xi32>
      %add3A_68 = arith.addi %add3A_67, %iota3A_66 : vector<256x128xi32>
      %lt3A_69 = arith.constant 1.600000e-01 : f32
      %lt3A_70 = vector.broadcast %lt3A_69 : f32 to vector<256x128xf32>
      %lt3A_71 = arith.cmpf olt, %add3A_59, %lt3A_70 : vector<256x128xf32>
      %ne3A = arith.cmpi ne, %add3A_63, %add3A_68 : vector<256x128xi32>
      %and3A = arith.andi %lt3A_71, %ne3A : vector<256x128xi1>
      %convert_element_type3A_72 = arith.extui %and3A : vector<256x128xi1> to vector<256x128xi32>
      %convert_element_type3A_73 = arith.sitofp %convert_element_type3A_72 : vector<256x128xi32> to vector<256x128xf32>
      %iota3A_74 = tpu.iota {dimensions = array<i32: 0>} : vector<5x256x128xi32>
      %convert_element_type3A_75 = arith.sitofp %iota3A_74 : vector<5x256x128xi32> to vector<5x256x128xf32>
      %mul3A_76 = arith.constant 1.250000e+00 : f32
      %mul3A_77 = vector.broadcast %mul3A_76 : f32 to vector<256x128xf32>
      %mul3A_78 = arith.mulf %sub3A_46, %mul3A_77 : vector<256x128xf32>
      %add3A_79 = arith.constant 5.000000e-01 : f32
      %add3A_80 = vector.broadcast %add3A_79 : f32 to vector<256x128xf32>
      %add3A_81 = arith.addf %mul3A_78, %add3A_80 : vector<256x128xf32>
      %jit3A = arith.constant 0.000000e+00 : f32
      %jit3A_82 = arith.constant 1.000000e+00 : f32
      %max3A_83 = vector.broadcast %jit3A : f32 to vector<256x128xf32>
      %max3A_84 = arith.maximumf %max3A_83, %add3A_81 : vector<256x128xf32>
      %min3A = vector.broadcast %jit3A_82 : f32 to vector<256x128xf32>
      %min3A_85 = arith.minimumf %min3A, %max3A_84 : vector<256x128xf32>
      %mul3A_86 = arith.constant 4.000000e+00 : f32
      %mul3A_87 = vector.broadcast %mul3A_86 : f32 to vector<256x128xf32>
      %mul3A_88 = arith.mulf %min3A_85, %mul3A_87 : vector<256x128xf32>
      %broadcast_in_dim3A = vector.shape_cast %mul3A_88 : vector<256x128xf32> to vector<1x256x128xf32>
      %sub3A_89 = vector.broadcast %broadcast_in_dim3A : vector<1x256x128xf32> to vector<5x256x128xf32>
      %sub3A_90 = arith.subf %sub3A_89, %convert_element_type3A_75 : vector<5x256x128xf32>
      %abs3A = math.absf %sub3A_90 : vector<5x256x128xf32>
      %sub3A_91 = arith.constant 1.000000e+00 : f32
      %sub3A_92 = vector.broadcast %sub3A_91 : f32 to vector<5x256x128xf32>
      %sub3A_93 = arith.subf %sub3A_92, %abs3A : vector<5x256x128xf32>
      %max3A_94 = arith.constant 0.000000e+00 : f32
      %max3A_95 = vector.broadcast %max3A_94 : f32 to vector<5x256x128xf32>
      %max3A_96 = arith.maximumf %sub3A_93, %max3A_95 : vector<5x256x128xf32>
      %mul3A_97 = arith.constant 1.250000e+00 : f32
      %mul3A_98 = vector.broadcast %mul3A_97 : f32 to vector<256x128xf32>
      %mul3A_99 = arith.mulf %sub3A_51, %mul3A_98 : vector<256x128xf32>
      %add3A_100 = arith.constant 5.000000e-01 : f32
      %add3A_101 = vector.broadcast %add3A_100 : f32 to vector<256x128xf32>
      %add3A_102 = arith.addf %mul3A_99, %add3A_101 : vector<256x128xf32>
      %jit3A_103 = arith.constant 0.000000e+00 : f32
      %jit3A_104 = arith.constant 1.000000e+00 : f32
      %max3A_105 = vector.broadcast %jit3A_103 : f32 to vector<256x128xf32>
      %max3A_106 = arith.maximumf %max3A_105, %add3A_102 : vector<256x128xf32>
      %min3A_107 = vector.broadcast %jit3A_104 : f32 to vector<256x128xf32>
      %min3A_108 = arith.minimumf %min3A_107, %max3A_106 : vector<256x128xf32>
      %mul3A_109 = arith.constant 4.000000e+00 : f32
      %mul3A_110 = vector.broadcast %mul3A_109 : f32 to vector<256x128xf32>
      %mul3A_111 = arith.mulf %min3A_108, %mul3A_110 : vector<256x128xf32>
      %broadcast_in_dim3A_112 = vector.shape_cast %mul3A_111 : vector<256x128xf32> to vector<1x256x128xf32>
      %sub3A_113 = vector.broadcast %broadcast_in_dim3A_112 : vector<1x256x128xf32> to vector<5x256x128xf32>
      %sub3A_114 = arith.subf %sub3A_113, %convert_element_type3A_75 : vector<5x256x128xf32>
      %abs3A_115 = math.absf %sub3A_114 : vector<5x256x128xf32>
      %sub3A_116 = arith.constant 1.000000e+00 : f32
      %sub3A_117 = vector.broadcast %sub3A_116 : f32 to vector<5x256x128xf32>
      %sub3A_118 = arith.subf %sub3A_117, %abs3A_115 : vector<5x256x128xf32>
      %max3A_119 = arith.constant 0.000000e+00 : f32
      %max3A_120 = vector.broadcast %max3A_119 : f32 to vector<5x256x128xf32>
      %max3A_121 = arith.maximumf %sub3A_118, %max3A_120 : vector<5x256x128xf32>
      %mul3A_122 = arith.constant 1.250000e+00 : f32
      %mul3A_123 = vector.broadcast %mul3A_122 : f32 to vector<256x128xf32>
      %mul3A_124 = arith.mulf %sub3A_56, %mul3A_123 : vector<256x128xf32>
      %add3A_125 = arith.constant 5.000000e-01 : f32
      %add3A_126 = vector.broadcast %add3A_125 : f32 to vector<256x128xf32>
      %add3A_127 = arith.addf %mul3A_124, %add3A_126 : vector<256x128xf32>
      %jit3A_128 = arith.constant 0.000000e+00 : f32
      %jit3A_129 = arith.constant 1.000000e+00 : f32
      %max3A_130 = vector.broadcast %jit3A_128 : f32 to vector<256x128xf32>
      %max3A_131 = arith.maximumf %max3A_130, %add3A_127 : vector<256x128xf32>
      %min3A_132 = vector.broadcast %jit3A_129 : f32 to vector<256x128xf32>
      %min3A_133 = arith.minimumf %min3A_132, %max3A_131 : vector<256x128xf32>
      %mul3A_134 = arith.constant 4.000000e+00 : f32
      %mul3A_135 = vector.broadcast %mul3A_134 : f32 to vector<256x128xf32>
      %mul3A_136 = arith.mulf %min3A_133, %mul3A_135 : vector<256x128xf32>
      %broadcast_in_dim3A_137 = vector.shape_cast %mul3A_136 : vector<256x128xf32> to vector<1x256x128xf32>
      %sub3A_138 = vector.broadcast %broadcast_in_dim3A_137 : vector<1x256x128xf32> to vector<5x256x128xf32>
      %sub3A_139 = arith.subf %sub3A_138, %convert_element_type3A_75 : vector<5x256x128xf32>
      %abs3A_140 = math.absf %sub3A_139 : vector<5x256x128xf32>
      %sub3A_141 = arith.constant 1.000000e+00 : f32
      %sub3A_142 = vector.broadcast %sub3A_141 : f32 to vector<5x256x128xf32>
      %sub3A_143 = arith.subf %sub3A_142, %abs3A_140 : vector<5x256x128xf32>
      %max3A_144 = arith.constant 0.000000e+00 : f32
      %max3A_145 = vector.broadcast %max3A_144 : f32 to vector<5x256x128xf32>
      %max3A_146 = arith.maximumf %sub3A_143, %max3A_145 : vector<5x256x128xf32>
      %broadcast_in_dim3A_147 = vector.shape_cast %convert_element_type3A_73 : vector<256x128xf32> to vector<1x256x128xf32>
      %mul3A_148 = vector.broadcast %broadcast_in_dim3A_147 : vector<1x256x128xf32> to vector<5x256x128xf32>
      %mul3A_149 = arith.mulf %max3A_96, %mul3A_148 : vector<5x256x128xf32>
      %get3A_150 = arith.constant 0 : index
      %get3A_151 = arith.constant 0 : index
      %get3A_152 = vector.load %arg10[%get3A_150, %get3A_151] : memref<256x1xf32, #tpu.memory_space<vmem>>, vector<256x1xf32>
      %reduce_sum3A = arith.constant dense<0.000000e+00> : vector<256xf32>
      %reduce_sum3A_153 = vector.multi_reduction <add>, %convert_element_type3A_73, %reduce_sum3A [1] : vector<256x128xf32> to vector<256xf32>
      %broadcast_in_dim3A_154 = vector.shape_cast %reduce_sum3A_153 : vector<256xf32> to vector<256x1xf32>
      %add3A_155 = arith.addf %get3A_152, %broadcast_in_dim3A_154 : vector<256x1xf32>
      %swap3A = arith.constant 0 : index
      %swap3A_156 = arith.constant 0 : index
      %swap3A_157 = vector.load %arg10[%swap3A, %swap3A_156] : memref<256x1xf32, #tpu.memory_space<vmem>>, vector<256x1xf32>
      tpu.vector_store %arg10[%swap3A, %swap3A_156], %add3A_155 {strides = array<i32>} : memref<256x1xf32, #tpu.memory_space<vmem>>, vector<256x1xf32>,
      %convert_element_type3A_158 = arith.truncf %mul3A_149 : vector<5x256x128xf32> to vector<5x256x128xbf16>
      %convert_element_type3A_159 = arith.truncf %max3A_121 : vector<5x256x128xf32> to vector<5x256x128xbf16>
      %convert_element_type3A_160 = arith.truncf %max3A_146 : vector<5x256x128xf32> to vector<5x256x128xbf16>
      %broadcast_in_dim3A_161 = arith.constant 0.000000e+00 : f32
      %broadcast_in_dim3A_162 = vector.broadcast %broadcast_in_dim3A_161 : f32 to vector<256x64xf32>
      %slice3A_163 = vector.extract_strided_slice %convert_element_type3A_158 {offsets = [0, 0, 0], sizes = [1, 256, 128], strides = [1, 1, 1]} : vector<5x256x128xbf16> to vector<1x256x128xbf16>
      %squeeze3A = vector.shape_cast %slice3A_163 : vector<1x256x128xbf16> to vector<256x128xbf16>
      %slice3A_164 = vector.extract_strided_slice %convert_element_type3A_159 {offsets = [0, 0, 0], sizes = [1, 256, 128], strides = [1, 1, 1]} : vector<5x256x128xbf16> to vector<1x256x128xbf16>
      %squeeze3A_165 = vector.shape_cast %slice3A_164 : vector<1x256x128xbf16> to vector<256x128xbf16>
      %mul3A_166 = arith.mulf %squeeze3A, %squeeze3A_165 : vector<256x128xbf16>
      %slice3A_167 = vector.extract_strided_slice %convert_element_type3A_160 {offsets = [0, 0, 0], sizes = [1, 256, 128], strides = [1, 1, 1]} : vector<5x256x128xbf16> to vector<1x256x128xbf16>
      %squeeze3A_168 = vector.shape_cast %slice3A_167 : vector<1x256x128xbf16> to vector<256x128xbf16>
      %mul3A_169 = arith.mulf %mul3A_166, %squeeze3A_168 : vector<256x128xbf16>
      %slice3A_170 = vector.extract_strided_slice %convert_element_type3A_160 {offsets = [1, 0, 0], sizes = [1, 256, 128], strides = [1, 1, 1]} : vector<5x256x128xbf16> to vector<1x256x128xbf16>
      %squeeze3A_171 = vector.shape_cast %slice3A_170 : vector<1x256x128xbf16> to vector<256x128xbf16>
      %mul3A_172 = arith.mulf %mul3A_166, %squeeze3A_171 : vector<256x128xbf16>
      %slice3A_173 = vector.extract_strided_slice %convert_element_type3A_160 {offsets = [2, 0, 0], sizes = [1, 256, 128], strides = [1, 1, 1]} : vector<5x256x128xbf16> to vector<1x256x128xbf16>
      %squeeze3A_174 = vector.shape_cast %slice3A_173 : vector<1x256x128xbf16> to vector<256x128xbf16>
      %mul3A_175 = arith.mulf %mul3A_166, %squeeze3A_174 : vector<256x128xbf16>
      %slice3A_176 = vector.extract_strided_slice %convert_element_type3A_160 {offsets = [3, 0, 0], sizes = [1, 256, 128], strides = [1, 1, 1]} : vector<5x256x128xbf16> to vector<1x256x128xbf16>
      %squeeze3A_177 = vector.shape_cast %slice3A_176 : vector<1x256x128xbf16> to vector<256x128xbf16>
      %mul3A_178 = arith.mulf %mul3A_166, %squeeze3A_177 : vector<256x128xbf16>
      %slice3A_179 = vector.extract_strided_slice %convert_element_type3A_160 {offsets = [4, 0, 0], sizes = [1, 256, 128], strides = [1, 1, 1]} : vector<5x256x128xbf16> to vector<1x256x128xbf16>
      %squeeze3A_180 = vector.shape_cast %slice3A_179 : vector<1x256x128xbf16> to vector<256x128xbf16>
      %mul3A_181 = arith.mulf %mul3A_166, %squeeze3A_180 : vector<256x128xbf16>
      %concatenate3A = tpu.concatenate %mul3A_169, %mul3A_172, %mul3A_175, %mul3A_178, %mul3A_181 in 1 : vector<256x128xbf16>, vector<256x128xbf16>, vector<256x128xbf16>, vector<256x128xbf16>, vector<256x128xbf16> -> vector<256x640xbf16>
      %get3A_182 = arith.constant 0 : index
      %get3A_183 = arith.constant 0 : index
      %get3A_184 = arith.constant 0 : index
      %get3A_185 = vector.load %arg4[%get3A_182, %get3A_183, %get3A_184] : memref<125x128x64xbf16, #tpu.memory_space<vmem>>, vector<5x128x64xbf16>
      %reshape3A = vector.shape_cast %get3A_185 : vector<5x128x64xbf16> to vector<640x64xbf16>
      %dot_general3A = arith.constant dense<0.000000e+00> : vector<256x64xf32>
      %dot_general3A_186 = tpu.matmul %concatenate3A, %reshape3A, %dot_general3A {dimension_numbers = #tpu.dot_dimension_numbers<[1], [0], [0], [1], [0, 0, 1, 1], [], []>, transpose_lhs_hint = false} : vector<256x640xbf16>, vector<640x64xbf16>, vector<256x64xf32> -> vector<256x64xf32>
      %add3A_187 = arith.addf %broadcast_in_dim3A_162, %dot_general3A_186 : vector<256x64xf32>
      %slice3A_188 = vector.extract_strided_slice %convert_element_type3A_158 {offsets = [0, 0, 0], sizes = [1, 256, 128], strides = [1, 1, 1]} : vector<5x256x128xbf16> to vector<1x256x128xbf16>
      %squeeze3A_189 = vector.shape_cast %slice3A_188 : vector<1x256x128xbf16> to vector<256x128xbf16>
      %slice3A_190 = vector.extract_strided_slice %convert_element_type3A_159 {offsets = [1, 0, 0], sizes = [1, 256, 128], strides = [1, 1, 1]} : vector<5x256x128xbf16> to vector<1x256x128xbf16>
      %squeeze3A_191 = vector.shape_cast %slice3A_190 : vector<1x256x128xbf16> to vector<256x128xbf16>
      %mul3A_192 = arith.mulf %squeeze3A_189, %squeeze3A_191 : vector<256x128xbf16>
      %slice3A_193 = vector.extract_strided_slice %convert_element_type3A_160 {offsets = [0, 0, 0], sizes = [1, 256, 128], strides = [1, 1, 1]} : vector<5x256x128xbf16> to vector<1x256x128xbf16>
      %squeeze3A_194 = vector.shape_cast %slice3A_193 : vector<1x256x128xbf16> to vector<256x128xbf16>
      %mul3A_195 = arith.mulf %mul3A_192, %squeeze3A_194 : vector<256x128xbf16>
      %slice3A_196 = vector.extract_strided_slice %convert_element_type3A_160 {offsets = [1, 0, 0], sizes = [1, 256, 128], strides = [1, 1, 1]} : vector<5x256x128xbf16> to vector<1x256x128xbf16>
      %squeeze3A_197 = vector.shape_cast %slice3A_196 : vector<1x256x128xbf16> to vector<256x128xbf16>
      %mul3A_198 = arith.mulf %mul3A_192, %squeeze3A_197 : vector<256x128xbf16>
      %slice3A_199 = vector.extract_strided_slice %convert_element_type3A_160 {offsets = [2, 0, 0], sizes = [1, 256, 128], strides = [1, 1, 1]} : vector<5x256x128xbf16> to vector<1x256x128xbf16>
      %squeeze3A_200 = vector.shape_cast %slice3A_199 : vector<1x256x128xbf16> to vector<256x128xbf16>
      %mul3A_201 = arith.mulf %mul3A_192, %squeeze3A_200 : vector<256x128xbf16>
      %slice3A_202 = vector.extract_strided_slice %convert_element_type3A_160 {offsets = [3, 0, 0], sizes = [1, 256, 128], strides = [1, 1, 1]} : vector<5x256x128xbf16> to vector<1x256x128xbf16>
      %squeeze3A_203 = vector.shape_cast %slice3A_202 : vector<1x256x128xbf16> to vector<256x128xbf16>
      %mul3A_204 = arith.mulf %mul3A_192, %squeeze3A_203 : vector<256x128xbf16>
      %slice3A_205 = vector.extract_strided_slice %convert_element_type3A_160 {offsets = [4, 0, 0], sizes = [1, 256, 128], strides = [1, 1, 1]} : vector<5x256x128xbf16> to vector<1x256x128xbf16>
      %squeeze3A_206 = vector.shape_cast %slice3A_205 : vector<1x256x128xbf16> to vector<256x128xbf16>
      %mul3A_207 = arith.mulf %mul3A_192, %squeeze3A_206 : vector<256x128xbf16>
      %concatenate3A_208 = tpu.concatenate %mul3A_195, %mul3A_198, %mul3A_201, %mul3A_204, %mul3A_207 in 1 : vector<256x128xbf16>, vector<256x128xbf16>, vector<256x128xbf16>, vector<256x128xbf16>, vector<256x128xbf16> -> vector<256x640xbf16>
      %get3A_209 = arith.constant 5 : index
      %get3A_210 = arith.constant 0 : index
      %get3A_211 = arith.constant 0 : index
      %get3A_212 = vector.load %arg4[%get3A_209, %get3A_210, %get3A_211] : memref<125x128x64xbf16, #tpu.memory_space<vmem>>, vector<5x128x64xbf16>
      %reshape3A_213 = vector.shape_cast %get3A_212 : vector<5x128x64xbf16> to vector<640x64xbf16>
      %dot_general3A_214 = arith.constant dense<0.000000e+00> : vector<256x64xf32>
      %dot_general3A_215 = tpu.matmul %concatenate3A_208, %reshape3A_213, %dot_general3A_214 {dimension_numbers = #tpu.dot_dimension_numbers<[1], [0], [0], [1], [0, 0, 1, 1], [], []>, transpose_lhs_hint = false} : vector<256x640xbf16>, vector<640x64xbf16>, vector<256x64xf32> -> vector<256x64xf32>
      %add3A_216 = arith.addf %add3A_187, %dot_general3A_215 : vector<256x64xf32>
      %slice3A_217 = vector.extract_strided_slice %convert_element_type3A_158 {offsets = [0, 0, 0], sizes = [1, 256, 128], strides = [1, 1, 1]} : vector<5x256x128xbf16> to vector<1x256x128xbf16>
      %squeeze3A_218 = vector.shape_cast %slice3A_217 : vector<1x256x128xbf16> to vector<256x128xbf16>
      %slice3A_219 = vector.extract_strided_slice %convert_element_type3A_159 {offsets = [2, 0, 0], sizes = [1, 256, 128], strides = [1, 1, 1]} : vector<5x256x128xbf16> to vector<1x256x128xbf16>
      %squeeze3A_220 = vector.shape_cast %slice3A_219 : vector<1x256x128xbf16> to vector<256x128xbf16>
      %mul3A_221 = arith.mulf %squeeze3A_218, %squeeze3A_220 : vector<256x128xbf16>
      %slice3A_222 = vector.extract_strided_slice %convert_element_type3A_160 {offsets = [0, 0, 0], sizes = [1, 256, 128], strides = [1, 1, 1]} : vector<5x256x128xbf16> to vector<1x256x128xbf16>
      %squeeze3A_223 = vector.shape_cast %slice3A_222 : vector<1x256x128xbf16> to vector<256x128xbf16>
      %mul3A_224 = arith.mulf %mul3A_221, %squeeze3A_223 : vector<256x128xbf16>
      %slice3A_225 = vector.extract_strided_slice %convert_element_type3A_160 {offsets = [1, 0, 0], sizes = [1, 256, 128], strides = [1, 1, 1]} : vector<5x256x128xbf16> to vector<1x256x128xbf16>
      %squeeze3A_226 = vector.shape_cast %slice3A_225 : vector<1x256x128xbf16> to vector<256x128xbf16>
      %mul3A_227 = arith.mulf %mul3A_221, %squeeze3A_226 : vector<256x128xbf16>
      %slice3A_228 = vector.extract_strided_slice %convert_element_type3A_160 {offsets = [2, 0, 0], sizes = [1, 256, 128], strides = [1, 1, 1]} : vector<5x256x128xbf16> to vector<1x256x128xbf16>
      %squeeze3A_229 = vector.shape_cast %slice3A_228 : vector<1x256x128xbf16> to vector<256x128xbf16>
      %mul3A_230 = arith.mulf %mul3A_221, %squeeze3A_229 : vector<256x128xbf16>
      %slice3A_231 = vector.extract_strided_slice %convert_element_type3A_160 {offsets = [3, 0, 0], sizes = [1, 256, 128], strides = [1, 1, 1]} : vector<5x256x128xbf16> to vector<1x256x128xbf16>
      %squeeze3A_232 = vector.shape_cast %slice3A_231 : vector<1x256x128xbf16> to vector<256x128xbf16>
      %mul3A_233 = arith.mulf %mul3A_221, %squeeze3A_232 : vector<256x128xbf16>
      %slice3A_234 = vector.extract_strided_slice %convert_element_type3A_160 {offsets = [4, 0, 0], sizes = [1, 256, 128], strides = [1, 1, 1]} : vector<5x256x128xbf16> to vector<1x256x128xbf16>
      %squeeze3A_235 = vector.shape_cast %slice3A_234 : vector<1x256x128xbf16> to vector<256x128xbf16>
      %mul3A_236 = arith.mulf %mul3A_221, %squeeze3A_235 : vector<256x128xbf16>
      %concatenate3A_237 = tpu.concatenate %mul3A_224, %mul3A_227, %mul3A_230, %mul3A_233, %mul3A_236 in 1 : vector<256x128xbf16>, vector<256x128xbf16>, vector<256x128xbf16>, vector<256x128xbf16>, vector<256x128xbf16> -> vector<256x640xbf16>
      %get3A_238 = arith.constant 10 : index
      %get3A_239 = arith.constant 0 : index
      %get3A_240 = arith.constant 0 : index
      %get3A_241 = vector.load %arg4[%get3A_238, %get3A_239, %get3A_240] : memref<125x128x64xbf16, #tpu.memory_space<vmem>>, vector<5x128x64xbf16>
      %reshape3A_242 = vector.shape_cast %get3A_241 : vector<5x128x64xbf16> to vector<640x64xbf16>
      %dot_general3A_243 = arith.constant dense<0.000000e+00> : vector<256x64xf32>
      %dot_general3A_244 = tpu.matmul %concatenate3A_237, %reshape3A_242, %dot_general3A_243 {dimension_numbers = #tpu.dot_dimension_numbers<[1], [0], [0], [1], [0, 0, 1, 1], [], []>, transpose_lhs_hint = false} : vector<256x640xbf16>, vector<640x64xbf16>, vector<256x64xf32> -> vector<256x64xf32>
      %add3A_245 = arith.addf %add3A_216, %dot_general3A_244 : vector<256x64xf32>
      %slice3A_246 = vector.extract_strided_slice %convert_element_type3A_158 {offsets = [0, 0, 0], sizes = [1, 256, 128], strides = [1, 1, 1]} : vector<5x256x128xbf16> to vector<1x256x128xbf16>
      %squeeze3A_247 = vector.shape_cast %slice3A_246 : vector<1x256x128xbf16> to vector<256x128xbf16>
      %slice3A_248 = vector.extract_strided_slice %convert_element_type3A_159 {offsets = [3, 0, 0], sizes = [1, 256, 128], strides = [1, 1, 1]} : vector<5x256x128xbf16> to vector<1x256x128xbf16>
      %squeeze3A_249 = vector.shape_cast %slice3A_248 : vector<1x256x128xbf16> to vector<256x128xbf16>
      %mul3A_250 = arith.mulf %squeeze3A_247, %squeeze3A_249 : vector<256x128xbf16>
      %slice3A_251 = vector.extract_strided_slice %convert_element_type3A_160 {offsets = [0, 0, 0], sizes = [1, 256, 128], strides = [1, 1, 1]} : vector<5x256x128xbf16> to vector<1x256x128xbf16>
      %squeeze3A_252 = vector.shape_cast %slice3A_251 : vector<1x256x128xbf16> to vector<256x128xbf16>
      %mul3A_253 = arith.mulf %mul3A_250, %squeeze3A_252 : vector<256x128xbf16>
      %slice3A_254 = vector.extract_strided_slice %convert_element_type3A_160 {offsets = [1, 0, 0], sizes = [1, 256, 128], strides = [1, 1, 1]} : vector<5x256x128xbf16> to vector<1x256x128xbf16>
      %squeeze3A_255 = vector.shape_cast %slice3A_254 : vector<1x256x128xbf16> to vector<256x128xbf16>
      %mul3A_256 = arith.mulf %mul3A_250, %squeeze3A_255 : vector<256x128xbf16>
      %slice3A_257 = vector.extract_strided_slice %convert_element_type3A_160 {offsets = [2, 0, 0], sizes = [1, 256, 128], strides = [1, 1, 1]} : vector<5x256x128xbf16> to vector<1x256x128xbf16>
      %squeeze3A_258 = vector.shape_cast %slice3A_257 : vector<1x256x128xbf16> to vector<256x128xbf16>
      %mul3A_259 = arith.mulf %mul3A_250, %squeeze3A_258 : vector<256x128xbf16>
      %slice3A_260 = vector.extract_strided_slice %convert_element_type3A_160 {offsets = [3, 0, 0], sizes = [1, 256, 128], strides = [1, 1, 1]} : vector<5x256x128xbf16> to vector<1x256x128xbf16>
      %squeeze3A_261 = vector.shape_cast %slice3A_260 : vector<1x256x128xbf16> to vector<256x128xbf16>
      %mul3A_262 = arith.mulf %mul3A_250, %squeeze3A_261 : vector<256x128xbf16>
      %slice3A_263 = vector.extract_strided_slice %convert_element_type3A_160 {offsets = [4, 0, 0], sizes = [1, 256, 128], strides = [1, 1, 1]} : vector<5x256x128xbf16> to vector<1x256x128xbf16>
      %squeeze3A_264 = vector.shape_cast %slice3A_263 : vector<1x256x128xbf16> to vector<256x128xbf16>
      %mul3A_265 = arith.mulf %mul3A_250, %squeeze3A_264 : vector<256x128xbf16>
      %concatenate3A_266 = tpu.concatenate %mul3A_253, %mul3A_256, %mul3A_259, %mul3A_262, %mul3A_265 in 1 : vector<256x128xbf16>, vector<256x128xbf16>, vector<256x128xbf16>, vector<256x128xbf16>, vector<256x128xbf16> -> vector<256x640xbf16>
      %get3A_267 = arith.constant 15 : index
      %get3A_268 = arith.constant 0 : index
      %get3A_269 = arith.constant 0 : index
      %get3A_270 = vector.load %arg4[%get3A_267, %get3A_268, %get3A_269] : memref<125x128x64xbf16, #tpu.memory_space<vmem>>, vector<5x128x64xbf16>
      %reshape3A_271 = vector.shape_cast %get3A_270 : vector<5x128x64xbf16> to vector<640x64xbf16>
      %dot_general3A_272 = arith.constant dense<0.000000e+00> : vector<256x64xf32>
      %dot_general3A_273 = tpu.matmul %concatenate3A_266, %reshape3A_271, %dot_general3A_272 {dimension_numbers = #tpu.dot_dimension_numbers<[1], [0], [0], [1], [0, 0, 1, 1], [], []>, transpose_lhs_hint = false} : vector<256x640xbf16>, vector<640x64xbf16>, vector<256x64xf32> -> vector<256x64xf32>
      %add3A_274 = arith.addf %add3A_245, %dot_general3A_273 : vector<256x64xf32>
      %slice3A_275 = vector.extract_strided_slice %convert_element_type3A_158 {offsets = [0, 0, 0], sizes = [1, 256, 128], strides = [1, 1, 1]} : vector<5x256x128xbf16> to vector<1x256x128xbf16>
      %squeeze3A_276 = vector.shape_cast %slice3A_275 : vector<1x256x128xbf16> to vector<256x128xbf16>
      %slice3A_277 = vector.extract_strided_slice %convert_element_type3A_159 {offsets = [4, 0, 0], sizes = [1, 256, 128], strides = [1, 1, 1]} : vector<5x256x128xbf16> to vector<1x256x128xbf16>
      %squeeze3A_278 = vector.shape_cast %slice3A_277 : vector<1x256x128xbf16> to vector<256x128xbf16>
      %mul3A_279 = arith.mulf %squeeze3A_276, %squeeze3A_278 : vector<256x128xbf16>
      %slice3A_280 = vector.extract_strided_slice %convert_element_type3A_160 {offsets = [0, 0, 0], sizes = [1, 256, 128], strides = [1, 1, 1]} : vector<5x256x128xbf16> to vector<1x256x128xbf16>
      %squeeze3A_281 = vector.shape_cast %slice3A_280 : vector<1x256x128xbf16> to vector<256x128xbf16>
      %mul3A_282 = arith.mulf %mul3A_279, %squeeze3A_281 : vector<256x128xbf16>
      %slice3A_283 = vector.extract_strided_slice %convert_element_type3A_160 {offsets = [1, 0, 0], sizes = [1, 256, 128], strides = [1, 1, 1]} : vector<5x256x128xbf16> to vector<1x256x128xbf16>
      %squeeze3A_284 = vector.shape_cast %slice3A_283 : vector<1x256x128xbf16> to vector<256x128xbf16>
      %mul3A_285 = arith.mulf %mul3A_279, %squeeze3A_284 : vector<256x128xbf16>
      %slice3A_286 = vector.extract_strided_slice %convert_element_type3A_160 {offsets = [2, 0, 0], sizes = [1, 256, 128], strides = [1, 1, 1]} : vector<5x256x128xbf16> to vector<1x256x128xbf16>
      %squeeze3A_287 = vector.shape_cast %slice3A_286 : vector<1x256x128xbf16> to vector<256x128xbf16>
      %mul3A_288 = arith.mulf %mul3A_279, %squeeze3A_287 : vector<256x128xbf16>
      %slice3A_289 = vector.extract_strided_slice %convert_element_type3A_160 {offsets = [3, 0, 0], sizes = [1, 256, 128], strides = [1, 1, 1]} : vector<5x256x128xbf16> to vector<1x256x128xbf16>
      %squeeze3A_290 = vector.shape_cast %slice3A_289 : vector<1x256x128xbf16> to vector<256x128xbf16>
      %mul3A_291 = arith.mulf %mul3A_279, %squeeze3A_290 : vector<256x128xbf16>
      %slice3A_292 = vector.extract_strided_slice %convert_element_type3A_160 {offsets = [4, 0, 0], sizes = [1, 256, 128], strides = [1, 1, 1]} : vector<5x256x128xbf16> to vector<1x256x128xbf16>
      %squeeze3A_293 = vector.shape_cast %slice3A_292 : vector<1x256x128xbf16> to vector<256x128xbf16>
      %mul3A_294 = arith.mulf %mul3A_279, %squeeze3A_293 : vector<256x128xbf16>
      %concatenate3A_295 = tpu.concatenate %mul3A_282, %mul3A_285, %mul3A_288, %mul3A_291, %mul3A_294 in 1 : vector<256x128xbf16>, vector<256x128xbf16>, vector<256x128xbf16>, vector<256x128xbf16>, vector<256x128xbf16> -> vector<256x640xbf16>
      %get3A_296 = arith.constant 20 : index
      %get3A_297 = arith.constant 0 : index
      %get3A_298 = arith.constant 0 : index
      %get3A_299 = vector.load %arg4[%get3A_296, %get3A_297, %get3A_298] : memref<125x128x64xbf16, #tpu.memory_space<vmem>>, vector<5x128x64xbf16>
      %reshape3A_300 = vector.shape_cast %get3A_299 : vector<5x128x64xbf16> to vector<640x64xbf16>
      %dot_general3A_301 = arith.constant dense<0.000000e+00> : vector<256x64xf32>
      %dot_general3A_302 = tpu.matmul %concatenate3A_295, %reshape3A_300, %dot_general3A_301 {dimension_numbers = #tpu.dot_dimension_numbers<[1], [0], [0], [1], [0, 0, 1, 1], [], []>, transpose_lhs_hint = false} : vector<256x640xbf16>, vector<640x64xbf16>, vector<256x64xf32> -> vector<256x64xf32>
      %add3A_303 = arith.addf %add3A_274, %dot_general3A_302 : vector<256x64xf32>
      %slice3A_304 = vector.extract_strided_slice %convert_element_type3A_158 {offsets = [1, 0, 0], sizes = [1, 256, 128], strides = [1, 1, 1]} : vector<5x256x128xbf16> to vector<1x256x128xbf16>
      %squeeze3A_305 = vector.shape_cast %slice3A_304 : vector<1x256x128xbf16> to vector<256x128xbf16>
      %slice3A_306 = vector.extract_strided_slice %convert_element_type3A_159 {offsets = [0, 0, 0], sizes = [1, 256, 128], strides = [1, 1, 1]} : vector<5x256x128xbf16> to vector<1x256x128xbf16>
      %squeeze3A_307 = vector.shape_cast %slice3A_306 : vector<1x256x128xbf16> to vector<256x128xbf16>
      %mul3A_308 = arith.mulf %squeeze3A_305, %squeeze3A_307 : vector<256x128xbf16>
      %slice3A_309 = vector.extract_strided_slice %convert_element_type3A_160 {offsets = [0, 0, 0], sizes = [1, 256, 128], strides = [1, 1, 1]} : vector<5x256x128xbf16> to vector<1x256x128xbf16>
      %squeeze3A_310 = vector.shape_cast %slice3A_309 : vector<1x256x128xbf16> to vector<256x128xbf16>
      %mul3A_311 = arith.mulf %mul3A_308, %squeeze3A_310 : vector<256x128xbf16>
      %slice3A_312 = vector.extract_strided_slice %convert_element_type3A_160 {offsets = [1, 0, 0], sizes = [1, 256, 128], strides = [1, 1, 1]} : vector<5x256x128xbf16> to vector<1x256x128xbf16>
      %squeeze3A_313 = vector.shape_cast %slice3A_312 : vector<1x256x128xbf16> to vector<256x128xbf16>
      %mul3A_314 = arith.mulf %mul3A_308, %squeeze3A_313 : vector<256x128xbf16>
      %slice3A_315 = vector.extract_strided_slice %convert_element_type3A_160 {offsets = [2, 0, 0], sizes = [1, 256, 128], strides = [1, 1, 1]} : vector<5x256x128xbf16> to vector<1x256x128xbf16>
      %squeeze3A_316 = vector.shape_cast %slice3A_315 : vector<1x256x128xbf16> to vector<256x128xbf16>
      %mul3A_317 = arith.mulf %mul3A_308, %squeeze3A_316 : vector<256x128xbf16>
      %slice3A_318 = vector.extract_strided_slice %convert_element_type3A_160 {offsets = [3, 0, 0], sizes = [1, 256, 128], strides = [1, 1, 1]} : vector<5x256x128xbf16> to vector<1x256x128xbf16>
      %squeeze3A_319 = vector.shape_cast %slice3A_318 : vector<1x256x128xbf16> to vector<256x128xbf16>
      %mul3A_320 = arith.mulf %mul3A_308, %squeeze3A_319 : vector<256x128xbf16>
      %slice3A_321 = vector.extract_strided_slice %convert_element_type3A_160 {offsets = [4, 0, 0], sizes = [1, 256, 128], strides = [1, 1, 1]} : vector<5x256x128xbf16> to vector<1x256x128xbf16>
      %squeeze3A_322 = vector.shape_cast %slice3A_321 : vector<1x256x128xbf16> to vector<256x128xbf16>
      %mul3A_323 = arith.mulf %mul3A_308, %squeeze3A_322 : vector<256x128xbf16>
      %concatenate3A_324 = tpu.concatenate %mul3A_311, %mul3A_314, %mul3A_317, %mul3A_320, %mul3A_323 in 1 : vector<256x128xbf16>, vector<256x128xbf16>, vector<256x128xbf16>, vector<256x128xbf16>, vector<256x128xbf16> -> vector<256x640xbf16>
      %get3A_325 = arith.constant 25 : index
      %get3A_326 = arith.constant 0 : index
      %get3A_327 = arith.constant 0 : index
      %get3A_328 = vector.load %arg4[%get3A_325, %get3A_326, %get3A_327] : memref<125x128x64xbf16, #tpu.memory_space<vmem>>, vector<5x128x64xbf16>
      %reshape3A_329 = vector.shape_cast %get3A_328 : vector<5x128x64xbf16> to vector<640x64xbf16>
      %dot_general3A_330 = arith.constant dense<0.000000e+00> : vector<256x64xf32>
      %dot_general3A_331 = tpu.matmul %concatenate3A_324, %reshape3A_329, %dot_general3A_330 {dimension_numbers = #tpu.dot_dimension_numbers<[1], [0], [0], [1], [0, 0, 1, 1], [], []>, transpose_lhs_hint = false} : vector<256x640xbf16>, vector<640x64xbf16>, vector<256x64xf32> -> vector<256x64xf32>
      %add3A_332 = arith.addf %add3A_303, %dot_general3A_331 : vector<256x64xf32>
      %slice3A_333 = vector.extract_strided_slice %convert_element_type3A_158 {offsets = [1, 0, 0], sizes = [1, 256, 128], strides = [1, 1, 1]} : vector<5x256x128xbf16> to vector<1x256x128xbf16>
      %squeeze3A_334 = vector.shape_cast %slice3A_333 : vector<1x256x128xbf16> to vector<256x128xbf16>
      %slice3A_335 = vector.extract_strided_slice %convert_element_type3A_159 {offsets = [1, 0, 0], sizes = [1, 256, 128], strides = [1, 1, 1]} : vector<5x256x128xbf16> to vector<1x256x128xbf16>
      %squeeze3A_336 = vector.shape_cast %slice3A_335 : vector<1x256x128xbf16> to vector<256x128xbf16>
      %mul3A_337 = arith.mulf %squeeze3A_334, %squeeze3A_336 : vector<256x128xbf16>
      %slice3A_338 = vector.extract_strided_slice %convert_element_type3A_160 {offsets = [0, 0, 0], sizes = [1, 256, 128], strides = [1, 1, 1]} : vector<5x256x128xbf16> to vector<1x256x128xbf16>
      %squeeze3A_339 = vector.shape_cast %slice3A_338 : vector<1x256x128xbf16> to vector<256x128xbf16>
      %mul3A_340 = arith.mulf %mul3A_337, %squeeze3A_339 : vector<256x128xbf16>
      %slice3A_341 = vector.extract_strided_slice %convert_element_type3A_160 {offsets = [1, 0, 0], sizes = [1, 256, 128], strides = [1, 1, 1]} : vector<5x256x128xbf16> to vector<1x256x128xbf16>
      %squeeze3A_342 = vector.shape_cast %slice3A_341 : vector<1x256x128xbf16> to vector<256x128xbf16>
      %mul3A_343 = arith.mulf %mul3A_337, %squeeze3A_342 : vector<256x128xbf16>
      %slice3A_344 = vector.extract_strided_slice %convert_element_type3A_160 {offsets = [2, 0, 0], sizes = [1, 256, 128], strides = [1, 1, 1]} : vector<5x256x128xbf16> to vector<1x256x128xbf16>
      %squeeze3A_345 = vector.shape_cast %slice3A_344 : vector<1x256x128xbf16> to vector<256x128xbf16>
      %mul3A_346 = arith.mulf %mul3A_337, %squeeze3A_345 : vector<256x128xbf16>
      %slice3A_347 = vector.extract_strided_slice %convert_element_type3A_160 {offsets = [3, 0, 0], sizes = [1, 256, 128], strides = [1, 1, 1]} : vector<5x256x128xbf16> to vector<1x256x128xbf16>
      %squeeze3A_348 = vector.shape_cast %slice3A_347 : vector<1x256x128xbf16> to vector<256x128xbf16>
      %mul3A_349 = arith.mulf %mul3A_337, %squeeze3A_348 : vector<256x128xbf16>
      %slice3A_350 = vector.extract_strided_slice %convert_element_type3A_160 {offsets = [4, 0, 0], sizes = [1, 256, 128], strides = [1, 1, 1]} : vector<5x256x128xbf16> to vector<1x256x128xbf16>
      %squeeze3A_351 = vector.shape_cast %slice3A_350 : vector<1x256x128xbf16> to vector<256x128xbf16>
      %mul3A_352 = arith.mulf %mul3A_337, %squeeze3A_351 : vector<256x128xbf16>
      %concatenate3A_353 = tpu.concatenate %mul3A_340, %mul3A_343, %mul3A_346, %mul3A_349, %mul3A_352 in 1 : vector<256x128xbf16>, vector<256x128xbf16>, vector<256x128xbf16>, vector<256x128xbf16>, vector<256x128xbf16> -> vector<256x640xbf16>
      %get3A_354 = arith.constant 30 : index
      %get3A_355 = arith.constant 0 : index
      %get3A_356 = arith.constant 0 : index
      %get3A_357 = vector.load %arg4[%get3A_354, %get3A_355, %get3A_356] : memref<125x128x64xbf16, #tpu.memory_space<vmem>>, vector<5x128x64xbf16>
      %reshape3A_358 = vector.shape_cast %get3A_357 : vector<5x128x64xbf16> to vector<640x64xbf16>
      %dot_general3A_359 = arith.constant dense<0.000000e+00> : vector<256x64xf32>
      %dot_general3A_360 = tpu.matmul %concatenate3A_353, %reshape3A_358, %dot_general3A_359 {dimension_numbers = #tpu.dot_dimension_numbers<[1], [0], [0], [1], [0, 0, 1, 1], [], []>, transpose_lhs_hint = false} : vector<256x640xbf16>, vector<640x64xbf16>, vector<256x64xf32> -> vector<256x64xf32>
      %add3A_361 = arith.addf %add3A_332, %dot_general3A_360 : vector<256x64xf32>
      %slice3A_362 = vector.extract_strided_slice %convert_element_type3A_158 {offsets = [1, 0, 0], sizes = [1, 256, 128], strides = [1, 1, 1]} : vector<5x256x128xbf16> to vector<1x256x128xbf16>
      %squeeze3A_363 = vector.shape_cast %slice3A_362 : vector<1x256x128xbf16> to vector<256x128xbf16>
      %slice3A_364 = vector.extract_strided_slice %convert_element_type3A_159 {offsets = [2, 0, 0], sizes = [1, 256, 128], strides = [1, 1, 1]} : vector<5x256x128xbf16> to vector<1x256x128xbf16>
      %squeeze3A_365 = vector.shape_cast %slice3A_364 : vector<1x256x128xbf16> to vector<256x128xbf16>
      %mul3A_366 = arith.mulf %squeeze3A_363, %squeeze3A_365 : vector<256x128xbf16>
      %slice3A_367 = vector.extract_strided_slice %convert_element_type3A_160 {offsets = [0, 0, 0], sizes = [1, 256, 128], strides = [1, 1, 1]} : vector<5x256x128xbf16> to vector<1x256x128xbf16>
      %squeeze3A_368 = vector.shape_cast %slice3A_367 : vector<1x256x128xbf16> to vector<256x128xbf16>
      %mul3A_369 = arith.mulf %mul3A_366, %squeeze3A_368 : vector<256x128xbf16>
      %slice3A_370 = vector.extract_strided_slice %convert_element_type3A_160 {offsets = [1, 0, 0], sizes = [1, 256, 128], strides = [1, 1, 1]} : vector<5x256x128xbf16> to vector<1x256x128xbf16>
      %squeeze3A_371 = vector.shape_cast %slice3A_370 : vector<1x256x128xbf16> to vector<256x128xbf16>
      %mul3A_372 = arith.mulf %mul3A_366, %squeeze3A_371 : vector<256x128xbf16>
      %slice3A_373 = vector.extract_strided_slice %convert_element_type3A_160 {offsets = [2, 0, 0], sizes = [1, 256, 128], strides = [1, 1, 1]} : vector<5x256x128xbf16> to vector<1x256x128xbf16>
      %squeeze3A_374 = vector.shape_cast %slice3A_373 : vector<1x256x128xbf16> to vector<256x128xbf16>
      %mul3A_375 = arith.mulf %mul3A_366, %squeeze3A_374 : vector<256x128xbf16>
      %slice3A_376 = vector.extract_strided_slice %convert_element_type3A_160 {offsets = [3, 0, 0], sizes = [1, 256, 128], strides = [1, 1, 1]} : vector<5x256x128xbf16> to vector<1x256x128xbf16>
      %squeeze3A_377 = vector.shape_cast %slice3A_376 : vector<1x256x128xbf16> to vector<256x128xbf16>
      %mul3A_378 = arith.mulf %mul3A_366, %squeeze3A_377 : vector<256x128xbf16>
      %slice3A_379 = vector.extract_strided_slice %convert_element_type3A_160 {offsets = [4, 0, 0], sizes = [1, 256, 128], strides = [1, 1, 1]} : vector<5x256x128xbf16> to vector<1x256x128xbf16>
      %squeeze3A_380 = vector.shape_cast %slice3A_379 : vector<1x256x128xbf16> to vector<256x128xbf16>
      %mul3A_381 = arith.mulf %mul3A_366, %squeeze3A_380 : vector<256x128xbf16>
      %concatenate3A_382 = tpu.concatenate %mul3A_369, %mul3A_372, %mul3A_375, %mul3A_378, %mul3A_381 in 1 : vector<256x128xbf16>, vector<256x128xbf16>, vector<256x128xbf16>, vector<256x128xbf16>, vector<256x128xbf16> -> vector<256x640xbf16>
      %get3A_383 = arith.constant 35 : index
      %get3A_384 = arith.constant 0 : index
      %get3A_385 = arith.constant 0 : index
      %get3A_386 = vector.load %arg4[%get3A_383, %get3A_384, %get3A_385] : memref<125x128x64xbf16, #tpu.memory_space<vmem>>, vector<5x128x64xbf16>
      %reshape3A_387 = vector.shape_cast %get3A_386 : vector<5x128x64xbf16> to vector<640x64xbf16>
      %dot_general3A_388 = arith.constant dense<0.000000e+00> : vector<256x64xf32>
      %dot_general3A_389 = tpu.matmul %concatenate3A_382, %reshape3A_387, %dot_general3A_388 {dimension_numbers = #tpu.dot_dimension_numbers<[1], [0], [0], [1], [0, 0, 1, 1], [], []>, transpose_lhs_hint = false} : vector<256x640xbf16>, vector<640x64xbf16>, vector<256x64xf32> -> vector<256x64xf32>
      %add3A_390 = arith.addf %add3A_361, %dot_general3A_389 : vector<256x64xf32>
      %slice3A_391 = vector.extract_strided_slice %convert_element_type3A_158 {offsets = [1, 0, 0], sizes = [1, 256, 128], strides = [1, 1, 1]} : vector<5x256x128xbf16> to vector<1x256x128xbf16>
      %squeeze3A_392 = vector.shape_cast %slice3A_391 : vector<1x256x128xbf16> to vector<256x128xbf16>
      %slice3A_393 = vector.extract_strided_slice %convert_element_type3A_159 {offsets = [3, 0, 0], sizes = [1, 256, 128], strides = [1, 1, 1]} : vector<5x256x128xbf16> to vector<1x256x128xbf16>
      %squeeze3A_394 = vector.shape_cast %slice3A_393 : vector<1x256x128xbf16> to vector<256x128xbf16>
      %mul3A_395 = arith.mulf %squeeze3A_392, %squeeze3A_394 : vector<256x128xbf16>
      %slice3A_396 = vector.extract_strided_slice %convert_element_type3A_160 {offsets = [0, 0, 0], sizes = [1, 256, 128], strides = [1, 1, 1]} : vector<5x256x128xbf16> to vector<1x256x128xbf16>
      %squeeze3A_397 = vector.shape_cast %slice3A_396 : vector<1x256x128xbf16> to vector<256x128xbf16>
      %mul3A_398 = arith.mulf %mul3A_395, %squeeze3A_397 : vector<256x128xbf16>
      %slice3A_399 = vector.extract_strided_slice %convert_element_type3A_160 {offsets = [1, 0, 0], sizes = [1, 256, 128], strides = [1, 1, 1]} : vector<5x256x128xbf16> to vector<1x256x128xbf16>
      %squeeze3A_400 = vector.shape_cast %slice3A_399 : vector<1x256x128xbf16> to vector<256x128xbf16>
      %mul3A_401 = arith.mulf %mul3A_395, %squeeze3A_400 : vector<256x128xbf16>
      %slice3A_402 = vector.extract_strided_slice %convert_element_type3A_160 {offsets = [2, 0, 0], sizes = [1, 256, 128], strides = [1, 1, 1]} : vector<5x256x128xbf16> to vector<1x256x128xbf16>
      %squeeze3A_403 = vector.shape_cast %slice3A_402 : vector<1x256x128xbf16> to vector<256x128xbf16>
      %mul3A_404 = arith.mulf %mul3A_395, %squeeze3A_403 : vector<256x128xbf16>
      %slice3A_405 = vector.extract_strided_slice %convert_element_type3A_160 {offsets = [3, 0, 0], sizes = [1, 256, 128], strides = [1, 1, 1]} : vector<5x256x128xbf16> to vector<1x256x128xbf16>
      %squeeze3A_406 = vector.shape_cast %slice3A_405 : vector<1x256x128xbf16> to vector<256x128xbf16>
      %mul3A_407 = arith.mulf %mul3A_395, %squeeze3A_406 : vector<256x128xbf16>
      %slice3A_408 = vector.extract_strided_slice %convert_element_type3A_160 {offsets = [4, 0, 0], sizes = [1, 256, 128], strides = [1, 1, 1]} : vector<5x256x128xbf16> to vector<1x256x128xbf16>
      %squeeze3A_409 = vector.shape_cast %slice3A_408 : vector<1x256x128xbf16> to vector<256x128xbf16>
      %mul3A_410 = arith.mulf %mul3A_395, %squeeze3A_409 : vector<256x128xbf16>
      %concatenate3A_411 = tpu.concatenate %mul3A_398, %mul3A_401, %mul3A_404, %mul3A_407, %mul3A_410 in 1 : vector<256x128xbf16>, vector<256x128xbf16>, vector<256x128xbf16>, vector<256x128xbf16>, vector<256x128xbf16> -> vector<256x640xbf16>
      %get3A_412 = arith.constant 40 : index
      %get3A_413 = arith.constant 0 : index
      %get3A_414 = arith.constant 0 : index
      %get3A_415 = vector.load %arg4[%get3A_412, %get3A_413, %get3A_414] : memref<125x128x64xbf16, #tpu.memory_space<vmem>>, vector<5x128x64xbf16>
      %reshape3A_416 = vector.shape_cast %get3A_415 : vector<5x128x64xbf16> to vector<640x64xbf16>
      %dot_general3A_417 = arith.constant dense<0.000000e+00> : vector<256x64xf32>
      %dot_general3A_418 = tpu.matmul %concatenate3A_411, %reshape3A_416, %dot_general3A_417 {dimension_numbers = #tpu.dot_dimension_numbers<[1], [0], [0], [1], [0, 0, 1, 1], [], []>, transpose_lhs_hint = false} : vector<256x640xbf16>, vector<640x64xbf16>, vector<256x64xf32> -> vector<256x64xf32>
      %add3A_419 = arith.addf %add3A_390, %dot_general3A_418 : vector<256x64xf32>
      %slice3A_420 = vector.extract_strided_slice %convert_element_type3A_158 {offsets = [1, 0, 0], sizes = [1, 256, 128], strides = [1, 1, 1]} : vector<5x256x128xbf16> to vector<1x256x128xbf16>
      %squeeze3A_421 = vector.shape_cast %slice3A_420 : vector<1x256x128xbf16> to vector<256x128xbf16>
      %slice3A_422 = vector.extract_strided_slice %convert_element_type3A_159 {offsets = [4, 0, 0], sizes = [1, 256, 128], strides = [1, 1, 1]} : vector<5x256x128xbf16> to vector<1x256x128xbf16>
      %squeeze3A_423 = vector.shape_cast %slice3A_422 : vector<1x256x128xbf16> to vector<256x128xbf16>
      %mul3A_424 = arith.mulf %squeeze3A_421, %squeeze3A_423 : vector<256x128xbf16>
      %slice3A_425 = vector.extract_strided_slice %convert_element_type3A_160 {offsets = [0, 0, 0], sizes = [1, 256, 128], strides = [1, 1, 1]} : vector<5x256x128xbf16> to vector<1x256x128xbf16>
      %squeeze3A_426 = vector.shape_cast %slice3A_425 : vector<1x256x128xbf16> to vector<256x128xbf16>
      %mul3A_427 = arith.mulf %mul3A_424, %squeeze3A_426 : vector<256x128xbf16>
      %slice3A_428 = vector.extract_strided_slice %convert_element_type3A_160 {offsets = [1, 0, 0], sizes = [1, 256, 128], strides = [1, 1, 1]} : vector<5x256x128xbf16> to vector<1x256x128xbf16>
      %squeeze3A_429 = vector.shape_cast %slice3A_428 : vector<1x256x128xbf16> to vector<256x128xbf16>
      %mul3A_430 = arith.mulf %mul3A_424, %squeeze3A_429 : vector<256x128xbf16>
      %slice3A_431 = vector.extract_strided_slice %convert_element_type3A_160 {offsets = [2, 0, 0], sizes = [1, 256, 128], strides = [1, 1, 1]} : vector<5x256x128xbf16> to vector<1x256x128xbf16>
      %squeeze3A_432 = vector.shape_cast %slice3A_431 : vector<1x256x128xbf16> to vector<256x128xbf16>
      %mul3A_433 = arith.mulf %mul3A_424, %squeeze3A_432 : vector<256x128xbf16>
      %slice3A_434 = vector.extract_strided_slice %convert_element_type3A_160 {offsets = [3, 0, 0], sizes = [1, 256, 128], strides = [1, 1, 1]} : vector<5x256x128xbf16> to vector<1x256x128xbf16>
      %squeeze3A_435 = vector.shape_cast %slice3A_434 : vector<1x256x128xbf16> to vector<256x128xbf16>
      %mul3A_436 = arith.mulf %mul3A_424, %squeeze3A_435 : vector<256x128xbf16>
      %slice3A_437 = vector.extract_strided_slice %convert_element_type3A_160 {offsets = [4, 0, 0], sizes = [1, 256, 128], strides = [1, 1, 1]} : vector<5x256x128xbf16> to vector<1x256x128xbf16>
      %squeeze3A_438 = vector.shape_cast %slice3A_437 : vector<1x256x128xbf16> to vector<256x128xbf16>
      %mul3A_439 = arith.mulf %mul3A_424, %squeeze3A_438 : vector<256x128xbf16>
      %concatenate3A_440 = tpu.concatenate %mul3A_427, %mul3A_430, %mul3A_433, %mul3A_436, %mul3A_439 in 1 : vector<256x128xbf16>, vector<256x128xbf16>, vector<256x128xbf16>, vector<256x128xbf16>, vector<256x128xbf16> -> vector<256x640xbf16>
      %get3A_441 = arith.constant 45 : index
      %get3A_442 = arith.constant 0 : index
      %get3A_443 = arith.constant 0 : index
      %get3A_444 = vector.load %arg4[%get3A_441, %get3A_442, %get3A_443] : memref<125x128x64xbf16, #tpu.memory_space<vmem>>, vector<5x128x64xbf16>
      %reshape3A_445 = vector.shape_cast %get3A_444 : vector<5x128x64xbf16> to vector<640x64xbf16>
      %dot_general3A_446 = arith.constant dense<0.000000e+00> : vector<256x64xf32>
      %dot_general3A_447 = tpu.matmul %concatenate3A_440, %reshape3A_445, %dot_general3A_446 {dimension_numbers = #tpu.dot_dimension_numbers<[1], [0], [0], [1], [0, 0, 1, 1], [], []>, transpose_lhs_hint = false} : vector<256x640xbf16>, vector<640x64xbf16>, vector<256x64xf32> -> vector<256x64xf32>
      %add3A_448 = arith.addf %add3A_419, %dot_general3A_447 : vector<256x64xf32>
      %slice3A_449 = vector.extract_strided_slice %convert_element_type3A_158 {offsets = [2, 0, 0], sizes = [1, 256, 128], strides = [1, 1, 1]} : vector<5x256x128xbf16> to vector<1x256x128xbf16>
      %squeeze3A_450 = vector.shape_cast %slice3A_449 : vector<1x256x128xbf16> to vector<256x128xbf16>
      %slice3A_451 = vector.extract_strided_slice %convert_element_type3A_159 {offsets = [0, 0, 0], sizes = [1, 256, 128], strides = [1, 1, 1]} : vector<5x256x128xbf16> to vector<1x256x128xbf16>
      %squeeze3A_452 = vector.shape_cast %slice3A_451 : vector<1x256x128xbf16> to vector<256x128xbf16>
      %mul3A_453 = arith.mulf %squeeze3A_450, %squeeze3A_452 : vector<256x128xbf16>
      %slice3A_454 = vector.extract_strided_slice %convert_element_type3A_160 {offsets = [0, 0, 0], sizes = [1, 256, 128], strides = [1, 1, 1]} : vector<5x256x128xbf16> to vector<1x256x128xbf16>
      %squeeze3A_455 = vector.shape_cast %slice3A_454 : vector<1x256x128xbf16> to vector<256x128xbf16>
      %mul3A_456 = arith.mulf %mul3A_453, %squeeze3A_455 : vector<256x128xbf16>
      %slice3A_457 = vector.extract_strided_slice %convert_element_type3A_160 {offsets = [1, 0, 0], sizes = [1, 256, 128], strides = [1, 1, 1]} : vector<5x256x128xbf16> to vector<1x256x128xbf16>
      %squeeze3A_458 = vector.shape_cast %slice3A_457 : vector<1x256x128xbf16> to vector<256x128xbf16>
      %mul3A_459 = arith.mulf %mul3A_453, %squeeze3A_458 : vector<256x128xbf16>
      %slice3A_460 = vector.extract_strided_slice %convert_element_type3A_160 {offsets = [2, 0, 0], sizes = [1, 256, 128], strides = [1, 1, 1]} : vector<5x256x128xbf16> to vector<1x256x128xbf16>
      %squeeze3A_461 = vector.shape_cast %slice3A_460 : vector<1x256x128xbf16> to vector<256x128xbf16>
      %mul3A_462 = arith.mulf %mul3A_453, %squeeze3A_461 : vector<256x128xbf16>
      %slice3A_463 = vector.extract_strided_slice %convert_element_type3A_160 {offsets = [3, 0, 0], sizes = [1, 256, 128], strides = [1, 1, 1]} : vector<5x256x128xbf16> to vector<1x256x128xbf16>
      %squeeze3A_464 = vector.shape_cast %slice3A_463 : vector<1x256x128xbf16> to vector<256x128xbf16>
      %mul3A_465 = arith.mulf %mul3A_453, %squeeze3A_464 : vector<256x128xbf16>
      %slice3A_466 = vector.extract_strided_slice %convert_element_type3A_160 {offsets = [4, 0, 0], sizes = [1, 256, 128], strides = [1, 1, 1]} : vector<5x256x128xbf16> to vector<1x256x128xbf16>
      %squeeze3A_467 = vector.shape_cast %slice3A_466 : vector<1x256x128xbf16> to vector<256x128xbf16>
      %mul3A_468 = arith.mulf %mul3A_453, %squeeze3A_467 : vector<256x128xbf16>
      %concatenate3A_469 = tpu.concatenate %mul3A_456, %mul3A_459, %mul3A_462, %mul3A_465, %mul3A_468 in 1 : vector<256x128xbf16>, vector<256x128xbf16>, vector<256x128xbf16>, vector<256x128xbf16>, vector<256x128xbf16> -> vector<256x640xbf16>
      %get3A_470 = arith.constant 50 : index
      %get3A_471 = arith.constant 0 : index
      %get3A_472 = arith.constant 0 : index
      %get3A_473 = vector.load %arg4[%get3A_470, %get3A_471, %get3A_472] : memref<125x128x64xbf16, #tpu.memory_space<vmem>>, vector<5x128x64xbf16>
      %reshape3A_474 = vector.shape_cast %get3A_473 : vector<5x128x64xbf16> to vector<640x64xbf16>
      %dot_general3A_475 = arith.constant dense<0.000000e+00> : vector<256x64xf32>
      %dot_general3A_476 = tpu.matmul %concatenate3A_469, %reshape3A_474, %dot_general3A_475 {dimension_numbers = #tpu.dot_dimension_numbers<[1], [0], [0], [1], [0, 0, 1, 1], [], []>, transpose_lhs_hint = false} : vector<256x640xbf16>, vector<640x64xbf16>, vector<256x64xf32> -> vector<256x64xf32>
      %add3A_477 = arith.addf %add3A_448, %dot_general3A_476 : vector<256x64xf32>
      %slice3A_478 = vector.extract_strided_slice %convert_element_type3A_158 {offsets = [2, 0, 0], sizes = [1, 256, 128], strides = [1, 1, 1]} : vector<5x256x128xbf16> to vector<1x256x128xbf16>
      %squeeze3A_479 = vector.shape_cast %slice3A_478 : vector<1x256x128xbf16> to vector<256x128xbf16>
      %slice3A_480 = vector.extract_strided_slice %convert_element_type3A_159 {offsets = [1, 0, 0], sizes = [1, 256, 128], strides = [1, 1, 1]} : vector<5x256x128xbf16> to vector<1x256x128xbf16>
      %squeeze3A_481 = vector.shape_cast %slice3A_480 : vector<1x256x128xbf16> to vector<256x128xbf16>
      %mul3A_482 = arith.mulf %squeeze3A_479, %squeeze3A_481 : vector<256x128xbf16>
      %slice3A_483 = vector.extract_strided_slice %convert_element_type3A_160 {offsets = [0, 0, 0], sizes = [1, 256, 128], strides = [1, 1, 1]} : vector<5x256x128xbf16> to vector<1x256x128xbf16>
      %squeeze3A_484 = vector.shape_cast %slice3A_483 : vector<1x256x128xbf16> to vector<256x128xbf16>
      %mul3A_485 = arith.mulf %mul3A_482, %squeeze3A_484 : vector<256x128xbf16>
      %slice3A_486 = vector.extract_strided_slice %convert_element_type3A_160 {offsets = [1, 0, 0], sizes = [1, 256, 128], strides = [1, 1, 1]} : vector<5x256x128xbf16> to vector<1x256x128xbf16>
      %squeeze3A_487 = vector.shape_cast %slice3A_486 : vector<1x256x128xbf16> to vector<256x128xbf16>
      %mul3A_488 = arith.mulf %mul3A_482, %squeeze3A_487 : vector<256x128xbf16>
      %slice3A_489 = vector.extract_strided_slice %convert_element_type3A_160 {offsets = [2, 0, 0], sizes = [1, 256, 128], strides = [1, 1, 1]} : vector<5x256x128xbf16> to vector<1x256x128xbf16>
      %squeeze3A_490 = vector.shape_cast %slice3A_489 : vector<1x256x128xbf16> to vector<256x128xbf16>
      %mul3A_491 = arith.mulf %mul3A_482, %squeeze3A_490 : vector<256x128xbf16>
      %slice3A_492 = vector.extract_strided_slice %convert_element_type3A_160 {offsets = [3, 0, 0], sizes = [1, 256, 128], strides = [1, 1, 1]} : vector<5x256x128xbf16> to vector<1x256x128xbf16>
      %squeeze3A_493 = vector.shape_cast %slice3A_492 : vector<1x256x128xbf16> to vector<256x128xbf16>
      %mul3A_494 = arith.mulf %mul3A_482, %squeeze3A_493 : vector<256x128xbf16>
      %slice3A_495 = vector.extract_strided_slice %convert_element_type3A_160 {offsets = [4, 0, 0], sizes = [1, 256, 128], strides = [1, 1, 1]} : vector<5x256x128xbf16> to vector<1x256x128xbf16>
      %squeeze3A_496 = vector.shape_cast %slice3A_495 : vector<1x256x128xbf16> to vector<256x128xbf16>
      %mul3A_497 = arith.mulf %mul3A_482, %squeeze3A_496 : vector<256x128xbf16>
      %concatenate3A_498 = tpu.concatenate %mul3A_485, %mul3A_488, %mul3A_491, %mul3A_494, %mul3A_497 in 1 : vector<256x128xbf16>, vector<256x128xbf16>, vector<256x128xbf16>, vector<256x128xbf16>, vector<256x128xbf16> -> vector<256x640xbf16>
      %get3A_499 = arith.constant 55 : index
      %get3A_500 = arith.constant 0 : index
      %get3A_501 = arith.constant 0 : index
      %get3A_502 = vector.load %arg4[%get3A_499, %get3A_500, %get3A_501] : memref<125x128x64xbf16, #tpu.memory_space<vmem>>, vector<5x128x64xbf16>
      %reshape3A_503 = vector.shape_cast %get3A_502 : vector<5x128x64xbf16> to vector<640x64xbf16>
      %dot_general3A_504 = arith.constant dense<0.000000e+00> : vector<256x64xf32>
      %dot_general3A_505 = tpu.matmul %concatenate3A_498, %reshape3A_503, %dot_general3A_504 {dimension_numbers = #tpu.dot_dimension_numbers<[1], [0], [0], [1], [0, 0, 1, 1], [], []>, transpose_lhs_hint = false} : vector<256x640xbf16>, vector<640x64xbf16>, vector<256x64xf32> -> vector<256x64xf32>
      %add3A_506 = arith.addf %add3A_477, %dot_general3A_505 : vector<256x64xf32>
      %slice3A_507 = vector.extract_strided_slice %convert_element_type3A_158 {offsets = [2, 0, 0], sizes = [1, 256, 128], strides = [1, 1, 1]} : vector<5x256x128xbf16> to vector<1x256x128xbf16>
      %squeeze3A_508 = vector.shape_cast %slice3A_507 : vector<1x256x128xbf16> to vector<256x128xbf16>
      %slice3A_509 = vector.extract_strided_slice %convert_element_type3A_159 {offsets = [2, 0, 0], sizes = [1, 256, 128], strides = [1, 1, 1]} : vector<5x256x128xbf16> to vector<1x256x128xbf16>
      %squeeze3A_510 = vector.shape_cast %slice3A_509 : vector<1x256x128xbf16> to vector<256x128xbf16>
      %mul3A_511 = arith.mulf %squeeze3A_508, %squeeze3A_510 : vector<256x128xbf16>
      %slice3A_512 = vector.extract_strided_slice %convert_element_type3A_160 {offsets = [0, 0, 0], sizes = [1, 256, 128], strides = [1, 1, 1]} : vector<5x256x128xbf16> to vector<1x256x128xbf16>
      %squeeze3A_513 = vector.shape_cast %slice3A_512 : vector<1x256x128xbf16> to vector<256x128xbf16>
      %mul3A_514 = arith.mulf %mul3A_511, %squeeze3A_513 : vector<256x128xbf16>
      %slice3A_515 = vector.extract_strided_slice %convert_element_type3A_160 {offsets = [1, 0, 0], sizes = [1, 256, 128], strides = [1, 1, 1]} : vector<5x256x128xbf16> to vector<1x256x128xbf16>
      %squeeze3A_516 = vector.shape_cast %slice3A_515 : vector<1x256x128xbf16> to vector<256x128xbf16>
      %mul3A_517 = arith.mulf %mul3A_511, %squeeze3A_516 : vector<256x128xbf16>
      %slice3A_518 = vector.extract_strided_slice %convert_element_type3A_160 {offsets = [2, 0, 0], sizes = [1, 256, 128], strides = [1, 1, 1]} : vector<5x256x128xbf16> to vector<1x256x128xbf16>
      %squeeze3A_519 = vector.shape_cast %slice3A_518 : vector<1x256x128xbf16> to vector<256x128xbf16>
      %mul3A_520 = arith.mulf %mul3A_511, %squeeze3A_519 : vector<256x128xbf16>
      %slice3A_521 = vector.extract_strided_slice %convert_element_type3A_160 {offsets = [3, 0, 0], sizes = [1, 256, 128], strides = [1, 1, 1]} : vector<5x256x128xbf16> to vector<1x256x128xbf16>
      %squeeze3A_522 = vector.shape_cast %slice3A_521 : vector<1x256x128xbf16> to vector<256x128xbf16>
      %mul3A_523 = arith.mulf %mul3A_511, %squeeze3A_522 : vector<256x128xbf16>
      %slice3A_524 = vector.extract_strided_slice %convert_element_type3A_160 {offsets = [4, 0, 0], sizes = [1, 256, 128], strides = [1, 1, 1]} : vector<5x256x128xbf16> to vector<1x256x128xbf16>
      %squeeze3A_525 = vector.shape_cast %slice3A_524 : vector<1x256x128xbf16> to vector<256x128xbf16>
      %mul3A_526 = arith.mulf %mul3A_511, %squeeze3A_525 : vector<256x128xbf16>
      %concatenate3A_527 = tpu.concatenate %mul3A_514, %mul3A_517, %mul3A_520, %mul3A_523, %mul3A_526 in 1 : vector<256x128xbf16>, vector<256x128xbf16>, vector<256x128xbf16>, vector<256x128xbf16>, vector<256x128xbf16> -> vector<256x640xbf16>
      %get3A_528 = arith.constant 60 : index
      %get3A_529 = arith.constant 0 : index
      %get3A_530 = arith.constant 0 : index
      %get3A_531 = vector.load %arg4[%get3A_528, %get3A_529, %get3A_530] : memref<125x128x64xbf16, #tpu.memory_space<vmem>>, vector<5x128x64xbf16>
      %reshape3A_532 = vector.shape_cast %get3A_531 : vector<5x128x64xbf16> to vector<640x64xbf16>
      %dot_general3A_533 = arith.constant dense<0.000000e+00> : vector<256x64xf32>
      %dot_general3A_534 = tpu.matmul %concatenate3A_527, %reshape3A_532, %dot_general3A_533 {dimension_numbers = #tpu.dot_dimension_numbers<[1], [0], [0], [1], [0, 0, 1, 1], [], []>, transpose_lhs_hint = false} : vector<256x640xbf16>, vector<640x64xbf16>, vector<256x64xf32> -> vector<256x64xf32>
      %add3A_535 = arith.addf %add3A_506, %dot_general3A_534 : vector<256x64xf32>
      %slice3A_536 = vector.extract_strided_slice %convert_element_type3A_158 {offsets = [2, 0, 0], sizes = [1, 256, 128], strides = [1, 1, 1]} : vector<5x256x128xbf16> to vector<1x256x128xbf16>
      %squeeze3A_537 = vector.shape_cast %slice3A_536 : vector<1x256x128xbf16> to vector<256x128xbf16>
      %slice3A_538 = vector.extract_strided_slice %convert_element_type3A_159 {offsets = [3, 0, 0], sizes = [1, 256, 128], strides = [1, 1, 1]} : vector<5x256x128xbf16> to vector<1x256x128xbf16>
      %squeeze3A_539 = vector.shape_cast %slice3A_538 : vector<1x256x128xbf16> to vector<256x128xbf16>
      %mul3A_540 = arith.mulf %squeeze3A_537, %squeeze3A_539 : vector<256x128xbf16>
      %slice3A_541 = vector.extract_strided_slice %convert_element_type3A_160 {offsets = [0, 0, 0], sizes = [1, 256, 128], strides = [1, 1, 1]} : vector<5x256x128xbf16> to vector<1x256x128xbf16>
      %squeeze3A_542 = vector.shape_cast %slice3A_541 : vector<1x256x128xbf16> to vector<256x128xbf16>
      %mul3A_543 = arith.mulf %mul3A_540, %squeeze3A_542 : vector<256x128xbf16>
      %slice3A_544 = vector.extract_strided_slice %convert_element_type3A_160 {offsets = [1, 0, 0], sizes = [1, 256, 128], strides = [1, 1, 1]} : vector<5x256x128xbf16> to vector<1x256x128xbf16>
      %squeeze3A_545 = vector.shape_cast %slice3A_544 : vector<1x256x128xbf16> to vector<256x128xbf16>
      %mul3A_546 = arith.mulf %mul3A_540, %squeeze3A_545 : vector<256x128xbf16>
      %slice3A_547 = vector.extract_strided_slice %convert_element_type3A_160 {offsets = [2, 0, 0], sizes = [1, 256, 128], strides = [1, 1, 1]} : vector<5x256x128xbf16> to vector<1x256x128xbf16>
      %squeeze3A_548 = vector.shape_cast %slice3A_547 : vector<1x256x128xbf16> to vector<256x128xbf16>
      %mul3A_549 = arith.mulf %mul3A_540, %squeeze3A_548 : vector<256x128xbf16>
      %slice3A_550 = vector.extract_strided_slice %convert_element_type3A_160 {offsets = [3, 0, 0], sizes = [1, 256, 128], strides = [1, 1, 1]} : vector<5x256x128xbf16> to vector<1x256x128xbf16>
      %squeeze3A_551 = vector.shape_cast %slice3A_550 : vector<1x256x128xbf16> to vector<256x128xbf16>
      %mul3A_552 = arith.mulf %mul3A_540, %squeeze3A_551 : vector<256x128xbf16>
      %slice3A_553 = vector.extract_strided_slice %convert_element_type3A_160 {offsets = [4, 0, 0], sizes = [1, 256, 128], strides = [1, 1, 1]} : vector<5x256x128xbf16> to vector<1x256x128xbf16>
      %squeeze3A_554 = vector.shape_cast %slice3A_553 : vector<1x256x128xbf16> to vector<256x128xbf16>
      %mul3A_555 = arith.mulf %mul3A_540, %squeeze3A_554 : vector<256x128xbf16>
      %concatenate3A_556 = tpu.concatenate %mul3A_543, %mul3A_546, %mul3A_549, %mul3A_552, %mul3A_555 in 1 : vector<256x128xbf16>, vector<256x128xbf16>, vector<256x128xbf16>, vector<256x128xbf16>, vector<256x128xbf16> -> vector<256x640xbf16>
      %get3A_557 = arith.constant 65 : index
      %get3A_558 = arith.constant 0 : index
      %get3A_559 = arith.constant 0 : index
      %get3A_560 = vector.load %arg4[%get3A_557, %get3A_558, %get3A_559] : memref<125x128x64xbf16, #tpu.memory_space<vmem>>, vector<5x128x64xbf16>
      %reshape3A_561 = vector.shape_cast %get3A_560 : vector<5x128x64xbf16> to vector<640x64xbf16>
      %dot_general3A_562 = arith.constant dense<0.000000e+00> : vector<256x64xf32>
      %dot_general3A_563 = tpu.matmul %concatenate3A_556, %reshape3A_561, %dot_general3A_562 {dimension_numbers = #tpu.dot_dimension_numbers<[1], [0], [0], [1], [0, 0, 1, 1], [], []>, transpose_lhs_hint = false} : vector<256x640xbf16>, vector<640x64xbf16>, vector<256x64xf32> -> vector<256x64xf32>
      %add3A_564 = arith.addf %add3A_535, %dot_general3A_563 : vector<256x64xf32>
      %slice3A_565 = vector.extract_strided_slice %convert_element_type3A_158 {offsets = [2, 0, 0], sizes = [1, 256, 128], strides = [1, 1, 1]} : vector<5x256x128xbf16> to vector<1x256x128xbf16>
      %squeeze3A_566 = vector.shape_cast %slice3A_565 : vector<1x256x128xbf16> to vector<256x128xbf16>
      %slice3A_567 = vector.extract_strided_slice %convert_element_type3A_159 {offsets = [4, 0, 0], sizes = [1, 256, 128], strides = [1, 1, 1]} : vector<5x256x128xbf16> to vector<1x256x128xbf16>
      %squeeze3A_568 = vector.shape_cast %slice3A_567 : vector<1x256x128xbf16> to vector<256x128xbf16>
      %mul3A_569 = arith.mulf %squeeze3A_566, %squeeze3A_568 : vector<256x128xbf16>
      %slice3A_570 = vector.extract_strided_slice %convert_element_type3A_160 {offsets = [0, 0, 0], sizes = [1, 256, 128], strides = [1, 1, 1]} : vector<5x256x128xbf16> to vector<1x256x128xbf16>
      %squeeze3A_571 = vector.shape_cast %slice3A_570 : vector<1x256x128xbf16> to vector<256x128xbf16>
      %mul3A_572 = arith.mulf %mul3A_569, %squeeze3A_571 : vector<256x128xbf16>
      %slice3A_573 = vector.extract_strided_slice %convert_element_type3A_160 {offsets = [1, 0, 0], sizes = [1, 256, 128], strides = [1, 1, 1]} : vector<5x256x128xbf16> to vector<1x256x128xbf16>
      %squeeze3A_574 = vector.shape_cast %slice3A_573 : vector<1x256x128xbf16> to vector<256x128xbf16>
      %mul3A_575 = arith.mulf %mul3A_569, %squeeze3A_574 : vector<256x128xbf16>
      %slice3A_576 = vector.extract_strided_slice %convert_element_type3A_160 {offsets = [2, 0, 0], sizes = [1, 256, 128], strides = [1, 1, 1]} : vector<5x256x128xbf16> to vector<1x256x128xbf16>
      %squeeze3A_577 = vector.shape_cast %slice3A_576 : vector<1x256x128xbf16> to vector<256x128xbf16>
      %mul3A_578 = arith.mulf %mul3A_569, %squeeze3A_577 : vector<256x128xbf16>
      %slice3A_579 = vector.extract_strided_slice %convert_element_type3A_160 {offsets = [3, 0, 0], sizes = [1, 256, 128], strides = [1, 1, 1]} : vector<5x256x128xbf16> to vector<1x256x128xbf16>
      %squeeze3A_580 = vector.shape_cast %slice3A_579 : vector<1x256x128xbf16> to vector<256x128xbf16>
      %mul3A_581 = arith.mulf %mul3A_569, %squeeze3A_580 : vector<256x128xbf16>
      %slice3A_582 = vector.extract_strided_slice %convert_element_type3A_160 {offsets = [4, 0, 0], sizes = [1, 256, 128], strides = [1, 1, 1]} : vector<5x256x128xbf16> to vector<1x256x128xbf16>
      %squeeze3A_583 = vector.shape_cast %slice3A_582 : vector<1x256x128xbf16> to vector<256x128xbf16>
      %mul3A_584 = arith.mulf %mul3A_569, %squeeze3A_583 : vector<256x128xbf16>
      %concatenate3A_585 = tpu.concatenate %mul3A_572, %mul3A_575, %mul3A_578, %mul3A_581, %mul3A_584 in 1 : vector<256x128xbf16>, vector<256x128xbf16>, vector<256x128xbf16>, vector<256x128xbf16>, vector<256x128xbf16> -> vector<256x640xbf16>
      %get3A_586 = arith.constant 70 : index
      %get3A_587 = arith.constant 0 : index
      %get3A_588 = arith.constant 0 : index
      %get3A_589 = vector.load %arg4[%get3A_586, %get3A_587, %get3A_588] : memref<125x128x64xbf16, #tpu.memory_space<vmem>>, vector<5x128x64xbf16>
      %reshape3A_590 = vector.shape_cast %get3A_589 : vector<5x128x64xbf16> to vector<640x64xbf16>
      %dot_general3A_591 = arith.constant dense<0.000000e+00> : vector<256x64xf32>
      %dot_general3A_592 = tpu.matmul %concatenate3A_585, %reshape3A_590, %dot_general3A_591 {dimension_numbers = #tpu.dot_dimension_numbers<[1], [0], [0], [1], [0, 0, 1, 1], [], []>, transpose_lhs_hint = false} : vector<256x640xbf16>, vector<640x64xbf16>, vector<256x64xf32> -> vector<256x64xf32>
      %add3A_593 = arith.addf %add3A_564, %dot_general3A_592 : vector<256x64xf32>
      %slice3A_594 = vector.extract_strided_slice %convert_element_type3A_158 {offsets = [3, 0, 0], sizes = [1, 256, 128], strides = [1, 1, 1]} : vector<5x256x128xbf16> to vector<1x256x128xbf16>
      %squeeze3A_595 = vector.shape_cast %slice3A_594 : vector<1x256x128xbf16> to vector<256x128xbf16>
      %slice3A_596 = vector.extract_strided_slice %convert_element_type3A_159 {offsets = [0, 0, 0], sizes = [1, 256, 128], strides = [1, 1, 1]} : vector<5x256x128xbf16> to vector<1x256x128xbf16>
      %squeeze3A_597 = vector.shape_cast %slice3A_596 : vector<1x256x128xbf16> to vector<256x128xbf16>
      %mul3A_598 = arith.mulf %squeeze3A_595, %squeeze3A_597 : vector<256x128xbf16>
      %slice3A_599 = vector.extract_strided_slice %convert_element_type3A_160 {offsets = [0, 0, 0], sizes = [1, 256, 128], strides = [1, 1, 1]} : vector<5x256x128xbf16> to vector<1x256x128xbf16>
      %squeeze3A_600 = vector.shape_cast %slice3A_599 : vector<1x256x128xbf16> to vector<256x128xbf16>
      %mul3A_601 = arith.mulf %mul3A_598, %squeeze3A_600 : vector<256x128xbf16>
      %slice3A_602 = vector.extract_strided_slice %convert_element_type3A_160 {offsets = [1, 0, 0], sizes = [1, 256, 128], strides = [1, 1, 1]} : vector<5x256x128xbf16> to vector<1x256x128xbf16>
      %squeeze3A_603 = vector.shape_cast %slice3A_602 : vector<1x256x128xbf16> to vector<256x128xbf16>
      %mul3A_604 = arith.mulf %mul3A_598, %squeeze3A_603 : vector<256x128xbf16>
      %slice3A_605 = vector.extract_strided_slice %convert_element_type3A_160 {offsets = [2, 0, 0], sizes = [1, 256, 128], strides = [1, 1, 1]} : vector<5x256x128xbf16> to vector<1x256x128xbf16>
      %squeeze3A_606 = vector.shape_cast %slice3A_605 : vector<1x256x128xbf16> to vector<256x128xbf16>
      %mul3A_607 = arith.mulf %mul3A_598, %squeeze3A_606 : vector<256x128xbf16>
      %slice3A_608 = vector.extract_strided_slice %convert_element_type3A_160 {offsets = [3, 0, 0], sizes = [1, 256, 128], strides = [1, 1, 1]} : vector<5x256x128xbf16> to vector<1x256x128xbf16>
      %squeeze3A_609 = vector.shape_cast %slice3A_608 : vector<1x256x128xbf16> to vector<256x128xbf16>
      %mul3A_610 = arith.mulf %mul3A_598, %squeeze3A_609 : vector<256x128xbf16>
      %slice3A_611 = vector.extract_strided_slice %convert_element_type3A_160 {offsets = [4, 0, 0], sizes = [1, 256, 128], strides = [1, 1, 1]} : vector<5x256x128xbf16> to vector<1x256x128xbf16>
      %squeeze3A_612 = vector.shape_cast %slice3A_611 : vector<1x256x128xbf16> to vector<256x128xbf16>
      %mul3A_613 = arith.mulf %mul3A_598, %squeeze3A_612 : vector<256x128xbf16>
      %concatenate3A_614 = tpu.concatenate %mul3A_601, %mul3A_604, %mul3A_607, %mul3A_610, %mul3A_613 in 1 : vector<256x128xbf16>, vector<256x128xbf16>, vector<256x128xbf16>, vector<256x128xbf16>, vector<256x128xbf16> -> vector<256x640xbf16>
      %get3A_615 = arith.constant 75 : index
      %get3A_616 = arith.constant 0 : index
      %get3A_617 = arith.constant 0 : index
      %get3A_618 = vector.load %arg4[%get3A_615, %get3A_616, %get3A_617] : memref<125x128x64xbf16, #tpu.memory_space<vmem>>, vector<5x128x64xbf16>
      %reshape3A_619 = vector.shape_cast %get3A_618 : vector<5x128x64xbf16> to vector<640x64xbf16>
      %dot_general3A_620 = arith.constant dense<0.000000e+00> : vector<256x64xf32>
      %dot_general3A_621 = tpu.matmul %concatenate3A_614, %reshape3A_619, %dot_general3A_620 {dimension_numbers = #tpu.dot_dimension_numbers<[1], [0], [0], [1], [0, 0, 1, 1], [], []>, transpose_lhs_hint = false} : vector<256x640xbf16>, vector<640x64xbf16>, vector<256x64xf32> -> vector<256x64xf32>
      %add3A_622 = arith.addf %add3A_593, %dot_general3A_621 : vector<256x64xf32>
      %slice3A_623 = vector.extract_strided_slice %convert_element_type3A_158 {offsets = [3, 0, 0], sizes = [1, 256, 128], strides = [1, 1, 1]} : vector<5x256x128xbf16> to vector<1x256x128xbf16>
      %squeeze3A_624 = vector.shape_cast %slice3A_623 : vector<1x256x128xbf16> to vector<256x128xbf16>
      %slice3A_625 = vector.extract_strided_slice %convert_element_type3A_159 {offsets = [1, 0, 0], sizes = [1, 256, 128], strides = [1, 1, 1]} : vector<5x256x128xbf16> to vector<1x256x128xbf16>
      %squeeze3A_626 = vector.shape_cast %slice3A_625 : vector<1x256x128xbf16> to vector<256x128xbf16>
      %mul3A_627 = arith.mulf %squeeze3A_624, %squeeze3A_626 : vector<256x128xbf16>
      %slice3A_628 = vector.extract_strided_slice %convert_element_type3A_160 {offsets = [0, 0, 0], sizes = [1, 256, 128], strides = [1, 1, 1]} : vector<5x256x128xbf16> to vector<1x256x128xbf16>
      %squeeze3A_629 = vector.shape_cast %slice3A_628 : vector<1x256x128xbf16> to vector<256x128xbf16>
      %mul3A_630 = arith.mulf %mul3A_627, %squeeze3A_629 : vector<256x128xbf16>
      %slice3A_631 = vector.extract_strided_slice %convert_element_type3A_160 {offsets = [1, 0, 0], sizes = [1, 256, 128], strides = [1, 1, 1]} : vector<5x256x128xbf16> to vector<1x256x128xbf16>
      %squeeze3A_632 = vector.shape_cast %slice3A_631 : vector<1x256x128xbf16> to vector<256x128xbf16>
      %mul3A_633 = arith.mulf %mul3A_627, %squeeze3A_632 : vector<256x128xbf16>
      %slice3A_634 = vector.extract_strided_slice %convert_element_type3A_160 {offsets = [2, 0, 0], sizes = [1, 256, 128], strides = [1, 1, 1]} : vector<5x256x128xbf16> to vector<1x256x128xbf16>
      %squeeze3A_635 = vector.shape_cast %slice3A_634 : vector<1x256x128xbf16> to vector<256x128xbf16>
      %mul3A_636 = arith.mulf %mul3A_627, %squeeze3A_635 : vector<256x128xbf16>
      %slice3A_637 = vector.extract_strided_slice %convert_element_type3A_160 {offsets = [3, 0, 0], sizes = [1, 256, 128], strides = [1, 1, 1]} : vector<5x256x128xbf16> to vector<1x256x128xbf16>
      %squeeze3A_638 = vector.shape_cast %slice3A_637 : vector<1x256x128xbf16> to vector<256x128xbf16>
      %mul3A_639 = arith.mulf %mul3A_627, %squeeze3A_638 : vector<256x128xbf16>
      %slice3A_640 = vector.extract_strided_slice %convert_element_type3A_160 {offsets = [4, 0, 0], sizes = [1, 256, 128], strides = [1, 1, 1]} : vector<5x256x128xbf16> to vector<1x256x128xbf16>
      %squeeze3A_641 = vector.shape_cast %slice3A_640 : vector<1x256x128xbf16> to vector<256x128xbf16>
      %mul3A_642 = arith.mulf %mul3A_627, %squeeze3A_641 : vector<256x128xbf16>
      %concatenate3A_643 = tpu.concatenate %mul3A_630, %mul3A_633, %mul3A_636, %mul3A_639, %mul3A_642 in 1 : vector<256x128xbf16>, vector<256x128xbf16>, vector<256x128xbf16>, vector<256x128xbf16>, vector<256x128xbf16> -> vector<256x640xbf16>
      %get3A_644 = arith.constant 80 : index
      %get3A_645 = arith.constant 0 : index
      %get3A_646 = arith.constant 0 : index
      %get3A_647 = vector.load %arg4[%get3A_644, %get3A_645, %get3A_646] : memref<125x128x64xbf16, #tpu.memory_space<vmem>>, vector<5x128x64xbf16>
      %reshape3A_648 = vector.shape_cast %get3A_647 : vector<5x128x64xbf16> to vector<640x64xbf16>
      %dot_general3A_649 = arith.constant dense<0.000000e+00> : vector<256x64xf32>
      %dot_general3A_650 = tpu.matmul %concatenate3A_643, %reshape3A_648, %dot_general3A_649 {dimension_numbers = #tpu.dot_dimension_numbers<[1], [0], [0], [1], [0, 0, 1, 1], [], []>, transpose_lhs_hint = false} : vector<256x640xbf16>, vector<640x64xbf16>, vector<256x64xf32> -> vector<256x64xf32>
      %add3A_651 = arith.addf %add3A_622, %dot_general3A_650 : vector<256x64xf32>
      %slice3A_652 = vector.extract_strided_slice %convert_element_type3A_158 {offsets = [3, 0, 0], sizes = [1, 256, 128], strides = [1, 1, 1]} : vector<5x256x128xbf16> to vector<1x256x128xbf16>
      %squeeze3A_653 = vector.shape_cast %slice3A_652 : vector<1x256x128xbf16> to vector<256x128xbf16>
      %slice3A_654 = vector.extract_strided_slice %convert_element_type3A_159 {offsets = [2, 0, 0], sizes = [1, 256, 128], strides = [1, 1, 1]} : vector<5x256x128xbf16> to vector<1x256x128xbf16>
      %squeeze3A_655 = vector.shape_cast %slice3A_654 : vector<1x256x128xbf16> to vector<256x128xbf16>
      %mul3A_656 = arith.mulf %squeeze3A_653, %squeeze3A_655 : vector<256x128xbf16>
      %slice3A_657 = vector.extract_strided_slice %convert_element_type3A_160 {offsets = [0, 0, 0], sizes = [1, 256, 128], strides = [1, 1, 1]} : vector<5x256x128xbf16> to vector<1x256x128xbf16>
      %squeeze3A_658 = vector.shape_cast %slice3A_657 : vector<1x256x128xbf16> to vector<256x128xbf16>
      %mul3A_659 = arith.mulf %mul3A_656, %squeeze3A_658 : vector<256x128xbf16>
      %slice3A_660 = vector.extract_strided_slice %convert_element_type3A_160 {offsets = [1, 0, 0], sizes = [1, 256, 128], strides = [1, 1, 1]} : vector<5x256x128xbf16> to vector<1x256x128xbf16>
      %squeeze3A_661 = vector.shape_cast %slice3A_660 : vector<1x256x128xbf16> to vector<256x128xbf16>
      %mul3A_662 = arith.mulf %mul3A_656, %squeeze3A_661 : vector<256x128xbf16>
      %slice3A_663 = vector.extract_strided_slice %convert_element_type3A_160 {offsets = [2, 0, 0], sizes = [1, 256, 128], strides = [1, 1, 1]} : vector<5x256x128xbf16> to vector<1x256x128xbf16>
      %squeeze3A_664 = vector.shape_cast %slice3A_663 : vector<1x256x128xbf16> to vector<256x128xbf16>
      %mul3A_665 = arith.mulf %mul3A_656, %squeeze3A_664 : vector<256x128xbf16>
      %slice3A_666 = vector.extract_strided_slice %convert_element_type3A_160 {offsets = [3, 0, 0], sizes = [1, 256, 128], strides = [1, 1, 1]} : vector<5x256x128xbf16> to vector<1x256x128xbf16>
      %squeeze3A_667 = vector.shape_cast %slice3A_666 : vector<1x256x128xbf16> to vector<256x128xbf16>
      %mul3A_668 = arith.mulf %mul3A_656, %squeeze3A_667 : vector<256x128xbf16>
      %slice3A_669 = vector.extract_strided_slice %convert_element_type3A_160 {offsets = [4, 0, 0], sizes = [1, 256, 128], strides = [1, 1, 1]} : vector<5x256x128xbf16> to vector<1x256x128xbf16>
      %squeeze3A_670 = vector.shape_cast %slice3A_669 : vector<1x256x128xbf16> to vector<256x128xbf16>
      %mul3A_671 = arith.mulf %mul3A_656, %squeeze3A_670 : vector<256x128xbf16>
      %concatenate3A_672 = tpu.concatenate %mul3A_659, %mul3A_662, %mul3A_665, %mul3A_668, %mul3A_671 in 1 : vector<256x128xbf16>, vector<256x128xbf16>, vector<256x128xbf16>, vector<256x128xbf16>, vector<256x128xbf16> -> vector<256x640xbf16>
      %get3A_673 = arith.constant 85 : index
      %get3A_674 = arith.constant 0 : index
      %get3A_675 = arith.constant 0 : index
      %get3A_676 = vector.load %arg4[%get3A_673, %get3A_674, %get3A_675] : memref<125x128x64xbf16, #tpu.memory_space<vmem>>, vector<5x128x64xbf16>
      %reshape3A_677 = vector.shape_cast %get3A_676 : vector<5x128x64xbf16> to vector<640x64xbf16>
      %dot_general3A_678 = arith.constant dense<0.000000e+00> : vector<256x64xf32>
      %dot_general3A_679 = tpu.matmul %concatenate3A_672, %reshape3A_677, %dot_general3A_678 {dimension_numbers = #tpu.dot_dimension_numbers<[1], [0], [0], [1], [0, 0, 1, 1], [], []>, transpose_lhs_hint = false} : vector<256x640xbf16>, vector<640x64xbf16>, vector<256x64xf32> -> vector<256x64xf32>
      %add3A_680 = arith.addf %add3A_651, %dot_general3A_679 : vector<256x64xf32>
      %slice3A_681 = vector.extract_strided_slice %convert_element_type3A_158 {offsets = [3, 0, 0], sizes = [1, 256, 128], strides = [1, 1, 1]} : vector<5x256x128xbf16> to vector<1x256x128xbf16>
      %squeeze3A_682 = vector.shape_cast %slice3A_681 : vector<1x256x128xbf16> to vector<256x128xbf16>
      %slice3A_683 = vector.extract_strided_slice %convert_element_type3A_159 {offsets = [3, 0, 0], sizes = [1, 256, 128], strides = [1, 1, 1]} : vector<5x256x128xbf16> to vector<1x256x128xbf16>
      %squeeze3A_684 = vector.shape_cast %slice3A_683 : vector<1x256x128xbf16> to vector<256x128xbf16>
      %mul3A_685 = arith.mulf %squeeze3A_682, %squeeze3A_684 : vector<256x128xbf16>
      %slice3A_686 = vector.extract_strided_slice %convert_element_type3A_160 {offsets = [0, 0, 0], sizes = [1, 256, 128], strides = [1, 1, 1]} : vector<5x256x128xbf16> to vector<1x256x128xbf16>
      %squeeze3A_687 = vector.shape_cast %slice3A_686 : vector<1x256x128xbf16> to vector<256x128xbf16>
      %mul3A_688 = arith.mulf %mul3A_685, %squeeze3A_687 : vector<256x128xbf16>
      %slice3A_689 = vector.extract_strided_slice %convert_element_type3A_160 {offsets = [1, 0, 0], sizes = [1, 256, 128], strides = [1, 1, 1]} : vector<5x256x128xbf16> to vector<1x256x128xbf16>
      %squeeze3A_690 = vector.shape_cast %slice3A_689 : vector<1x256x128xbf16> to vector<256x128xbf16>
      %mul3A_691 = arith.mulf %mul3A_685, %squeeze3A_690 : vector<256x128xbf16>
      %slice3A_692 = vector.extract_strided_slice %convert_element_type3A_160 {offsets = [2, 0, 0], sizes = [1, 256, 128], strides = [1, 1, 1]} : vector<5x256x128xbf16> to vector<1x256x128xbf16>
      %squeeze3A_693 = vector.shape_cast %slice3A_692 : vector<1x256x128xbf16> to vector<256x128xbf16>
      %mul3A_694 = arith.mulf %mul3A_685, %squeeze3A_693 : vector<256x128xbf16>
      %slice3A_695 = vector.extract_strided_slice %convert_element_type3A_160 {offsets = [3, 0, 0], sizes = [1, 256, 128], strides = [1, 1, 1]} : vector<5x256x128xbf16> to vector<1x256x128xbf16>
      %squeeze3A_696 = vector.shape_cast %slice3A_695 : vector<1x256x128xbf16> to vector<256x128xbf16>
      %mul3A_697 = arith.mulf %mul3A_685, %squeeze3A_696 : vector<256x128xbf16>
      %slice3A_698 = vector.extract_strided_slice %convert_element_type3A_160 {offsets = [4, 0, 0], sizes = [1, 256, 128], strides = [1, 1, 1]} : vector<5x256x128xbf16> to vector<1x256x128xbf16>
      %squeeze3A_699 = vector.shape_cast %slice3A_698 : vector<1x256x128xbf16> to vector<256x128xbf16>
      %mul3A_700 = arith.mulf %mul3A_685, %squeeze3A_699 : vector<256x128xbf16>
      %concatenate3A_701 = tpu.concatenate %mul3A_688, %mul3A_691, %mul3A_694, %mul3A_697, %mul3A_700 in 1 : vector<256x128xbf16>, vector<256x128xbf16>, vector<256x128xbf16>, vector<256x128xbf16>, vector<256x128xbf16> -> vector<256x640xbf16>
      %get3A_702 = arith.constant 90 : index
      %get3A_703 = arith.constant 0 : index
      %get3A_704 = arith.constant 0 : index
      %get3A_705 = vector.load %arg4[%get3A_702, %get3A_703, %get3A_704] : memref<125x128x64xbf16, #tpu.memory_space<vmem>>, vector<5x128x64xbf16>
      %reshape3A_706 = vector.shape_cast %get3A_705 : vector<5x128x64xbf16> to vector<640x64xbf16>
      %dot_general3A_707 = arith.constant dense<0.000000e+00> : vector<256x64xf32>
      %dot_general3A_708 = tpu.matmul %concatenate3A_701, %reshape3A_706, %dot_general3A_707 {dimension_numbers = #tpu.dot_dimension_numbers<[1], [0], [0], [1], [0, 0, 1, 1], [], []>, transpose_lhs_hint = false} : vector<256x640xbf16>, vector<640x64xbf16>, vector<256x64xf32> -> vector<256x64xf32>
      %add3A_709 = arith.addf %add3A_680, %dot_general3A_708 : vector<256x64xf32>
      %slice3A_710 = vector.extract_strided_slice %convert_element_type3A_158 {offsets = [3, 0, 0], sizes = [1, 256, 128], strides = [1, 1, 1]} : vector<5x256x128xbf16> to vector<1x256x128xbf16>
      %squeeze3A_711 = vector.shape_cast %slice3A_710 : vector<1x256x128xbf16> to vector<256x128xbf16>
      %slice3A_712 = vector.extract_strided_slice %convert_element_type3A_159 {offsets = [4, 0, 0], sizes = [1, 256, 128], strides = [1, 1, 1]} : vector<5x256x128xbf16> to vector<1x256x128xbf16>
      %squeeze3A_713 = vector.shape_cast %slice3A_712 : vector<1x256x128xbf16> to vector<256x128xbf16>
      %mul3A_714 = arith.mulf %squeeze3A_711, %squeeze3A_713 : vector<256x128xbf16>
      %slice3A_715 = vector.extract_strided_slice %convert_element_type3A_160 {offsets = [0, 0, 0], sizes = [1, 256, 128], strides = [1, 1, 1]} : vector<5x256x128xbf16> to vector<1x256x128xbf16>
      %squeeze3A_716 = vector.shape_cast %slice3A_715 : vector<1x256x128xbf16> to vector<256x128xbf16>
      %mul3A_717 = arith.mulf %mul3A_714, %squeeze3A_716 : vector<256x128xbf16>
      %slice3A_718 = vector.extract_strided_slice %convert_element_type3A_160 {offsets = [1, 0, 0], sizes = [1, 256, 128], strides = [1, 1, 1]} : vector<5x256x128xbf16> to vector<1x256x128xbf16>
      %squeeze3A_719 = vector.shape_cast %slice3A_718 : vector<1x256x128xbf16> to vector<256x128xbf16>
      %mul3A_720 = arith.mulf %mul3A_714, %squeeze3A_719 : vector<256x128xbf16>
      %slice3A_721 = vector.extract_strided_slice %convert_element_type3A_160 {offsets = [2, 0, 0], sizes = [1, 256, 128], strides = [1, 1, 1]} : vector<5x256x128xbf16> to vector<1x256x128xbf16>
      %squeeze3A_722 = vector.shape_cast %slice3A_721 : vector<1x256x128xbf16> to vector<256x128xbf16>
      %mul3A_723 = arith.mulf %mul3A_714, %squeeze3A_722 : vector<256x128xbf16>
      %slice3A_724 = vector.extract_strided_slice %convert_element_type3A_160 {offsets = [3, 0, 0], sizes = [1, 256, 128], strides = [1, 1, 1]} : vector<5x256x128xbf16> to vector<1x256x128xbf16>
      %squeeze3A_725 = vector.shape_cast %slice3A_724 : vector<1x256x128xbf16> to vector<256x128xbf16>
      %mul3A_726 = arith.mulf %mul3A_714, %squeeze3A_725 : vector<256x128xbf16>
      %slice3A_727 = vector.extract_strided_slice %convert_element_type3A_160 {offsets = [4, 0, 0], sizes = [1, 256, 128], strides = [1, 1, 1]} : vector<5x256x128xbf16> to vector<1x256x128xbf16>
      %squeeze3A_728 = vector.shape_cast %slice3A_727 : vector<1x256x128xbf16> to vector<256x128xbf16>
      %mul3A_729 = arith.mulf %mul3A_714, %squeeze3A_728 : vector<256x128xbf16>
      %concatenate3A_730 = tpu.concatenate %mul3A_717, %mul3A_720, %mul3A_723, %mul3A_726, %mul3A_729 in 1 : vector<256x128xbf16>, vector<256x128xbf16>, vector<256x128xbf16>, vector<256x128xbf16>, vector<256x128xbf16> -> vector<256x640xbf16>
      %get3A_731 = arith.constant 95 : index
      %get3A_732 = arith.constant 0 : index
      %get3A_733 = arith.constant 0 : index
      %get3A_734 = vector.load %arg4[%get3A_731, %get3A_732, %get3A_733] : memref<125x128x64xbf16, #tpu.memory_space<vmem>>, vector<5x128x64xbf16>
      %reshape3A_735 = vector.shape_cast %get3A_734 : vector<5x128x64xbf16> to vector<640x64xbf16>
      %dot_general3A_736 = arith.constant dense<0.000000e+00> : vector<256x64xf32>
      %dot_general3A_737 = tpu.matmul %concatenate3A_730, %reshape3A_735, %dot_general3A_736 {dimension_numbers = #tpu.dot_dimension_numbers<[1], [0], [0], [1], [0, 0, 1, 1], [], []>, transpose_lhs_hint = false} : vector<256x640xbf16>, vector<640x64xbf16>, vector<256x64xf32> -> vector<256x64xf32>
      %add3A_738 = arith.addf %add3A_709, %dot_general3A_737 : vector<256x64xf32>
      %slice3A_739 = vector.extract_strided_slice %convert_element_type3A_158 {offsets = [4, 0, 0], sizes = [1, 256, 128], strides = [1, 1, 1]} : vector<5x256x128xbf16> to vector<1x256x128xbf16>
      %squeeze3A_740 = vector.shape_cast %slice3A_739 : vector<1x256x128xbf16> to vector<256x128xbf16>
      %slice3A_741 = vector.extract_strided_slice %convert_element_type3A_159 {offsets = [0, 0, 0], sizes = [1, 256, 128], strides = [1, 1, 1]} : vector<5x256x128xbf16> to vector<1x256x128xbf16>
      %squeeze3A_742 = vector.shape_cast %slice3A_741 : vector<1x256x128xbf16> to vector<256x128xbf16>
      %mul3A_743 = arith.mulf %squeeze3A_740, %squeeze3A_742 : vector<256x128xbf16>
      %slice3A_744 = vector.extract_strided_slice %convert_element_type3A_160 {offsets = [0, 0, 0], sizes = [1, 256, 128], strides = [1, 1, 1]} : vector<5x256x128xbf16> to vector<1x256x128xbf16>
      %squeeze3A_745 = vector.shape_cast %slice3A_744 : vector<1x256x128xbf16> to vector<256x128xbf16>
      %mul3A_746 = arith.mulf %mul3A_743, %squeeze3A_745 : vector<256x128xbf16>
      %slice3A_747 = vector.extract_strided_slice %convert_element_type3A_160 {offsets = [1, 0, 0], sizes = [1, 256, 128], strides = [1, 1, 1]} : vector<5x256x128xbf16> to vector<1x256x128xbf16>
      %squeeze3A_748 = vector.shape_cast %slice3A_747 : vector<1x256x128xbf16> to vector<256x128xbf16>
      %mul3A_749 = arith.mulf %mul3A_743, %squeeze3A_748 : vector<256x128xbf16>
      %slice3A_750 = vector.extract_strided_slice %convert_element_type3A_160 {offsets = [2, 0, 0], sizes = [1, 256, 128], strides = [1, 1, 1]} : vector<5x256x128xbf16> to vector<1x256x128xbf16>
      %squeeze3A_751 = vector.shape_cast %slice3A_750 : vector<1x256x128xbf16> to vector<256x128xbf16>
      %mul3A_752 = arith.mulf %mul3A_743, %squeeze3A_751 : vector<256x128xbf16>
      %slice3A_753 = vector.extract_strided_slice %convert_element_type3A_160 {offsets = [3, 0, 0], sizes = [1, 256, 128], strides = [1, 1, 1]} : vector<5x256x128xbf16> to vector<1x256x128xbf16>
      %squeeze3A_754 = vector.shape_cast %slice3A_753 : vector<1x256x128xbf16> to vector<256x128xbf16>
      %mul3A_755 = arith.mulf %mul3A_743, %squeeze3A_754 : vector<256x128xbf16>
      %slice3A_756 = vector.extract_strided_slice %convert_element_type3A_160 {offsets = [4, 0, 0], sizes = [1, 256, 128], strides = [1, 1, 1]} : vector<5x256x128xbf16> to vector<1x256x128xbf16>
      %squeeze3A_757 = vector.shape_cast %slice3A_756 : vector<1x256x128xbf16> to vector<256x128xbf16>
      %mul3A_758 = arith.mulf %mul3A_743, %squeeze3A_757 : vector<256x128xbf16>
      %concatenate3A_759 = tpu.concatenate %mul3A_746, %mul3A_749, %mul3A_752, %mul3A_755, %mul3A_758 in 1 : vector<256x128xbf16>, vector<256x128xbf16>, vector<256x128xbf16>, vector<256x128xbf16>, vector<256x128xbf16> -> vector<256x640xbf16>
      %get3A_760 = arith.constant 100 : index
      %get3A_761 = arith.constant 0 : index
      %get3A_762 = arith.constant 0 : index
      %get3A_763 = vector.load %arg4[%get3A_760, %get3A_761, %get3A_762] : memref<125x128x64xbf16, #tpu.memory_space<vmem>>, vector<5x128x64xbf16>
      %reshape3A_764 = vector.shape_cast %get3A_763 : vector<5x128x64xbf16> to vector<640x64xbf16>
      %dot_general3A_765 = arith.constant dense<0.000000e+00> : vector<256x64xf32>
      %dot_general3A_766 = tpu.matmul %concatenate3A_759, %reshape3A_764, %dot_general3A_765 {dimension_numbers = #tpu.dot_dimension_numbers<[1], [0], [0], [1], [0, 0, 1, 1], [], []>, transpose_lhs_hint = false} : vector<256x640xbf16>, vector<640x64xbf16>, vector<256x64xf32> -> vector<256x64xf32>
      %add3A_767 = arith.addf %add3A_738, %dot_general3A_766 : vector<256x64xf32>
      %slice3A_768 = vector.extract_strided_slice %convert_element_type3A_158 {offsets = [4, 0, 0], sizes = [1, 256, 128], strides = [1, 1, 1]} : vector<5x256x128xbf16> to vector<1x256x128xbf16>
      %squeeze3A_769 = vector.shape_cast %slice3A_768 : vector<1x256x128xbf16> to vector<256x128xbf16>
      %slice3A_770 = vector.extract_strided_slice %convert_element_type3A_159 {offsets = [1, 0, 0], sizes = [1, 256, 128], strides = [1, 1, 1]} : vector<5x256x128xbf16> to vector<1x256x128xbf16>
      %squeeze3A_771 = vector.shape_cast %slice3A_770 : vector<1x256x128xbf16> to vector<256x128xbf16>
      %mul3A_772 = arith.mulf %squeeze3A_769, %squeeze3A_771 : vector<256x128xbf16>
      %slice3A_773 = vector.extract_strided_slice %convert_element_type3A_160 {offsets = [0, 0, 0], sizes = [1, 256, 128], strides = [1, 1, 1]} : vector<5x256x128xbf16> to vector<1x256x128xbf16>
      %squeeze3A_774 = vector.shape_cast %slice3A_773 : vector<1x256x128xbf16> to vector<256x128xbf16>
      %mul3A_775 = arith.mulf %mul3A_772, %squeeze3A_774 : vector<256x128xbf16>
      %slice3A_776 = vector.extract_strided_slice %convert_element_type3A_160 {offsets = [1, 0, 0], sizes = [1, 256, 128], strides = [1, 1, 1]} : vector<5x256x128xbf16> to vector<1x256x128xbf16>
      %squeeze3A_777 = vector.shape_cast %slice3A_776 : vector<1x256x128xbf16> to vector<256x128xbf16>
      %mul3A_778 = arith.mulf %mul3A_772, %squeeze3A_777 : vector<256x128xbf16>
      %slice3A_779 = vector.extract_strided_slice %convert_element_type3A_160 {offsets = [2, 0, 0], sizes = [1, 256, 128], strides = [1, 1, 1]} : vector<5x256x128xbf16> to vector<1x256x128xbf16>
      %squeeze3A_780 = vector.shape_cast %slice3A_779 : vector<1x256x128xbf16> to vector<256x128xbf16>
      %mul3A_781 = arith.mulf %mul3A_772, %squeeze3A_780 : vector<256x128xbf16>
      %slice3A_782 = vector.extract_strided_slice %convert_element_type3A_160 {offsets = [3, 0, 0], sizes = [1, 256, 128], strides = [1, 1, 1]} : vector<5x256x128xbf16> to vector<1x256x128xbf16>
      %squeeze3A_783 = vector.shape_cast %slice3A_782 : vector<1x256x128xbf16> to vector<256x128xbf16>
      %mul3A_784 = arith.mulf %mul3A_772, %squeeze3A_783 : vector<256x128xbf16>
      %slice3A_785 = vector.extract_strided_slice %convert_element_type3A_160 {offsets = [4, 0, 0], sizes = [1, 256, 128], strides = [1, 1, 1]} : vector<5x256x128xbf16> to vector<1x256x128xbf16>
      %squeeze3A_786 = vector.shape_cast %slice3A_785 : vector<1x256x128xbf16> to vector<256x128xbf16>
      %mul3A_787 = arith.mulf %mul3A_772, %squeeze3A_786 : vector<256x128xbf16>
      %concatenate3A_788 = tpu.concatenate %mul3A_775, %mul3A_778, %mul3A_781, %mul3A_784, %mul3A_787 in 1 : vector<256x128xbf16>, vector<256x128xbf16>, vector<256x128xbf16>, vector<256x128xbf16>, vector<256x128xbf16> -> vector<256x640xbf16>
      %get3A_789 = arith.constant 105 : index
      %get3A_790 = arith.constant 0 : index
      %get3A_791 = arith.constant 0 : index
      %get3A_792 = vector.load %arg4[%get3A_789, %get3A_790, %get3A_791] : memref<125x128x64xbf16, #tpu.memory_space<vmem>>, vector<5x128x64xbf16>
      %reshape3A_793 = vector.shape_cast %get3A_792 : vector<5x128x64xbf16> to vector<640x64xbf16>
      %dot_general3A_794 = arith.constant dense<0.000000e+00> : vector<256x64xf32>
      %dot_general3A_795 = tpu.matmul %concatenate3A_788, %reshape3A_793, %dot_general3A_794 {dimension_numbers = #tpu.dot_dimension_numbers<[1], [0], [0], [1], [0, 0, 1, 1], [], []>, transpose_lhs_hint = false} : vector<256x640xbf16>, vector<640x64xbf16>, vector<256x64xf32> -> vector<256x64xf32>
      %add3A_796 = arith.addf %add3A_767, %dot_general3A_795 : vector<256x64xf32>
      %slice3A_797 = vector.extract_strided_slice %convert_element_type3A_158 {offsets = [4, 0, 0], sizes = [1, 256, 128], strides = [1, 1, 1]} : vector<5x256x128xbf16> to vector<1x256x128xbf16>
      %squeeze3A_798 = vector.shape_cast %slice3A_797 : vector<1x256x128xbf16> to vector<256x128xbf16>
      %slice3A_799 = vector.extract_strided_slice %convert_element_type3A_159 {offsets = [2, 0, 0], sizes = [1, 256, 128], strides = [1, 1, 1]} : vector<5x256x128xbf16> to vector<1x256x128xbf16>
      %squeeze3A_800 = vector.shape_cast %slice3A_799 : vector<1x256x128xbf16> to vector<256x128xbf16>
      %mul3A_801 = arith.mulf %squeeze3A_798, %squeeze3A_800 : vector<256x128xbf16>
      %slice3A_802 = vector.extract_strided_slice %convert_element_type3A_160 {offsets = [0, 0, 0], sizes = [1, 256, 128], strides = [1, 1, 1]} : vector<5x256x128xbf16> to vector<1x256x128xbf16>
      %squeeze3A_803 = vector.shape_cast %slice3A_802 : vector<1x256x128xbf16> to vector<256x128xbf16>
      %mul3A_804 = arith.mulf %mul3A_801, %squeeze3A_803 : vector<256x128xbf16>
      %slice3A_805 = vector.extract_strided_slice %convert_element_type3A_160 {offsets = [1, 0, 0], sizes = [1, 256, 128], strides = [1, 1, 1]} : vector<5x256x128xbf16> to vector<1x256x128xbf16>
      %squeeze3A_806 = vector.shape_cast %slice3A_805 : vector<1x256x128xbf16> to vector<256x128xbf16>
      %mul3A_807 = arith.mulf %mul3A_801, %squeeze3A_806 : vector<256x128xbf16>
      %slice3A_808 = vector.extract_strided_slice %convert_element_type3A_160 {offsets = [2, 0, 0], sizes = [1, 256, 128], strides = [1, 1, 1]} : vector<5x256x128xbf16> to vector<1x256x128xbf16>
      %squeeze3A_809 = vector.shape_cast %slice3A_808 : vector<1x256x128xbf16> to vector<256x128xbf16>
      %mul3A_810 = arith.mulf %mul3A_801, %squeeze3A_809 : vector<256x128xbf16>
      %slice3A_811 = vector.extract_strided_slice %convert_element_type3A_160 {offsets = [3, 0, 0], sizes = [1, 256, 128], strides = [1, 1, 1]} : vector<5x256x128xbf16> to vector<1x256x128xbf16>
      %squeeze3A_812 = vector.shape_cast %slice3A_811 : vector<1x256x128xbf16> to vector<256x128xbf16>
      %mul3A_813 = arith.mulf %mul3A_801, %squeeze3A_812 : vector<256x128xbf16>
      %slice3A_814 = vector.extract_strided_slice %convert_element_type3A_160 {offsets = [4, 0, 0], sizes = [1, 256, 128], strides = [1, 1, 1]} : vector<5x256x128xbf16> to vector<1x256x128xbf16>
      %squeeze3A_815 = vector.shape_cast %slice3A_814 : vector<1x256x128xbf16> to vector<256x128xbf16>
      %mul3A_816 = arith.mulf %mul3A_801, %squeeze3A_815 : vector<256x128xbf16>
      %concatenate3A_817 = tpu.concatenate %mul3A_804, %mul3A_807, %mul3A_810, %mul3A_813, %mul3A_816 in 1 : vector<256x128xbf16>, vector<256x128xbf16>, vector<256x128xbf16>, vector<256x128xbf16>, vector<256x128xbf16> -> vector<256x640xbf16>
      %get3A_818 = arith.constant 110 : index
      %get3A_819 = arith.constant 0 : index
      %get3A_820 = arith.constant 0 : index
      %get3A_821 = vector.load %arg4[%get3A_818, %get3A_819, %get3A_820] : memref<125x128x64xbf16, #tpu.memory_space<vmem>>, vector<5x128x64xbf16>
      %reshape3A_822 = vector.shape_cast %get3A_821 : vector<5x128x64xbf16> to vector<640x64xbf16>
      %dot_general3A_823 = arith.constant dense<0.000000e+00> : vector<256x64xf32>
      %dot_general3A_824 = tpu.matmul %concatenate3A_817, %reshape3A_822, %dot_general3A_823 {dimension_numbers = #tpu.dot_dimension_numbers<[1], [0], [0], [1], [0, 0, 1, 1], [], []>, transpose_lhs_hint = false} : vector<256x640xbf16>, vector<640x64xbf16>, vector<256x64xf32> -> vector<256x64xf32>
      %add3A_825 = arith.addf %add3A_796, %dot_general3A_824 : vector<256x64xf32>
      %slice3A_826 = vector.extract_strided_slice %convert_element_type3A_158 {offsets = [4, 0, 0], sizes = [1, 256, 128], strides = [1, 1, 1]} : vector<5x256x128xbf16> to vector<1x256x128xbf16>
      %squeeze3A_827 = vector.shape_cast %slice3A_826 : vector<1x256x128xbf16> to vector<256x128xbf16>
      %slice3A_828 = vector.extract_strided_slice %convert_element_type3A_159 {offsets = [3, 0, 0], sizes = [1, 256, 128], strides = [1, 1, 1]} : vector<5x256x128xbf16> to vector<1x256x128xbf16>
      %squeeze3A_829 = vector.shape_cast %slice3A_828 : vector<1x256x128xbf16> to vector<256x128xbf16>
      %mul3A_830 = arith.mulf %squeeze3A_827, %squeeze3A_829 : vector<256x128xbf16>
      %slice3A_831 = vector.extract_strided_slice %convert_element_type3A_160 {offsets = [0, 0, 0], sizes = [1, 256, 128], strides = [1, 1, 1]} : vector<5x256x128xbf16> to vector<1x256x128xbf16>
      %squeeze3A_832 = vector.shape_cast %slice3A_831 : vector<1x256x128xbf16> to vector<256x128xbf16>
      %mul3A_833 = arith.mulf %mul3A_830, %squeeze3A_832 : vector<256x128xbf16>
      %slice3A_834 = vector.extract_strided_slice %convert_element_type3A_160 {offsets = [1, 0, 0], sizes = [1, 256, 128], strides = [1, 1, 1]} : vector<5x256x128xbf16> to vector<1x256x128xbf16>
      %squeeze3A_835 = vector.shape_cast %slice3A_834 : vector<1x256x128xbf16> to vector<256x128xbf16>
      %mul3A_836 = arith.mulf %mul3A_830, %squeeze3A_835 : vector<256x128xbf16>
      %slice3A_837 = vector.extract_strided_slice %convert_element_type3A_160 {offsets = [2, 0, 0], sizes = [1, 256, 128], strides = [1, 1, 1]} : vector<5x256x128xbf16> to vector<1x256x128xbf16>
      %squeeze3A_838 = vector.shape_cast %slice3A_837 : vector<1x256x128xbf16> to vector<256x128xbf16>
      %mul3A_839 = arith.mulf %mul3A_830, %squeeze3A_838 : vector<256x128xbf16>
      %slice3A_840 = vector.extract_strided_slice %convert_element_type3A_160 {offsets = [3, 0, 0], sizes = [1, 256, 128], strides = [1, 1, 1]} : vector<5x256x128xbf16> to vector<1x256x128xbf16>
      %squeeze3A_841 = vector.shape_cast %slice3A_840 : vector<1x256x128xbf16> to vector<256x128xbf16>
      %mul3A_842 = arith.mulf %mul3A_830, %squeeze3A_841 : vector<256x128xbf16>
      %slice3A_843 = vector.extract_strided_slice %convert_element_type3A_160 {offsets = [4, 0, 0], sizes = [1, 256, 128], strides = [1, 1, 1]} : vector<5x256x128xbf16> to vector<1x256x128xbf16>
      %squeeze3A_844 = vector.shape_cast %slice3A_843 : vector<1x256x128xbf16> to vector<256x128xbf16>
      %mul3A_845 = arith.mulf %mul3A_830, %squeeze3A_844 : vector<256x128xbf16>
      %concatenate3A_846 = tpu.concatenate %mul3A_833, %mul3A_836, %mul3A_839, %mul3A_842, %mul3A_845 in 1 : vector<256x128xbf16>, vector<256x128xbf16>, vector<256x128xbf16>, vector<256x128xbf16>, vector<256x128xbf16> -> vector<256x640xbf16>
      %get3A_847 = arith.constant 115 : index
      %get3A_848 = arith.constant 0 : index
      %get3A_849 = arith.constant 0 : index
      %get3A_850 = vector.load %arg4[%get3A_847, %get3A_848, %get3A_849] : memref<125x128x64xbf16, #tpu.memory_space<vmem>>, vector<5x128x64xbf16>
      %reshape3A_851 = vector.shape_cast %get3A_850 : vector<5x128x64xbf16> to vector<640x64xbf16>
      %dot_general3A_852 = arith.constant dense<0.000000e+00> : vector<256x64xf32>
      %dot_general3A_853 = tpu.matmul %concatenate3A_846, %reshape3A_851, %dot_general3A_852 {dimension_numbers = #tpu.dot_dimension_numbers<[1], [0], [0], [1], [0, 0, 1, 1], [], []>, transpose_lhs_hint = false} : vector<256x640xbf16>, vector<640x64xbf16>, vector<256x64xf32> -> vector<256x64xf32>
      %add3A_854 = arith.addf %add3A_825, %dot_general3A_853 : vector<256x64xf32>
      %slice3A_855 = vector.extract_strided_slice %convert_element_type3A_158 {offsets = [4, 0, 0], sizes = [1, 256, 128], strides = [1, 1, 1]} : vector<5x256x128xbf16> to vector<1x256x128xbf16>
      %squeeze3A_856 = vector.shape_cast %slice3A_855 : vector<1x256x128xbf16> to vector<256x128xbf16>
      %slice3A_857 = vector.extract_strided_slice %convert_element_type3A_159 {offsets = [4, 0, 0], sizes = [1, 256, 128], strides = [1, 1, 1]} : vector<5x256x128xbf16> to vector<1x256x128xbf16>
      %squeeze3A_858 = vector.shape_cast %slice3A_857 : vector<1x256x128xbf16> to vector<256x128xbf16>
      %mul3A_859 = arith.mulf %squeeze3A_856, %squeeze3A_858 : vector<256x128xbf16>
      %slice3A_860 = vector.extract_strided_slice %convert_element_type3A_160 {offsets = [0, 0, 0], sizes = [1, 256, 128], strides = [1, 1, 1]} : vector<5x256x128xbf16> to vector<1x256x128xbf16>
      %squeeze3A_861 = vector.shape_cast %slice3A_860 : vector<1x256x128xbf16> to vector<256x128xbf16>
      %mul3A_862 = arith.mulf %mul3A_859, %squeeze3A_861 : vector<256x128xbf16>
      %slice3A_863 = vector.extract_strided_slice %convert_element_type3A_160 {offsets = [1, 0, 0], sizes = [1, 256, 128], strides = [1, 1, 1]} : vector<5x256x128xbf16> to vector<1x256x128xbf16>
      %squeeze3A_864 = vector.shape_cast %slice3A_863 : vector<1x256x128xbf16> to vector<256x128xbf16>
      %mul3A_865 = arith.mulf %mul3A_859, %squeeze3A_864 : vector<256x128xbf16>
      %slice3A_866 = vector.extract_strided_slice %convert_element_type3A_160 {offsets = [2, 0, 0], sizes = [1, 256, 128], strides = [1, 1, 1]} : vector<5x256x128xbf16> to vector<1x256x128xbf16>
      %squeeze3A_867 = vector.shape_cast %slice3A_866 : vector<1x256x128xbf16> to vector<256x128xbf16>
      %mul3A_868 = arith.mulf %mul3A_859, %squeeze3A_867 : vector<256x128xbf16>
      %slice3A_869 = vector.extract_strided_slice %convert_element_type3A_160 {offsets = [3, 0, 0], sizes = [1, 256, 128], strides = [1, 1, 1]} : vector<5x256x128xbf16> to vector<1x256x128xbf16>
      %squeeze3A_870 = vector.shape_cast %slice3A_869 : vector<1x256x128xbf16> to vector<256x128xbf16>
      %mul3A_871 = arith.mulf %mul3A_859, %squeeze3A_870 : vector<256x128xbf16>
      %slice3A_872 = vector.extract_strided_slice %convert_element_type3A_160 {offsets = [4, 0, 0], sizes = [1, 256, 128], strides = [1, 1, 1]} : vector<5x256x128xbf16> to vector<1x256x128xbf16>
      %squeeze3A_873 = vector.shape_cast %slice3A_872 : vector<1x256x128xbf16> to vector<256x128xbf16>
      %mul3A_874 = arith.mulf %mul3A_859, %squeeze3A_873 : vector<256x128xbf16>
      %concatenate3A_875 = tpu.concatenate %mul3A_862, %mul3A_865, %mul3A_868, %mul3A_871, %mul3A_874 in 1 : vector<256x128xbf16>, vector<256x128xbf16>, vector<256x128xbf16>, vector<256x128xbf16>, vector<256x128xbf16> -> vector<256x640xbf16>
      %get3A_876 = arith.constant 120 : index
      %get3A_877 = arith.constant 0 : index
      %get3A_878 = arith.constant 0 : index
      %get3A_879 = vector.load %arg4[%get3A_876, %get3A_877, %get3A_878] : memref<125x128x64xbf16, #tpu.memory_space<vmem>>, vector<5x128x64xbf16>
      %reshape3A_880 = vector.shape_cast %get3A_879 : vector<5x128x64xbf16> to vector<640x64xbf16>
      %dot_general3A_881 = arith.constant dense<0.000000e+00> : vector<256x64xf32>
      %dot_general3A_882 = tpu.matmul %concatenate3A_875, %reshape3A_880, %dot_general3A_881 {dimension_numbers = #tpu.dot_dimension_numbers<[1], [0], [0], [1], [0, 0, 1, 1], [], []>, transpose_lhs_hint = false} : vector<256x640xbf16>, vector<640x64xbf16>, vector<256x64xf32> -> vector<256x64xf32>
      %add3A_883 = arith.addf %add3A_854, %dot_general3A_882 : vector<256x64xf32>
      %get3A_884 = arith.constant 0 : index
      %get3A_885 = arith.constant 0 : index
      %get3A_886 = vector.load %arg9[%get3A_884, %get3A_885] : memref<256x64xf32, #tpu.memory_space<vmem>>, vector<256x64xf32>
      %add3A_887 = arith.addf %get3A_886, %add3A_883 : vector<256x64xf32>
      %swap3A_888 = arith.constant 0 : index
      %swap3A_889 = arith.constant 0 : index
      %swap3A_890 = vector.load %arg9[%swap3A_888, %swap3A_889] : memref<256x64xf32, #tpu.memory_space<vmem>>, vector<256x64xf32>
      tpu.vector_store %arg9[%swap3A_888, %swap3A_889], %add3A_887 {strides = array<i32>} : memref<256x64xf32, #tpu.memory_space<vmem>>, vector<256x64xf32>,
    } else {
    }
    %eq3A_31 = arith.constant 15 : i32
    %eq3A_32 = arith.cmpi eq, %arg1, %eq3A_31 : i32
    %convert_element_type3A_33 = arith.extui %eq3A_32 : i1 to i32
    %cond3A_34 = arith.constant 0 : i32
    %cond3A_35 = arith.cmpi ne, %convert_element_type3A_33, %cond3A_34 : i32
    scf.if %cond3A_35 {
      %get3A_36 = arith.constant 0 : index
      %get3A_37 = arith.constant 0 : index
      %get3A_38 = vector.load %arg9[%get3A_36, %get3A_37] : memref<256x64xf32, #tpu.memory_space<vmem>>, vector<256x64xf32>
      %get3A_39 = arith.constant 0 : index
      %get3A_40 = arith.constant 0 : index
      %get3A_41 = vector.load %arg10[%get3A_39, %get3A_40] : memref<256x1xf32, #tpu.memory_space<vmem>>, vector<256x1xf32>
      %max3A_42 = arith.constant 1.000000e+00 : f32
      %max3A_43 = vector.broadcast %max3A_42 : f32 to vector<256x1xf32>
      %max3A_44 = arith.maximumf %get3A_41, %max3A_43 : vector<256x1xf32>
      %div3A = vector.broadcast %max3A_44 : vector<256x1xf32> to vector<256x64xf32>
      %div3A_45 = arith.divf %get3A_38, %div3A : vector<256x64xf32>
      %get3A_46 = arith.constant 0 : index
      %get3A_47 = arith.constant 0 : index
      %get3A_48 = vector.load %arg5[%get3A_46, %get3A_47] : memref<256x64xf32, #tpu.memory_space<vmem>>, vector<256x64xf32>
      %get3A_49 = arith.constant 0 : index
      %get3A_50 = arith.constant 0 : index
      %get3A_51 = vector.load %arg6[%get3A_49, %get3A_50] : memref<64x64xf32, #tpu.memory_space<vmem>>, vector<64x64xf32>
      %dot_general3A = arith.constant dense<0.000000e+00> : vector<256x64xf32>
      %dot_general3A_52 = tpu.matmul %get3A_48, %get3A_51, %dot_general3A {dimension_numbers = #tpu.dot_dimension_numbers<[1], [0], [0], [1], [0, 0, 1, 1], [], []>, transpose_lhs_hint = false} : vector<256x64xf32>, vector<64x64xf32>, vector<256x64xf32> -> vector<256x64xf32>
      %add3A = arith.addf %div3A_45, %dot_general3A_52 : vector<256x64xf32>
      %get3A_53 = arith.constant 0 : index
      %get3A_54 = arith.constant 0 : index
      %get3A_55 = vector.load %arg7[%get3A_53, %get3A_54] : memref<1x64xf32, #tpu.memory_space<vmem>>, vector<1x64xf32>
      %add3A_56 = vector.broadcast %get3A_55 : vector<1x64xf32> to vector<256x64xf32>
      %add3A_57 = arith.addf %add3A, %add3A_56 : vector<256x64xf32>
      %gt3A = arith.constant 0.000000e+00 : f32
      %gt3A_58 = vector.broadcast %gt3A : f32 to vector<256x64xf32>
      %gt3A_59 = arith.cmpf ogt, %add3A_57, %gt3A_58 : vector<256x64xf32>
      %min3A = arith.constant 0.000000e+00 : f32
      %min3A_60 = vector.broadcast %min3A : f32 to vector<256x64xf32>
      %min3A_61 = arith.minimumf %add3A_57, %min3A_60 : vector<256x64xf32>
      %exp3A = math.exp %min3A_61 : vector<256x64xf32>
      %sub3A_62 = arith.constant 1.000000e+00 : f32
      %sub3A_63 = vector.broadcast %sub3A_62 : f32 to vector<256x64xf32>
      %sub3A_64 = arith.subf %exp3A, %sub3A_63 : vector<256x64xf32>
      %select_n3A = arith.select %gt3A_59, %add3A_57, %sub3A_64 : vector<256x64xi1>, vector<256x64xf32>
      %swap3A = arith.constant 0 : index
      %swap3A_65 = arith.constant 0 : index
      %swap3A_66 = vector.load %arg8[%swap3A, %swap3A_65] : memref<256x64xf32, #tpu.memory_space<vmem>>, vector<256x64xf32>
      tpu.vector_store %arg8[%swap3A, %swap3A_65], %select_n3A {strides = array<i32>} : memref<256x64xf32, #tpu.memory_space<vmem>>, vector<256x64xf32>,
    } else {
    }
    return
  }
  func.func @transform_0(%arg0: i32, %arg1: i32) -> (i32, i32) {
    %c0_i32 = arith.constant 0 : i32
    %c0_i32_0 = arith.constant 0 : i32
    return %arg0, %c0_i32 : i32, i32
  }
  func.func @transform_1(%arg0: i32, %arg1: i32) -> (i32, i32) {
    %c0_i32 = arith.constant 0 : i32
    %c0_i32_0 = arith.constant 0 : i32
    return %c0_i32, %arg1 : i32, i32
  }
  func.func @transform_2(%arg0: i32, %arg1: i32) -> (i32, i32, i32) {
    %c0_i32 = arith.constant 0 : i32
    %c0_i32_0 = arith.constant 0 : i32
    %c0_i32_1 = arith.constant 0 : i32
    return %c0_i32, %arg1, %c0_i32_0 : i32, i32, i32
  }
  func.func @transform_3(%arg0: i32, %arg1: i32) -> (i32, i32) {
    %c0_i32 = arith.constant 0 : i32
    %c0_i32_0 = arith.constant 0 : i32
    return %arg0, %c0_i32 : i32, i32
  }
  func.func @transform_4(%arg0: i32, %arg1: i32) -> (i32, i32) {
    %c0_i32 = arith.constant 0 : i32
    %c0_i32_0 = arith.constant 0 : i32
    %c0_i32_1 = arith.constant 0 : i32
    return %c0_i32, %c0_i32_0 : i32, i32
  }
  func.func @transform_5(%arg0: i32, %arg1: i32) -> (i32, i32) {
    %c0_i32 = arith.constant 0 : i32
    %c0_i32_0 = arith.constant 0 : i32
    %c0_i32_1 = arith.constant 0 : i32
    return %c0_i32, %c0_i32_0 : i32, i32
  }
  func.func @transform_6(%arg0: i32, %arg1: i32) -> (i32, i32) {
    %c0_i32 = arith.constant 0 : i32
    %c0_i32_0 = arith.constant 0 : i32
    return %arg0, %c0_i32 : i32, i32
  }
}

module attributes {stable_mosaic.version = 14 : i64} {
  func.func @_fps_kernel(%arg0: memref<24x256xf32, #tpu.memory_space<vmem>>, %arg1: memref<2048x8xf32, #tpu.memory_space<vmem>>, %arg2: memref<2048x64xf32, #tpu.memory_space<vmem>>, %arg3: memref<512x8xf32, #tpu.memory_space<vmem>>, %arg4: memref<512x64xf32, #tpu.memory_space<vmem>>, %arg5: memref<8x256xf32, #tpu.memory_space<vmem>>) attributes {dimension_semantics = [], scalar_prefetch = 0 : i64, scratch_operands = 1 : i64, tpu.core_type = #tpu.core_type<tc>} {
    %iota3A = tpu.iota {dimensions = array<i32: 0>} : vector<8x256xi32>
    %mul3A = arith.constant 256 : i32
    %mul3A_0 = vector.broadcast %mul3A : i32 to vector<8x256xi32>
    %mul3A_1 = arith.muli %iota3A, %mul3A_0 : vector<8x256xi32>
    %iota3A_2 = tpu.iota {dimensions = array<i32: 1>} : vector<8x256xi32>
    %add3A = arith.addi %mul3A_1, %iota3A_2 : vector<8x256xi32>
    %get3A = arith.constant 0 : index
    %get3A_3 = arith.constant 0 : index
    %get3A_4 = vector.load %arg0[%get3A, %get3A_3] : memref<24x256xf32, #tpu.memory_space<vmem>>, vector<8x256xf32>
    %get3A_5 = arith.constant 8 : index
    %get3A_6 = arith.constant 0 : index
    %get3A_7 = vector.load %arg0[%get3A_5, %get3A_6] : memref<24x256xf32, #tpu.memory_space<vmem>>, vector<8x256xf32>
    %get3A_8 = arith.constant 16 : index
    %get3A_9 = arith.constant 0 : index
    %get3A_10 = vector.load %arg0[%get3A_8, %get3A_9] : memref<24x256xf32, #tpu.memory_space<vmem>>, vector<8x256xf32>
    %broadcast_in_dim3A = arith.constant 0x7F800000 : f32
    %broadcast_in_dim3A_11 = vector.broadcast %broadcast_in_dim3A : f32 to vector<8x256xf32>
    %swap3A = arith.constant 0 : index
    %swap3A_12 = arith.constant 0 : index
    %swap3A_13 = vector.load %arg5[%swap3A, %swap3A_12] : memref<8x256xf32, #tpu.memory_space<vmem>>, vector<8x256xf32>
    tpu.vector_store %arg5[%swap3A, %swap3A_12], %broadcast_in_dim3A_11 {strides = array<i32>} : memref<8x256xf32, #tpu.memory_space<vmem>>, vector<8x256xf32>,
    %scan3A = arith.constant 0 : i32
    %scan3A_14 = arith.constant 0 : i32
    %scan3A_15 = arith.constant 512 : i32
    %scan3A_16 = arith.addi %scan3A_14, %scan3A_15 : i32
    %scan3A_17 = arith.constant 1 : i32
    %scan3A_18 = scf.for %scan3A_20 = %scan3A_14 to %scan3A_16 step %scan3A_17 iter_args(%scan3A_21 = %scan3A) -> (i32)  : i32 {
      %get3A_22 = arith.index_cast %scan3A_21 : i32 to index
      %get3A_23 = arith.constant 0 : index
      %get3A_24 = vector.load %arg1[%get3A_22, %get3A_23] : memref<2048x8xf32, #tpu.memory_space<vmem>>, vector<1x8xf32>
      %swap3A_25 = arith.index_cast %scan3A_20 : i32 to index
      %swap3A_26 = arith.constant 0 : index
      %swap3A_27 = vector.load %arg3[%swap3A_25, %swap3A_26] : memref<512x8xf32, #tpu.memory_space<vmem>>, vector<1x8xf32>
      tpu.vector_store %arg3[%swap3A_25, %swap3A_26], %get3A_24 {strides = array<i32>} : memref<512x8xf32, #tpu.memory_space<vmem>>, vector<1x8xf32>,
      %get3A_28 = arith.index_cast %scan3A_21 : i32 to index
      %get3A_29 = arith.constant 0 : index
      %get3A_30 = vector.load %arg2[%get3A_28, %get3A_29] : memref<2048x64xf32, #tpu.memory_space<vmem>>, vector<1x64xf32>
      %swap3A_31 = arith.index_cast %scan3A_20 : i32 to index
      %swap3A_32 = arith.constant 0 : index
      %swap3A_33 = vector.load %arg4[%swap3A_31, %swap3A_32] : memref<512x64xf32, #tpu.memory_space<vmem>>, vector<1x64xf32>
      tpu.vector_store %arg4[%swap3A_31, %swap3A_32], %get3A_30 {strides = array<i32>} : memref<512x64xf32, #tpu.memory_space<vmem>>, vector<1x64xf32>,
      %get3A_34 = arith.index_cast %scan3A_21 : i32 to index
      %get3A_35 = arith.constant 0 : index
      %get3A_36 = vector.load %arg1[%get3A_34, %get3A_35] : memref<2048x8xf32, #tpu.memory_space<vmem>>, vector<1x1xf32>
      %get3A_37 = vector.extract %get3A_36[0, 0] : f32 from vector<1x1xf32>
      %get3A_38 = arith.index_cast %scan3A_21 : i32 to index
      %get3A_39 = arith.constant 1 : index
      %get3A_40 = vector.load %arg1[%get3A_38, %get3A_39] : memref<2048x8xf32, #tpu.memory_space<vmem>>, vector<1x1xf32>
      %get3A_41 = vector.extract %get3A_40[0, 0] : f32 from vector<1x1xf32>
      %get3A_42 = arith.index_cast %scan3A_21 : i32 to index
      %get3A_43 = arith.constant 2 : index
      %get3A_44 = vector.load %arg1[%get3A_42, %get3A_43] : memref<2048x8xf32, #tpu.memory_space<vmem>>, vector<1x1xf32>
      %get3A_45 = vector.extract %get3A_44[0, 0] : f32 from vector<1x1xf32>
      %sub3A = vector.broadcast %get3A_37 : f32 to vector<8x256xf32>
      %sub3A_46 = arith.subf %get3A_4, %sub3A : vector<8x256xf32>
      %integer_pow3A = arith.mulf %sub3A_46, %sub3A_46 : vector<8x256xf32>
      %sub3A_47 = vector.broadcast %get3A_41 : f32 to vector<8x256xf32>
      %sub3A_48 = arith.subf %get3A_7, %sub3A_47 : vector<8x256xf32>
      %integer_pow3A_49 = arith.mulf %sub3A_48, %sub3A_48 : vector<8x256xf32>
      %add3A_50 = arith.addf %integer_pow3A, %integer_pow3A_49 : vector<8x256xf32>
      %sub3A_51 = vector.broadcast %get3A_45 : f32 to vector<8x256xf32>
      %sub3A_52 = arith.subf %get3A_10, %sub3A_51 : vector<8x256xf32>
      %integer_pow3A_53 = arith.mulf %sub3A_52, %sub3A_52 : vector<8x256xf32>
      %add3A_54 = arith.addf %add3A_50, %integer_pow3A_53 : vector<8x256xf32>
      %get3A_55 = arith.constant 0 : index
      %get3A_56 = arith.constant 0 : index
      %get3A_57 = vector.load %arg5[%get3A_55, %get3A_56] : memref<8x256xf32, #tpu.memory_space<vmem>>, vector<8x256xf32>
      %min3A = arith.minimumf %get3A_57, %add3A_54 : vector<8x256xf32>
      %swap3A_58 = arith.constant 0 : index
      %swap3A_59 = arith.constant 0 : index
      %swap3A_60 = vector.load %arg5[%swap3A_58, %swap3A_59] : memref<8x256xf32, #tpu.memory_space<vmem>>, vector<8x256xf32>
      tpu.vector_store %arg5[%swap3A_58, %swap3A_59], %min3A {strides = array<i32>} : memref<8x256xf32, #tpu.memory_space<vmem>>, vector<8x256xf32>,
      %reduce_max3A = vector.shape_cast %min3A : vector<8x256xf32> to vector<1x8x256xf32>
      %reduce_max3A_61 = arith.constant dense<0xFF800000> : vector<1xf32>
      %reduce_max3A_62 = vector.multi_reduction <maximumf>, %reduce_max3A, %reduce_max3A_61 [1, 2] : vector<1x8x256xf32> to vector<1xf32>
      %reduce_max3A_63 = vector.shape_cast %reduce_max3A_62 : vector<1xf32> to vector<1x1x1xf32>
      %reduce_max3A_64 = vector.extract %reduce_max3A_63[0, 0, 0] : f32 from vector<1x1x1xf32>
      %eq3A = vector.broadcast %reduce_max3A_64 : f32 to vector<8x256xf32>
      %eq3A_65 = arith.cmpf oeq, %min3A, %eq3A : vector<8x256xf32>
      %jit3A = arith.constant 2048 : i32
      %broadcast_in_dim3A_66 = vector.broadcast %jit3A : i32 to vector<8x256xi32>
      %select_n3A = arith.select %eq3A_65, %add3A, %broadcast_in_dim3A_66 : vector<8x256xi1>, vector<8x256xi32>
      %reduce_min3A = vector.shape_cast %select_n3A : vector<8x256xi32> to vector<1x8x256xi32>
      %reduce_min3A_67 = arith.constant dense<2147483647> : vector<1xi32>
      %reduce_min3A_68 = vector.multi_reduction <minsi>, %reduce_min3A, %reduce_min3A_67 [1, 2] : vector<1x8x256xi32> to vector<1xi32>
      %reduce_min3A_69 = vector.shape_cast %reduce_min3A_68 : vector<1xi32> to vector<1x1x1xi32>
      %reduce_min3A_70 = vector.extract %reduce_min3A_69[0, 0, 0] : i32 from vector<1x1x1xi32>
      scf.yield %reduce_min3A_70 : i32
    }
    %scan3A_19 = arith.constant 512 : i32
    return
  }
}

module attributes {stable_mosaic.version = 14 : i64} {
  func.func @_xw_kernel(%arg0: i32, %arg1: memref<512x64xf32, #tpu.memory_space<vmem>>, %arg2: memref<1x64x128xf32, #tpu.memory_space<vmem>>, %arg3: memref<1x512x128xbf16, #tpu.memory_space<vmem>>) attributes {dimension_semantics = [#tpu.dimension_semantics<arbitrary>], iteration_bounds = array<i64: 125>, scalar_prefetch = 0 : i64, scratch_operands = 0 : i64, tpu.core_type = #tpu.core_type<tc>, window_params = [{pipeline_mode = #tpu.pipeline_mode<synchronous>, transform_indices = @transform_0, window_bounds = array<i64: 512, 64>}, {transform_indices = @transform_1, window_bounds = array<i64: 1, 64, 128>}, {transform_indices = @transform_2, window_bounds = array<i64: 1, 512, 128>}]} {
    %get3A = arith.constant 0 : index
    %get3A_0 = arith.constant 0 : index
    %get3A_1 = vector.load %arg1[%get3A, %get3A_0] : memref<512x64xf32, #tpu.memory_space<vmem>>, vector<512x64xf32>
    %get3A_2 = arith.constant 0 : index
    %get3A_3 = arith.constant 0 : index
    %get3A_4 = arith.constant 0 : index
    %get3A_5 = vector.load %arg2[%get3A_2, %get3A_3, %get3A_4] : memref<1x64x128xf32, #tpu.memory_space<vmem>>, vector<1x64x128xf32>
    %get3A_6 = vector.shape_cast %get3A_5 : vector<1x64x128xf32> to vector<64x128xf32>
    %dot_general3A = arith.constant dense<0.000000e+00> : vector<512x128xf32>
    %dot_general3A_7 = tpu.matmul %get3A_1, %get3A_6, %dot_general3A {dimension_numbers = #tpu.dot_dimension_numbers<[1], [0], [0], [1], [0, 0, 1, 1], [], []>, transpose_lhs_hint = false} : vector<512x64xf32>, vector<64x128xf32>, vector<512x128xf32> -> vector<512x128xf32>
    %convert_element_type3A = arith.truncf %dot_general3A_7 : vector<512x128xf32> to vector<512x128xbf16>
    %swap3A = arith.constant 0 : index
    %swap3A_8 = arith.constant 0 : index
    %swap3A_9 = arith.constant 0 : index
    %swap3A_10 = vector.load %arg3[%swap3A, %swap3A_8, %swap3A_9] : memref<1x512x128xbf16, #tpu.memory_space<vmem>>, vector<1x512x128xbf16>
    %swap3A_11 = vector.shape_cast %swap3A_10 : vector<1x512x128xbf16> to vector<512x128xbf16>
    %swap3A_12 = vector.shape_cast %convert_element_type3A : vector<512x128xbf16> to vector<1x512x128xbf16>
    tpu.vector_store %arg3[%swap3A, %swap3A_8, %swap3A_9], %swap3A_12 {strides = array<i32>} : memref<1x512x128xbf16, #tpu.memory_space<vmem>>, vector<1x512x128xbf16>,
    return
  }
  func.func @transform_0(%arg0: i32) -> (i32, i32) {
    %c0_i32 = arith.constant 0 : i32
    %c0_i32_0 = arith.constant 0 : i32
    %c0_i32_1 = arith.constant 0 : i32
    return %c0_i32, %c0_i32_0 : i32, i32
  }
  func.func @transform_1(%arg0: i32) -> (i32, i32, i32) {
    %c0_i32 = arith.constant 0 : i32
    %c0_i32_0 = arith.constant 0 : i32
    %c0_i32_1 = arith.constant 0 : i32
    return %arg0, %c0_i32, %c0_i32_0 : i32, i32, i32
  }
  func.func @transform_2(%arg0: i32) -> (i32, i32, i32) {
    %c0_i32 = arith.constant 0 : i32
    %c0_i32_0 = arith.constant 0 : i32
    %c0_i32_1 = arith.constant 0 : i32
    return %arg0, %c0_i32, %c0_i32_0 : i32, i32, i32
  }
}

module attributes {stable_mosaic.version = 14 : i64} {
  func.func @_layer_kernel(%arg0: i32, %arg1: i32, %arg2: memref<256x8xf32, #tpu.memory_space<vmem>>, %arg3: memref<8x128xf32, #tpu.memory_space<vmem>>, %arg4: memref<125x128x128xbf16, #tpu.memory_space<vmem>>, %arg5: memref<256x64xf32, #tpu.memory_space<vmem>>, %arg6: memref<64x128xf32, #tpu.memory_space<vmem>>, %arg7: memref<1x128xf32, #tpu.memory_space<vmem>>, %arg8: memref<256x128xf32, #tpu.memory_space<vmem>>, %arg9: memref<256x128xf32, #tpu.memory_space<vmem>>, %arg10: memref<256x1xf32, #tpu.memory_space<vmem>>) attributes {dimension_semantics = [#tpu.dimension_semantics<arbitrary>, #tpu.dimension_semantics<arbitrary>], iteration_bounds = array<i64: 2, 4>, scalar_prefetch = 0 : i64, scratch_operands = 2 : i64, tpu.core_type = #tpu.core_type<tc>, window_params = [{transform_indices = @transform_0, window_bounds = array<i64: 256, 8>}, {transform_indices = @transform_1, window_bounds = array<i64: 8, 128>}, {transform_indices = @transform_2, window_bounds = array<i64: 125, 128, 128>}, {transform_indices = @transform_3, window_bounds = array<i64: 256, 64>}, {pipeline_mode = #tpu.pipeline_mode<synchronous>, transform_indices = @transform_4, window_bounds = array<i64: 64, 128>}, {pipeline_mode = #tpu.pipeline_mode<synchronous>, transform_indices = @transform_5, window_bounds = array<i64: 1, 128>}, {transform_indices = @transform_6, window_bounds = array<i64: 256, 128>}]} {
    %eq3A = arith.constant 0 : i32
    %eq3A_0 = arith.cmpi eq, %arg1, %eq3A : i32
    %convert_element_type3A = arith.extui %eq3A_0 : i1 to i32
    %cond3A = arith.constant 0 : i32
    %cond3A_1 = arith.cmpi ne, %convert_element_type3A, %cond3A : i32
    scf.if %cond3A_1 {
      %broadcast_in_dim3A = arith.constant 0.000000e+00 : f32
      %broadcast_in_dim3A_36 = vector.broadcast %broadcast_in_dim3A : f32 to vector<256x128xf32>
      %swap3A = arith.constant 0 : index
      %swap3A_37 = arith.constant 0 : index
      %swap3A_38 = vector.load %arg9[%swap3A, %swap3A_37] : memref<256x128xf32, #tpu.memory_space<vmem>>, vector<256x128xf32>
      tpu.vector_store %arg9[%swap3A, %swap3A_37], %broadcast_in_dim3A_36 {strides = array<i32>} : memref<256x128xf32, #tpu.memory_space<vmem>>, vector<256x128xf32>,
      %broadcast_in_dim3A_39 = arith.constant 0.000000e+00 : f32
      %broadcast_in_dim3A_40 = vector.broadcast %broadcast_in_dim3A_39 : f32 to vector<256x1xf32>
      %swap3A_41 = arith.constant 0 : index
      %swap3A_42 = arith.constant 0 : index
      %swap3A_43 = vector.load %arg10[%swap3A_41, %swap3A_42] : memref<256x1xf32, #tpu.memory_space<vmem>>, vector<256x1xf32>
      tpu.vector_store %arg10[%swap3A_41, %swap3A_42], %broadcast_in_dim3A_40 {strides = array<i32>} : memref<256x1xf32, #tpu.memory_space<vmem>>, vector<256x1xf32>,
    } else {
    }
    %get3A = arith.constant 0 : index
    %get3A_2 = arith.constant 0 : index
    %get3A_3 = vector.load %arg2[%get3A, %get3A_2] : memref<256x8xf32, #tpu.memory_space<vmem>>, vector<256x8xf32>
    %slice3A = vector.extract_strided_slice %get3A_3 {offsets = [0, 2], sizes = [256, 1], strides = [1, 1]} : vector<256x8xf32> to vector<256x1xf32>
    %get3A_4 = arith.constant 0 : index
    %get3A_5 = arith.constant 0 : index
    %get3A_6 = vector.load %arg3[%get3A_4, %get3A_5] : memref<8x128xf32, #tpu.memory_space<vmem>>, vector<8x128xf32>
    %slice3A_7 = vector.extract_strided_slice %get3A_6 {offsets = [2, 0], sizes = [1, 128], strides = [1, 1]} : vector<8x128xf32> to vector<1x128xf32>
    %reduce_min3A = vector.shape_cast %slice3A : vector<256x1xf32> to vector<1x256x1xf32>
    %reduce_min3A_8 = arith.constant dense<0x7F800000> : vector<1xf32>
    %reduce_min3A_9 = vector.multi_reduction <minimumf>, %reduce_min3A, %reduce_min3A_8 [1, 2] : vector<1x256x1xf32> to vector<1xf32>
    %reduce_min3A_10 = vector.shape_cast %reduce_min3A_9 : vector<1xf32> to vector<1x1x1xf32>
    %reduce_min3A_11 = vector.extract %reduce_min3A_10[0, 0, 0] : f32 from vector<1x1x1xf32>
    %reduce_max3A = vector.shape_cast %slice3A_7 : vector<1x128xf32> to vector<1x1x128xf32>
    %reduce_max3A_12 = arith.constant dense<0xFF800000> : vector<1xf32>
    %reduce_max3A_13 = vector.multi_reduction <maximumf>, %reduce_max3A, %reduce_max3A_12 [1, 2] : vector<1x1x128xf32> to vector<1xf32>
    %reduce_max3A_14 = vector.shape_cast %reduce_max3A_13 : vector<1xf32> to vector<1x1x1xf32>
    %reduce_max3A_15 = vector.extract %reduce_max3A_14[0, 0, 0] : f32 from vector<1x1x1xf32>
    %sub3A = arith.subf %reduce_min3A_11, %reduce_max3A_15 : f32
    %reduce_min3A_16 = vector.shape_cast %slice3A_7 : vector<1x128xf32> to vector<1x1x128xf32>
    %reduce_min3A_17 = arith.constant dense<0x7F800000> : vector<1xf32>
    %reduce_min3A_18 = vector.multi_reduction <minimumf>, %reduce_min3A_16, %reduce_min3A_17 [1, 2] : vector<1x1x128xf32> to vector<1xf32>
    %reduce_min3A_19 = vector.shape_cast %reduce_min3A_18 : vector<1xf32> to vector<1x1x1xf32>
    %reduce_min3A_20 = vector.extract %reduce_min3A_19[0, 0, 0] : f32 from vector<1x1x1xf32>
    %reduce_max3A_21 = vector.shape_cast %slice3A : vector<256x1xf32> to vector<1x256x1xf32>
    %reduce_max3A_22 = arith.constant dense<0xFF800000> : vector<1xf32>
    %reduce_max3A_23 = vector.multi_reduction <maximumf>, %reduce_max3A_21, %reduce_max3A_22 [1, 2] : vector<1x256x1xf32> to vector<1xf32>
    %reduce_max3A_24 = vector.shape_cast %reduce_max3A_23 : vector<1xf32> to vector<1x1x1xf32>
    %reduce_max3A_25 = vector.extract %reduce_max3A_24[0, 0, 0] : f32 from vector<1x1x1xf32>
    %sub3A_26 = arith.subf %reduce_min3A_20, %reduce_max3A_25 : f32
    %max3A = arith.maximumf %sub3A, %sub3A_26 : f32
    %lt3A = arith.constant 1.000000e+00 : f32
    %lt3A_27 = arith.cmpf olt, %max3A, %lt3A : f32
    %convert_element_type3A_28 = arith.extui %lt3A_27 : i1 to i32
    %cond3A_29 = arith.constant 0 : i32
    %cond3A_30 = arith.cmpi ne, %convert_element_type3A_28, %cond3A_29 : i32
    scf.if %cond3A_30 {
      %get3A_36 = arith.constant 0 : index
      %get3A_37 = arith.constant 0 : index
      %get3A_38 = vector.load %arg2[%get3A_36, %get3A_37] : memref<256x8xf32, #tpu.memory_space<vmem>>, vector<256x8xf32>
      %get3A_39 = arith.constant 0 : index
      %get3A_40 = arith.constant 0 : index
      %get3A_41 = vector.load %arg3[%get3A_39, %get3A_40] : memref<8x128xf32, #tpu.memory_space<vmem>>, vector<8x128xf32>
      %slice3A_42 = vector.extract_strided_slice %get3A_38 {offsets = [0, 0], sizes = [256, 1], strides = [1, 1]} : vector<256x8xf32> to vector<256x1xf32>
      %slice3A_43 = vector.extract_strided_slice %get3A_41 {offsets = [0, 0], sizes = [1, 128], strides = [1, 1]} : vector<8x128xf32> to vector<1x128xf32>
      %sub3A_44 = vector.broadcast %slice3A_42 : vector<256x1xf32> to vector<256x128xf32>
      %sub3A_45 = vector.broadcast %slice3A_43 : vector<1x128xf32> to vector<256x128xf32>
      %sub3A_46 = arith.subf %sub3A_44, %sub3A_45 : vector<256x128xf32>
      %slice3A_47 = vector.extract_strided_slice %get3A_38 {offsets = [0, 1], sizes = [256, 1], strides = [1, 1]} : vector<256x8xf32> to vector<256x1xf32>
      %slice3A_48 = vector.extract_strided_slice %get3A_41 {offsets = [1, 0], sizes = [1, 128], strides = [1, 1]} : vector<8x128xf32> to vector<1x128xf32>
      %sub3A_49 = vector.broadcast %slice3A_47 : vector<256x1xf32> to vector<256x128xf32>
      %sub3A_50 = vector.broadcast %slice3A_48 : vector<1x128xf32> to vector<256x128xf32>
      %sub3A_51 = arith.subf %sub3A_49, %sub3A_50 : vector<256x128xf32>
      %slice3A_52 = vector.extract_strided_slice %get3A_38 {offsets = [0, 2], sizes = [256, 1], strides = [1, 1]} : vector<256x8xf32> to vector<256x1xf32>
      %slice3A_53 = vector.extract_strided_slice %get3A_41 {offsets = [2, 0], sizes = [1, 128], strides = [1, 1]} : vector<8x128xf32> to vector<1x128xf32>
      %sub3A_54 = vector.broadcast %slice3A_52 : vector<256x1xf32> to vector<256x128xf32>
      %sub3A_55 = vector.broadcast %slice3A_53 : vector<1x128xf32> to vector<256x128xf32>
      %sub3A_56 = arith.subf %sub3A_54, %sub3A_55 : vector<256x128xf32>
      %mul3A = arith.mulf %sub3A_46, %sub3A_46 : vector<256x128xf32>
      %mul3A_57 = arith.mulf %sub3A_51, %sub3A_51 : vector<256x128xf32>
      %add3A = arith.addf %mul3A, %mul3A_57 : vector<256x128xf32>
      %mul3A_58 = arith.mulf %sub3A_56, %sub3A_56 : vector<256x128xf32>
      %add3A_59 = arith.addf %add3A, %mul3A_58 : vector<256x128xf32>
      %mul3A_60 = arith.constant 256 : i32
      %mul3A_61 = arith.muli %arg0, %mul3A_60 : i32
      %iota3A = tpu.iota {dimensions = array<i32: 0>} : vector<256x128xi32>
      %add3A_62 = vector.broadcast %mul3A_61 : i32 to vector<256x128xi32>
      %add3A_63 = arith.addi %add3A_62, %iota3A : vector<256x128xi32>
      %mul3A_64 = arith.constant 128 : i32
      %mul3A_65 = arith.muli %arg1, %mul3A_64 : i32
      %iota3A_66 = tpu.iota {dimensions = array<i32: 1>} : vector<256x128xi32>
      %add3A_67 = vector.broadcast %mul3A_65 : i32 to vector<256x128xi32>
      %add3A_68 = arith.addi %add3A_67, %iota3A_66 : vector<256x128xi32>
      %lt3A_69 = arith.constant 1.000000e+00 : f32
      %lt3A_70 = vector.broadcast %lt3A_69 : f32 to vector<256x128xf32>
      %lt3A_71 = arith.cmpf olt, %add3A_59, %lt3A_70 : vector<256x128xf32>
      %ne3A = arith.cmpi ne, %add3A_63, %add3A_68 : vector<256x128xi32>
      %and3A = arith.andi %lt3A_71, %ne3A : vector<256x128xi1>
      %convert_element_type3A_72 = arith.extui %and3A : vector<256x128xi1> to vector<256x128xi32>
      %convert_element_type3A_73 = arith.sitofp %convert_element_type3A_72 : vector<256x128xi32> to vector<256x128xf32>
      %iota3A_74 = tpu.iota {dimensions = array<i32: 0>} : vector<5x256x128xi32>
      %convert_element_type3A_75 = arith.sitofp %iota3A_74 : vector<5x256x128xi32> to vector<5x256x128xf32>
      %mul3A_76 = arith.constant 5.000000e-01 : f32
      %mul3A_77 = vector.broadcast %mul3A_76 : f32 to vector<256x128xf32>
      %mul3A_78 = arith.mulf %sub3A_46, %mul3A_77 : vector<256x128xf32>
      %add3A_79 = arith.constant 5.000000e-01 : f32
      %add3A_80 = vector.broadcast %add3A_79 : f32 to vector<256x128xf32>
      %add3A_81 = arith.addf %mul3A_78, %add3A_80 : vector<256x128xf32>
      %jit3A = arith.constant 0.000000e+00 : f32
      %jit3A_82 = arith.constant 1.000000e+00 : f32
      %max3A_83 = vector.broadcast %jit3A : f32 to vector<256x128xf32>
      %max3A_84 = arith.maximumf %max3A_83, %add3A_81 : vector<256x128xf32>
      %min3A = vector.broadcast %jit3A_82 : f32 to vector<256x128xf32>
      %min3A_85 = arith.minimumf %min3A, %max3A_84 : vector<256x128xf32>
      %mul3A_86 = arith.constant 4.000000e+00 : f32
      %mul3A_87 = vector.broadcast %mul3A_86 : f32 to vector<256x128xf32>
      %mul3A_88 = arith.mulf %min3A_85, %mul3A_87 : vector<256x128xf32>
      %broadcast_in_dim3A = vector.shape_cast %mul3A_88 : vector<256x128xf32> to vector<1x256x128xf32>
      %sub3A_89 = vector.broadcast %broadcast_in_dim3A : vector<1x256x128xf32> to vector<5x256x128xf32>
      %sub3A_90 = arith.subf %sub3A_89, %convert_element_type3A_75 : vector<5x256x128xf32>
      %abs3A = math.absf %sub3A_90 : vector<5x256x128xf32>
      %sub3A_91 = arith.constant 1.000000e+00 : f32
      %sub3A_92 = vector.broadcast %sub3A_91 : f32 to vector<5x256x128xf32>
      %sub3A_93 = arith.subf %sub3A_92, %abs3A : vector<5x256x128xf32>
      %max3A_94 = arith.constant 0.000000e+00 : f32
      %max3A_95 = vector.broadcast %max3A_94 : f32 to vector<5x256x128xf32>
      %max3A_96 = arith.maximumf %sub3A_93, %max3A_95 : vector<5x256x128xf32>
      %mul3A_97 = arith.constant 5.000000e-01 : f32
      %mul3A_98 = vector.broadcast %mul3A_97 : f32 to vector<256x128xf32>
      %mul3A_99 = arith.mulf %sub3A_51, %mul3A_98 : vector<256x128xf32>
      %add3A_100 = arith.constant 5.000000e-01 : f32
      %add3A_101 = vector.broadcast %add3A_100 : f32 to vector<256x128xf32>
      %add3A_102 = arith.addf %mul3A_99, %add3A_101 : vector<256x128xf32>
      %jit3A_103 = arith.constant 0.000000e+00 : f32
      %jit3A_104 = arith.constant 1.000000e+00 : f32
      %max3A_105 = vector.broadcast %jit3A_103 : f32 to vector<256x128xf32>
      %max3A_106 = arith.maximumf %max3A_105, %add3A_102 : vector<256x128xf32>
      %min3A_107 = vector.broadcast %jit3A_104 : f32 to vector<256x128xf32>
      %min3A_108 = arith.minimumf %min3A_107, %max3A_106 : vector<256x128xf32>
      %mul3A_109 = arith.constant 4.000000e+00 : f32
      %mul3A_110 = vector.broadcast %mul3A_109 : f32 to vector<256x128xf32>
      %mul3A_111 = arith.mulf %min3A_108, %mul3A_110 : vector<256x128xf32>
      %broadcast_in_dim3A_112 = vector.shape_cast %mul3A_111 : vector<256x128xf32> to vector<1x256x128xf32>
      %sub3A_113 = vector.broadcast %broadcast_in_dim3A_112 : vector<1x256x128xf32> to vector<5x256x128xf32>
      %sub3A_114 = arith.subf %sub3A_113, %convert_element_type3A_75 : vector<5x256x128xf32>
      %abs3A_115 = math.absf %sub3A_114 : vector<5x256x128xf32>
      %sub3A_116 = arith.constant 1.000000e+00 : f32
      %sub3A_117 = vector.broadcast %sub3A_116 : f32 to vector<5x256x128xf32>
      %sub3A_118 = arith.subf %sub3A_117, %abs3A_115 : vector<5x256x128xf32>
      %max3A_119 = arith.constant 0.000000e+00 : f32
      %max3A_120 = vector.broadcast %max3A_119 : f32 to vector<5x256x128xf32>
      %max3A_121 = arith.maximumf %sub3A_118, %max3A_120 : vector<5x256x128xf32>
      %mul3A_122 = arith.constant 5.000000e-01 : f32
      %mul3A_123 = vector.broadcast %mul3A_122 : f32 to vector<256x128xf32>
      %mul3A_124 = arith.mulf %sub3A_56, %mul3A_123 : vector<256x128xf32>
      %add3A_125 = arith.constant 5.000000e-01 : f32
      %add3A_126 = vector.broadcast %add3A_125 : f32 to vector<256x128xf32>
      %add3A_127 = arith.addf %mul3A_124, %add3A_126 : vector<256x128xf32>
      %jit3A_128 = arith.constant 0.000000e+00 : f32
      %jit3A_129 = arith.constant 1.000000e+00 : f32
      %max3A_130 = vector.broadcast %jit3A_128 : f32 to vector<256x128xf32>
      %max3A_131 = arith.maximumf %max3A_130, %add3A_127 : vector<256x128xf32>
      %min3A_132 = vector.broadcast %jit3A_129 : f32 to vector<256x128xf32>
      %min3A_133 = arith.minimumf %min3A_132, %max3A_131 : vector<256x128xf32>
      %mul3A_134 = arith.constant 4.000000e+00 : f32
      %mul3A_135 = vector.broadcast %mul3A_134 : f32 to vector<256x128xf32>
      %mul3A_136 = arith.mulf %min3A_133, %mul3A_135 : vector<256x128xf32>
      %broadcast_in_dim3A_137 = vector.shape_cast %mul3A_136 : vector<256x128xf32> to vector<1x256x128xf32>
      %sub3A_138 = vector.broadcast %broadcast_in_dim3A_137 : vector<1x256x128xf32> to vector<5x256x128xf32>
      %sub3A_139 = arith.subf %sub3A_138, %convert_element_type3A_75 : vector<5x256x128xf32>
      %abs3A_140 = math.absf %sub3A_139 : vector<5x256x128xf32>
      %sub3A_141 = arith.constant 1.000000e+00 : f32
      %sub3A_142 = vector.broadcast %sub3A_141 : f32 to vector<5x256x128xf32>
      %sub3A_143 = arith.subf %sub3A_142, %abs3A_140 : vector<5x256x128xf32>
      %max3A_144 = arith.constant 0.000000e+00 : f32
      %max3A_145 = vector.broadcast %max3A_144 : f32 to vector<5x256x128xf32>
      %max3A_146 = arith.maximumf %sub3A_143, %max3A_145 : vector<5x256x128xf32>
      %broadcast_in_dim3A_147 = vector.shape_cast %convert_element_type3A_73 : vector<256x128xf32> to vector<1x256x128xf32>
      %mul3A_148 = vector.broadcast %broadcast_in_dim3A_147 : vector<1x256x128xf32> to vector<5x256x128xf32>
      %mul3A_149 = arith.mulf %max3A_96, %mul3A_148 : vector<5x256x128xf32>
      %get3A_150 = arith.constant 0 : index
      %get3A_151 = arith.constant 0 : index
      %get3A_152 = vector.load %arg10[%get3A_150, %get3A_151] : memref<256x1xf32, #tpu.memory_space<vmem>>, vector<256x1xf32>
      %reduce_sum3A = arith.constant dense<0.000000e+00> : vector<256xf32>
      %reduce_sum3A_153 = vector.multi_reduction <add>, %convert_element_type3A_73, %reduce_sum3A [1] : vector<256x128xf32> to vector<256xf32>
      %broadcast_in_dim3A_154 = vector.shape_cast %reduce_sum3A_153 : vector<256xf32> to vector<256x1xf32>
      %add3A_155 = arith.addf %get3A_152, %broadcast_in_dim3A_154 : vector<256x1xf32>
      %swap3A = arith.constant 0 : index
      %swap3A_156 = arith.constant 0 : index
      %swap3A_157 = vector.load %arg10[%swap3A, %swap3A_156] : memref<256x1xf32, #tpu.memory_space<vmem>>, vector<256x1xf32>
      tpu.vector_store %arg10[%swap3A, %swap3A_156], %add3A_155 {strides = array<i32>} : memref<256x1xf32, #tpu.memory_space<vmem>>, vector<256x1xf32>,
      %convert_element_type3A_158 = arith.truncf %mul3A_149 : vector<5x256x128xf32> to vector<5x256x128xbf16>
      %convert_element_type3A_159 = arith.truncf %max3A_121 : vector<5x256x128xf32> to vector<5x256x128xbf16>
      %convert_element_type3A_160 = arith.truncf %max3A_146 : vector<5x256x128xf32> to vector<5x256x128xbf16>
      %broadcast_in_dim3A_161 = arith.constant 0.000000e+00 : f32
      %broadcast_in_dim3A_162 = vector.broadcast %broadcast_in_dim3A_161 : f32 to vector<256x128xf32>
      %slice3A_163 = vector.extract_strided_slice %convert_element_type3A_158 {offsets = [0, 0, 0], sizes = [1, 256, 128], strides = [1, 1, 1]} : vector<5x256x128xbf16> to vector<1x256x128xbf16>
      %squeeze3A = vector.shape_cast %slice3A_163 : vector<1x256x128xbf16> to vector<256x128xbf16>
      %slice3A_164 = vector.extract_strided_slice %convert_element_type3A_159 {offsets = [0, 0, 0], sizes = [1, 256, 128], strides = [1, 1, 1]} : vector<5x256x128xbf16> to vector<1x256x128xbf16>
      %squeeze3A_165 = vector.shape_cast %slice3A_164 : vector<1x256x128xbf16> to vector<256x128xbf16>
      %mul3A_166 = arith.mulf %squeeze3A, %squeeze3A_165 : vector<256x128xbf16>
      %slice3A_167 = vector.extract_strided_slice %convert_element_type3A_160 {offsets = [0, 0, 0], sizes = [1, 256, 128], strides = [1, 1, 1]} : vector<5x256x128xbf16> to vector<1x256x128xbf16>
      %squeeze3A_168 = vector.shape_cast %slice3A_167 : vector<1x256x128xbf16> to vector<256x128xbf16>
      %mul3A_169 = arith.mulf %mul3A_166, %squeeze3A_168 : vector<256x128xbf16>
      %slice3A_170 = vector.extract_strided_slice %convert_element_type3A_160 {offsets = [1, 0, 0], sizes = [1, 256, 128], strides = [1, 1, 1]} : vector<5x256x128xbf16> to vector<1x256x128xbf16>
      %squeeze3A_171 = vector.shape_cast %slice3A_170 : vector<1x256x128xbf16> to vector<256x128xbf16>
      %mul3A_172 = arith.mulf %mul3A_166, %squeeze3A_171 : vector<256x128xbf16>
      %slice3A_173 = vector.extract_strided_slice %convert_element_type3A_160 {offsets = [2, 0, 0], sizes = [1, 256, 128], strides = [1, 1, 1]} : vector<5x256x128xbf16> to vector<1x256x128xbf16>
      %squeeze3A_174 = vector.shape_cast %slice3A_173 : vector<1x256x128xbf16> to vector<256x128xbf16>
      %mul3A_175 = arith.mulf %mul3A_166, %squeeze3A_174 : vector<256x128xbf16>
      %slice3A_176 = vector.extract_strided_slice %convert_element_type3A_160 {offsets = [3, 0, 0], sizes = [1, 256, 128], strides = [1, 1, 1]} : vector<5x256x128xbf16> to vector<1x256x128xbf16>
      %squeeze3A_177 = vector.shape_cast %slice3A_176 : vector<1x256x128xbf16> to vector<256x128xbf16>
      %mul3A_178 = arith.mulf %mul3A_166, %squeeze3A_177 : vector<256x128xbf16>
      %slice3A_179 = vector.extract_strided_slice %convert_element_type3A_160 {offsets = [4, 0, 0], sizes = [1, 256, 128], strides = [1, 1, 1]} : vector<5x256x128xbf16> to vector<1x256x128xbf16>
      %squeeze3A_180 = vector.shape_cast %slice3A_179 : vector<1x256x128xbf16> to vector<256x128xbf16>
      %mul3A_181 = arith.mulf %mul3A_166, %squeeze3A_180 : vector<256x128xbf16>
      %concatenate3A = tpu.concatenate %mul3A_169, %mul3A_172, %mul3A_175, %mul3A_178, %mul3A_181 in 1 : vector<256x128xbf16>, vector<256x128xbf16>, vector<256x128xbf16>, vector<256x128xbf16>, vector<256x128xbf16> -> vector<256x640xbf16>
      %get3A_182 = arith.constant 0 : index
      %get3A_183 = arith.constant 0 : index
      %get3A_184 = arith.constant 0 : index
      %get3A_185 = vector.load %arg4[%get3A_182, %get3A_183, %get3A_184] : memref<125x128x128xbf16, #tpu.memory_space<vmem>>, vector<5x128x128xbf16>
      %reshape3A = vector.shape_cast %get3A_185 : vector<5x128x128xbf16> to vector<640x128xbf16>
      %dot_general3A = arith.constant dense<0.000000e+00> : vector<256x128xf32>
      %dot_general3A_186 = tpu.matmul %concatenate3A, %reshape3A, %dot_general3A {dimension_numbers = #tpu.dot_dimension_numbers<[1], [0], [0], [1], [0, 0, 1, 1], [], []>, transpose_lhs_hint = false} : vector<256x640xbf16>, vector<640x128xbf16>, vector<256x128xf32> -> vector<256x128xf32>
      %add3A_187 = arith.addf %broadcast_in_dim3A_162, %dot_general3A_186 : vector<256x128xf32>
      %slice3A_188 = vector.extract_strided_slice %convert_element_type3A_158 {offsets = [0, 0, 0], sizes = [1, 256, 128], strides = [1, 1, 1]} : vector<5x256x128xbf16> to vector<1x256x128xbf16>
      %squeeze3A_189 = vector.shape_cast %slice3A_188 : vector<1x256x128xbf16> to vector<256x128xbf16>
      %slice3A_190 = vector.extract_strided_slice %convert_element_type3A_159 {offsets = [1, 0, 0], sizes = [1, 256, 128], strides = [1, 1, 1]} : vector<5x256x128xbf16> to vector<1x256x128xbf16>
      %squeeze3A_191 = vector.shape_cast %slice3A_190 : vector<1x256x128xbf16> to vector<256x128xbf16>
      %mul3A_192 = arith.mulf %squeeze3A_189, %squeeze3A_191 : vector<256x128xbf16>
      %slice3A_193 = vector.extract_strided_slice %convert_element_type3A_160 {offsets = [0, 0, 0], sizes = [1, 256, 128], strides = [1, 1, 1]} : vector<5x256x128xbf16> to vector<1x256x128xbf16>
      %squeeze3A_194 = vector.shape_cast %slice3A_193 : vector<1x256x128xbf16> to vector<256x128xbf16>
      %mul3A_195 = arith.mulf %mul3A_192, %squeeze3A_194 : vector<256x128xbf16>
      %slice3A_196 = vector.extract_strided_slice %convert_element_type3A_160 {offsets = [1, 0, 0], sizes = [1, 256, 128], strides = [1, 1, 1]} : vector<5x256x128xbf16> to vector<1x256x128xbf16>
      %squeeze3A_197 = vector.shape_cast %slice3A_196 : vector<1x256x128xbf16> to vector<256x128xbf16>
      %mul3A_198 = arith.mulf %mul3A_192, %squeeze3A_197 : vector<256x128xbf16>
      %slice3A_199 = vector.extract_strided_slice %convert_element_type3A_160 {offsets = [2, 0, 0], sizes = [1, 256, 128], strides = [1, 1, 1]} : vector<5x256x128xbf16> to vector<1x256x128xbf16>
      %squeeze3A_200 = vector.shape_cast %slice3A_199 : vector<1x256x128xbf16> to vector<256x128xbf16>
      %mul3A_201 = arith.mulf %mul3A_192, %squeeze3A_200 : vector<256x128xbf16>
      %slice3A_202 = vector.extract_strided_slice %convert_element_type3A_160 {offsets = [3, 0, 0], sizes = [1, 256, 128], strides = [1, 1, 1]} : vector<5x256x128xbf16> to vector<1x256x128xbf16>
      %squeeze3A_203 = vector.shape_cast %slice3A_202 : vector<1x256x128xbf16> to vector<256x128xbf16>
      %mul3A_204 = arith.mulf %mul3A_192, %squeeze3A_203 : vector<256x128xbf16>
      %slice3A_205 = vector.extract_strided_slice %convert_element_type3A_160 {offsets = [4, 0, 0], sizes = [1, 256, 128], strides = [1, 1, 1]} : vector<5x256x128xbf16> to vector<1x256x128xbf16>
      %squeeze3A_206 = vector.shape_cast %slice3A_205 : vector<1x256x128xbf16> to vector<256x128xbf16>
      %mul3A_207 = arith.mulf %mul3A_192, %squeeze3A_206 : vector<256x128xbf16>
      %concatenate3A_208 = tpu.concatenate %mul3A_195, %mul3A_198, %mul3A_201, %mul3A_204, %mul3A_207 in 1 : vector<256x128xbf16>, vector<256x128xbf16>, vector<256x128xbf16>, vector<256x128xbf16>, vector<256x128xbf16> -> vector<256x640xbf16>
      %get3A_209 = arith.constant 5 : index
      %get3A_210 = arith.constant 0 : index
      %get3A_211 = arith.constant 0 : index
      %get3A_212 = vector.load %arg4[%get3A_209, %get3A_210, %get3A_211] : memref<125x128x128xbf16, #tpu.memory_space<vmem>>, vector<5x128x128xbf16>
      %reshape3A_213 = vector.shape_cast %get3A_212 : vector<5x128x128xbf16> to vector<640x128xbf16>
      %dot_general3A_214 = arith.constant dense<0.000000e+00> : vector<256x128xf32>
      %dot_general3A_215 = tpu.matmul %concatenate3A_208, %reshape3A_213, %dot_general3A_214 {dimension_numbers = #tpu.dot_dimension_numbers<[1], [0], [0], [1], [0, 0, 1, 1], [], []>, transpose_lhs_hint = false} : vector<256x640xbf16>, vector<640x128xbf16>, vector<256x128xf32> -> vector<256x128xf32>
      %add3A_216 = arith.addf %add3A_187, %dot_general3A_215 : vector<256x128xf32>
      %slice3A_217 = vector.extract_strided_slice %convert_element_type3A_158 {offsets = [0, 0, 0], sizes = [1, 256, 128], strides = [1, 1, 1]} : vector<5x256x128xbf16> to vector<1x256x128xbf16>
      %squeeze3A_218 = vector.shape_cast %slice3A_217 : vector<1x256x128xbf16> to vector<256x128xbf16>
      %slice3A_219 = vector.extract_strided_slice %convert_element_type3A_159 {offsets = [2, 0, 0], sizes = [1, 256, 128], strides = [1, 1, 1]} : vector<5x256x128xbf16> to vector<1x256x128xbf16>
      %squeeze3A_220 = vector.shape_cast %slice3A_219 : vector<1x256x128xbf16> to vector<256x128xbf16>
      %mul3A_221 = arith.mulf %squeeze3A_218, %squeeze3A_220 : vector<256x128xbf16>
      %slice3A_222 = vector.extract_strided_slice %convert_element_type3A_160 {offsets = [0, 0, 0], sizes = [1, 256, 128], strides = [1, 1, 1]} : vector<5x256x128xbf16> to vector<1x256x128xbf16>
      %squeeze3A_223 = vector.shape_cast %slice3A_222 : vector<1x256x128xbf16> to vector<256x128xbf16>
      %mul3A_224 = arith.mulf %mul3A_221, %squeeze3A_223 : vector<256x128xbf16>
      %slice3A_225 = vector.extract_strided_slice %convert_element_type3A_160 {offsets = [1, 0, 0], sizes = [1, 256, 128], strides = [1, 1, 1]} : vector<5x256x128xbf16> to vector<1x256x128xbf16>
      %squeeze3A_226 = vector.shape_cast %slice3A_225 : vector<1x256x128xbf16> to vector<256x128xbf16>
      %mul3A_227 = arith.mulf %mul3A_221, %squeeze3A_226 : vector<256x128xbf16>
      %slice3A_228 = vector.extract_strided_slice %convert_element_type3A_160 {offsets = [2, 0, 0], sizes = [1, 256, 128], strides = [1, 1, 1]} : vector<5x256x128xbf16> to vector<1x256x128xbf16>
      %squeeze3A_229 = vector.shape_cast %slice3A_228 : vector<1x256x128xbf16> to vector<256x128xbf16>
      %mul3A_230 = arith.mulf %mul3A_221, %squeeze3A_229 : vector<256x128xbf16>
      %slice3A_231 = vector.extract_strided_slice %convert_element_type3A_160 {offsets = [3, 0, 0], sizes = [1, 256, 128], strides = [1, 1, 1]} : vector<5x256x128xbf16> to vector<1x256x128xbf16>
      %squeeze3A_232 = vector.shape_cast %slice3A_231 : vector<1x256x128xbf16> to vector<256x128xbf16>
      %mul3A_233 = arith.mulf %mul3A_221, %squeeze3A_232 : vector<256x128xbf16>
      %slice3A_234 = vector.extract_strided_slice %convert_element_type3A_160 {offsets = [4, 0, 0], sizes = [1, 256, 128], strides = [1, 1, 1]} : vector<5x256x128xbf16> to vector<1x256x128xbf16>
      %squeeze3A_235 = vector.shape_cast %slice3A_234 : vector<1x256x128xbf16> to vector<256x128xbf16>
      %mul3A_236 = arith.mulf %mul3A_221, %squeeze3A_235 : vector<256x128xbf16>
      %concatenate3A_237 = tpu.concatenate %mul3A_224, %mul3A_227, %mul3A_230, %mul3A_233, %mul3A_236 in 1 : vector<256x128xbf16>, vector<256x128xbf16>, vector<256x128xbf16>, vector<256x128xbf16>, vector<256x128xbf16> -> vector<256x640xbf16>
      %get3A_238 = arith.constant 10 : index
      %get3A_239 = arith.constant 0 : index
      %get3A_240 = arith.constant 0 : index
      %get3A_241 = vector.load %arg4[%get3A_238, %get3A_239, %get3A_240] : memref<125x128x128xbf16, #tpu.memory_space<vmem>>, vector<5x128x128xbf16>
      %reshape3A_242 = vector.shape_cast %get3A_241 : vector<5x128x128xbf16> to vector<640x128xbf16>
      %dot_general3A_243 = arith.constant dense<0.000000e+00> : vector<256x128xf32>
      %dot_general3A_244 = tpu.matmul %concatenate3A_237, %reshape3A_242, %dot_general3A_243 {dimension_numbers = #tpu.dot_dimension_numbers<[1], [0], [0], [1], [0, 0, 1, 1], [], []>, transpose_lhs_hint = false} : vector<256x640xbf16>, vector<640x128xbf16>, vector<256x128xf32> -> vector<256x128xf32>
      %add3A_245 = arith.addf %add3A_216, %dot_general3A_244 : vector<256x128xf32>
      %slice3A_246 = vector.extract_strided_slice %convert_element_type3A_158 {offsets = [0, 0, 0], sizes = [1, 256, 128], strides = [1, 1, 1]} : vector<5x256x128xbf16> to vector<1x256x128xbf16>
      %squeeze3A_247 = vector.shape_cast %slice3A_246 : vector<1x256x128xbf16> to vector<256x128xbf16>
      %slice3A_248 = vector.extract_strided_slice %convert_element_type3A_159 {offsets = [3, 0, 0], sizes = [1, 256, 128], strides = [1, 1, 1]} : vector<5x256x128xbf16> to vector<1x256x128xbf16>
      %squeeze3A_249 = vector.shape_cast %slice3A_248 : vector<1x256x128xbf16> to vector<256x128xbf16>
      %mul3A_250 = arith.mulf %squeeze3A_247, %squeeze3A_249 : vector<256x128xbf16>
      %slice3A_251 = vector.extract_strided_slice %convert_element_type3A_160 {offsets = [0, 0, 0], sizes = [1, 256, 128], strides = [1, 1, 1]} : vector<5x256x128xbf16> to vector<1x256x128xbf16>
      %squeeze3A_252 = vector.shape_cast %slice3A_251 : vector<1x256x128xbf16> to vector<256x128xbf16>
      %mul3A_253 = arith.mulf %mul3A_250, %squeeze3A_252 : vector<256x128xbf16>
      %slice3A_254 = vector.extract_strided_slice %convert_element_type3A_160 {offsets = [1, 0, 0], sizes = [1, 256, 128], strides = [1, 1, 1]} : vector<5x256x128xbf16> to vector<1x256x128xbf16>
      %squeeze3A_255 = vector.shape_cast %slice3A_254 : vector<1x256x128xbf16> to vector<256x128xbf16>
      %mul3A_256 = arith.mulf %mul3A_250, %squeeze3A_255 : vector<256x128xbf16>
      %slice3A_257 = vector.extract_strided_slice %convert_element_type3A_160 {offsets = [2, 0, 0], sizes = [1, 256, 128], strides = [1, 1, 1]} : vector<5x256x128xbf16> to vector<1x256x128xbf16>
      %squeeze3A_258 = vector.shape_cast %slice3A_257 : vector<1x256x128xbf16> to vector<256x128xbf16>
      %mul3A_259 = arith.mulf %mul3A_250, %squeeze3A_258 : vector<256x128xbf16>
      %slice3A_260 = vector.extract_strided_slice %convert_element_type3A_160 {offsets = [3, 0, 0], sizes = [1, 256, 128], strides = [1, 1, 1]} : vector<5x256x128xbf16> to vector<1x256x128xbf16>
      %squeeze3A_261 = vector.shape_cast %slice3A_260 : vector<1x256x128xbf16> to vector<256x128xbf16>
      %mul3A_262 = arith.mulf %mul3A_250, %squeeze3A_261 : vector<256x128xbf16>
      %slice3A_263 = vector.extract_strided_slice %convert_element_type3A_160 {offsets = [4, 0, 0], sizes = [1, 256, 128], strides = [1, 1, 1]} : vector<5x256x128xbf16> to vector<1x256x128xbf16>
      %squeeze3A_264 = vector.shape_cast %slice3A_263 : vector<1x256x128xbf16> to vector<256x128xbf16>
      %mul3A_265 = arith.mulf %mul3A_250, %squeeze3A_264 : vector<256x128xbf16>
      %concatenate3A_266 = tpu.concatenate %mul3A_253, %mul3A_256, %mul3A_259, %mul3A_262, %mul3A_265 in 1 : vector<256x128xbf16>, vector<256x128xbf16>, vector<256x128xbf16>, vector<256x128xbf16>, vector<256x128xbf16> -> vector<256x640xbf16>
      %get3A_267 = arith.constant 15 : index
      %get3A_268 = arith.constant 0 : index
      %get3A_269 = arith.constant 0 : index
      %get3A_270 = vector.load %arg4[%get3A_267, %get3A_268, %get3A_269] : memref<125x128x128xbf16, #tpu.memory_space<vmem>>, vector<5x128x128xbf16>
      %reshape3A_271 = vector.shape_cast %get3A_270 : vector<5x128x128xbf16> to vector<640x128xbf16>
      %dot_general3A_272 = arith.constant dense<0.000000e+00> : vector<256x128xf32>
      %dot_general3A_273 = tpu.matmul %concatenate3A_266, %reshape3A_271, %dot_general3A_272 {dimension_numbers = #tpu.dot_dimension_numbers<[1], [0], [0], [1], [0, 0, 1, 1], [], []>, transpose_lhs_hint = false} : vector<256x640xbf16>, vector<640x128xbf16>, vector<256x128xf32> -> vector<256x128xf32>
      %add3A_274 = arith.addf %add3A_245, %dot_general3A_273 : vector<256x128xf32>
      %slice3A_275 = vector.extract_strided_slice %convert_element_type3A_158 {offsets = [0, 0, 0], sizes = [1, 256, 128], strides = [1, 1, 1]} : vector<5x256x128xbf16> to vector<1x256x128xbf16>
      %squeeze3A_276 = vector.shape_cast %slice3A_275 : vector<1x256x128xbf16> to vector<256x128xbf16>
      %slice3A_277 = vector.extract_strided_slice %convert_element_type3A_159 {offsets = [4, 0, 0], sizes = [1, 256, 128], strides = [1, 1, 1]} : vector<5x256x128xbf16> to vector<1x256x128xbf16>
      %squeeze3A_278 = vector.shape_cast %slice3A_277 : vector<1x256x128xbf16> to vector<256x128xbf16>
      %mul3A_279 = arith.mulf %squeeze3A_276, %squeeze3A_278 : vector<256x128xbf16>
      %slice3A_280 = vector.extract_strided_slice %convert_element_type3A_160 {offsets = [0, 0, 0], sizes = [1, 256, 128], strides = [1, 1, 1]} : vector<5x256x128xbf16> to vector<1x256x128xbf16>
      %squeeze3A_281 = vector.shape_cast %slice3A_280 : vector<1x256x128xbf16> to vector<256x128xbf16>
      %mul3A_282 = arith.mulf %mul3A_279, %squeeze3A_281 : vector<256x128xbf16>
      %slice3A_283 = vector.extract_strided_slice %convert_element_type3A_160 {offsets = [1, 0, 0], sizes = [1, 256, 128], strides = [1, 1, 1]} : vector<5x256x128xbf16> to vector<1x256x128xbf16>
      %squeeze3A_284 = vector.shape_cast %slice3A_283 : vector<1x256x128xbf16> to vector<256x128xbf16>
      %mul3A_285 = arith.mulf %mul3A_279, %squeeze3A_284 : vector<256x128xbf16>
      %slice3A_286 = vector.extract_strided_slice %convert_element_type3A_160 {offsets = [2, 0, 0], sizes = [1, 256, 128], strides = [1, 1, 1]} : vector<5x256x128xbf16> to vector<1x256x128xbf16>
      %squeeze3A_287 = vector.shape_cast %slice3A_286 : vector<1x256x128xbf16> to vector<256x128xbf16>
      %mul3A_288 = arith.mulf %mul3A_279, %squeeze3A_287 : vector<256x128xbf16>
      %slice3A_289 = vector.extract_strided_slice %convert_element_type3A_160 {offsets = [3, 0, 0], sizes = [1, 256, 128], strides = [1, 1, 1]} : vector<5x256x128xbf16> to vector<1x256x128xbf16>
      %squeeze3A_290 = vector.shape_cast %slice3A_289 : vector<1x256x128xbf16> to vector<256x128xbf16>
      %mul3A_291 = arith.mulf %mul3A_279, %squeeze3A_290 : vector<256x128xbf16>
      %slice3A_292 = vector.extract_strided_slice %convert_element_type3A_160 {offsets = [4, 0, 0], sizes = [1, 256, 128], strides = [1, 1, 1]} : vector<5x256x128xbf16> to vector<1x256x128xbf16>
      %squeeze3A_293 = vector.shape_cast %slice3A_292 : vector<1x256x128xbf16> to vector<256x128xbf16>
      %mul3A_294 = arith.mulf %mul3A_279, %squeeze3A_293 : vector<256x128xbf16>
      %concatenate3A_295 = tpu.concatenate %mul3A_282, %mul3A_285, %mul3A_288, %mul3A_291, %mul3A_294 in 1 : vector<256x128xbf16>, vector<256x128xbf16>, vector<256x128xbf16>, vector<256x128xbf16>, vector<256x128xbf16> -> vector<256x640xbf16>
      %get3A_296 = arith.constant 20 : index
      %get3A_297 = arith.constant 0 : index
      %get3A_298 = arith.constant 0 : index
      %get3A_299 = vector.load %arg4[%get3A_296, %get3A_297, %get3A_298] : memref<125x128x128xbf16, #tpu.memory_space<vmem>>, vector<5x128x128xbf16>
      %reshape3A_300 = vector.shape_cast %get3A_299 : vector<5x128x128xbf16> to vector<640x128xbf16>
      %dot_general3A_301 = arith.constant dense<0.000000e+00> : vector<256x128xf32>
      %dot_general3A_302 = tpu.matmul %concatenate3A_295, %reshape3A_300, %dot_general3A_301 {dimension_numbers = #tpu.dot_dimension_numbers<[1], [0], [0], [1], [0, 0, 1, 1], [], []>, transpose_lhs_hint = false} : vector<256x640xbf16>, vector<640x128xbf16>, vector<256x128xf32> -> vector<256x128xf32>
      %add3A_303 = arith.addf %add3A_274, %dot_general3A_302 : vector<256x128xf32>
      %slice3A_304 = vector.extract_strided_slice %convert_element_type3A_158 {offsets = [1, 0, 0], sizes = [1, 256, 128], strides = [1, 1, 1]} : vector<5x256x128xbf16> to vector<1x256x128xbf16>
      %squeeze3A_305 = vector.shape_cast %slice3A_304 : vector<1x256x128xbf16> to vector<256x128xbf16>
      %slice3A_306 = vector.extract_strided_slice %convert_element_type3A_159 {offsets = [0, 0, 0], sizes = [1, 256, 128], strides = [1, 1, 1]} : vector<5x256x128xbf16> to vector<1x256x128xbf16>
      %squeeze3A_307 = vector.shape_cast %slice3A_306 : vector<1x256x128xbf16> to vector<256x128xbf16>
      %mul3A_308 = arith.mulf %squeeze3A_305, %squeeze3A_307 : vector<256x128xbf16>
      %slice3A_309 = vector.extract_strided_slice %convert_element_type3A_160 {offsets = [0, 0, 0], sizes = [1, 256, 128], strides = [1, 1, 1]} : vector<5x256x128xbf16> to vector<1x256x128xbf16>
      %squeeze3A_310 = vector.shape_cast %slice3A_309 : vector<1x256x128xbf16> to vector<256x128xbf16>
      %mul3A_311 = arith.mulf %mul3A_308, %squeeze3A_310 : vector<256x128xbf16>
      %slice3A_312 = vector.extract_strided_slice %convert_element_type3A_160 {offsets = [1, 0, 0], sizes = [1, 256, 128], strides = [1, 1, 1]} : vector<5x256x128xbf16> to vector<1x256x128xbf16>
      %squeeze3A_313 = vector.shape_cast %slice3A_312 : vector<1x256x128xbf16> to vector<256x128xbf16>
      %mul3A_314 = arith.mulf %mul3A_308, %squeeze3A_313 : vector<256x128xbf16>
      %slice3A_315 = vector.extract_strided_slice %convert_element_type3A_160 {offsets = [2, 0, 0], sizes = [1, 256, 128], strides = [1, 1, 1]} : vector<5x256x128xbf16> to vector<1x256x128xbf16>
      %squeeze3A_316 = vector.shape_cast %slice3A_315 : vector<1x256x128xbf16> to vector<256x128xbf16>
      %mul3A_317 = arith.mulf %mul3A_308, %squeeze3A_316 : vector<256x128xbf16>
      %slice3A_318 = vector.extract_strided_slice %convert_element_type3A_160 {offsets = [3, 0, 0], sizes = [1, 256, 128], strides = [1, 1, 1]} : vector<5x256x128xbf16> to vector<1x256x128xbf16>
      %squeeze3A_319 = vector.shape_cast %slice3A_318 : vector<1x256x128xbf16> to vector<256x128xbf16>
      %mul3A_320 = arith.mulf %mul3A_308, %squeeze3A_319 : vector<256x128xbf16>
      %slice3A_321 = vector.extract_strided_slice %convert_element_type3A_160 {offsets = [4, 0, 0], sizes = [1, 256, 128], strides = [1, 1, 1]} : vector<5x256x128xbf16> to vector<1x256x128xbf16>
      %squeeze3A_322 = vector.shape_cast %slice3A_321 : vector<1x256x128xbf16> to vector<256x128xbf16>
      %mul3A_323 = arith.mulf %mul3A_308, %squeeze3A_322 : vector<256x128xbf16>
      %concatenate3A_324 = tpu.concatenate %mul3A_311, %mul3A_314, %mul3A_317, %mul3A_320, %mul3A_323 in 1 : vector<256x128xbf16>, vector<256x128xbf16>, vector<256x128xbf16>, vector<256x128xbf16>, vector<256x128xbf16> -> vector<256x640xbf16>
      %get3A_325 = arith.constant 25 : index
      %get3A_326 = arith.constant 0 : index
      %get3A_327 = arith.constant 0 : index
      %get3A_328 = vector.load %arg4[%get3A_325, %get3A_326, %get3A_327] : memref<125x128x128xbf16, #tpu.memory_space<vmem>>, vector<5x128x128xbf16>
      %reshape3A_329 = vector.shape_cast %get3A_328 : vector<5x128x128xbf16> to vector<640x128xbf16>
      %dot_general3A_330 = arith.constant dense<0.000000e+00> : vector<256x128xf32>
      %dot_general3A_331 = tpu.matmul %concatenate3A_324, %reshape3A_329, %dot_general3A_330 {dimension_numbers = #tpu.dot_dimension_numbers<[1], [0], [0], [1], [0, 0, 1, 1], [], []>, transpose_lhs_hint = false} : vector<256x640xbf16>, vector<640x128xbf16>, vector<256x128xf32> -> vector<256x128xf32>
      %add3A_332 = arith.addf %add3A_303, %dot_general3A_331 : vector<256x128xf32>
      %slice3A_333 = vector.extract_strided_slice %convert_element_type3A_158 {offsets = [1, 0, 0], sizes = [1, 256, 128], strides = [1, 1, 1]} : vector<5x256x128xbf16> to vector<1x256x128xbf16>
      %squeeze3A_334 = vector.shape_cast %slice3A_333 : vector<1x256x128xbf16> to vector<256x128xbf16>
      %slice3A_335 = vector.extract_strided_slice %convert_element_type3A_159 {offsets = [1, 0, 0], sizes = [1, 256, 128], strides = [1, 1, 1]} : vector<5x256x128xbf16> to vector<1x256x128xbf16>
      %squeeze3A_336 = vector.shape_cast %slice3A_335 : vector<1x256x128xbf16> to vector<256x128xbf16>
      %mul3A_337 = arith.mulf %squeeze3A_334, %squeeze3A_336 : vector<256x128xbf16>
      %slice3A_338 = vector.extract_strided_slice %convert_element_type3A_160 {offsets = [0, 0, 0], sizes = [1, 256, 128], strides = [1, 1, 1]} : vector<5x256x128xbf16> to vector<1x256x128xbf16>
      %squeeze3A_339 = vector.shape_cast %slice3A_338 : vector<1x256x128xbf16> to vector<256x128xbf16>
      %mul3A_340 = arith.mulf %mul3A_337, %squeeze3A_339 : vector<256x128xbf16>
      %slice3A_341 = vector.extract_strided_slice %convert_element_type3A_160 {offsets = [1, 0, 0], sizes = [1, 256, 128], strides = [1, 1, 1]} : vector<5x256x128xbf16> to vector<1x256x128xbf16>
      %squeeze3A_342 = vector.shape_cast %slice3A_341 : vector<1x256x128xbf16> to vector<256x128xbf16>
      %mul3A_343 = arith.mulf %mul3A_337, %squeeze3A_342 : vector<256x128xbf16>
      %slice3A_344 = vector.extract_strided_slice %convert_element_type3A_160 {offsets = [2, 0, 0], sizes = [1, 256, 128], strides = [1, 1, 1]} : vector<5x256x128xbf16> to vector<1x256x128xbf16>
      %squeeze3A_345 = vector.shape_cast %slice3A_344 : vector<1x256x128xbf16> to vector<256x128xbf16>
      %mul3A_346 = arith.mulf %mul3A_337, %squeeze3A_345 : vector<256x128xbf16>
      %slice3A_347 = vector.extract_strided_slice %convert_element_type3A_160 {offsets = [3, 0, 0], sizes = [1, 256, 128], strides = [1, 1, 1]} : vector<5x256x128xbf16> to vector<1x256x128xbf16>
      %squeeze3A_348 = vector.shape_cast %slice3A_347 : vector<1x256x128xbf16> to vector<256x128xbf16>
      %mul3A_349 = arith.mulf %mul3A_337, %squeeze3A_348 : vector<256x128xbf16>
      %slice3A_350 = vector.extract_strided_slice %convert_element_type3A_160 {offsets = [4, 0, 0], sizes = [1, 256, 128], strides = [1, 1, 1]} : vector<5x256x128xbf16> to vector<1x256x128xbf16>
      %squeeze3A_351 = vector.shape_cast %slice3A_350 : vector<1x256x128xbf16> to vector<256x128xbf16>
      %mul3A_352 = arith.mulf %mul3A_337, %squeeze3A_351 : vector<256x128xbf16>
      %concatenate3A_353 = tpu.concatenate %mul3A_340, %mul3A_343, %mul3A_346, %mul3A_349, %mul3A_352 in 1 : vector<256x128xbf16>, vector<256x128xbf16>, vector<256x128xbf16>, vector<256x128xbf16>, vector<256x128xbf16> -> vector<256x640xbf16>
      %get3A_354 = arith.constant 30 : index
      %get3A_355 = arith.constant 0 : index
      %get3A_356 = arith.constant 0 : index
      %get3A_357 = vector.load %arg4[%get3A_354, %get3A_355, %get3A_356] : memref<125x128x128xbf16, #tpu.memory_space<vmem>>, vector<5x128x128xbf16>
      %reshape3A_358 = vector.shape_cast %get3A_357 : vector<5x128x128xbf16> to vector<640x128xbf16>
      %dot_general3A_359 = arith.constant dense<0.000000e+00> : vector<256x128xf32>
      %dot_general3A_360 = tpu.matmul %concatenate3A_353, %reshape3A_358, %dot_general3A_359 {dimension_numbers = #tpu.dot_dimension_numbers<[1], [0], [0], [1], [0, 0, 1, 1], [], []>, transpose_lhs_hint = false} : vector<256x640xbf16>, vector<640x128xbf16>, vector<256x128xf32> -> vector<256x128xf32>
      %add3A_361 = arith.addf %add3A_332, %dot_general3A_360 : vector<256x128xf32>
      %slice3A_362 = vector.extract_strided_slice %convert_element_type3A_158 {offsets = [1, 0, 0], sizes = [1, 256, 128], strides = [1, 1, 1]} : vector<5x256x128xbf16> to vector<1x256x128xbf16>
      %squeeze3A_363 = vector.shape_cast %slice3A_362 : vector<1x256x128xbf16> to vector<256x128xbf16>
      %slice3A_364 = vector.extract_strided_slice %convert_element_type3A_159 {offsets = [2, 0, 0], sizes = [1, 256, 128], strides = [1, 1, 1]} : vector<5x256x128xbf16> to vector<1x256x128xbf16>
      %squeeze3A_365 = vector.shape_cast %slice3A_364 : vector<1x256x128xbf16> to vector<256x128xbf16>
      %mul3A_366 = arith.mulf %squeeze3A_363, %squeeze3A_365 : vector<256x128xbf16>
      %slice3A_367 = vector.extract_strided_slice %convert_element_type3A_160 {offsets = [0, 0, 0], sizes = [1, 256, 128], strides = [1, 1, 1]} : vector<5x256x128xbf16> to vector<1x256x128xbf16>
      %squeeze3A_368 = vector.shape_cast %slice3A_367 : vector<1x256x128xbf16> to vector<256x128xbf16>
      %mul3A_369 = arith.mulf %mul3A_366, %squeeze3A_368 : vector<256x128xbf16>
      %slice3A_370 = vector.extract_strided_slice %convert_element_type3A_160 {offsets = [1, 0, 0], sizes = [1, 256, 128], strides = [1, 1, 1]} : vector<5x256x128xbf16> to vector<1x256x128xbf16>
      %squeeze3A_371 = vector.shape_cast %slice3A_370 : vector<1x256x128xbf16> to vector<256x128xbf16>
      %mul3A_372 = arith.mulf %mul3A_366, %squeeze3A_371 : vector<256x128xbf16>
      %slice3A_373 = vector.extract_strided_slice %convert_element_type3A_160 {offsets = [2, 0, 0], sizes = [1, 256, 128], strides = [1, 1, 1]} : vector<5x256x128xbf16> to vector<1x256x128xbf16>
      %squeeze3A_374 = vector.shape_cast %slice3A_373 : vector<1x256x128xbf16> to vector<256x128xbf16>
      %mul3A_375 = arith.mulf %mul3A_366, %squeeze3A_374 : vector<256x128xbf16>
      %slice3A_376 = vector.extract_strided_slice %convert_element_type3A_160 {offsets = [3, 0, 0], sizes = [1, 256, 128], strides = [1, 1, 1]} : vector<5x256x128xbf16> to vector<1x256x128xbf16>
      %squeeze3A_377 = vector.shape_cast %slice3A_376 : vector<1x256x128xbf16> to vector<256x128xbf16>
      %mul3A_378 = arith.mulf %mul3A_366, %squeeze3A_377 : vector<256x128xbf16>
      %slice3A_379 = vector.extract_strided_slice %convert_element_type3A_160 {offsets = [4, 0, 0], sizes = [1, 256, 128], strides = [1, 1, 1]} : vector<5x256x128xbf16> to vector<1x256x128xbf16>
      %squeeze3A_380 = vector.shape_cast %slice3A_379 : vector<1x256x128xbf16> to vector<256x128xbf16>
      %mul3A_381 = arith.mulf %mul3A_366, %squeeze3A_380 : vector<256x128xbf16>
      %concatenate3A_382 = tpu.concatenate %mul3A_369, %mul3A_372, %mul3A_375, %mul3A_378, %mul3A_381 in 1 : vector<256x128xbf16>, vector<256x128xbf16>, vector<256x128xbf16>, vector<256x128xbf16>, vector<256x128xbf16> -> vector<256x640xbf16>
      %get3A_383 = arith.constant 35 : index
      %get3A_384 = arith.constant 0 : index
      %get3A_385 = arith.constant 0 : index
      %get3A_386 = vector.load %arg4[%get3A_383, %get3A_384, %get3A_385] : memref<125x128x128xbf16, #tpu.memory_space<vmem>>, vector<5x128x128xbf16>
      %reshape3A_387 = vector.shape_cast %get3A_386 : vector<5x128x128xbf16> to vector<640x128xbf16>
      %dot_general3A_388 = arith.constant dense<0.000000e+00> : vector<256x128xf32>
      %dot_general3A_389 = tpu.matmul %concatenate3A_382, %reshape3A_387, %dot_general3A_388 {dimension_numbers = #tpu.dot_dimension_numbers<[1], [0], [0], [1], [0, 0, 1, 1], [], []>, transpose_lhs_hint = false} : vector<256x640xbf16>, vector<640x128xbf16>, vector<256x128xf32> -> vector<256x128xf32>
      %add3A_390 = arith.addf %add3A_361, %dot_general3A_389 : vector<256x128xf32>
      %slice3A_391 = vector.extract_strided_slice %convert_element_type3A_158 {offsets = [1, 0, 0], sizes = [1, 256, 128], strides = [1, 1, 1]} : vector<5x256x128xbf16> to vector<1x256x128xbf16>
      %squeeze3A_392 = vector.shape_cast %slice3A_391 : vector<1x256x128xbf16> to vector<256x128xbf16>
      %slice3A_393 = vector.extract_strided_slice %convert_element_type3A_159 {offsets = [3, 0, 0], sizes = [1, 256, 128], strides = [1, 1, 1]} : vector<5x256x128xbf16> to vector<1x256x128xbf16>
      %squeeze3A_394 = vector.shape_cast %slice3A_393 : vector<1x256x128xbf16> to vector<256x128xbf16>
      %mul3A_395 = arith.mulf %squeeze3A_392, %squeeze3A_394 : vector<256x128xbf16>
      %slice3A_396 = vector.extract_strided_slice %convert_element_type3A_160 {offsets = [0, 0, 0], sizes = [1, 256, 128], strides = [1, 1, 1]} : vector<5x256x128xbf16> to vector<1x256x128xbf16>
      %squeeze3A_397 = vector.shape_cast %slice3A_396 : vector<1x256x128xbf16> to vector<256x128xbf16>
      %mul3A_398 = arith.mulf %mul3A_395, %squeeze3A_397 : vector<256x128xbf16>
      %slice3A_399 = vector.extract_strided_slice %convert_element_type3A_160 {offsets = [1, 0, 0], sizes = [1, 256, 128], strides = [1, 1, 1]} : vector<5x256x128xbf16> to vector<1x256x128xbf16>
      %squeeze3A_400 = vector.shape_cast %slice3A_399 : vector<1x256x128xbf16> to vector<256x128xbf16>
      %mul3A_401 = arith.mulf %mul3A_395, %squeeze3A_400 : vector<256x128xbf16>
      %slice3A_402 = vector.extract_strided_slice %convert_element_type3A_160 {offsets = [2, 0, 0], sizes = [1, 256, 128], strides = [1, 1, 1]} : vector<5x256x128xbf16> to vector<1x256x128xbf16>
      %squeeze3A_403 = vector.shape_cast %slice3A_402 : vector<1x256x128xbf16> to vector<256x128xbf16>
      %mul3A_404 = arith.mulf %mul3A_395, %squeeze3A_403 : vector<256x128xbf16>
      %slice3A_405 = vector.extract_strided_slice %convert_element_type3A_160 {offsets = [3, 0, 0], sizes = [1, 256, 128], strides = [1, 1, 1]} : vector<5x256x128xbf16> to vector<1x256x128xbf16>
      %squeeze3A_406 = vector.shape_cast %slice3A_405 : vector<1x256x128xbf16> to vector<256x128xbf16>
      %mul3A_407 = arith.mulf %mul3A_395, %squeeze3A_406 : vector<256x128xbf16>
      %slice3A_408 = vector.extract_strided_slice %convert_element_type3A_160 {offsets = [4, 0, 0], sizes = [1, 256, 128], strides = [1, 1, 1]} : vector<5x256x128xbf16> to vector<1x256x128xbf16>
      %squeeze3A_409 = vector.shape_cast %slice3A_408 : vector<1x256x128xbf16> to vector<256x128xbf16>
      %mul3A_410 = arith.mulf %mul3A_395, %squeeze3A_409 : vector<256x128xbf16>
      %concatenate3A_411 = tpu.concatenate %mul3A_398, %mul3A_401, %mul3A_404, %mul3A_407, %mul3A_410 in 1 : vector<256x128xbf16>, vector<256x128xbf16>, vector<256x128xbf16>, vector<256x128xbf16>, vector<256x128xbf16> -> vector<256x640xbf16>
      %get3A_412 = arith.constant 40 : index
      %get3A_413 = arith.constant 0 : index
      %get3A_414 = arith.constant 0 : index
      %get3A_415 = vector.load %arg4[%get3A_412, %get3A_413, %get3A_414] : memref<125x128x128xbf16, #tpu.memory_space<vmem>>, vector<5x128x128xbf16>
      %reshape3A_416 = vector.shape_cast %get3A_415 : vector<5x128x128xbf16> to vector<640x128xbf16>
      %dot_general3A_417 = arith.constant dense<0.000000e+00> : vector<256x128xf32>
      %dot_general3A_418 = tpu.matmul %concatenate3A_411, %reshape3A_416, %dot_general3A_417 {dimension_numbers = #tpu.dot_dimension_numbers<[1], [0], [0], [1], [0, 0, 1, 1], [], []>, transpose_lhs_hint = false} : vector<256x640xbf16>, vector<640x128xbf16>, vector<256x128xf32> -> vector<256x128xf32>
      %add3A_419 = arith.addf %add3A_390, %dot_general3A_418 : vector<256x128xf32>
      %slice3A_420 = vector.extract_strided_slice %convert_element_type3A_158 {offsets = [1, 0, 0], sizes = [1, 256, 128], strides = [1, 1, 1]} : vector<5x256x128xbf16> to vector<1x256x128xbf16>
      %squeeze3A_421 = vector.shape_cast %slice3A_420 : vector<1x256x128xbf16> to vector<256x128xbf16>
      %slice3A_422 = vector.extract_strided_slice %convert_element_type3A_159 {offsets = [4, 0, 0], sizes = [1, 256, 128], strides = [1, 1, 1]} : vector<5x256x128xbf16> to vector<1x256x128xbf16>
      %squeeze3A_423 = vector.shape_cast %slice3A_422 : vector<1x256x128xbf16> to vector<256x128xbf16>
      %mul3A_424 = arith.mulf %squeeze3A_421, %squeeze3A_423 : vector<256x128xbf16>
      %slice3A_425 = vector.extract_strided_slice %convert_element_type3A_160 {offsets = [0, 0, 0], sizes = [1, 256, 128], strides = [1, 1, 1]} : vector<5x256x128xbf16> to vector<1x256x128xbf16>
      %squeeze3A_426 = vector.shape_cast %slice3A_425 : vector<1x256x128xbf16> to vector<256x128xbf16>
      %mul3A_427 = arith.mulf %mul3A_424, %squeeze3A_426 : vector<256x128xbf16>
      %slice3A_428 = vector.extract_strided_slice %convert_element_type3A_160 {offsets = [1, 0, 0], sizes = [1, 256, 128], strides = [1, 1, 1]} : vector<5x256x128xbf16> to vector<1x256x128xbf16>
      %squeeze3A_429 = vector.shape_cast %slice3A_428 : vector<1x256x128xbf16> to vector<256x128xbf16>
      %mul3A_430 = arith.mulf %mul3A_424, %squeeze3A_429 : vector<256x128xbf16>
      %slice3A_431 = vector.extract_strided_slice %convert_element_type3A_160 {offsets = [2, 0, 0], sizes = [1, 256, 128], strides = [1, 1, 1]} : vector<5x256x128xbf16> to vector<1x256x128xbf16>
      %squeeze3A_432 = vector.shape_cast %slice3A_431 : vector<1x256x128xbf16> to vector<256x128xbf16>
      %mul3A_433 = arith.mulf %mul3A_424, %squeeze3A_432 : vector<256x128xbf16>
      %slice3A_434 = vector.extract_strided_slice %convert_element_type3A_160 {offsets = [3, 0, 0], sizes = [1, 256, 128], strides = [1, 1, 1]} : vector<5x256x128xbf16> to vector<1x256x128xbf16>
      %squeeze3A_435 = vector.shape_cast %slice3A_434 : vector<1x256x128xbf16> to vector<256x128xbf16>
      %mul3A_436 = arith.mulf %mul3A_424, %squeeze3A_435 : vector<256x128xbf16>
      %slice3A_437 = vector.extract_strided_slice %convert_element_type3A_160 {offsets = [4, 0, 0], sizes = [1, 256, 128], strides = [1, 1, 1]} : vector<5x256x128xbf16> to vector<1x256x128xbf16>
      %squeeze3A_438 = vector.shape_cast %slice3A_437 : vector<1x256x128xbf16> to vector<256x128xbf16>
      %mul3A_439 = arith.mulf %mul3A_424, %squeeze3A_438 : vector<256x128xbf16>
      %concatenate3A_440 = tpu.concatenate %mul3A_427, %mul3A_430, %mul3A_433, %mul3A_436, %mul3A_439 in 1 : vector<256x128xbf16>, vector<256x128xbf16>, vector<256x128xbf16>, vector<256x128xbf16>, vector<256x128xbf16> -> vector<256x640xbf16>
      %get3A_441 = arith.constant 45 : index
      %get3A_442 = arith.constant 0 : index
      %get3A_443 = arith.constant 0 : index
      %get3A_444 = vector.load %arg4[%get3A_441, %get3A_442, %get3A_443] : memref<125x128x128xbf16, #tpu.memory_space<vmem>>, vector<5x128x128xbf16>
      %reshape3A_445 = vector.shape_cast %get3A_444 : vector<5x128x128xbf16> to vector<640x128xbf16>
      %dot_general3A_446 = arith.constant dense<0.000000e+00> : vector<256x128xf32>
      %dot_general3A_447 = tpu.matmul %concatenate3A_440, %reshape3A_445, %dot_general3A_446 {dimension_numbers = #tpu.dot_dimension_numbers<[1], [0], [0], [1], [0, 0, 1, 1], [], []>, transpose_lhs_hint = false} : vector<256x640xbf16>, vector<640x128xbf16>, vector<256x128xf32> -> vector<256x128xf32>
      %add3A_448 = arith.addf %add3A_419, %dot_general3A_447 : vector<256x128xf32>
      %slice3A_449 = vector.extract_strided_slice %convert_element_type3A_158 {offsets = [2, 0, 0], sizes = [1, 256, 128], strides = [1, 1, 1]} : vector<5x256x128xbf16> to vector<1x256x128xbf16>
      %squeeze3A_450 = vector.shape_cast %slice3A_449 : vector<1x256x128xbf16> to vector<256x128xbf16>
      %slice3A_451 = vector.extract_strided_slice %convert_element_type3A_159 {offsets = [0, 0, 0], sizes = [1, 256, 128], strides = [1, 1, 1]} : vector<5x256x128xbf16> to vector<1x256x128xbf16>
      %squeeze3A_452 = vector.shape_cast %slice3A_451 : vector<1x256x128xbf16> to vector<256x128xbf16>
      %mul3A_453 = arith.mulf %squeeze3A_450, %squeeze3A_452 : vector<256x128xbf16>
      %slice3A_454 = vector.extract_strided_slice %convert_element_type3A_160 {offsets = [0, 0, 0], sizes = [1, 256, 128], strides = [1, 1, 1]} : vector<5x256x128xbf16> to vector<1x256x128xbf16>
      %squeeze3A_455 = vector.shape_cast %slice3A_454 : vector<1x256x128xbf16> to vector<256x128xbf16>
      %mul3A_456 = arith.mulf %mul3A_453, %squeeze3A_455 : vector<256x128xbf16>
      %slice3A_457 = vector.extract_strided_slice %convert_element_type3A_160 {offsets = [1, 0, 0], sizes = [1, 256, 128], strides = [1, 1, 1]} : vector<5x256x128xbf16> to vector<1x256x128xbf16>
      %squeeze3A_458 = vector.shape_cast %slice3A_457 : vector<1x256x128xbf16> to vector<256x128xbf16>
      %mul3A_459 = arith.mulf %mul3A_453, %squeeze3A_458 : vector<256x128xbf16>
      %slice3A_460 = vector.extract_strided_slice %convert_element_type3A_160 {offsets = [2, 0, 0], sizes = [1, 256, 128], strides = [1, 1, 1]} : vector<5x256x128xbf16> to vector<1x256x128xbf16>
      %squeeze3A_461 = vector.shape_cast %slice3A_460 : vector<1x256x128xbf16> to vector<256x128xbf16>
      %mul3A_462 = arith.mulf %mul3A_453, %squeeze3A_461 : vector<256x128xbf16>
      %slice3A_463 = vector.extract_strided_slice %convert_element_type3A_160 {offsets = [3, 0, 0], sizes = [1, 256, 128], strides = [1, 1, 1]} : vector<5x256x128xbf16> to vector<1x256x128xbf16>
      %squeeze3A_464 = vector.shape_cast %slice3A_463 : vector<1x256x128xbf16> to vector<256x128xbf16>
      %mul3A_465 = arith.mulf %mul3A_453, %squeeze3A_464 : vector<256x128xbf16>
      %slice3A_466 = vector.extract_strided_slice %convert_element_type3A_160 {offsets = [4, 0, 0], sizes = [1, 256, 128], strides = [1, 1, 1]} : vector<5x256x128xbf16> to vector<1x256x128xbf16>
      %squeeze3A_467 = vector.shape_cast %slice3A_466 : vector<1x256x128xbf16> to vector<256x128xbf16>
      %mul3A_468 = arith.mulf %mul3A_453, %squeeze3A_467 : vector<256x128xbf16>
      %concatenate3A_469 = tpu.concatenate %mul3A_456, %mul3A_459, %mul3A_462, %mul3A_465, %mul3A_468 in 1 : vector<256x128xbf16>, vector<256x128xbf16>, vector<256x128xbf16>, vector<256x128xbf16>, vector<256x128xbf16> -> vector<256x640xbf16>
      %get3A_470 = arith.constant 50 : index
      %get3A_471 = arith.constant 0 : index
      %get3A_472 = arith.constant 0 : index
      %get3A_473 = vector.load %arg4[%get3A_470, %get3A_471, %get3A_472] : memref<125x128x128xbf16, #tpu.memory_space<vmem>>, vector<5x128x128xbf16>
      %reshape3A_474 = vector.shape_cast %get3A_473 : vector<5x128x128xbf16> to vector<640x128xbf16>
      %dot_general3A_475 = arith.constant dense<0.000000e+00> : vector<256x128xf32>
      %dot_general3A_476 = tpu.matmul %concatenate3A_469, %reshape3A_474, %dot_general3A_475 {dimension_numbers = #tpu.dot_dimension_numbers<[1], [0], [0], [1], [0, 0, 1, 1], [], []>, transpose_lhs_hint = false} : vector<256x640xbf16>, vector<640x128xbf16>, vector<256x128xf32> -> vector<256x128xf32>
      %add3A_477 = arith.addf %add3A_448, %dot_general3A_476 : vector<256x128xf32>
      %slice3A_478 = vector.extract_strided_slice %convert_element_type3A_158 {offsets = [2, 0, 0], sizes = [1, 256, 128], strides = [1, 1, 1]} : vector<5x256x128xbf16> to vector<1x256x128xbf16>
      %squeeze3A_479 = vector.shape_cast %slice3A_478 : vector<1x256x128xbf16> to vector<256x128xbf16>
      %slice3A_480 = vector.extract_strided_slice %convert_element_type3A_159 {offsets = [1, 0, 0], sizes = [1, 256, 128], strides = [1, 1, 1]} : vector<5x256x128xbf16> to vector<1x256x128xbf16>
      %squeeze3A_481 = vector.shape_cast %slice3A_480 : vector<1x256x128xbf16> to vector<256x128xbf16>
      %mul3A_482 = arith.mulf %squeeze3A_479, %squeeze3A_481 : vector<256x128xbf16>
      %slice3A_483 = vector.extract_strided_slice %convert_element_type3A_160 {offsets = [0, 0, 0], sizes = [1, 256, 128], strides = [1, 1, 1]} : vector<5x256x128xbf16> to vector<1x256x128xbf16>
      %squeeze3A_484 = vector.shape_cast %slice3A_483 : vector<1x256x128xbf16> to vector<256x128xbf16>
      %mul3A_485 = arith.mulf %mul3A_482, %squeeze3A_484 : vector<256x128xbf16>
      %slice3A_486 = vector.extract_strided_slice %convert_element_type3A_160 {offsets = [1, 0, 0], sizes = [1, 256, 128], strides = [1, 1, 1]} : vector<5x256x128xbf16> to vector<1x256x128xbf16>
      %squeeze3A_487 = vector.shape_cast %slice3A_486 : vector<1x256x128xbf16> to vector<256x128xbf16>
      %mul3A_488 = arith.mulf %mul3A_482, %squeeze3A_487 : vector<256x128xbf16>
      %slice3A_489 = vector.extract_strided_slice %convert_element_type3A_160 {offsets = [2, 0, 0], sizes = [1, 256, 128], strides = [1, 1, 1]} : vector<5x256x128xbf16> to vector<1x256x128xbf16>
      %squeeze3A_490 = vector.shape_cast %slice3A_489 : vector<1x256x128xbf16> to vector<256x128xbf16>
      %mul3A_491 = arith.mulf %mul3A_482, %squeeze3A_490 : vector<256x128xbf16>
      %slice3A_492 = vector.extract_strided_slice %convert_element_type3A_160 {offsets = [3, 0, 0], sizes = [1, 256, 128], strides = [1, 1, 1]} : vector<5x256x128xbf16> to vector<1x256x128xbf16>
      %squeeze3A_493 = vector.shape_cast %slice3A_492 : vector<1x256x128xbf16> to vector<256x128xbf16>
      %mul3A_494 = arith.mulf %mul3A_482, %squeeze3A_493 : vector<256x128xbf16>
      %slice3A_495 = vector.extract_strided_slice %convert_element_type3A_160 {offsets = [4, 0, 0], sizes = [1, 256, 128], strides = [1, 1, 1]} : vector<5x256x128xbf16> to vector<1x256x128xbf16>
      %squeeze3A_496 = vector.shape_cast %slice3A_495 : vector<1x256x128xbf16> to vector<256x128xbf16>
      %mul3A_497 = arith.mulf %mul3A_482, %squeeze3A_496 : vector<256x128xbf16>
      %concatenate3A_498 = tpu.concatenate %mul3A_485, %mul3A_488, %mul3A_491, %mul3A_494, %mul3A_497 in 1 : vector<256x128xbf16>, vector<256x128xbf16>, vector<256x128xbf16>, vector<256x128xbf16>, vector<256x128xbf16> -> vector<256x640xbf16>
      %get3A_499 = arith.constant 55 : index
      %get3A_500 = arith.constant 0 : index
      %get3A_501 = arith.constant 0 : index
      %get3A_502 = vector.load %arg4[%get3A_499, %get3A_500, %get3A_501] : memref<125x128x128xbf16, #tpu.memory_space<vmem>>, vector<5x128x128xbf16>
      %reshape3A_503 = vector.shape_cast %get3A_502 : vector<5x128x128xbf16> to vector<640x128xbf16>
      %dot_general3A_504 = arith.constant dense<0.000000e+00> : vector<256x128xf32>
      %dot_general3A_505 = tpu.matmul %concatenate3A_498, %reshape3A_503, %dot_general3A_504 {dimension_numbers = #tpu.dot_dimension_numbers<[1], [0], [0], [1], [0, 0, 1, 1], [], []>, transpose_lhs_hint = false} : vector<256x640xbf16>, vector<640x128xbf16>, vector<256x128xf32> -> vector<256x128xf32>
      %add3A_506 = arith.addf %add3A_477, %dot_general3A_505 : vector<256x128xf32>
      %slice3A_507 = vector.extract_strided_slice %convert_element_type3A_158 {offsets = [2, 0, 0], sizes = [1, 256, 128], strides = [1, 1, 1]} : vector<5x256x128xbf16> to vector<1x256x128xbf16>
      %squeeze3A_508 = vector.shape_cast %slice3A_507 : vector<1x256x128xbf16> to vector<256x128xbf16>
      %slice3A_509 = vector.extract_strided_slice %convert_element_type3A_159 {offsets = [2, 0, 0], sizes = [1, 256, 128], strides = [1, 1, 1]} : vector<5x256x128xbf16> to vector<1x256x128xbf16>
      %squeeze3A_510 = vector.shape_cast %slice3A_509 : vector<1x256x128xbf16> to vector<256x128xbf16>
      %mul3A_511 = arith.mulf %squeeze3A_508, %squeeze3A_510 : vector<256x128xbf16>
      %slice3A_512 = vector.extract_strided_slice %convert_element_type3A_160 {offsets = [0, 0, 0], sizes = [1, 256, 128], strides = [1, 1, 1]} : vector<5x256x128xbf16> to vector<1x256x128xbf16>
      %squeeze3A_513 = vector.shape_cast %slice3A_512 : vector<1x256x128xbf16> to vector<256x128xbf16>
      %mul3A_514 = arith.mulf %mul3A_511, %squeeze3A_513 : vector<256x128xbf16>
      %slice3A_515 = vector.extract_strided_slice %convert_element_type3A_160 {offsets = [1, 0, 0], sizes = [1, 256, 128], strides = [1, 1, 1]} : vector<5x256x128xbf16> to vector<1x256x128xbf16>
      %squeeze3A_516 = vector.shape_cast %slice3A_515 : vector<1x256x128xbf16> to vector<256x128xbf16>
      %mul3A_517 = arith.mulf %mul3A_511, %squeeze3A_516 : vector<256x128xbf16>
      %slice3A_518 = vector.extract_strided_slice %convert_element_type3A_160 {offsets = [2, 0, 0], sizes = [1, 256, 128], strides = [1, 1, 1]} : vector<5x256x128xbf16> to vector<1x256x128xbf16>
      %squeeze3A_519 = vector.shape_cast %slice3A_518 : vector<1x256x128xbf16> to vector<256x128xbf16>
      %mul3A_520 = arith.mulf %mul3A_511, %squeeze3A_519 : vector<256x128xbf16>
      %slice3A_521 = vector.extract_strided_slice %convert_element_type3A_160 {offsets = [3, 0, 0], sizes = [1, 256, 128], strides = [1, 1, 1]} : vector<5x256x128xbf16> to vector<1x256x128xbf16>
      %squeeze3A_522 = vector.shape_cast %slice3A_521 : vector<1x256x128xbf16> to vector<256x128xbf16>
      %mul3A_523 = arith.mulf %mul3A_511, %squeeze3A_522 : vector<256x128xbf16>
      %slice3A_524 = vector.extract_strided_slice %convert_element_type3A_160 {offsets = [4, 0, 0], sizes = [1, 256, 128], strides = [1, 1, 1]} : vector<5x256x128xbf16> to vector<1x256x128xbf16>
      %squeeze3A_525 = vector.shape_cast %slice3A_524 : vector<1x256x128xbf16> to vector<256x128xbf16>
      %mul3A_526 = arith.mulf %mul3A_511, %squeeze3A_525 : vector<256x128xbf16>
      %concatenate3A_527 = tpu.concatenate %mul3A_514, %mul3A_517, %mul3A_520, %mul3A_523, %mul3A_526 in 1 : vector<256x128xbf16>, vector<256x128xbf16>, vector<256x128xbf16>, vector<256x128xbf16>, vector<256x128xbf16> -> vector<256x640xbf16>
      %get3A_528 = arith.constant 60 : index
      %get3A_529 = arith.constant 0 : index
      %get3A_530 = arith.constant 0 : index
      %get3A_531 = vector.load %arg4[%get3A_528, %get3A_529, %get3A_530] : memref<125x128x128xbf16, #tpu.memory_space<vmem>>, vector<5x128x128xbf16>
      %reshape3A_532 = vector.shape_cast %get3A_531 : vector<5x128x128xbf16> to vector<640x128xbf16>
      %dot_general3A_533 = arith.constant dense<0.000000e+00> : vector<256x128xf32>
      %dot_general3A_534 = tpu.matmul %concatenate3A_527, %reshape3A_532, %dot_general3A_533 {dimension_numbers = #tpu.dot_dimension_numbers<[1], [0], [0], [1], [0, 0, 1, 1], [], []>, transpose_lhs_hint = false} : vector<256x640xbf16>, vector<640x128xbf16>, vector<256x128xf32> -> vector<256x128xf32>
      %add3A_535 = arith.addf %add3A_506, %dot_general3A_534 : vector<256x128xf32>
      %slice3A_536 = vector.extract_strided_slice %convert_element_type3A_158 {offsets = [2, 0, 0], sizes = [1, 256, 128], strides = [1, 1, 1]} : vector<5x256x128xbf16> to vector<1x256x128xbf16>
      %squeeze3A_537 = vector.shape_cast %slice3A_536 : vector<1x256x128xbf16> to vector<256x128xbf16>
      %slice3A_538 = vector.extract_strided_slice %convert_element_type3A_159 {offsets = [3, 0, 0], sizes = [1, 256, 128], strides = [1, 1, 1]} : vector<5x256x128xbf16> to vector<1x256x128xbf16>
      %squeeze3A_539 = vector.shape_cast %slice3A_538 : vector<1x256x128xbf16> to vector<256x128xbf16>
      %mul3A_540 = arith.mulf %squeeze3A_537, %squeeze3A_539 : vector<256x128xbf16>
      %slice3A_541 = vector.extract_strided_slice %convert_element_type3A_160 {offsets = [0, 0, 0], sizes = [1, 256, 128], strides = [1, 1, 1]} : vector<5x256x128xbf16> to vector<1x256x128xbf16>
      %squeeze3A_542 = vector.shape_cast %slice3A_541 : vector<1x256x128xbf16> to vector<256x128xbf16>
      %mul3A_543 = arith.mulf %mul3A_540, %squeeze3A_542 : vector<256x128xbf16>
      %slice3A_544 = vector.extract_strided_slice %convert_element_type3A_160 {offsets = [1, 0, 0], sizes = [1, 256, 128], strides = [1, 1, 1]} : vector<5x256x128xbf16> to vector<1x256x128xbf16>
      %squeeze3A_545 = vector.shape_cast %slice3A_544 : vector<1x256x128xbf16> to vector<256x128xbf16>
      %mul3A_546 = arith.mulf %mul3A_540, %squeeze3A_545 : vector<256x128xbf16>
      %slice3A_547 = vector.extract_strided_slice %convert_element_type3A_160 {offsets = [2, 0, 0], sizes = [1, 256, 128], strides = [1, 1, 1]} : vector<5x256x128xbf16> to vector<1x256x128xbf16>
      %squeeze3A_548 = vector.shape_cast %slice3A_547 : vector<1x256x128xbf16> to vector<256x128xbf16>
      %mul3A_549 = arith.mulf %mul3A_540, %squeeze3A_548 : vector<256x128xbf16>
      %slice3A_550 = vector.extract_strided_slice %convert_element_type3A_160 {offsets = [3, 0, 0], sizes = [1, 256, 128], strides = [1, 1, 1]} : vector<5x256x128xbf16> to vector<1x256x128xbf16>
      %squeeze3A_551 = vector.shape_cast %slice3A_550 : vector<1x256x128xbf16> to vector<256x128xbf16>
      %mul3A_552 = arith.mulf %mul3A_540, %squeeze3A_551 : vector<256x128xbf16>
      %slice3A_553 = vector.extract_strided_slice %convert_element_type3A_160 {offsets = [4, 0, 0], sizes = [1, 256, 128], strides = [1, 1, 1]} : vector<5x256x128xbf16> to vector<1x256x128xbf16>
      %squeeze3A_554 = vector.shape_cast %slice3A_553 : vector<1x256x128xbf16> to vector<256x128xbf16>
      %mul3A_555 = arith.mulf %mul3A_540, %squeeze3A_554 : vector<256x128xbf16>
      %concatenate3A_556 = tpu.concatenate %mul3A_543, %mul3A_546, %mul3A_549, %mul3A_552, %mul3A_555 in 1 : vector<256x128xbf16>, vector<256x128xbf16>, vector<256x128xbf16>, vector<256x128xbf16>, vector<256x128xbf16> -> vector<256x640xbf16>
      %get3A_557 = arith.constant 65 : index
      %get3A_558 = arith.constant 0 : index
      %get3A_559 = arith.constant 0 : index
      %get3A_560 = vector.load %arg4[%get3A_557, %get3A_558, %get3A_559] : memref<125x128x128xbf16, #tpu.memory_space<vmem>>, vector<5x128x128xbf16>
      %reshape3A_561 = vector.shape_cast %get3A_560 : vector<5x128x128xbf16> to vector<640x128xbf16>
      %dot_general3A_562 = arith.constant dense<0.000000e+00> : vector<256x128xf32>
      %dot_general3A_563 = tpu.matmul %concatenate3A_556, %reshape3A_561, %dot_general3A_562 {dimension_numbers = #tpu.dot_dimension_numbers<[1], [0], [0], [1], [0, 0, 1, 1], [], []>, transpose_lhs_hint = false} : vector<256x640xbf16>, vector<640x128xbf16>, vector<256x128xf32> -> vector<256x128xf32>
      %add3A_564 = arith.addf %add3A_535, %dot_general3A_563 : vector<256x128xf32>
      %slice3A_565 = vector.extract_strided_slice %convert_element_type3A_158 {offsets = [2, 0, 0], sizes = [1, 256, 128], strides = [1, 1, 1]} : vector<5x256x128xbf16> to vector<1x256x128xbf16>
      %squeeze3A_566 = vector.shape_cast %slice3A_565 : vector<1x256x128xbf16> to vector<256x128xbf16>
      %slice3A_567 = vector.extract_strided_slice %convert_element_type3A_159 {offsets = [4, 0, 0], sizes = [1, 256, 128], strides = [1, 1, 1]} : vector<5x256x128xbf16> to vector<1x256x128xbf16>
      %squeeze3A_568 = vector.shape_cast %slice3A_567 : vector<1x256x128xbf16> to vector<256x128xbf16>
      %mul3A_569 = arith.mulf %squeeze3A_566, %squeeze3A_568 : vector<256x128xbf16>
      %slice3A_570 = vector.extract_strided_slice %convert_element_type3A_160 {offsets = [0, 0, 0], sizes = [1, 256, 128], strides = [1, 1, 1]} : vector<5x256x128xbf16> to vector<1x256x128xbf16>
      %squeeze3A_571 = vector.shape_cast %slice3A_570 : vector<1x256x128xbf16> to vector<256x128xbf16>
      %mul3A_572 = arith.mulf %mul3A_569, %squeeze3A_571 : vector<256x128xbf16>
      %slice3A_573 = vector.extract_strided_slice %convert_element_type3A_160 {offsets = [1, 0, 0], sizes = [1, 256, 128], strides = [1, 1, 1]} : vector<5x256x128xbf16> to vector<1x256x128xbf16>
      %squeeze3A_574 = vector.shape_cast %slice3A_573 : vector<1x256x128xbf16> to vector<256x128xbf16>
      %mul3A_575 = arith.mulf %mul3A_569, %squeeze3A_574 : vector<256x128xbf16>
      %slice3A_576 = vector.extract_strided_slice %convert_element_type3A_160 {offsets = [2, 0, 0], sizes = [1, 256, 128], strides = [1, 1, 1]} : vector<5x256x128xbf16> to vector<1x256x128xbf16>
      %squeeze3A_577 = vector.shape_cast %slice3A_576 : vector<1x256x128xbf16> to vector<256x128xbf16>
      %mul3A_578 = arith.mulf %mul3A_569, %squeeze3A_577 : vector<256x128xbf16>
      %slice3A_579 = vector.extract_strided_slice %convert_element_type3A_160 {offsets = [3, 0, 0], sizes = [1, 256, 128], strides = [1, 1, 1]} : vector<5x256x128xbf16> to vector<1x256x128xbf16>
      %squeeze3A_580 = vector.shape_cast %slice3A_579 : vector<1x256x128xbf16> to vector<256x128xbf16>
      %mul3A_581 = arith.mulf %mul3A_569, %squeeze3A_580 : vector<256x128xbf16>
      %slice3A_582 = vector.extract_strided_slice %convert_element_type3A_160 {offsets = [4, 0, 0], sizes = [1, 256, 128], strides = [1, 1, 1]} : vector<5x256x128xbf16> to vector<1x256x128xbf16>
      %squeeze3A_583 = vector.shape_cast %slice3A_582 : vector<1x256x128xbf16> to vector<256x128xbf16>
      %mul3A_584 = arith.mulf %mul3A_569, %squeeze3A_583 : vector<256x128xbf16>
      %concatenate3A_585 = tpu.concatenate %mul3A_572, %mul3A_575, %mul3A_578, %mul3A_581, %mul3A_584 in 1 : vector<256x128xbf16>, vector<256x128xbf16>, vector<256x128xbf16>, vector<256x128xbf16>, vector<256x128xbf16> -> vector<256x640xbf16>
      %get3A_586 = arith.constant 70 : index
      %get3A_587 = arith.constant 0 : index
      %get3A_588 = arith.constant 0 : index
      %get3A_589 = vector.load %arg4[%get3A_586, %get3A_587, %get3A_588] : memref<125x128x128xbf16, #tpu.memory_space<vmem>>, vector<5x128x128xbf16>
      %reshape3A_590 = vector.shape_cast %get3A_589 : vector<5x128x128xbf16> to vector<640x128xbf16>
      %dot_general3A_591 = arith.constant dense<0.000000e+00> : vector<256x128xf32>
      %dot_general3A_592 = tpu.matmul %concatenate3A_585, %reshape3A_590, %dot_general3A_591 {dimension_numbers = #tpu.dot_dimension_numbers<[1], [0], [0], [1], [0, 0, 1, 1], [], []>, transpose_lhs_hint = false} : vector<256x640xbf16>, vector<640x128xbf16>, vector<256x128xf32> -> vector<256x128xf32>
      %add3A_593 = arith.addf %add3A_564, %dot_general3A_592 : vector<256x128xf32>
      %slice3A_594 = vector.extract_strided_slice %convert_element_type3A_158 {offsets = [3, 0, 0], sizes = [1, 256, 128], strides = [1, 1, 1]} : vector<5x256x128xbf16> to vector<1x256x128xbf16>
      %squeeze3A_595 = vector.shape_cast %slice3A_594 : vector<1x256x128xbf16> to vector<256x128xbf16>
      %slice3A_596 = vector.extract_strided_slice %convert_element_type3A_159 {offsets = [0, 0, 0], sizes = [1, 256, 128], strides = [1, 1, 1]} : vector<5x256x128xbf16> to vector<1x256x128xbf16>
      %squeeze3A_597 = vector.shape_cast %slice3A_596 : vector<1x256x128xbf16> to vector<256x128xbf16>
      %mul3A_598 = arith.mulf %squeeze3A_595, %squeeze3A_597 : vector<256x128xbf16>
      %slice3A_599 = vector.extract_strided_slice %convert_element_type3A_160 {offsets = [0, 0, 0], sizes = [1, 256, 128], strides = [1, 1, 1]} : vector<5x256x128xbf16> to vector<1x256x128xbf16>
      %squeeze3A_600 = vector.shape_cast %slice3A_599 : vector<1x256x128xbf16> to vector<256x128xbf16>
      %mul3A_601 = arith.mulf %mul3A_598, %squeeze3A_600 : vector<256x128xbf16>
      %slice3A_602 = vector.extract_strided_slice %convert_element_type3A_160 {offsets = [1, 0, 0], sizes = [1, 256, 128], strides = [1, 1, 1]} : vector<5x256x128xbf16> to vector<1x256x128xbf16>
      %squeeze3A_603 = vector.shape_cast %slice3A_602 : vector<1x256x128xbf16> to vector<256x128xbf16>
      %mul3A_604 = arith.mulf %mul3A_598, %squeeze3A_603 : vector<256x128xbf16>
      %slice3A_605 = vector.extract_strided_slice %convert_element_type3A_160 {offsets = [2, 0, 0], sizes = [1, 256, 128], strides = [1, 1, 1]} : vector<5x256x128xbf16> to vector<1x256x128xbf16>
      %squeeze3A_606 = vector.shape_cast %slice3A_605 : vector<1x256x128xbf16> to vector<256x128xbf16>
      %mul3A_607 = arith.mulf %mul3A_598, %squeeze3A_606 : vector<256x128xbf16>
      %slice3A_608 = vector.extract_strided_slice %convert_element_type3A_160 {offsets = [3, 0, 0], sizes = [1, 256, 128], strides = [1, 1, 1]} : vector<5x256x128xbf16> to vector<1x256x128xbf16>
      %squeeze3A_609 = vector.shape_cast %slice3A_608 : vector<1x256x128xbf16> to vector<256x128xbf16>
      %mul3A_610 = arith.mulf %mul3A_598, %squeeze3A_609 : vector<256x128xbf16>
      %slice3A_611 = vector.extract_strided_slice %convert_element_type3A_160 {offsets = [4, 0, 0], sizes = [1, 256, 128], strides = [1, 1, 1]} : vector<5x256x128xbf16> to vector<1x256x128xbf16>
      %squeeze3A_612 = vector.shape_cast %slice3A_611 : vector<1x256x128xbf16> to vector<256x128xbf16>
      %mul3A_613 = arith.mulf %mul3A_598, %squeeze3A_612 : vector<256x128xbf16>
      %concatenate3A_614 = tpu.concatenate %mul3A_601, %mul3A_604, %mul3A_607, %mul3A_610, %mul3A_613 in 1 : vector<256x128xbf16>, vector<256x128xbf16>, vector<256x128xbf16>, vector<256x128xbf16>, vector<256x128xbf16> -> vector<256x640xbf16>
      %get3A_615 = arith.constant 75 : index
      %get3A_616 = arith.constant 0 : index
      %get3A_617 = arith.constant 0 : index
      %get3A_618 = vector.load %arg4[%get3A_615, %get3A_616, %get3A_617] : memref<125x128x128xbf16, #tpu.memory_space<vmem>>, vector<5x128x128xbf16>
      %reshape3A_619 = vector.shape_cast %get3A_618 : vector<5x128x128xbf16> to vector<640x128xbf16>
      %dot_general3A_620 = arith.constant dense<0.000000e+00> : vector<256x128xf32>
      %dot_general3A_621 = tpu.matmul %concatenate3A_614, %reshape3A_619, %dot_general3A_620 {dimension_numbers = #tpu.dot_dimension_numbers<[1], [0], [0], [1], [0, 0, 1, 1], [], []>, transpose_lhs_hint = false} : vector<256x640xbf16>, vector<640x128xbf16>, vector<256x128xf32> -> vector<256x128xf32>
      %add3A_622 = arith.addf %add3A_593, %dot_general3A_621 : vector<256x128xf32>
      %slice3A_623 = vector.extract_strided_slice %convert_element_type3A_158 {offsets = [3, 0, 0], sizes = [1, 256, 128], strides = [1, 1, 1]} : vector<5x256x128xbf16> to vector<1x256x128xbf16>
      %squeeze3A_624 = vector.shape_cast %slice3A_623 : vector<1x256x128xbf16> to vector<256x128xbf16>
      %slice3A_625 = vector.extract_strided_slice %convert_element_type3A_159 {offsets = [1, 0, 0], sizes = [1, 256, 128], strides = [1, 1, 1]} : vector<5x256x128xbf16> to vector<1x256x128xbf16>
      %squeeze3A_626 = vector.shape_cast %slice3A_625 : vector<1x256x128xbf16> to vector<256x128xbf16>
      %mul3A_627 = arith.mulf %squeeze3A_624, %squeeze3A_626 : vector<256x128xbf16>
      %slice3A_628 = vector.extract_strided_slice %convert_element_type3A_160 {offsets = [0, 0, 0], sizes = [1, 256, 128], strides = [1, 1, 1]} : vector<5x256x128xbf16> to vector<1x256x128xbf16>
      %squeeze3A_629 = vector.shape_cast %slice3A_628 : vector<1x256x128xbf16> to vector<256x128xbf16>
      %mul3A_630 = arith.mulf %mul3A_627, %squeeze3A_629 : vector<256x128xbf16>
      %slice3A_631 = vector.extract_strided_slice %convert_element_type3A_160 {offsets = [1, 0, 0], sizes = [1, 256, 128], strides = [1, 1, 1]} : vector<5x256x128xbf16> to vector<1x256x128xbf16>
      %squeeze3A_632 = vector.shape_cast %slice3A_631 : vector<1x256x128xbf16> to vector<256x128xbf16>
      %mul3A_633 = arith.mulf %mul3A_627, %squeeze3A_632 : vector<256x128xbf16>
      %slice3A_634 = vector.extract_strided_slice %convert_element_type3A_160 {offsets = [2, 0, 0], sizes = [1, 256, 128], strides = [1, 1, 1]} : vector<5x256x128xbf16> to vector<1x256x128xbf16>
      %squeeze3A_635 = vector.shape_cast %slice3A_634 : vector<1x256x128xbf16> to vector<256x128xbf16>
      %mul3A_636 = arith.mulf %mul3A_627, %squeeze3A_635 : vector<256x128xbf16>
      %slice3A_637 = vector.extract_strided_slice %convert_element_type3A_160 {offsets = [3, 0, 0], sizes = [1, 256, 128], strides = [1, 1, 1]} : vector<5x256x128xbf16> to vector<1x256x128xbf16>
      %squeeze3A_638 = vector.shape_cast %slice3A_637 : vector<1x256x128xbf16> to vector<256x128xbf16>
      %mul3A_639 = arith.mulf %mul3A_627, %squeeze3A_638 : vector<256x128xbf16>
      %slice3A_640 = vector.extract_strided_slice %convert_element_type3A_160 {offsets = [4, 0, 0], sizes = [1, 256, 128], strides = [1, 1, 1]} : vector<5x256x128xbf16> to vector<1x256x128xbf16>
      %squeeze3A_641 = vector.shape_cast %slice3A_640 : vector<1x256x128xbf16> to vector<256x128xbf16>
      %mul3A_642 = arith.mulf %mul3A_627, %squeeze3A_641 : vector<256x128xbf16>
      %concatenate3A_643 = tpu.concatenate %mul3A_630, %mul3A_633, %mul3A_636, %mul3A_639, %mul3A_642 in 1 : vector<256x128xbf16>, vector<256x128xbf16>, vector<256x128xbf16>, vector<256x128xbf16>, vector<256x128xbf16> -> vector<256x640xbf16>
      %get3A_644 = arith.constant 80 : index
      %get3A_645 = arith.constant 0 : index
      %get3A_646 = arith.constant 0 : index
      %get3A_647 = vector.load %arg4[%get3A_644, %get3A_645, %get3A_646] : memref<125x128x128xbf16, #tpu.memory_space<vmem>>, vector<5x128x128xbf16>
      %reshape3A_648 = vector.shape_cast %get3A_647 : vector<5x128x128xbf16> to vector<640x128xbf16>
      %dot_general3A_649 = arith.constant dense<0.000000e+00> : vector<256x128xf32>
      %dot_general3A_650 = tpu.matmul %concatenate3A_643, %reshape3A_648, %dot_general3A_649 {dimension_numbers = #tpu.dot_dimension_numbers<[1], [0], [0], [1], [0, 0, 1, 1], [], []>, transpose_lhs_hint = false} : vector<256x640xbf16>, vector<640x128xbf16>, vector<256x128xf32> -> vector<256x128xf32>
      %add3A_651 = arith.addf %add3A_622, %dot_general3A_650 : vector<256x128xf32>
      %slice3A_652 = vector.extract_strided_slice %convert_element_type3A_158 {offsets = [3, 0, 0], sizes = [1, 256, 128], strides = [1, 1, 1]} : vector<5x256x128xbf16> to vector<1x256x128xbf16>
      %squeeze3A_653 = vector.shape_cast %slice3A_652 : vector<1x256x128xbf16> to vector<256x128xbf16>
      %slice3A_654 = vector.extract_strided_slice %convert_element_type3A_159 {offsets = [2, 0, 0], sizes = [1, 256, 128], strides = [1, 1, 1]} : vector<5x256x128xbf16> to vector<1x256x128xbf16>
      %squeeze3A_655 = vector.shape_cast %slice3A_654 : vector<1x256x128xbf16> to vector<256x128xbf16>
      %mul3A_656 = arith.mulf %squeeze3A_653, %squeeze3A_655 : vector<256x128xbf16>
      %slice3A_657 = vector.extract_strided_slice %convert_element_type3A_160 {offsets = [0, 0, 0], sizes = [1, 256, 128], strides = [1, 1, 1]} : vector<5x256x128xbf16> to vector<1x256x128xbf16>
      %squeeze3A_658 = vector.shape_cast %slice3A_657 : vector<1x256x128xbf16> to vector<256x128xbf16>
      %mul3A_659 = arith.mulf %mul3A_656, %squeeze3A_658 : vector<256x128xbf16>
      %slice3A_660 = vector.extract_strided_slice %convert_element_type3A_160 {offsets = [1, 0, 0], sizes = [1, 256, 128], strides = [1, 1, 1]} : vector<5x256x128xbf16> to vector<1x256x128xbf16>
      %squeeze3A_661 = vector.shape_cast %slice3A_660 : vector<1x256x128xbf16> to vector<256x128xbf16>
      %mul3A_662 = arith.mulf %mul3A_656, %squeeze3A_661 : vector<256x128xbf16>
      %slice3A_663 = vector.extract_strided_slice %convert_element_type3A_160 {offsets = [2, 0, 0], sizes = [1, 256, 128], strides = [1, 1, 1]} : vector<5x256x128xbf16> to vector<1x256x128xbf16>
      %squeeze3A_664 = vector.shape_cast %slice3A_663 : vector<1x256x128xbf16> to vector<256x128xbf16>
      %mul3A_665 = arith.mulf %mul3A_656, %squeeze3A_664 : vector<256x128xbf16>
      %slice3A_666 = vector.extract_strided_slice %convert_element_type3A_160 {offsets = [3, 0, 0], sizes = [1, 256, 128], strides = [1, 1, 1]} : vector<5x256x128xbf16> to vector<1x256x128xbf16>
      %squeeze3A_667 = vector.shape_cast %slice3A_666 : vector<1x256x128xbf16> to vector<256x128xbf16>
      %mul3A_668 = arith.mulf %mul3A_656, %squeeze3A_667 : vector<256x128xbf16>
      %slice3A_669 = vector.extract_strided_slice %convert_element_type3A_160 {offsets = [4, 0, 0], sizes = [1, 256, 128], strides = [1, 1, 1]} : vector<5x256x128xbf16> to vector<1x256x128xbf16>
      %squeeze3A_670 = vector.shape_cast %slice3A_669 : vector<1x256x128xbf16> to vector<256x128xbf16>
      %mul3A_671 = arith.mulf %mul3A_656, %squeeze3A_670 : vector<256x128xbf16>
      %concatenate3A_672 = tpu.concatenate %mul3A_659, %mul3A_662, %mul3A_665, %mul3A_668, %mul3A_671 in 1 : vector<256x128xbf16>, vector<256x128xbf16>, vector<256x128xbf16>, vector<256x128xbf16>, vector<256x128xbf16> -> vector<256x640xbf16>
      %get3A_673 = arith.constant 85 : index
      %get3A_674 = arith.constant 0 : index
      %get3A_675 = arith.constant 0 : index
      %get3A_676 = vector.load %arg4[%get3A_673, %get3A_674, %get3A_675] : memref<125x128x128xbf16, #tpu.memory_space<vmem>>, vector<5x128x128xbf16>
      %reshape3A_677 = vector.shape_cast %get3A_676 : vector<5x128x128xbf16> to vector<640x128xbf16>
      %dot_general3A_678 = arith.constant dense<0.000000e+00> : vector<256x128xf32>
      %dot_general3A_679 = tpu.matmul %concatenate3A_672, %reshape3A_677, %dot_general3A_678 {dimension_numbers = #tpu.dot_dimension_numbers<[1], [0], [0], [1], [0, 0, 1, 1], [], []>, transpose_lhs_hint = false} : vector<256x640xbf16>, vector<640x128xbf16>, vector<256x128xf32> -> vector<256x128xf32>
      %add3A_680 = arith.addf %add3A_651, %dot_general3A_679 : vector<256x128xf32>
      %slice3A_681 = vector.extract_strided_slice %convert_element_type3A_158 {offsets = [3, 0, 0], sizes = [1, 256, 128], strides = [1, 1, 1]} : vector<5x256x128xbf16> to vector<1x256x128xbf16>
      %squeeze3A_682 = vector.shape_cast %slice3A_681 : vector<1x256x128xbf16> to vector<256x128xbf16>
      %slice3A_683 = vector.extract_strided_slice %convert_element_type3A_159 {offsets = [3, 0, 0], sizes = [1, 256, 128], strides = [1, 1, 1]} : vector<5x256x128xbf16> to vector<1x256x128xbf16>
      %squeeze3A_684 = vector.shape_cast %slice3A_683 : vector<1x256x128xbf16> to vector<256x128xbf16>
      %mul3A_685 = arith.mulf %squeeze3A_682, %squeeze3A_684 : vector<256x128xbf16>
      %slice3A_686 = vector.extract_strided_slice %convert_element_type3A_160 {offsets = [0, 0, 0], sizes = [1, 256, 128], strides = [1, 1, 1]} : vector<5x256x128xbf16> to vector<1x256x128xbf16>
      %squeeze3A_687 = vector.shape_cast %slice3A_686 : vector<1x256x128xbf16> to vector<256x128xbf16>
      %mul3A_688 = arith.mulf %mul3A_685, %squeeze3A_687 : vector<256x128xbf16>
      %slice3A_689 = vector.extract_strided_slice %convert_element_type3A_160 {offsets = [1, 0, 0], sizes = [1, 256, 128], strides = [1, 1, 1]} : vector<5x256x128xbf16> to vector<1x256x128xbf16>
      %squeeze3A_690 = vector.shape_cast %slice3A_689 : vector<1x256x128xbf16> to vector<256x128xbf16>
      %mul3A_691 = arith.mulf %mul3A_685, %squeeze3A_690 : vector<256x128xbf16>
      %slice3A_692 = vector.extract_strided_slice %convert_element_type3A_160 {offsets = [2, 0, 0], sizes = [1, 256, 128], strides = [1, 1, 1]} : vector<5x256x128xbf16> to vector<1x256x128xbf16>
      %squeeze3A_693 = vector.shape_cast %slice3A_692 : vector<1x256x128xbf16> to vector<256x128xbf16>
      %mul3A_694 = arith.mulf %mul3A_685, %squeeze3A_693 : vector<256x128xbf16>
      %slice3A_695 = vector.extract_strided_slice %convert_element_type3A_160 {offsets = [3, 0, 0], sizes = [1, 256, 128], strides = [1, 1, 1]} : vector<5x256x128xbf16> to vector<1x256x128xbf16>
      %squeeze3A_696 = vector.shape_cast %slice3A_695 : vector<1x256x128xbf16> to vector<256x128xbf16>
      %mul3A_697 = arith.mulf %mul3A_685, %squeeze3A_696 : vector<256x128xbf16>
      %slice3A_698 = vector.extract_strided_slice %convert_element_type3A_160 {offsets = [4, 0, 0], sizes = [1, 256, 128], strides = [1, 1, 1]} : vector<5x256x128xbf16> to vector<1x256x128xbf16>
      %squeeze3A_699 = vector.shape_cast %slice3A_698 : vector<1x256x128xbf16> to vector<256x128xbf16>
      %mul3A_700 = arith.mulf %mul3A_685, %squeeze3A_699 : vector<256x128xbf16>
      %concatenate3A_701 = tpu.concatenate %mul3A_688, %mul3A_691, %mul3A_694, %mul3A_697, %mul3A_700 in 1 : vector<256x128xbf16>, vector<256x128xbf16>, vector<256x128xbf16>, vector<256x128xbf16>, vector<256x128xbf16> -> vector<256x640xbf16>
      %get3A_702 = arith.constant 90 : index
      %get3A_703 = arith.constant 0 : index
      %get3A_704 = arith.constant 0 : index
      %get3A_705 = vector.load %arg4[%get3A_702, %get3A_703, %get3A_704] : memref<125x128x128xbf16, #tpu.memory_space<vmem>>, vector<5x128x128xbf16>
      %reshape3A_706 = vector.shape_cast %get3A_705 : vector<5x128x128xbf16> to vector<640x128xbf16>
      %dot_general3A_707 = arith.constant dense<0.000000e+00> : vector<256x128xf32>
      %dot_general3A_708 = tpu.matmul %concatenate3A_701, %reshape3A_706, %dot_general3A_707 {dimension_numbers = #tpu.dot_dimension_numbers<[1], [0], [0], [1], [0, 0, 1, 1], [], []>, transpose_lhs_hint = false} : vector<256x640xbf16>, vector<640x128xbf16>, vector<256x128xf32> -> vector<256x128xf32>
      %add3A_709 = arith.addf %add3A_680, %dot_general3A_708 : vector<256x128xf32>
      %slice3A_710 = vector.extract_strided_slice %convert_element_type3A_158 {offsets = [3, 0, 0], sizes = [1, 256, 128], strides = [1, 1, 1]} : vector<5x256x128xbf16> to vector<1x256x128xbf16>
      %squeeze3A_711 = vector.shape_cast %slice3A_710 : vector<1x256x128xbf16> to vector<256x128xbf16>
      %slice3A_712 = vector.extract_strided_slice %convert_element_type3A_159 {offsets = [4, 0, 0], sizes = [1, 256, 128], strides = [1, 1, 1]} : vector<5x256x128xbf16> to vector<1x256x128xbf16>
      %squeeze3A_713 = vector.shape_cast %slice3A_712 : vector<1x256x128xbf16> to vector<256x128xbf16>
      %mul3A_714 = arith.mulf %squeeze3A_711, %squeeze3A_713 : vector<256x128xbf16>
      %slice3A_715 = vector.extract_strided_slice %convert_element_type3A_160 {offsets = [0, 0, 0], sizes = [1, 256, 128], strides = [1, 1, 1]} : vector<5x256x128xbf16> to vector<1x256x128xbf16>
      %squeeze3A_716 = vector.shape_cast %slice3A_715 : vector<1x256x128xbf16> to vector<256x128xbf16>
      %mul3A_717 = arith.mulf %mul3A_714, %squeeze3A_716 : vector<256x128xbf16>
      %slice3A_718 = vector.extract_strided_slice %convert_element_type3A_160 {offsets = [1, 0, 0], sizes = [1, 256, 128], strides = [1, 1, 1]} : vector<5x256x128xbf16> to vector<1x256x128xbf16>
      %squeeze3A_719 = vector.shape_cast %slice3A_718 : vector<1x256x128xbf16> to vector<256x128xbf16>
      %mul3A_720 = arith.mulf %mul3A_714, %squeeze3A_719 : vector<256x128xbf16>
      %slice3A_721 = vector.extract_strided_slice %convert_element_type3A_160 {offsets = [2, 0, 0], sizes = [1, 256, 128], strides = [1, 1, 1]} : vector<5x256x128xbf16> to vector<1x256x128xbf16>
      %squeeze3A_722 = vector.shape_cast %slice3A_721 : vector<1x256x128xbf16> to vector<256x128xbf16>
      %mul3A_723 = arith.mulf %mul3A_714, %squeeze3A_722 : vector<256x128xbf16>
      %slice3A_724 = vector.extract_strided_slice %convert_element_type3A_160 {offsets = [3, 0, 0], sizes = [1, 256, 128], strides = [1, 1, 1]} : vector<5x256x128xbf16> to vector<1x256x128xbf16>
      %squeeze3A_725 = vector.shape_cast %slice3A_724 : vector<1x256x128xbf16> to vector<256x128xbf16>
      %mul3A_726 = arith.mulf %mul3A_714, %squeeze3A_725 : vector<256x128xbf16>
      %slice3A_727 = vector.extract_strided_slice %convert_element_type3A_160 {offsets = [4, 0, 0], sizes = [1, 256, 128], strides = [1, 1, 1]} : vector<5x256x128xbf16> to vector<1x256x128xbf16>
      %squeeze3A_728 = vector.shape_cast %slice3A_727 : vector<1x256x128xbf16> to vector<256x128xbf16>
      %mul3A_729 = arith.mulf %mul3A_714, %squeeze3A_728 : vector<256x128xbf16>
      %concatenate3A_730 = tpu.concatenate %mul3A_717, %mul3A_720, %mul3A_723, %mul3A_726, %mul3A_729 in 1 : vector<256x128xbf16>, vector<256x128xbf16>, vector<256x128xbf16>, vector<256x128xbf16>, vector<256x128xbf16> -> vector<256x640xbf16>
      %get3A_731 = arith.constant 95 : index
      %get3A_732 = arith.constant 0 : index
      %get3A_733 = arith.constant 0 : index
      %get3A_734 = vector.load %arg4[%get3A_731, %get3A_732, %get3A_733] : memref<125x128x128xbf16, #tpu.memory_space<vmem>>, vector<5x128x128xbf16>
      %reshape3A_735 = vector.shape_cast %get3A_734 : vector<5x128x128xbf16> to vector<640x128xbf16>
      %dot_general3A_736 = arith.constant dense<0.000000e+00> : vector<256x128xf32>
      %dot_general3A_737 = tpu.matmul %concatenate3A_730, %reshape3A_735, %dot_general3A_736 {dimension_numbers = #tpu.dot_dimension_numbers<[1], [0], [0], [1], [0, 0, 1, 1], [], []>, transpose_lhs_hint = false} : vector<256x640xbf16>, vector<640x128xbf16>, vector<256x128xf32> -> vector<256x128xf32>
      %add3A_738 = arith.addf %add3A_709, %dot_general3A_737 : vector<256x128xf32>
      %slice3A_739 = vector.extract_strided_slice %convert_element_type3A_158 {offsets = [4, 0, 0], sizes = [1, 256, 128], strides = [1, 1, 1]} : vector<5x256x128xbf16> to vector<1x256x128xbf16>
      %squeeze3A_740 = vector.shape_cast %slice3A_739 : vector<1x256x128xbf16> to vector<256x128xbf16>
      %slice3A_741 = vector.extract_strided_slice %convert_element_type3A_159 {offsets = [0, 0, 0], sizes = [1, 256, 128], strides = [1, 1, 1]} : vector<5x256x128xbf16> to vector<1x256x128xbf16>
      %squeeze3A_742 = vector.shape_cast %slice3A_741 : vector<1x256x128xbf16> to vector<256x128xbf16>
      %mul3A_743 = arith.mulf %squeeze3A_740, %squeeze3A_742 : vector<256x128xbf16>
      %slice3A_744 = vector.extract_strided_slice %convert_element_type3A_160 {offsets = [0, 0, 0], sizes = [1, 256, 128], strides = [1, 1, 1]} : vector<5x256x128xbf16> to vector<1x256x128xbf16>
      %squeeze3A_745 = vector.shape_cast %slice3A_744 : vector<1x256x128xbf16> to vector<256x128xbf16>
      %mul3A_746 = arith.mulf %mul3A_743, %squeeze3A_745 : vector<256x128xbf16>
      %slice3A_747 = vector.extract_strided_slice %convert_element_type3A_160 {offsets = [1, 0, 0], sizes = [1, 256, 128], strides = [1, 1, 1]} : vector<5x256x128xbf16> to vector<1x256x128xbf16>
      %squeeze3A_748 = vector.shape_cast %slice3A_747 : vector<1x256x128xbf16> to vector<256x128xbf16>
      %mul3A_749 = arith.mulf %mul3A_743, %squeeze3A_748 : vector<256x128xbf16>
      %slice3A_750 = vector.extract_strided_slice %convert_element_type3A_160 {offsets = [2, 0, 0], sizes = [1, 256, 128], strides = [1, 1, 1]} : vector<5x256x128xbf16> to vector<1x256x128xbf16>
      %squeeze3A_751 = vector.shape_cast %slice3A_750 : vector<1x256x128xbf16> to vector<256x128xbf16>
      %mul3A_752 = arith.mulf %mul3A_743, %squeeze3A_751 : vector<256x128xbf16>
      %slice3A_753 = vector.extract_strided_slice %convert_element_type3A_160 {offsets = [3, 0, 0], sizes = [1, 256, 128], strides = [1, 1, 1]} : vector<5x256x128xbf16> to vector<1x256x128xbf16>
      %squeeze3A_754 = vector.shape_cast %slice3A_753 : vector<1x256x128xbf16> to vector<256x128xbf16>
      %mul3A_755 = arith.mulf %mul3A_743, %squeeze3A_754 : vector<256x128xbf16>
      %slice3A_756 = vector.extract_strided_slice %convert_element_type3A_160 {offsets = [4, 0, 0], sizes = [1, 256, 128], strides = [1, 1, 1]} : vector<5x256x128xbf16> to vector<1x256x128xbf16>
      %squeeze3A_757 = vector.shape_cast %slice3A_756 : vector<1x256x128xbf16> to vector<256x128xbf16>
      %mul3A_758 = arith.mulf %mul3A_743, %squeeze3A_757 : vector<256x128xbf16>
      %concatenate3A_759 = tpu.concatenate %mul3A_746, %mul3A_749, %mul3A_752, %mul3A_755, %mul3A_758 in 1 : vector<256x128xbf16>, vector<256x128xbf16>, vector<256x128xbf16>, vector<256x128xbf16>, vector<256x128xbf16> -> vector<256x640xbf16>
      %get3A_760 = arith.constant 100 : index
      %get3A_761 = arith.constant 0 : index
      %get3A_762 = arith.constant 0 : index
      %get3A_763 = vector.load %arg4[%get3A_760, %get3A_761, %get3A_762] : memref<125x128x128xbf16, #tpu.memory_space<vmem>>, vector<5x128x128xbf16>
      %reshape3A_764 = vector.shape_cast %get3A_763 : vector<5x128x128xbf16> to vector<640x128xbf16>
      %dot_general3A_765 = arith.constant dense<0.000000e+00> : vector<256x128xf32>
      %dot_general3A_766 = tpu.matmul %concatenate3A_759, %reshape3A_764, %dot_general3A_765 {dimension_numbers = #tpu.dot_dimension_numbers<[1], [0], [0], [1], [0, 0, 1, 1], [], []>, transpose_lhs_hint = false} : vector<256x640xbf16>, vector<640x128xbf16>, vector<256x128xf32> -> vector<256x128xf32>
      %add3A_767 = arith.addf %add3A_738, %dot_general3A_766 : vector<256x128xf32>
      %slice3A_768 = vector.extract_strided_slice %convert_element_type3A_158 {offsets = [4, 0, 0], sizes = [1, 256, 128], strides = [1, 1, 1]} : vector<5x256x128xbf16> to vector<1x256x128xbf16>
      %squeeze3A_769 = vector.shape_cast %slice3A_768 : vector<1x256x128xbf16> to vector<256x128xbf16>
      %slice3A_770 = vector.extract_strided_slice %convert_element_type3A_159 {offsets = [1, 0, 0], sizes = [1, 256, 128], strides = [1, 1, 1]} : vector<5x256x128xbf16> to vector<1x256x128xbf16>
      %squeeze3A_771 = vector.shape_cast %slice3A_770 : vector<1x256x128xbf16> to vector<256x128xbf16>
      %mul3A_772 = arith.mulf %squeeze3A_769, %squeeze3A_771 : vector<256x128xbf16>
      %slice3A_773 = vector.extract_strided_slice %convert_element_type3A_160 {offsets = [0, 0, 0], sizes = [1, 256, 128], strides = [1, 1, 1]} : vector<5x256x128xbf16> to vector<1x256x128xbf16>
      %squeeze3A_774 = vector.shape_cast %slice3A_773 : vector<1x256x128xbf16> to vector<256x128xbf16>
      %mul3A_775 = arith.mulf %mul3A_772, %squeeze3A_774 : vector<256x128xbf16>
      %slice3A_776 = vector.extract_strided_slice %convert_element_type3A_160 {offsets = [1, 0, 0], sizes = [1, 256, 128], strides = [1, 1, 1]} : vector<5x256x128xbf16> to vector<1x256x128xbf16>
      %squeeze3A_777 = vector.shape_cast %slice3A_776 : vector<1x256x128xbf16> to vector<256x128xbf16>
      %mul3A_778 = arith.mulf %mul3A_772, %squeeze3A_777 : vector<256x128xbf16>
      %slice3A_779 = vector.extract_strided_slice %convert_element_type3A_160 {offsets = [2, 0, 0], sizes = [1, 256, 128], strides = [1, 1, 1]} : vector<5x256x128xbf16> to vector<1x256x128xbf16>
      %squeeze3A_780 = vector.shape_cast %slice3A_779 : vector<1x256x128xbf16> to vector<256x128xbf16>
      %mul3A_781 = arith.mulf %mul3A_772, %squeeze3A_780 : vector<256x128xbf16>
      %slice3A_782 = vector.extract_strided_slice %convert_element_type3A_160 {offsets = [3, 0, 0], sizes = [1, 256, 128], strides = [1, 1, 1]} : vector<5x256x128xbf16> to vector<1x256x128xbf16>
      %squeeze3A_783 = vector.shape_cast %slice3A_782 : vector<1x256x128xbf16> to vector<256x128xbf16>
      %mul3A_784 = arith.mulf %mul3A_772, %squeeze3A_783 : vector<256x128xbf16>
      %slice3A_785 = vector.extract_strided_slice %convert_element_type3A_160 {offsets = [4, 0, 0], sizes = [1, 256, 128], strides = [1, 1, 1]} : vector<5x256x128xbf16> to vector<1x256x128xbf16>
      %squeeze3A_786 = vector.shape_cast %slice3A_785 : vector<1x256x128xbf16> to vector<256x128xbf16>
      %mul3A_787 = arith.mulf %mul3A_772, %squeeze3A_786 : vector<256x128xbf16>
      %concatenate3A_788 = tpu.concatenate %mul3A_775, %mul3A_778, %mul3A_781, %mul3A_784, %mul3A_787 in 1 : vector<256x128xbf16>, vector<256x128xbf16>, vector<256x128xbf16>, vector<256x128xbf16>, vector<256x128xbf16> -> vector<256x640xbf16>
      %get3A_789 = arith.constant 105 : index
      %get3A_790 = arith.constant 0 : index
      %get3A_791 = arith.constant 0 : index
      %get3A_792 = vector.load %arg4[%get3A_789, %get3A_790, %get3A_791] : memref<125x128x128xbf16, #tpu.memory_space<vmem>>, vector<5x128x128xbf16>
      %reshape3A_793 = vector.shape_cast %get3A_792 : vector<5x128x128xbf16> to vector<640x128xbf16>
      %dot_general3A_794 = arith.constant dense<0.000000e+00> : vector<256x128xf32>
      %dot_general3A_795 = tpu.matmul %concatenate3A_788, %reshape3A_793, %dot_general3A_794 {dimension_numbers = #tpu.dot_dimension_numbers<[1], [0], [0], [1], [0, 0, 1, 1], [], []>, transpose_lhs_hint = false} : vector<256x640xbf16>, vector<640x128xbf16>, vector<256x128xf32> -> vector<256x128xf32>
      %add3A_796 = arith.addf %add3A_767, %dot_general3A_795 : vector<256x128xf32>
      %slice3A_797 = vector.extract_strided_slice %convert_element_type3A_158 {offsets = [4, 0, 0], sizes = [1, 256, 128], strides = [1, 1, 1]} : vector<5x256x128xbf16> to vector<1x256x128xbf16>
      %squeeze3A_798 = vector.shape_cast %slice3A_797 : vector<1x256x128xbf16> to vector<256x128xbf16>
      %slice3A_799 = vector.extract_strided_slice %convert_element_type3A_159 {offsets = [2, 0, 0], sizes = [1, 256, 128], strides = [1, 1, 1]} : vector<5x256x128xbf16> to vector<1x256x128xbf16>
      %squeeze3A_800 = vector.shape_cast %slice3A_799 : vector<1x256x128xbf16> to vector<256x128xbf16>
      %mul3A_801 = arith.mulf %squeeze3A_798, %squeeze3A_800 : vector<256x128xbf16>
      %slice3A_802 = vector.extract_strided_slice %convert_element_type3A_160 {offsets = [0, 0, 0], sizes = [1, 256, 128], strides = [1, 1, 1]} : vector<5x256x128xbf16> to vector<1x256x128xbf16>
      %squeeze3A_803 = vector.shape_cast %slice3A_802 : vector<1x256x128xbf16> to vector<256x128xbf16>
      %mul3A_804 = arith.mulf %mul3A_801, %squeeze3A_803 : vector<256x128xbf16>
      %slice3A_805 = vector.extract_strided_slice %convert_element_type3A_160 {offsets = [1, 0, 0], sizes = [1, 256, 128], strides = [1, 1, 1]} : vector<5x256x128xbf16> to vector<1x256x128xbf16>
      %squeeze3A_806 = vector.shape_cast %slice3A_805 : vector<1x256x128xbf16> to vector<256x128xbf16>
      %mul3A_807 = arith.mulf %mul3A_801, %squeeze3A_806 : vector<256x128xbf16>
      %slice3A_808 = vector.extract_strided_slice %convert_element_type3A_160 {offsets = [2, 0, 0], sizes = [1, 256, 128], strides = [1, 1, 1]} : vector<5x256x128xbf16> to vector<1x256x128xbf16>
      %squeeze3A_809 = vector.shape_cast %slice3A_808 : vector<1x256x128xbf16> to vector<256x128xbf16>
      %mul3A_810 = arith.mulf %mul3A_801, %squeeze3A_809 : vector<256x128xbf16>
      %slice3A_811 = vector.extract_strided_slice %convert_element_type3A_160 {offsets = [3, 0, 0], sizes = [1, 256, 128], strides = [1, 1, 1]} : vector<5x256x128xbf16> to vector<1x256x128xbf16>
      %squeeze3A_812 = vector.shape_cast %slice3A_811 : vector<1x256x128xbf16> to vector<256x128xbf16>
      %mul3A_813 = arith.mulf %mul3A_801, %squeeze3A_812 : vector<256x128xbf16>
      %slice3A_814 = vector.extract_strided_slice %convert_element_type3A_160 {offsets = [4, 0, 0], sizes = [1, 256, 128], strides = [1, 1, 1]} : vector<5x256x128xbf16> to vector<1x256x128xbf16>
      %squeeze3A_815 = vector.shape_cast %slice3A_814 : vector<1x256x128xbf16> to vector<256x128xbf16>
      %mul3A_816 = arith.mulf %mul3A_801, %squeeze3A_815 : vector<256x128xbf16>
      %concatenate3A_817 = tpu.concatenate %mul3A_804, %mul3A_807, %mul3A_810, %mul3A_813, %mul3A_816 in 1 : vector<256x128xbf16>, vector<256x128xbf16>, vector<256x128xbf16>, vector<256x128xbf16>, vector<256x128xbf16> -> vector<256x640xbf16>
      %get3A_818 = arith.constant 110 : index
      %get3A_819 = arith.constant 0 : index
      %get3A_820 = arith.constant 0 : index
      %get3A_821 = vector.load %arg4[%get3A_818, %get3A_819, %get3A_820] : memref<125x128x128xbf16, #tpu.memory_space<vmem>>, vector<5x128x128xbf16>
      %reshape3A_822 = vector.shape_cast %get3A_821 : vector<5x128x128xbf16> to vector<640x128xbf16>
      %dot_general3A_823 = arith.constant dense<0.000000e+00> : vector<256x128xf32>
      %dot_general3A_824 = tpu.matmul %concatenate3A_817, %reshape3A_822, %dot_general3A_823 {dimension_numbers = #tpu.dot_dimension_numbers<[1], [0], [0], [1], [0, 0, 1, 1], [], []>, transpose_lhs_hint = false} : vector<256x640xbf16>, vector<640x128xbf16>, vector<256x128xf32> -> vector<256x128xf32>
      %add3A_825 = arith.addf %add3A_796, %dot_general3A_824 : vector<256x128xf32>
      %slice3A_826 = vector.extract_strided_slice %convert_element_type3A_158 {offsets = [4, 0, 0], sizes = [1, 256, 128], strides = [1, 1, 1]} : vector<5x256x128xbf16> to vector<1x256x128xbf16>
      %squeeze3A_827 = vector.shape_cast %slice3A_826 : vector<1x256x128xbf16> to vector<256x128xbf16>
      %slice3A_828 = vector.extract_strided_slice %convert_element_type3A_159 {offsets = [3, 0, 0], sizes = [1, 256, 128], strides = [1, 1, 1]} : vector<5x256x128xbf16> to vector<1x256x128xbf16>
      %squeeze3A_829 = vector.shape_cast %slice3A_828 : vector<1x256x128xbf16> to vector<256x128xbf16>
      %mul3A_830 = arith.mulf %squeeze3A_827, %squeeze3A_829 : vector<256x128xbf16>
      %slice3A_831 = vector.extract_strided_slice %convert_element_type3A_160 {offsets = [0, 0, 0], sizes = [1, 256, 128], strides = [1, 1, 1]} : vector<5x256x128xbf16> to vector<1x256x128xbf16>
      %squeeze3A_832 = vector.shape_cast %slice3A_831 : vector<1x256x128xbf16> to vector<256x128xbf16>
      %mul3A_833 = arith.mulf %mul3A_830, %squeeze3A_832 : vector<256x128xbf16>
      %slice3A_834 = vector.extract_strided_slice %convert_element_type3A_160 {offsets = [1, 0, 0], sizes = [1, 256, 128], strides = [1, 1, 1]} : vector<5x256x128xbf16> to vector<1x256x128xbf16>
      %squeeze3A_835 = vector.shape_cast %slice3A_834 : vector<1x256x128xbf16> to vector<256x128xbf16>
      %mul3A_836 = arith.mulf %mul3A_830, %squeeze3A_835 : vector<256x128xbf16>
      %slice3A_837 = vector.extract_strided_slice %convert_element_type3A_160 {offsets = [2, 0, 0], sizes = [1, 256, 128], strides = [1, 1, 1]} : vector<5x256x128xbf16> to vector<1x256x128xbf16>
      %squeeze3A_838 = vector.shape_cast %slice3A_837 : vector<1x256x128xbf16> to vector<256x128xbf16>
      %mul3A_839 = arith.mulf %mul3A_830, %squeeze3A_838 : vector<256x128xbf16>
      %slice3A_840 = vector.extract_strided_slice %convert_element_type3A_160 {offsets = [3, 0, 0], sizes = [1, 256, 128], strides = [1, 1, 1]} : vector<5x256x128xbf16> to vector<1x256x128xbf16>
      %squeeze3A_841 = vector.shape_cast %slice3A_840 : vector<1x256x128xbf16> to vector<256x128xbf16>
      %mul3A_842 = arith.mulf %mul3A_830, %squeeze3A_841 : vector<256x128xbf16>
      %slice3A_843 = vector.extract_strided_slice %convert_element_type3A_160 {offsets = [4, 0, 0], sizes = [1, 256, 128], strides = [1, 1, 1]} : vector<5x256x128xbf16> to vector<1x256x128xbf16>
      %squeeze3A_844 = vector.shape_cast %slice3A_843 : vector<1x256x128xbf16> to vector<256x128xbf16>
      %mul3A_845 = arith.mulf %mul3A_830, %squeeze3A_844 : vector<256x128xbf16>
      %concatenate3A_846 = tpu.concatenate %mul3A_833, %mul3A_836, %mul3A_839, %mul3A_842, %mul3A_845 in 1 : vector<256x128xbf16>, vector<256x128xbf16>, vector<256x128xbf16>, vector<256x128xbf16>, vector<256x128xbf16> -> vector<256x640xbf16>
      %get3A_847 = arith.constant 115 : index
      %get3A_848 = arith.constant 0 : index
      %get3A_849 = arith.constant 0 : index
      %get3A_850 = vector.load %arg4[%get3A_847, %get3A_848, %get3A_849] : memref<125x128x128xbf16, #tpu.memory_space<vmem>>, vector<5x128x128xbf16>
      %reshape3A_851 = vector.shape_cast %get3A_850 : vector<5x128x128xbf16> to vector<640x128xbf16>
      %dot_general3A_852 = arith.constant dense<0.000000e+00> : vector<256x128xf32>
      %dot_general3A_853 = tpu.matmul %concatenate3A_846, %reshape3A_851, %dot_general3A_852 {dimension_numbers = #tpu.dot_dimension_numbers<[1], [0], [0], [1], [0, 0, 1, 1], [], []>, transpose_lhs_hint = false} : vector<256x640xbf16>, vector<640x128xbf16>, vector<256x128xf32> -> vector<256x128xf32>
      %add3A_854 = arith.addf %add3A_825, %dot_general3A_853 : vector<256x128xf32>
      %slice3A_855 = vector.extract_strided_slice %convert_element_type3A_158 {offsets = [4, 0, 0], sizes = [1, 256, 128], strides = [1, 1, 1]} : vector<5x256x128xbf16> to vector<1x256x128xbf16>
      %squeeze3A_856 = vector.shape_cast %slice3A_855 : vector<1x256x128xbf16> to vector<256x128xbf16>
      %slice3A_857 = vector.extract_strided_slice %convert_element_type3A_159 {offsets = [4, 0, 0], sizes = [1, 256, 128], strides = [1, 1, 1]} : vector<5x256x128xbf16> to vector<1x256x128xbf16>
      %squeeze3A_858 = vector.shape_cast %slice3A_857 : vector<1x256x128xbf16> to vector<256x128xbf16>
      %mul3A_859 = arith.mulf %squeeze3A_856, %squeeze3A_858 : vector<256x128xbf16>
      %slice3A_860 = vector.extract_strided_slice %convert_element_type3A_160 {offsets = [0, 0, 0], sizes = [1, 256, 128], strides = [1, 1, 1]} : vector<5x256x128xbf16> to vector<1x256x128xbf16>
      %squeeze3A_861 = vector.shape_cast %slice3A_860 : vector<1x256x128xbf16> to vector<256x128xbf16>
      %mul3A_862 = arith.mulf %mul3A_859, %squeeze3A_861 : vector<256x128xbf16>
      %slice3A_863 = vector.extract_strided_slice %convert_element_type3A_160 {offsets = [1, 0, 0], sizes = [1, 256, 128], strides = [1, 1, 1]} : vector<5x256x128xbf16> to vector<1x256x128xbf16>
      %squeeze3A_864 = vector.shape_cast %slice3A_863 : vector<1x256x128xbf16> to vector<256x128xbf16>
      %mul3A_865 = arith.mulf %mul3A_859, %squeeze3A_864 : vector<256x128xbf16>
      %slice3A_866 = vector.extract_strided_slice %convert_element_type3A_160 {offsets = [2, 0, 0], sizes = [1, 256, 128], strides = [1, 1, 1]} : vector<5x256x128xbf16> to vector<1x256x128xbf16>
      %squeeze3A_867 = vector.shape_cast %slice3A_866 : vector<1x256x128xbf16> to vector<256x128xbf16>
      %mul3A_868 = arith.mulf %mul3A_859, %squeeze3A_867 : vector<256x128xbf16>
      %slice3A_869 = vector.extract_strided_slice %convert_element_type3A_160 {offsets = [3, 0, 0], sizes = [1, 256, 128], strides = [1, 1, 1]} : vector<5x256x128xbf16> to vector<1x256x128xbf16>
      %squeeze3A_870 = vector.shape_cast %slice3A_869 : vector<1x256x128xbf16> to vector<256x128xbf16>
      %mul3A_871 = arith.mulf %mul3A_859, %squeeze3A_870 : vector<256x128xbf16>
      %slice3A_872 = vector.extract_strided_slice %convert_element_type3A_160 {offsets = [4, 0, 0], sizes = [1, 256, 128], strides = [1, 1, 1]} : vector<5x256x128xbf16> to vector<1x256x128xbf16>
      %squeeze3A_873 = vector.shape_cast %slice3A_872 : vector<1x256x128xbf16> to vector<256x128xbf16>
      %mul3A_874 = arith.mulf %mul3A_859, %squeeze3A_873 : vector<256x128xbf16>
      %concatenate3A_875 = tpu.concatenate %mul3A_862, %mul3A_865, %mul3A_868, %mul3A_871, %mul3A_874 in 1 : vector<256x128xbf16>, vector<256x128xbf16>, vector<256x128xbf16>, vector<256x128xbf16>, vector<256x128xbf16> -> vector<256x640xbf16>
      %get3A_876 = arith.constant 120 : index
      %get3A_877 = arith.constant 0 : index
      %get3A_878 = arith.constant 0 : index
      %get3A_879 = vector.load %arg4[%get3A_876, %get3A_877, %get3A_878] : memref<125x128x128xbf16, #tpu.memory_space<vmem>>, vector<5x128x128xbf16>
      %reshape3A_880 = vector.shape_cast %get3A_879 : vector<5x128x128xbf16> to vector<640x128xbf16>
      %dot_general3A_881 = arith.constant dense<0.000000e+00> : vector<256x128xf32>
      %dot_general3A_882 = tpu.matmul %concatenate3A_875, %reshape3A_880, %dot_general3A_881 {dimension_numbers = #tpu.dot_dimension_numbers<[1], [0], [0], [1], [0, 0, 1, 1], [], []>, transpose_lhs_hint = false} : vector<256x640xbf16>, vector<640x128xbf16>, vector<256x128xf32> -> vector<256x128xf32>
      %add3A_883 = arith.addf %add3A_854, %dot_general3A_882 : vector<256x128xf32>
      %get3A_884 = arith.constant 0 : index
      %get3A_885 = arith.constant 0 : index
      %get3A_886 = vector.load %arg9[%get3A_884, %get3A_885] : memref<256x128xf32, #tpu.memory_space<vmem>>, vector<256x128xf32>
      %add3A_887 = arith.addf %get3A_886, %add3A_883 : vector<256x128xf32>
      %swap3A_888 = arith.constant 0 : index
      %swap3A_889 = arith.constant 0 : index
      %swap3A_890 = vector.load %arg9[%swap3A_888, %swap3A_889] : memref<256x128xf32, #tpu.memory_space<vmem>>, vector<256x128xf32>
      tpu.vector_store %arg9[%swap3A_888, %swap3A_889], %add3A_887 {strides = array<i32>} : memref<256x128xf32, #tpu.memory_space<vmem>>, vector<256x128xf32>,
    } else {
    }
    %eq3A_31 = arith.constant 3 : i32
    %eq3A_32 = arith.cmpi eq, %arg1, %eq3A_31 : i32
    %convert_element_type3A_33 = arith.extui %eq3A_32 : i1 to i32
    %cond3A_34 = arith.constant 0 : i32
    %cond3A_35 = arith.cmpi ne, %convert_element_type3A_33, %cond3A_34 : i32
    scf.if %cond3A_35 {
      %get3A_36 = arith.constant 0 : index
      %get3A_37 = arith.constant 0 : index
      %get3A_38 = vector.load %arg9[%get3A_36, %get3A_37] : memref<256x128xf32, #tpu.memory_space<vmem>>, vector<256x128xf32>
      %get3A_39 = arith.constant 0 : index
      %get3A_40 = arith.constant 0 : index
      %get3A_41 = vector.load %arg10[%get3A_39, %get3A_40] : memref<256x1xf32, #tpu.memory_space<vmem>>, vector<256x1xf32>
      %max3A_42 = arith.constant 1.000000e+00 : f32
      %max3A_43 = vector.broadcast %max3A_42 : f32 to vector<256x1xf32>
      %max3A_44 = arith.maximumf %get3A_41, %max3A_43 : vector<256x1xf32>
      %div3A = vector.broadcast %max3A_44 : vector<256x1xf32> to vector<256x128xf32>
      %div3A_45 = arith.divf %get3A_38, %div3A : vector<256x128xf32>
      %get3A_46 = arith.constant 0 : index
      %get3A_47 = arith.constant 0 : index
      %get3A_48 = vector.load %arg5[%get3A_46, %get3A_47] : memref<256x64xf32, #tpu.memory_space<vmem>>, vector<256x64xf32>
      %get3A_49 = arith.constant 0 : index
      %get3A_50 = arith.constant 0 : index
      %get3A_51 = vector.load %arg6[%get3A_49, %get3A_50] : memref<64x128xf32, #tpu.memory_space<vmem>>, vector<64x128xf32>
      %dot_general3A = arith.constant dense<0.000000e+00> : vector<256x128xf32>
      %dot_general3A_52 = tpu.matmul %get3A_48, %get3A_51, %dot_general3A {dimension_numbers = #tpu.dot_dimension_numbers<[1], [0], [0], [1], [0, 0, 1, 1], [], []>, transpose_lhs_hint = false} : vector<256x64xf32>, vector<64x128xf32>, vector<256x128xf32> -> vector<256x128xf32>
      %add3A = arith.addf %div3A_45, %dot_general3A_52 : vector<256x128xf32>
      %get3A_53 = arith.constant 0 : index
      %get3A_54 = arith.constant 0 : index
      %get3A_55 = vector.load %arg7[%get3A_53, %get3A_54] : memref<1x128xf32, #tpu.memory_space<vmem>>, vector<1x128xf32>
      %add3A_56 = vector.broadcast %get3A_55 : vector<1x128xf32> to vector<256x128xf32>
      %add3A_57 = arith.addf %add3A, %add3A_56 : vector<256x128xf32>
      %gt3A = arith.constant 0.000000e+00 : f32
      %gt3A_58 = vector.broadcast %gt3A : f32 to vector<256x128xf32>
      %gt3A_59 = arith.cmpf ogt, %add3A_57, %gt3A_58 : vector<256x128xf32>
      %min3A = arith.constant 0.000000e+00 : f32
      %min3A_60 = vector.broadcast %min3A : f32 to vector<256x128xf32>
      %min3A_61 = arith.minimumf %add3A_57, %min3A_60 : vector<256x128xf32>
      %exp3A = math.exp %min3A_61 : vector<256x128xf32>
      %sub3A_62 = arith.constant 1.000000e+00 : f32
      %sub3A_63 = vector.broadcast %sub3A_62 : f32 to vector<256x128xf32>
      %sub3A_64 = arith.subf %exp3A, %sub3A_63 : vector<256x128xf32>
      %select_n3A = arith.select %gt3A_59, %add3A_57, %sub3A_64 : vector<256x128xi1>, vector<256x128xf32>
      %swap3A = arith.constant 0 : index
      %swap3A_65 = arith.constant 0 : index
      %swap3A_66 = vector.load %arg8[%swap3A, %swap3A_65] : memref<256x128xf32, #tpu.memory_space<vmem>>, vector<256x128xf32>
      tpu.vector_store %arg8[%swap3A, %swap3A_65], %select_n3A {strides = array<i32>} : memref<256x128xf32, #tpu.memory_space<vmem>>, vector<256x128xf32>,
    } else {
    }
    return
  }
  func.func @transform_0(%arg0: i32, %arg1: i32) -> (i32, i32) {
    %c0_i32 = arith.constant 0 : i32
    %c0_i32_0 = arith.constant 0 : i32
    return %arg0, %c0_i32 : i32, i32
  }
  func.func @transform_1(%arg0: i32, %arg1: i32) -> (i32, i32) {
    %c0_i32 = arith.constant 0 : i32
    %c0_i32_0 = arith.constant 0 : i32
    return %c0_i32, %arg1 : i32, i32
  }
  func.func @transform_2(%arg0: i32, %arg1: i32) -> (i32, i32, i32) {
    %c0_i32 = arith.constant 0 : i32
    %c0_i32_0 = arith.constant 0 : i32
    %c0_i32_1 = arith.constant 0 : i32
    return %c0_i32, %arg1, %c0_i32_0 : i32, i32, i32
  }
  func.func @transform_3(%arg0: i32, %arg1: i32) -> (i32, i32) {
    %c0_i32 = arith.constant 0 : i32
    %c0_i32_0 = arith.constant 0 : i32
    return %arg0, %c0_i32 : i32, i32
  }
  func.func @transform_4(%arg0: i32, %arg1: i32) -> (i32, i32) {
    %c0_i32 = arith.constant 0 : i32
    %c0_i32_0 = arith.constant 0 : i32
    %c0_i32_1 = arith.constant 0 : i32
    return %c0_i32, %c0_i32_0 : i32, i32
  }
  func.func @transform_5(%arg0: i32, %arg1: i32) -> (i32, i32) {
    %c0_i32 = arith.constant 0 : i32
    %c0_i32_0 = arith.constant 0 : i32
    %c0_i32_1 = arith.constant 0 : i32
    return %c0_i32, %c0_i32_0 : i32, i32
  }
  func.func @transform_6(%arg0: i32, %arg1: i32) -> (i32, i32) {
    %c0_i32 = arith.constant 0 : i32
    %c0_i32_0 = arith.constant 0 : i32
    return %arg0, %c0_i32 : i32, i32
  }
}

module attributes {stable_mosaic.version = 14 : i64} {
  func.func @_head_kernel(%arg0: memref<512x128xf32, #tpu.memory_space<vmem>>, %arg1: memref<128x256xf32, #tpu.memory_space<vmem>>, %arg2: memref<1x256xf32, #tpu.memory_space<vmem>>, %arg3: memref<256x256xf32, #tpu.memory_space<vmem>>, %arg4: memref<1x256xf32, #tpu.memory_space<vmem>>, %arg5: memref<256x10xf32, #tpu.memory_space<vmem>>, %arg6: memref<1x10xf32, #tpu.memory_space<vmem>>, %arg7: memref<1x10xf32, #tpu.memory_space<vmem>>) attributes {dimension_semantics = [], scalar_prefetch = 0 : i64, scratch_operands = 0 : i64, tpu.core_type = #tpu.core_type<tc>} {
    %get3A = arith.constant 0 : index
    %get3A_0 = arith.constant 0 : index
    %get3A_1 = vector.load %arg0[%get3A, %get3A_0] : memref<512x128xf32, #tpu.memory_space<vmem>>, vector<512x128xf32>
    %reduce_sum3A = arith.constant dense<0.000000e+00> : vector<128xf32>
    %reduce_sum3A_2 = vector.multi_reduction <add>, %get3A_1, %reduce_sum3A [0] : vector<512x128xf32> to vector<128xf32>
    %broadcast_in_dim3A = vector.shape_cast %reduce_sum3A_2 : vector<128xf32> to vector<1x128xf32>
    %mul3A = arith.constant 0.001953125 : f32
    %mul3A_3 = vector.broadcast %mul3A : f32 to vector<1x128xf32>
    %mul3A_4 = arith.mulf %broadcast_in_dim3A, %mul3A_3 : vector<1x128xf32>
    %get3A_5 = arith.constant 0 : index
    %get3A_6 = arith.constant 0 : index
    %get3A_7 = vector.load %arg1[%get3A_5, %get3A_6] : memref<128x256xf32, #tpu.memory_space<vmem>>, vector<128x256xf32>
    %dot_general3A = arith.constant dense<0.000000e+00> : vector<1x256xf32>
    %dot_general3A_8 = tpu.matmul %mul3A_4, %get3A_7, %dot_general3A {dimension_numbers = #tpu.dot_dimension_numbers<[1], [0], [0], [1], [0, 0, 1, 1], [], []>, transpose_lhs_hint = false} : vector<1x128xf32>, vector<128x256xf32>, vector<1x256xf32> -> vector<1x256xf32>
    %get3A_9 = arith.constant 0 : index
    %get3A_10 = arith.constant 0 : index
    %get3A_11 = vector.load %arg2[%get3A_9, %get3A_10] : memref<1x256xf32, #tpu.memory_space<vmem>>, vector<1x256xf32>
    %add3A = arith.addf %dot_general3A_8, %get3A_11 : vector<1x256xf32>
    %gt3A = arith.constant 0.000000e+00 : f32
    %gt3A_12 = vector.broadcast %gt3A : f32 to vector<1x256xf32>
    %gt3A_13 = arith.cmpf ogt, %add3A, %gt3A_12 : vector<1x256xf32>
    %min3A = arith.constant 0.000000e+00 : f32
    %min3A_14 = vector.broadcast %min3A : f32 to vector<1x256xf32>
    %min3A_15 = arith.minimumf %add3A, %min3A_14 : vector<1x256xf32>
    %exp3A = math.exp %min3A_15 : vector<1x256xf32>
    %sub3A = arith.constant 1.000000e+00 : f32
    %sub3A_16 = vector.broadcast %sub3A : f32 to vector<1x256xf32>
    %sub3A_17 = arith.subf %exp3A, %sub3A_16 : vector<1x256xf32>
    %select_n3A = arith.select %gt3A_13, %add3A, %sub3A_17 : vector<1x256xi1>, vector<1x256xf32>
    %get3A_18 = arith.constant 0 : index
    %get3A_19 = arith.constant 0 : index
    %get3A_20 = vector.load %arg3[%get3A_18, %get3A_19] : memref<256x256xf32, #tpu.memory_space<vmem>>, vector<256x256xf32>
    %dot_general3A_21 = arith.constant dense<0.000000e+00> : vector<1x256xf32>
    %dot_general3A_22 = tpu.matmul %select_n3A, %get3A_20, %dot_general3A_21 {dimension_numbers = #tpu.dot_dimension_numbers<[1], [0], [0], [1], [0, 0, 1, 1], [], []>, transpose_lhs_hint = false} : vector<1x256xf32>, vector<256x256xf32>, vector<1x256xf32> -> vector<1x256xf32>
    %get3A_23 = arith.constant 0 : index
    %get3A_24 = arith.constant 0 : index
    %get3A_25 = vector.load %arg4[%get3A_23, %get3A_24] : memref<1x256xf32, #tpu.memory_space<vmem>>, vector<1x256xf32>
    %add3A_26 = arith.addf %dot_general3A_22, %get3A_25 : vector<1x256xf32>
    %gt3A_27 = arith.constant 0.000000e+00 : f32
    %gt3A_28 = vector.broadcast %gt3A_27 : f32 to vector<1x256xf32>
    %gt3A_29 = arith.cmpf ogt, %add3A_26, %gt3A_28 : vector<1x256xf32>
    %min3A_30 = arith.constant 0.000000e+00 : f32
    %min3A_31 = vector.broadcast %min3A_30 : f32 to vector<1x256xf32>
    %min3A_32 = arith.minimumf %add3A_26, %min3A_31 : vector<1x256xf32>
    %exp3A_33 = math.exp %min3A_32 : vector<1x256xf32>
    %sub3A_34 = arith.constant 1.000000e+00 : f32
    %sub3A_35 = vector.broadcast %sub3A_34 : f32 to vector<1x256xf32>
    %sub3A_36 = arith.subf %exp3A_33, %sub3A_35 : vector<1x256xf32>
    %select_n3A_37 = arith.select %gt3A_29, %add3A_26, %sub3A_36 : vector<1x256xi1>, vector<1x256xf32>
    %get3A_38 = arith.constant 0 : index
    %get3A_39 = arith.constant 0 : index
    %get3A_40 = vector.load %arg5[%get3A_38, %get3A_39] : memref<256x10xf32, #tpu.memory_space<vmem>>, vector<256x10xf32>
    %dot_general3A_41 = arith.constant dense<0.000000e+00> : vector<1x10xf32>
    %dot_general3A_42 = tpu.matmul %select_n3A_37, %get3A_40, %dot_general3A_41 {dimension_numbers = #tpu.dot_dimension_numbers<[1], [0], [0], [1], [0, 0, 1, 1], [], []>, transpose_lhs_hint = false} : vector<1x256xf32>, vector<256x10xf32>, vector<1x10xf32> -> vector<1x10xf32>
    %get3A_43 = arith.constant 0 : index
    %get3A_44 = arith.constant 0 : index
    %get3A_45 = vector.load %arg6[%get3A_43, %get3A_44] : memref<1x10xf32, #tpu.memory_space<vmem>>, vector<1x10xf32>
    %add3A_46 = arith.addf %dot_general3A_42, %get3A_45 : vector<1x10xf32>
    %reduce_max3A = vector.shape_cast %add3A_46 : vector<1x10xf32> to vector<1x1x10xf32>
    %reduce_max3A_47 = arith.constant dense<0xFF800000> : vector<1xf32>
    %reduce_max3A_48 = vector.multi_reduction <maximumf>, %reduce_max3A, %reduce_max3A_47 [1, 2] : vector<1x1x10xf32> to vector<1xf32>
    %reduce_max3A_49 = vector.shape_cast %reduce_max3A_48 : vector<1xf32> to vector<1x1x1xf32>
    %reduce_max3A_50 = vector.extract %reduce_max3A_49[0, 0, 0] : f32 from vector<1x1x1xf32>
    %sub3A_51 = vector.broadcast %reduce_max3A_50 : f32 to vector<1x10xf32>
    %sub3A_52 = arith.subf %add3A_46, %sub3A_51 : vector<1x10xf32>
    %sub3A_53 = vector.broadcast %reduce_max3A_50 : f32 to vector<1x10xf32>
    %sub3A_54 = arith.subf %add3A_46, %sub3A_53 : vector<1x10xf32>
    %exp3A_55 = math.exp %sub3A_54 : vector<1x10xf32>
    %reduce_sum3A_56 = vector.shape_cast %exp3A_55 : vector<1x10xf32> to vector<1x1x10xf32>
    %reduce_sum3A_57 = arith.constant dense<0.000000e+00> : vector<1xf32>
    %reduce_sum3A_58 = vector.multi_reduction <add>, %reduce_sum3A_56, %reduce_sum3A_57 [1, 2] : vector<1x1x10xf32> to vector<1xf32>
    %reduce_sum3A_59 = vector.shape_cast %reduce_sum3A_58 : vector<1xf32> to vector<1x1x1xf32>
    %reduce_sum3A_60 = vector.extract %reduce_sum3A_59[0, 0, 0] : f32 from vector<1x1x1xf32>
    %log3A = math.log %reduce_sum3A_60 : f32
    %sub3A_61 = vector.broadcast %log3A : f32 to vector<1x10xf32>
    %sub3A_62 = arith.subf %sub3A_52, %sub3A_61 : vector<1x10xf32>
    %swap3A = arith.constant 0 : index
    %swap3A_63 = arith.constant 0 : index
    %swap3A_64 = vector.load %arg7[%swap3A, %swap3A_63] : memref<1x10xf32, #tpu.memory_space<vmem>>, vector<1x10xf32>
    tpu.vector_store %arg7[%swap3A, %swap3A_63], %sub3A_62 {strides = array<i32>} : memref<1x10xf32, #tpu.memory_space<vmem>>, vector<1x10xf32>,
    return
  }
}

</mosaic_0001>

<sc_bundles>
// kernel: gather_offload_async_start.1
scs
__scs_entry_jumppad:
0x0: {  	(pc) =	sbr.rel $0x88, $3  }
0x1: {  	(tag) =	ssettag $0x0;
	lr =	simm.s32 $0x1  }
0x2: {  	[smem:$0x3F91] =	sst lr;
	_ =	strace $0xD0000000  }
0x3: {  	_ = 	snop  }
0x4: {  	_ = 	snop  }
0x5: {  	_ = 	snop  }
0x6: {  	_ = 	snop  }
0x7: {  	_ = 	snop  }
__scs_overlays_trampoline_lowered:
0x8: {  	[smem:$0x3FA0] =	sst s0  }
0x9: {  	[smem:$0x3FA1] =	sst s1  }
0xa: {  	[smem:$0x3FA2] =	sst s2  }
0xb: {  	[smem:$0x3FA3] =	sst s3  }
0xc: {  	[smem:$0x3FA4] =	sst s4  }
0xd: {  	[smem:$0x3FA5] =	sst s5  }
0xe: {  	[smem:$0x3FA6] =	sst s6  }
0xf: {  	[smem:$0x3FA7] =	sst s7  }
0x10: {  	[smem:$0x3FA8] =	sst s8  }
0x11: {  	[smem:$0x3FA9] =	sst s9;
	s0 =	simm.s32 @!p0 $0x0  }
0x12: {  	s1 =	sld [smem:$0x3F8F];
	s0 =	simm.s32 @p0 $0x1  }
0x13: {  	[smem:$0x3FAA] =	sst s0;
	s0 =	simm.s32 @!p1 $0x0  }
0x14: {  	s2 =	sld [smem:$0x3F8E];
	s0 =	simm.s32 @p1 $0x1  }
0x15: {  	[smem:$0x3FAB] =	sst s0;
	s0 =	simm.s32 @!p2 $0x0  }
0x16: {  	s3 =	sld [smem:$0x3FDB];
	s0 =	simm.s32 @p2 $0x1  }
0x17: {  	s4 =	simm.s32 $0x1BF5;
	[smem:$0x3FAD] =	sst s0  }
0x18: {  	s0 =	sld [smem:$0x3F90];
	_ =	swait.ge [sflag:s4], $0x0  }
0x19: {  	s7 =	sld [smem:$0x3F91]  }
0x1a: {  	s8 =	sadd.s32 $0xFFFFE003, lr  }
0x1b: {  	s9 =	sadd.s32 $0xFFFFFEF7, lr;
	s5 =	simm.s32 $0xFFFFFFFF;
	p2 =	slt.u32 s8, $0xFFFFF086  }
0x1c: {  	p1 =	slt.u32 s9, $0xF7A;
	s5 =	simm.s32 @!p2 $0x0  }
0x1d: {  	s5 =	simm.s32 @p1 $0x1;
	p0 =	seq.s32 s7, s2  }
0x1e: {  	s7 =	smul.u32 @!p0 $0xF7A, s2;
	p2 =	seq.s32 @!p0 s5, $0x0  }
0x1f: {  	s9 =	smul.u32 $0xF7A, s1;
	s8 =	simm.s32 @!p0 $0x1BF5;
	p2 =	por !p2, p0  }
0x20: {  	[sflag:s8] =	ssyncset.s32 @!p0 $0xFFFFF086;
	s6 =	sadd.s32 @!p0 s3, s7;
	s7 =	simm.s32 @!p0 $0x108  }
0x21: {  	s3 =	sadd.s32 s3, s9;
	s6 =	sadd.s32 @!p0 $0x88, s6;
	s7 =	simm.s32 @p2 $0x1082  }
0x22: {  	[simem:s7], [sflag:s8] =	dma.local @!p0 [hbm:s6], $0xF7A  }
0x23: {  	s9 =	sor.u32 $0xD0000000, s2;
	s6 =	simm.s32 $0x108;
	_ =	swait.ge @!p0 [sflag:s8], $0x0  }
0x24: {  	s3 =	sadd.s32 $0x88, s3;
	s6 =	simm.s32 @!p1 $0x1082;
	[sflag:s4] =	ssyncset.s32 $0xFFFFF086  }
0x25: {  	[simem:s6], [sflag:s4] =	dma.local [hbm:s3], $0xF7A  }
0x26: {  	[smem:$0x3F91] =	sst s1;
	(tag) =	ssettag s2;
	_ =	strace s9  }
0x27: {  	s1 =	sld [smem:$0x3FA1]  }
0x28: {  	s2 =	sld [smem:$0x3FA2]  }
0x29: {  	s4 =	sld [smem:$0x3FA4]  }
0x2a: {  	p0 =	seq.s32 s5, $0x0;
	s5 =	sld [smem:$0x3FA5]  }
0x2b: {  	s6 =	sld [smem:$0x3FA6]  }
0x2c: {  	s7 =	sld [smem:$0x3FA7]  }
0x2d: {  	s3 =	simm.s32 $0x108;
	s8 =	sld [smem:$0x3FA8]  }
0x2e: {  	s3 =	simm.s32 @!p0 $0x1082;
	s9 =	sld [smem:$0x3FA9]  }
0x2f: {  	lr =	sadd.s32 s0, s3;
	s0 =	sld [smem:$0x3FA0]  }
0x30: {  	s3 =	sld [smem:$0x3FA3]  }
0x31: {  	[smem:$0x3FAC] =	sst s10  }
0x32: {  	s10 =	sld [smem:$0x3FAA];
	_ =	sdelay $0x3  }
0x33: {  	p0 =	seq.s32 s10, $0x1;
	s10 =	sld [smem:$0x3FAC];
	_ =	sdelay $0x3  }
0x34: {  	[smem:$0x3FAC] =	sst s10  }
0x35: {  	s10 =	sld [smem:$0x3FAB];
	_ =	sdelay $0x3  }
0x36: {  	p1 =	seq.s32 s10, $0x1;
	s10 =	sld [smem:$0x3FAC];
	_ =	sdelay $0x3  }
0x37: {  	[smem:$0x3FAC] =	sst s10  }
0x38: {  	s10 =	sld [smem:$0x3FAD]  }
0x39: {  	_ = 	snop;
	(pc) =	sbr.ind lr, $3  }
0x3a: {  	_ = 	snop  }
0x3b: {  	_ = 	snop  }
0x3c: {  	p2 =	seq.s32 s10, $0x1;
	s10 =	sld [smem:$0x3FAC]  }
0x3d: {  	_ =	shalt  }
0x3e: {  	_ =	shalt  }
0x3f: {  	_ =	shalt  }
0x40: {  	_ =	shalt  }
0x41: {  	_ =	shalt  }
0x42: {  	_ =	shalt  }
0x43: {  	_ =	shalt  }
0x44: {  	_ =	shalt  }
0x45: {  	_ =	shalt  }
0x46: {  	_ =	shalt  }
0x47: {  	_ =	shalt  }
0x48: {  	_ =	shalt  }
0x49: {  	_ =	shalt  }
0x4a: {  	_ =	shalt  }
0x4b: {  	_ =	shalt  }
0x4c: {  	_ =	shalt  }
0x4d: {  	_ =	shalt  }
0x4e: {  	_ =	shalt  }
0x4f: {  	_ =	shalt  }
0x50: {  	_ =	shalt  }
0x51: {  	_ =	shalt  }
0x52: {  	_ =	shalt  }
0x53: {  	_ =	shalt  }
0x54: {  	_ =	shalt  }
0x55: {  	_ =	shalt  }
0x56: {  	_ =	shalt  }
0x57: {  	_ =	shalt  }
0x58: {  	_ =	shalt  }
0x59: {  	_ =	shalt  }
0x5a: {  	_ =	shalt  }
0x5b: {  	_ =	shalt  }
0x5c: {  	_ =	shalt  }
0x5d: {  	_ =	shalt  }
0x5e: {  	_ =	shalt  }
0x5f: {  	_ =	shalt  }
0x60: {  	_ =	shalt  }
0x61: {  	_ =	shalt  }
0x62: {  	_ =	shalt  }
0x63: {  	_ =	shalt  }
0x64: {  	_ =	shalt  }
0x65: {  	_ =	shalt  }
0x66: {  	_ =	shalt  }
0x67: {  	_ =	shalt  }
0x68: {  	_ =	shalt  }
0x69: {  	_ =	shalt  }
0x6a: {  	_ =	shalt  }
0x6b: {  	_ =	shalt  }
0x6c: {  	_ =	shalt  }
0x6d: {  	_ =	shalt  }
0x6e: {  	_ =	shalt  }
0x6f: {  	_ =	shalt  }
0x70: {  	_ =	shalt  }
0x71: {  	_ =	shalt  }
0x72: {  	_ =	shalt  }
0x73: {  	_ =	shalt  }
0x74: {  	_ =	shalt  }
0x75: {  	_ =	shalt  }
0x76: {  	_ =	shalt  }
0x77: {  	_ =	shalt  }
0x78: {  	_ =	shalt  }
0x79: {  	_ =	shalt  }
0x7a: {  	_ =	shalt  }
0x7b: {  	_ =	shalt  }
0x7c: {  	_ =	shalt  }
0x7d: {  	_ =	shalt  }
0x7e: {  	_ =	shalt  }
0x7f: {  	_ =	shalt  }
0x80: {  	_ =	shalt  }
0x81: {  	_ =	shalt  }
0x82: {  	_ =	shalt  }
0x83: {  	_ =	shalt  }
0x84: {  	_ =	shalt  }
0x85: {  	_ =	shalt  }
0x86: {  	_ =	shalt  }
0x87: {  	_ =	shalt  }
.Lfunc_end0:
.L_simem_size_0:
called_computation.1_lowered:
.L_overlay_start_0:
0x88: {  	s2 =	sld [smem:$0x3FD9]  }
0x89: {  	s3 =	sld [smem:$0x3FFE];
	_ =	sdelay $0x1  }
0x8a: {  	s1 =	srdreg.scid  }
0x8b: {  	s0 =	sand.u32 $0x1, s1  }
0x8c: {  	s16 =	sshll.u32 s0, $0xA;
	s2 =	sadd.s32 s3, s2  }
0x8d: {  	s2 =	sadd.s32 s2, s16  }
0x8e: {  	[smem:$0x3FB8] =	sst s2  }
0x8f: {  	_ = 	snop  }
0x90: {  	(tm) =	ssettm $0x1  }
0x91: {  	s17 =	sld [smem:$0x3FFB];
	_ =	sdelay $0x3  }
0x92: {  	_ =	strace s17  }
0x93: {  	s2 =	sld [smem:$0x3FFC];
	_ =	sdelay $0x3  }
0x94: {  	_ =	strace s2  }
0x95: {  	s2 =	sld [smem:$0x3FFD];
	_ =	sdelay $0x3  }
0x96: {  	_ =	strace s2  }
0x97: {  	_ =	strace $0x8FFFFFFF  }
0x98: {  	s18 =	sld [smem:$0x3FDB];
	_ =	sdelay $0x1  }
0x99: {  	s19 =	simm.s32 $_scs_section_size  }
0x9a: {  	s4 =	simm.s32 $_size__tile_overlayer_lowered;
	s5 =	simm.s32 $_tile_overlayer_lowered  }
0x9b: {  	s22 =	simm.s32 $0x1BFF;
	s21 =	sshll.u32 s5, $0x1;
	s2 =	sadd.s32 s19, s18  }
0x9c: {  	s6 =	simm.s32 $0x0;
	s20 =	sshll.u32 s4, $0x1;
	s4 =	sadd.s32 s21, s2  }
0x9d: {  	[timem:s6], [sflag:s22] =	dma.local [hbm:s4], s20  }
0x9e: {  	_ =	swait.ge [sflag:s22], s20  }
0x9f: {  	s3 =	ssub.s32 $0x0, s20;
	[sflag:s22] =	ssyncset.done $0x0  }
0xa0: {  	[sflag:s22] =	ssyncadd.s32 s3;
	_ =	sdelay $0x1  }
0xa1: {  	s23 =	simm.s32 $0x1B8B  }
0xa2: {  	_ =	swait.ge [sflag:s23], $0x1  }
0xa3: {  	[sflag:s23] =	ssyncset.done $0x0  }
0xa4: {  	s25 =	simm.s32 $0x1B8E;
	s24 =	sld [smem:$0x3FFE];
	[sflag:s23] =	ssyncadd.s32 $0xFFFFFFFF  }
0xa5: {  	s26 =	simm.s32 $execute0_lowered;
	[smem:$0x3FD2] =	sst s25  }
0xa6: {  	s4 =	sshll.u32 s26, $0x1;
	_ =	strace $0x8000004C;
	[dreg:$0x1] =	wrdreg $0xFFFFFFFF  }
0xa7: {  	s28 =	simm.s32 $_size_execute0_lowered;
	s2 =	sadd.s32 s2, s4;
	[dreg:$0x0] =	wrdreg $0x0  }
0xa8: {  	s4 =	sshll.u32 s28, $0x1;
	[dreg:$0x2] =	wrdreg s2  }
0xa9: {  	[dreg:$0x3] =	wrdreg s4  }
0xaa: {  	[dreg:$0x4] =	wrdreg $0xC0  }
0xab: {  	_ =	task [dreg:s6], $0x5FFFF  }
0xac: {  	[dreg:$0x1] =	wrdreg $0xFFFFFFFF  }
0xad: {  	[dreg:$0x0] =	wrdreg $0x60  }
0xae: {  	[dreg:$0x2] =	wrdreg s24  }
0xaf: {  	[dreg:$0x3] =	wrdreg $0x9  }
0xb0: {  	_ =	task.clear_ibuf [dreg:s6], $0x4FFFF;
	_ =	strace $0x9000004C  }
0xb1: {  	s29 =	simm.s32 $0x9;
	_ =	strace $0x8000004E  }
0xb2: {  	_ =	swait.ge [sflag:s29], $0x1  }
0xb3: {  	[sflag:s29] =	ssyncadd.s32 $0xFFFFFFFF  }
0xb4: {  	_ =	strace $0x9000004E  }
0xb5: {  	_ =	sfence  }
0xb6: {  	s30 =	sld [smem:$0x0];
	_ =	sdelay $0x2  }
0xb7: {  	s31 =	sshll.u32 s1, $0xD;
	s1 =	sshrl.u32 s1, $0x2  }
0xb8: {  	s3 =	sand.u32 $0x4000, s31;
	s1 =	sadd.s32 s1, s30  }
0xb9: {  	s0 =	sor.u32 s3, s0;
	s1 =	sshll.u32 s1, $0x11  }
0xba: {  	s0 =	sor.u32 s1, s0  }
0xbb: {  	s0 =	sadd.s32 $0x8F2B, s0  }
0xbc: {  	[sflag:s0] =	ssyncadd.remote.s32 $0x1  }
0xbd: {  	_ =	sfence.sel $0xFFFF  }
0xbe: {  	[dreg:$0x0] =	wrdreg $0xFFFFFFFF;
	(pc) =	sbr.abs _section_cstart, $3  }
0xbf: {  	[dreg:$0x1] =	wrdreg $0xFFFFFFFF  }
0xc0: {  	_ =	task.clear_ibuf [dreg:s6], $0x2FFFF;
	_ =	strace $0x9FFFFFFF  }
0xc1: {  	(tm) =	ssettm $0x7FFFFFFF  }
tec
execute0_lowered:
.L_overlay_start_1:
0x0: {  	(tag) =	ssettag $0x1  }
0x1: {  	s2 =	rddreg [dreg:$0x0]  }
0x2: {  	s0 =	rddreg [dreg:$0x1]  }
0x3: {  	s1 =	srdreg.scid;
	_ =	strace $0x8000004D;
	s4 =	simm.s32 $0x1  }
0x4: {  	s9 =	simm.s32 $0x3;
	s12 =	simm.s32 $0x0;
	s5 =	sshll.u32 s1, $0x4  }
.Ltmp0:
0x5: {  	s1 =	stileid.u32;
	s5 =	sand.u32 $0x10, s5;
	(pc) =	sbr.rel .LBB2_1-.Ltmp0, $4  }
0x6: {  	s10 =	simm.s32 $0x0;
	s3 =	sadd.s32 $0x10000, s2;
	s6 =	sor.u32 s1, s5  }
0x7: {  	[sflag:s4] =	ssyncpa.u1 $0x0;
	s5 =	simm.s32 $0x2;
	s6 =	sshll.u32 s6, $0x6  }
0x8: {  	s7 =	sadd.s32 $0x10200, s2;
	[sflag:s5] =	ssyncpa.u1 $0x0;
	s8 =	sadd.s32 $0x40, s6  }
0x9: {  	vm0 =	vmmov $0xff;
	vm1 =	vcmask $0x3F20;
	[sflag:s9] =	ssyncpa.u1 $0x0;
	s9 =	simm.s32 $0x40;
	s11 =	smov.u32 s6  }
.LBB2_9:
0xa: {  	p0 =	seq.s32 s10, $0x2  }
.Ltmp1:
0xb: {  	_ = 	snop;
	(pc) =	sbr.rel @p0 .LBB2_11-.Ltmp1, $1  }
0xc: {  	_ =	sdelay $0x3  }
.LBB2_10:
0xd: {  	s12 =	sadd.s32 $0x40, s11  }
0xe: {  	s13 =	smov.u32 s6;
	p0 =	slt.s32 s12, s8  }
0xf: {  	s13 =	smov.u32 @p0 s12  }
0x10: {  	s10 =	sadd.s32 $0x1, s10;
	s12 =	smov.u32 s11;
	s11 =	smov.u32 s13  }
.LBB2_1:
0x11: {  	p0 =	sne.s32 s10, $0x0  }
.Ltmp2:
0x12: {  	_ = 	snop;
	(pc) =	sbr.rel @!p0 .LBB2_2-.Ltmp2, $1  }
0x13: {  	_ =	sdelay $0x3  }
0x14: {  	s13 =	sand.u32 $0x1, s10  }
0x15: {  	p0 =	seq.s32 s13, $0x0  }
.Ltmp3:
0x16: {  	_ = 	snop;
	(pc) =	sbr.rel @p0 .LBB2_9-.Ltmp3, $1  }
0x17: {  	_ =	sdelay $0x3  }
0x18: {  	_ =	swait.ge [sflag:s5], $0x40  }
0x19: {  	[sflag:s5] =	ssyncset.done $0x0  }
0x1a: {  	s13 =	simm.s32 $0x0;
	[sflag:s5] =	ssyncadd.s32 $0xFFFFFFC0  }
0x1b: {  	v0 =	vld.msk [tilespmem:s13+$0x40 ss:$0x1], $0xffff;
	_ =	sdelay $0x4  }
0x1c: {  	vm2 =	vgt.s32 v0, $0x0  }
0x1d: {  	v0 =	vnsel vm2, $0x0, v0  }
0x1e: {  	v0 =	vmin.u32 v0, $0x7FF  }
0x1f: {  	v0 =	vshll.u32 v0, $0x4;
	_ =	sdelay $0x3  }
0x20: {  	s13 =	simm.s32 $0x2080  }
0x21: {  	[tilespmem:s13], [sflag:$0x1] =	stream.indirect_vreg.gather [hbm:s2], $0x80, v0, vm0, $0x38;
	[tilespmem:$0x4080] =	vst v63  }
0x22: {  	s14 =	simm.s32 $0x2480;
	s31 =	simm.s32 $0x10  }
0x23: {  	[tilespmem:s14], [sflag:$0x1] =	stream.indirect_vreg.gather [hbm:s2], $0x80, v0, vm1, $0x38;
	[tilespmem:$0x4080] =	vst v63  }
0x24: {  	s14 =	simm.s32 $0x80;
	v0 =	vld.msk [tilespmem:s31+$0x40 ss:$0x1], $0xffff  }
.LBB2_5:
0x25: {  	p0 =	sne.s32 s14, $0xC0;
	_ =	sdelay $0x4  }
0x26: {  	vm2 =	vgt.s32 v0, $0x0  }
0x27: {  	v0 =	vnsel vm2, $0x0, v0  }
0x28: {  	v0 =	vmin.u32 v0, $0x7FF  }
0x29: {  	v0 =	vshll.u32 v0, $0x4;
	_ =	sdelay $0x3  }
.Ltmp4:
0x2a: {  	s13 =	sadd.s32 $0x800, s13;
	(pc) =	sbr.rel @p0 .LBB2_5-.Ltmp4, $4  }
0x2b: {  	[tilespmem:s13], [sflag:$0x1] =	stream.indirect_vreg.gather [hbm:s2], $0x80, v0, vm0, $0x38;
	[tilespmem:$0x4080] =	vst v63  }
0x2c: {  	s15 =	sshra.s32 s14, $0x2;
	s16 =	sadd.s32 $0x400, s13  }
0x2d: {  	[tilespmem:s16], [sflag:$0x1] =	stream.indirect_vreg.gather [hbm:s2], $0x80, v0, vm1, $0x38;
	[tilespmem:$0x4080] =	vst v63  }
0x2e: {  	s14 =	sadd.s32 $0x40, s14;
	v0 =	vld.msk [tilespmem:s15+$0x40 ss:$0x1], $0xffff  }
0x2f: {  	_ =	sdelay $0x3  }
0x30: {  	vm2 =	vgt.s32 v0, $0x0  }
0x31: {  	v0 =	vnsel vm2, $0x0, v0  }
0x32: {  	v0 =	vmin.u32 v0, $0x7FF  }
0x33: {  	v0 =	vshll.u32 v0, $0x4;
	_ =	sdelay $0x3  }
0x34: {  	s13 =	sadd.s32 $0x800, s13  }
0x35: {  	[tilespmem:s13], [sflag:$0x1] =	stream.indirect_vreg.gather [hbm:s2], $0x80, v0, vm0, $0x38;
	[tilespmem:$0x4080] =	vst v63  }
0x36: {  	s13 =	sadd.s32 $0x400, s13  }
0x37: {  	[tilespmem:s13], [sflag:$0x1] =	stream.indirect_vreg.gather [hbm:s2], $0x80, v0, vm1, $0x38;
	[tilespmem:$0x4080] =	vst v63  }
0x38: {  	s12 =	sshll.u32 s12, $0x4;
	s14 =	simm.s32 $0x80;
	_ =	swait.ge [sflag:s4], $0x2000  }
0x39: {  	s15 =	simm.s32 $0x2480;
	s12 =	sadd.s32 s12, s7;
	[sflag:s4] =	ssyncset.done $0x0  }
0x3a: {  	s16 =	sadd.s32 $0x0, s12;
	s13 =	simm.s32 $0x2080;
	[sflag:s4] =	ssyncadd.s32 $0xFFFFE000  }
.LBB2_7:
0x3b: {  	[hbm:s16] =	stream.linear.scatter [tilespmem:s13], [sflag:$0x3], $0x400, $0x38;
	[tilespmem:$0x4080] =	vst v63  }
0x3c: {  	s16 =	smov.u32 s14;
	s13 =	smov.u32 s15;
	p0 =	sne.s32 s14, $0x380  }
.Ltmp5:
0x3d: {  	s14 =	sadd.s32 $0x80, s14;
	(pc) =	sbr.rel @p0 .LBB2_7-.Ltmp5, $2  }
0x3e: {  	_ =	sdelay $0x2  }
0x3f: {  	s15 =	sadd.s32 $0x400, s15;
	s16 =	sadd.s32 s16, s12  }
.Ltmp6:
0x40: {  	(pc) =	sbr.rel .LBB2_9-.Ltmp6, $2  }
0x41: {  	_ =	sdelay $0x2  }
0x42: {  	[hbm:s16] =	stream.linear.scatter [tilespmem:s13], [sflag:$0x3], $0x400, $0x38;
	[tilespmem:$0x4080] =	vst v63  }
.LBB2_2:
.Ltmp7:
0x43: {  	(pc) =	sbr.rel .LBB2_10-.Ltmp7, $4  }
0x44: {  	_ = 	snop  }
0x45: {  	s12 =	sshrl.u32 s11, $0x3  }
0x46: {  	s13 =	sand.u32 $0x7, s11;
	s12 =	sadd.s32 s3, s12  }
0x47: {  	[tilespmem:s9], [sflag:$0x2] =	stream.linear.gather [hbm4b:s12+s13], $0x40, $0x38;
	[tilespmem:$0x4080] =	vst v63  }
.LBB2_11:
0x48: {  	s2 =	simm.s32 $0x3  }
0x49: {  	_ =	swait.ge [sflag:s2], $0x2000  }
0x4a: {  	[sflag:s2] =	ssyncset.done $0x0  }
0x4b: {  	[sflag:s2] =	ssyncadd.s32 $0xFFFFE000  }
0x4c: {  	_ =	sfence.sel $0x180000  }
0x4d: {  	s3 =	simm.s32 $0x2;
	[bflag:$0x0] =	sbarrier.arrive $0xFFFF  }
0x4e: {  	[sflag:s3] =	ssyncpa.u1 $0x1  }
0x4f: {  	s31 =	simm.s32 $0x1;
	[sflag:s2] =	ssyncpa.u1 $0x1  }
0x50: {  	[sflag:s31] =	ssyncpa.u1 $0x1  }
0x51: {  	p0 =	sne.s32 s1, $0x0;
	_ =	strace $0x9000004D  }
0x52: {  	s0 =	sadd.s32 @!p0 $0x100000, s0;
	[bflag:$0x2] =	sbarrier.arrive $0xFFFF  }
0x53: {  	[sflag:s0] =	ssyncadd.tile.s32 @!p0 $0x1;
	_ =	shalt  }
.Lfunc_end2:
_tile_overlayer_lowered:
.L_overlay_start_2:
0x54: {  	(tag) =	ssettag $0x2  }
0x55: {  	s0 =	rddreg [dreg:$0x0];
	s2 =	stileid.u32  }
0x56: {  	s1 =	rddreg [dreg:$0x1];
	p0 =	sne.s32 s2, $0x0  }
0x57: {  	s3 =	rddreg [dreg:$0x2];
	[bflag:$0x3] =	sbarrier.arrive $0xFFFF;
	s2 =	simm.s32 @!p0 $0x1C01  }
0x58: {  	[timem:s3], [sflag:s2] =	dma.local @!p0 [hbm:s0], s1  }
0x59: {  	s0 =	simm.s32 @!p0 $0x1  }
0x5a: {  	_ =	swait.ge @!p0 [sflag:s0], s1  }
0x5b: {  	s1 =	ssub.s32 @!p0 $0x0, s1;
	[sflag:s0] =	ssyncset.done @!p0 $0x0  }
0x5c: {  	[sflag:s0] =	ssyncadd.s32 @!p0 s1  }
0x5d: {  	[bflag:$0x3] =	sbarrier.arrive $0xFFFF  }
0x5e: {  	_ =	shalt  }

// kernel: gather_offload_async_start.2
scs
__scs_entry_jumppad:
0x0: {  	(pc) =	sbr.rel $0x88, $3  }
0x1: {  	(tag) =	ssettag $0x0;
	lr =	simm.s32 $0x1  }
0x2: {  	[smem:$0x3F91] =	sst lr;
	_ =	strace $0xD0000000  }
0x3: {  	_ = 	snop  }
0x4: {  	_ = 	snop  }
0x5: {  	_ = 	snop  }
0x6: {  	_ = 	snop  }
0x7: {  	_ = 	snop  }
__scs_overlays_trampoline_lowered:
0x8: {  	[smem:$0x3FA0] =	sst s0  }
0x9: {  	[smem:$0x3FA1] =	sst s1  }
0xa: {  	[smem:$0x3FA2] =	sst s2  }
0xb: {  	[smem:$0x3FA3] =	sst s3  }
0xc: {  	[smem:$0x3FA4] =	sst s4  }
0xd: {  	[smem:$0x3FA5] =	sst s5  }
0xe: {  	[smem:$0x3FA6] =	sst s6  }
0xf: {  	[smem:$0x3FA7] =	sst s7  }
0x10: {  	[smem:$0x3FA8] =	sst s8  }
0x11: {  	[smem:$0x3FA9] =	sst s9;
	s0 =	simm.s32 @!p0 $0x0  }
0x12: {  	s1 =	sld [smem:$0x3F8F];
	s0 =	simm.s32 @p0 $0x1  }
0x13: {  	[smem:$0x3FAA] =	sst s0;
	s0 =	simm.s32 @!p1 $0x0  }
0x14: {  	s2 =	sld [smem:$0x3F8E];
	s0 =	simm.s32 @p1 $0x1  }
0x15: {  	[smem:$0x3FAB] =	sst s0;
	s0 =	simm.s32 @!p2 $0x0  }
0x16: {  	s3 =	sld [smem:$0x3FDB];
	s0 =	simm.s32 @p2 $0x1  }
0x17: {  	s4 =	simm.s32 $0x1BF5;
	[smem:$0x3FAD] =	sst s0  }
0x18: {  	s0 =	sld [smem:$0x3F90];
	_ =	swait.ge [sflag:s4], $0x0  }
0x19: {  	s7 =	sld [smem:$0x3F91]  }
0x1a: {  	s8 =	sadd.s32 $0xFFFFE003, lr  }
0x1b: {  	s9 =	sadd.s32 $0xFFFFFEF7, lr;
	s5 =	simm.s32 $0xFFFFFFFF;
	p2 =	slt.u32 s8, $0xFFFFF086  }
0x1c: {  	p1 =	slt.u32 s9, $0xF7A;
	s5 =	simm.s32 @!p2 $0x0  }
0x1d: {  	s5 =	simm.s32 @p1 $0x1;
	p0 =	seq.s32 s7, s2  }
0x1e: {  	s7 =	smul.u32 @!p0 $0xF7A, s2;
	p2 =	seq.s32 @!p0 s5, $0x0  }
0x1f: {  	s9 =	smul.u32 $0xF7A, s1;
	s8 =	simm.s32 @!p0 $0x1BF5;
	p2 =	por !p2, p0  }
0x20: {  	[sflag:s8] =	ssyncset.s32 @!p0 $0xFFFFF086;
	s6 =	sadd.s32 @!p0 s3, s7;
	s7 =	simm.s32 @!p0 $0x108  }
0x21: {  	s3 =	sadd.s32 s3, s9;
	s6 =	sadd.s32 @!p0 $0x88, s6;
	s7 =	simm.s32 @p2 $0x1082  }
0x22: {  	[simem:s7], [sflag:s8] =	dma.local @!p0 [hbm:s6], $0xF7A  }
0x23: {  	s9 =	sor.u32 $0xD0000000, s2;
	s6 =	simm.s32 $0x108;
	_ =	swait.ge @!p0 [sflag:s8], $0x0  }
0x24: {  	s3 =	sadd.s32 $0x88, s3;
	s6 =	simm.s32 @!p1 $0x1082;
	[sflag:s4] =	ssyncset.s32 $0xFFFFF086  }
0x25: {  	[simem:s6], [sflag:s4] =	dma.local [hbm:s3], $0xF7A  }
0x26: {  	[smem:$0x3F91] =	sst s1;
	(tag) =	ssettag s2;
	_ =	strace s9  }
0x27: {  	s1 =	sld [smem:$0x3FA1]  }
0x28: {  	s2 =	sld [smem:$0x3FA2]  }
0x29: {  	s4 =	sld [smem:$0x3FA4]  }
0x2a: {  	p0 =	seq.s32 s5, $0x0;
	s5 =	sld [smem:$0x3FA5]  }
0x2b: {  	s6 =	sld [smem:$0x3FA6]  }
0x2c: {  	s7 =	sld [smem:$0x3FA7]  }
0x2d: {  	s3 =	simm.s32 $0x108;
	s8 =	sld [smem:$0x3FA8]  }
0x2e: {  	s3 =	simm.s32 @!p0 $0x1082;
	s9 =	sld [smem:$0x3FA9]  }
0x2f: {  	lr =	sadd.s32 s0, s3;
	s0 =	sld [smem:$0x3FA0]  }
0x30: {  	s3 =	sld [smem:$0x3FA3]  }
0x31: {  	[smem:$0x3FAC] =	sst s10  }
0x32: {  	s10 =	sld [smem:$0x3FAA];
	_ =	sdelay $0x3  }
0x33: {  	p0 =	seq.s32 s10, $0x1;
	s10 =	sld [smem:$0x3FAC];
	_ =	sdelay $0x3  }
0x34: {  	[smem:$0x3FAC] =	sst s10  }
0x35: {  	s10 =	sld [smem:$0x3FAB];
	_ =	sdelay $0x3  }
0x36: {  	p1 =	seq.s32 s10, $0x1;
	s10 =	sld [smem:$0x3FAC];
	_ =	sdelay $0x3  }
0x37: {  	[smem:$0x3FAC] =	sst s10  }
0x38: {  	s10 =	sld [smem:$0x3FAD]  }
0x39: {  	_ = 	snop;
	(pc) =	sbr.ind lr, $3  }
0x3a: {  	_ = 	snop  }
0x3b: {  	_ = 	snop  }
0x3c: {  	p2 =	seq.s32 s10, $0x1;
	s10 =	sld [smem:$0x3FAC]  }
0x3d: {  	_ =	shalt  }
0x3e: {  	_ =	shalt  }
0x3f: {  	_ =	shalt  }
0x40: {  	_ =	shalt  }
0x41: {  	_ =	shalt  }
0x42: {  	_ =	shalt  }
0x43: {  	_ =	shalt  }
0x44: {  	_ =	shalt  }
0x45: {  	_ =	shalt  }
0x46: {  	_ =	shalt  }
0x47: {  	_ =	shalt  }
0x48: {  	_ =	shalt  }
0x49: {  	_ =	shalt  }
0x4a: {  	_ =	shalt  }
0x4b: {  	_ =	shalt  }
0x4c: {  	_ =	shalt  }
0x4d: {  	_ =	shalt  }
0x4e: {  	_ =	shalt  }
0x4f: {  	_ =	shalt  }
0x50: {  	_ =	shalt  }
0x51: {  	_ =	shalt  }
0x52: {  	_ =	shalt  }
0x53: {  	_ =	shalt  }
0x54: {  	_ =	shalt  }
0x55: {  	_ =	shalt  }
0x56: {  	_ =	shalt  }
0x57: {  	_ =	shalt  }
0x58: {  	_ =	shalt  }
0x59: {  	_ =	shalt  }
0x5a: {  	_ =	shalt  }
0x5b: {  	_ =	shalt  }
0x5c: {  	_ =	shalt  }
0x5d: {  	_ =	shalt  }
0x5e: {  	_ =	shalt  }
0x5f: {  	_ =	shalt  }
0x60: {  	_ =	shalt  }
0x61: {  	_ =	shalt  }
0x62: {  	_ =	shalt  }
0x63: {  	_ =	shalt  }
0x64: {  	_ =	shalt  }
0x65: {  	_ =	shalt  }
0x66: {  	_ =	shalt  }
0x67: {  	_ =	shalt  }
0x68: {  	_ =	shalt  }
0x69: {  	_ =	shalt  }
0x6a: {  	_ =	shalt  }
0x6b: {  	_ =	shalt  }
0x6c: {  	_ =	shalt  }
0x6d: {  	_ =	shalt  }
0x6e: {  	_ =	shalt  }
0x6f: {  	_ =	shalt  }
0x70: {  	_ =	shalt  }
0x71: {  	_ =	shalt  }
0x72: {  	_ =	shalt  }
0x73: {  	_ =	shalt  }
0x74: {  	_ =	shalt  }
0x75: {  	_ =	shalt  }
0x76: {  	_ =	shalt  }
0x77: {  	_ =	shalt  }
0x78: {  	_ =	shalt  }
0x79: {  	_ =	shalt  }
0x7a: {  	_ =	shalt  }
0x7b: {  	_ =	shalt  }
0x7c: {  	_ =	shalt  }
0x7d: {  	_ =	shalt  }
0x7e: {  	_ =	shalt  }
0x7f: {  	_ =	shalt  }
0x80: {  	_ =	shalt  }
0x81: {  	_ =	shalt  }
0x82: {  	_ =	shalt  }
0x83: {  	_ =	shalt  }
0x84: {  	_ =	shalt  }
0x85: {  	_ =	shalt  }
0x86: {  	_ =	shalt  }
0x87: {  	_ =	shalt  }
.Lfunc_end0:
.L_simem_size_0:
called_computation.2_lowered:
.L_overlay_start_0:
0x88: {  	s2 =	sld [smem:$0x3FD9]  }
0x89: {  	s3 =	sld [smem:$0x3FFE];
	_ =	sdelay $0x1  }
0x8a: {  	s1 =	srdreg.scid  }
0x8b: {  	s0 =	sand.u32 $0x1, s1  }
0x8c: {  	s17 =	sshll.u32 s0, $0xA;
	s2 =	sadd.s32 s3, s2  }
0x8d: {  	s2 =	sadd.s32 s2, s17  }
0x8e: {  	[smem:$0x3FB8] =	sst s2  }
0x8f: {  	_ = 	snop  }
0x90: {  	(tm) =	ssettm $0x1  }
0x91: {  	s18 =	sld [smem:$0x3FFB];
	_ =	sdelay $0x3  }
0x92: {  	_ =	strace s18  }
0x93: {  	s2 =	sld [smem:$0x3FFC];
	_ =	sdelay $0x3  }
0x94: {  	_ =	strace s2  }
0x95: {  	s2 =	sld [smem:$0x3FFD];
	_ =	sdelay $0x3  }
0x96: {  	_ =	strace s2  }
0x97: {  	_ =	strace $0x8FFFFFFF  }
0x98: {  	s19 =	sld [smem:$0x3FDB];
	_ =	sdelay $0x1  }
0x99: {  	s20 =	simm.s32 $_scs_section_size  }
0x9a: {  	s4 =	simm.s32 $_size__tile_overlayer_lowered;
	s5 =	simm.s32 $_tile_overlayer_lowered  }
0x9b: {  	s6 =	simm.s32 $0x1BFF;
	s21 =	sshll.u32 s5, $0x1;
	s3 =	sadd.s32 s20, s19  }
0x9c: {  	s22 =	simm.s32 $0x0;
	s4 =	sshll.u32 s4, $0x1;
	s5 =	sadd.s32 s21, s3  }
0x9d: {  	[timem:s22], [sflag:s6] =	dma.local [hbm:s5], s4  }
0x9e: {  	_ =	swait.ge [sflag:s6], s4  }
0x9f: {  	s4 =	ssub.s32 $0x0, s4;
	[sflag:s6] =	ssyncset.done $0x0  }
0xa0: {  	[sflag:s6] =	ssyncadd.s32 s4;
	_ =	sdelay $0x1  }
0xa1: {  	s23 =	simm.s32 $0x1B8B  }
0xa2: {  	_ =	swait.ge [sflag:s23], $0x1  }
0xa3: {  	[sflag:s23] =	ssyncset.done $0x0  }
0xa4: {  	[sflag:s23] =	ssyncadd.s32 $0xFFFFFFFF  }
0xa5: {  	s4 =	sld [smem:$0x0]  }
0xa6: {  	s5 =	sand.u32 $0xFFFFFFFE, s1  }
0xa7: {  	p0 =	sne.s32 s1, s5  }
0xa8: {  	s5 =	sshll.u32 @p0 s5, $0xE  }
0xa9: {  	s5 =	sadd.s32 @p0 $0x11B8D, s5;
	s6 =	sshll.u32 @p0 s4, $0x11  }
0xaa: {  	s5 =	sor.u32 @p0 s6, s5  }
0xab: {  	[sflag:s5] =	ssyncadd.remote.s32 @p0 $0x1;
	_ =	sdelay $0x1  }
0xac: {  	s5 =	simm.s32 @p0 $0x1B8D  }
0xad: {  	_ =	swait.eq @p0 [sflag:s5], $0x1  }
0xae: {  	[sflag:s5] =	ssyncadd.s32 @p0 $0xFFFFFFFF  }
0xaf: {  	s6 =	sshll.u32 @!p0 s1, $0xE  }
0xb0: {  	s6 =	sor.u32 @!p0 $0x4000, s6;
	s5 =	simm.s32 @!p0 $0x1B8D  }
0xb1: {  	s4 =	sshll.u32 @!p0 s4, $0x11;
	s6 =	sadd.s32 @!p0 $0x11B8D, s6;
	_ =	swait.eq @!p0 [sflag:s5], $0x1  }
0xb2: {  	s4 =	sor.u32 @!p0 s4, s6;
	[sflag:s5] =	ssyncadd.s32 @!p0 $0xFFFFFFFF  }
0xb3: {  	s25 =	simm.s32 $0x1B8E;
	s24 =	sld [smem:$0x3FFE];
	[sflag:s4] =	ssyncadd.remote.s32 @!p0 $0x1  }
0xb4: {  	s26 =	simm.s32 $execute0_lowered;
	[smem:$0x3FD2] =	sst s25  }
0xb5: {  	s5 =	sshll.u32 s26, $0x1;
	_ =	strace $0x8000004F;
	[dreg:$0x1] =	wrdreg $0xFFFFFFFF  }
0xb6: {  	s28 =	simm.s32 $_size_execute0_lowered;
	s3 =	sadd.s32 s3, s5;
	[dreg:$0x0] =	wrdreg $0x0  }
0xb7: {  	s5 =	sshll.u32 s28, $0x1;
	[dreg:$0x2] =	wrdreg s3  }
0xb8: {  	[dreg:$0x3] =	wrdreg s5  }
0xb9: {  	[dreg:$0x4] =	wrdreg $0xC0  }
0xba: {  	_ =	task [dreg:s22], $0x5FFFF  }
0xbb: {  	[dreg:$0x1] =	wrdreg $0xFFFFFFFF  }
0xbc: {  	[dreg:$0x0] =	wrdreg $0x60  }
0xbd: {  	[dreg:$0x2] =	wrdreg s24  }
0xbe: {  	[dreg:$0x3] =	wrdreg $0xA  }
0xbf: {  	_ =	task.clear_ibuf [dreg:s22], $0x4FFFF;
	_ =	strace $0x9000004F  }
0xc0: {  	s29 =	simm.s32 $0xA;
	_ =	strace $0x80000051  }
0xc1: {  	_ =	swait.ge [sflag:s29], $0x1  }
0xc2: {  	[sflag:s29] =	ssyncadd.s32 $0xFFFFFFFF  }
0xc3: {  	_ =	strace $0x90000051  }
0xc4: {  	_ =	sfence  }
0xc5: {  	s30 =	sld [smem:$0x0];
	_ =	sdelay $0x2  }
0xc6: {  	s31 =	sshll.u32 s1, $0xD;
	s1 =	sshrl.u32 s1, $0x2  }
0xc7: {  	s4 =	sand.u32 $0x4000, s31;
	s1 =	sadd.s32 s1, s30  }
0xc8: {  	s0 =	sor.u32 s4, s0;
	s1 =	sshll.u32 s1, $0x11  }
0xc9: {  	s0 =	sor.u32 s1, s0  }
0xca: {  	s0 =	sadd.s32 $0x8F2B, s0  }
0xcb: {  	[sflag:s0] =	ssyncadd.remote.s32 $0x1  }
0xcc: {  	_ =	sfence.sel $0xFFFF  }
0xcd: {  	[dreg:$0x0] =	wrdreg $0xFFFFFFFF;
	(pc) =	sbr.abs _section_cstart, $3  }
0xce: {  	[dreg:$0x1] =	wrdreg $0xFFFFFFFF  }
0xcf: {  	_ =	task.clear_ibuf [dreg:s22], $0x2FFFF;
	_ =	strace $0x9FFFFFFF  }
0xd0: {  	(tm) =	ssettm $0x7FFFFFFF  }
0xd1: {  	_ =	shalt  }
tec
execute0_lowered:
.L_overlay_start_1:
0x0: {  	(tag) =	ssettag $0x1  }
0x1: {  	s7 =	rddreg [dreg:$0x0]  }
0x2: {  	s0 =	rddreg [dreg:$0x1];
	_ =	strace $0x80000050  }
0x3: {  	s1 =	srdreg.scid;
	s4 =	simm.s32 $0x1;
	s9 =	simm.s32 $0x3  }
0x4: {  	s12 =	simm.s32 $0x0;
	s10 =	simm.s32 $0x0;
	s5 =	sshll.u32 s1, $0x4  }
.Ltmp0:
0x5: {  	s1 =	stileid.u32;
	s5 =	sand.u32 $0x10, s5;
	(pc) =	sbr.rel .LBB2_1-.Ltmp0, $4  }
0x6: {  	s2 =	sadd.s32 $0x8000, s7;
	s3 =	sadd.s32 $0x10000, s7;
	s6 =	sor.u32 s1, s5  }
0x7: {  	[sflag:s4] =	ssyncpa.u1 $0x0;
	s5 =	simm.s32 $0x2;
	s6 =	sshll.u32 s6, $0x6  }
0x8: {  	s7 =	sadd.s32 $0x18400, s7;
	[sflag:s5] =	ssyncpa.u1 $0x0;
	s8 =	sadd.s32 $0x40, s6  }
0x9: {  	vm0 =	vmmov $0xff;
	vm1 =	vcmask $0x3F20;
	[sflag:s9] =	ssyncpa.u1 $0x0;
	s9 =	simm.s32 $0x40;
	s11 =	smov.u32 s6  }
.LBB2_9:
0xa: {  	p0 =	seq.s32 s10, $0x2  }
.Ltmp1:
0xb: {  	_ = 	snop;
	(pc) =	sbr.rel @p0 .LBB2_11-.Ltmp1, $1  }
0xc: {  	_ =	sdelay $0x3  }
.LBB2_10:
0xd: {  	s12 =	sadd.s32 $0x40, s11  }
0xe: {  	s13 =	smov.u32 s6;
	p0 =	slt.s32 s12, s8  }
0xf: {  	s13 =	smov.u32 @p0 s12  }
0x10: {  	s10 =	sadd.s32 $0x1, s10;
	s12 =	smov.u32 s11;
	s11 =	smov.u32 s13  }
.LBB2_1:
0x11: {  	p0 =	sne.s32 s10, $0x0  }
.Ltmp2:
0x12: {  	_ = 	snop;
	(pc) =	sbr.rel @!p0 .LBB2_2-.Ltmp2, $1  }
0x13: {  	_ =	sdelay $0x3  }
0x14: {  	s13 =	sand.u32 $0x1, s10  }
0x15: {  	p0 =	seq.s32 s13, $0x0  }
.Ltmp3:
0x16: {  	_ = 	snop;
	(pc) =	sbr.rel @p0 .LBB2_9-.Ltmp3, $1  }
0x17: {  	_ =	sdelay $0x3  }
0x18: {  	_ =	swait.ge [sflag:s5], $0x40  }
0x19: {  	[sflag:s5] =	ssyncset.done $0x0  }
0x1a: {  	s13 =	simm.s32 $0x0;
	[sflag:s5] =	ssyncadd.s32 $0xFFFFFFC0  }
0x1b: {  	v0 =	vld.msk [tilespmem:s13+$0x40 ss:$0x1], $0xffff;
	_ =	sdelay $0x4  }
0x1c: {  	vm2 =	vgt.s32 v0, $0x0  }
0x1d: {  	v0 =	vnsel vm2, $0x0, v0  }
0x1e: {  	v0 =	vmin.u32 v0, $0x7FF  }
0x1f: {  	v0 =	vshll.u32 v0, $0x4;
	_ =	sdelay $0x3  }
0x20: {  	s13 =	simm.s32 $0x2080  }
0x21: {  	[tilespmem:s13], [sflag:$0x1] =	stream.indirect_vreg.gather [hbm:s2], $0x80, v0, vm0, $0x38;
	[tilespmem:$0x4080] =	vst v63  }
0x22: {  	s14 =	simm.s32 $0x2480;
	s31 =	simm.s32 $0x10  }
0x23: {  	[tilespmem:s14], [sflag:$0x1] =	stream.indirect_vreg.gather [hbm:s2], $0x80, v0, vm1, $0x38;
	[tilespmem:$0x4080] =	vst v63  }
0x24: {  	s14 =	simm.s32 $0x80;
	v0 =	vld.msk [tilespmem:s31+$0x40 ss:$0x1], $0xffff  }
.LBB2_5:
0x25: {  	p0 =	sne.s32 s14, $0xC0;
	_ =	sdelay $0x4  }
0x26: {  	vm2 =	vgt.s32 v0, $0x0  }
0x27: {  	v0 =	vnsel vm2, $0x0, v0  }
0x28: {  	v0 =	vmin.u32 v0, $0x7FF  }
0x29: {  	v0 =	vshll.u32 v0, $0x4;
	_ =	sdelay $0x3  }
.Ltmp4:
0x2a: {  	s13 =	sadd.s32 $0x800, s13;
	(pc) =	sbr.rel @p0 .LBB2_5-.Ltmp4, $4  }
0x2b: {  	[tilespmem:s13], [sflag:$0x1] =	stream.indirect_vreg.gather [hbm:s2], $0x80, v0, vm0, $0x38;
	[tilespmem:$0x4080] =	vst v63  }
0x2c: {  	s15 =	sshra.s32 s14, $0x2;
	s16 =	sadd.s32 $0x400, s13  }
0x2d: {  	[tilespmem:s16], [sflag:$0x1] =	stream.indirect_vreg.gather [hbm:s2], $0x80, v0, vm1, $0x38;
	[tilespmem:$0x4080] =	vst v63  }
0x2e: {  	s14 =	sadd.s32 $0x40, s14;
	v0 =	vld.msk [tilespmem:s15+$0x40 ss:$0x1], $0xffff  }
0x2f: {  	_ =	sdelay $0x3  }
0x30: {  	vm2 =	vgt.s32 v0, $0x0  }
0x31: {  	v0 =	vnsel vm2, $0x0, v0  }
0x32: {  	v0 =	vmin.u32 v0, $0x7FF  }
0x33: {  	v0 =	vshll.u32 v0, $0x4;
	_ =	sdelay $0x3  }
0x34: {  	s13 =	sadd.s32 $0x800, s13  }
0x35: {  	[tilespmem:s13], [sflag:$0x1] =	stream.indirect_vreg.gather [hbm:s2], $0x80, v0, vm0, $0x38;
	[tilespmem:$0x4080] =	vst v63  }
0x36: {  	s13 =	sadd.s32 $0x400, s13  }
0x37: {  	[tilespmem:s13], [sflag:$0x1] =	stream.indirect_vreg.gather [hbm:s2], $0x80, v0, vm1, $0x38;
	[tilespmem:$0x4080] =	vst v63  }
0x38: {  	s12 =	sshll.u32 s12, $0x4;
	s14 =	simm.s32 $0x80;
	_ =	swait.ge [sflag:s4], $0x2000  }
0x39: {  	s15 =	simm.s32 $0x2480;
	s12 =	sadd.s32 s12, s7;
	[sflag:s4] =	ssyncset.done $0x0  }
0x3a: {  	s16 =	sadd.s32 $0x0, s12;
	s13 =	simm.s32 $0x2080;
	[sflag:s4] =	ssyncadd.s32 $0xFFFFE000  }
.LBB2_7:
0x3b: {  	[hbm:s16] =	stream.linear.scatter [tilespmem:s13], [sflag:$0x3], $0x400, $0x38;
	[tilespmem:$0x4080] =	vst v63  }
0x3c: {  	s16 =	smov.u32 s14;
	s13 =	smov.u32 s15;
	p0 =	sne.s32 s14, $0x380  }
.Ltmp5:
0x3d: {  	s14 =	sadd.s32 $0x80, s14;
	(pc) =	sbr.rel @p0 .LBB2_7-.Ltmp5, $2  }
0x3e: {  	_ =	sdelay $0x2  }
0x3f: {  	s15 =	sadd.s32 $0x400, s15;
	s16 =	sadd.s32 s16, s12  }
.Ltmp6:
0x40: {  	(pc) =	sbr.rel .LBB2_9-.Ltmp6, $2  }
0x41: {  	_ =	sdelay $0x2  }
0x42: {  	[hbm:s16] =	stream.linear.scatter [tilespmem:s13], [sflag:$0x3], $0x400, $0x38;
	[tilespmem:$0x4080] =	vst v63  }
.LBB2_2:
.Ltmp7:
0x43: {  	(pc) =	sbr.rel .LBB2_10-.Ltmp7, $4  }
0x44: {  	_ = 	snop  }
0x45: {  	s12 =	sshrl.u32 s11, $0x3  }
0x46: {  	s13 =	sand.u32 $0x7, s11;
	s12 =	sadd.s32 s3, s12  }
0x47: {  	[tilespmem:s9], [sflag:$0x2] =	stream.linear.gather [hbm4b:s12+s13], $0x40, $0x38;
	[tilespmem:$0x4080] =	vst v63  }
.LBB2_11:
0x48: {  	s2 =	simm.s32 $0x3  }
0x49: {  	_ =	swait.ge [sflag:s2], $0x2000  }
0x4a: {  	[sflag:s2] =	ssyncset.done $0x0  }
0x4b: {  	[sflag:s2] =	ssyncadd.s32 $0xFFFFE000  }
0x4c: {  	_ =	sfence.sel $0x180000  }
0x4d: {  	s3 =	simm.s32 $0x2;
	[bflag:$0x0] =	sbarrier.arrive $0xFFFF  }
0x4e: {  	[sflag:s3] =	ssyncpa.u1 $0x1  }
0x4f: {  	s31 =	simm.s32 $0x1;
	[sflag:s2] =	ssyncpa.u1 $0x1  }
0x50: {  	[sflag:s31] =	ssyncpa.u1 $0x1  }
0x51: {  	p0 =	sne.s32 s1, $0x0;
	_ =	strace $0x90000050  }
0x52: {  	s0 =	sadd.s32 @!p0 $0x100000, s0;
	[bflag:$0x2] =	sbarrier.arrive $0xFFFF  }
0x53: {  	[sflag:s0] =	ssyncadd.tile.s32 @!p0 $0x1;
	_ =	shalt  }
.Lfunc_end2:
_tile_overlayer_lowered:
.L_overlay_start_2:
0x54: {  	(tag) =	ssettag $0x2  }
0x55: {  	s0 =	rddreg [dreg:$0x0];
	s2 =	stileid.u32  }
0x56: {  	s1 =	rddreg [dreg:$0x1];
	p0 =	sne.s32 s2, $0x0  }
0x57: {  	s3 =	rddreg [dreg:$0x2];
	[bflag:$0x3] =	sbarrier.arrive $0xFFFF;
	s2 =	simm.s32 @!p0 $0x1C01  }
0x58: {  	[timem:s3], [sflag:s2] =	dma.local @!p0 [hbm:s0], s1  }
0x59: {  	s0 =	simm.s32 @!p0 $0x1  }
0x5a: {  	_ =	swait.ge @!p0 [sflag:s0], s1  }
0x5b: {  	s1 =	ssub.s32 @!p0 $0x0, s1;
	[sflag:s0] =	ssyncset.done @!p0 $0x0  }
0x5c: {  	[sflag:s0] =	ssyncadd.s32 @!p0 s1  }
0x5d: {  	[bflag:$0x3] =	sbarrier.arrive $0xFFFF  }
0x5e: {  	_ =	shalt  }

// kernel: gather_offload_async_start.3
scs
__scs_entry_jumppad:
0x0: {  	(pc) =	sbr.rel $0x88, $3  }
0x1: {  	(tag) =	ssettag $0x0;
	lr =	simm.s32 $0x1  }
0x2: {  	[smem:$0x3F91] =	sst lr;
	_ =	strace $0xD0000000  }
0x3: {  	_ = 	snop  }
0x4: {  	_ = 	snop  }
0x5: {  	_ = 	snop  }
0x6: {  	_ = 	snop  }
0x7: {  	_ = 	snop  }
__scs_overlays_trampoline_lowered:
0x8: {  	[smem:$0x3FA0] =	sst s0  }
0x9: {  	[smem:$0x3FA1] =	sst s1  }
0xa: {  	[smem:$0x3FA2] =	sst s2  }
0xb: {  	[smem:$0x3FA3] =	sst s3  }
0xc: {  	[smem:$0x3FA4] =	sst s4  }
0xd: {  	[smem:$0x3FA5] =	sst s5  }
0xe: {  	[smem:$0x3FA6] =	sst s6  }
0xf: {  	[smem:$0x3FA7] =	sst s7  }
0x10: {  	[smem:$0x3FA8] =	sst s8  }
0x11: {  	[smem:$0x3FA9] =	sst s9;
	s0 =	simm.s32 @!p0 $0x0  }
0x12: {  	s1 =	sld [smem:$0x3F8F];
	s0 =	simm.s32 @p0 $0x1  }
0x13: {  	[smem:$0x3FAA] =	sst s0;
	s0 =	simm.s32 @!p1 $0x0  }
0x14: {  	s2 =	sld [smem:$0x3F8E];
	s0 =	simm.s32 @p1 $0x1  }
0x15: {  	[smem:$0x3FAB] =	sst s0;
	s0 =	simm.s32 @!p2 $0x0  }
0x16: {  	s3 =	sld [smem:$0x3FDB];
	s0 =	simm.s32 @p2 $0x1  }
0x17: {  	s4 =	simm.s32 $0x1BF5;
	[smem:$0x3FAD] =	sst s0  }
0x18: {  	s0 =	sld [smem:$0x3F90];
	_ =	swait.ge [sflag:s4], $0x0  }
0x19: {  	s7 =	sld [smem:$0x3F91]  }
0x1a: {  	s8 =	sadd.s32 $0xFFFFE003, lr  }
0x1b: {  	s9 =	sadd.s32 $0xFFFFFEF7, lr;
	s5 =	simm.s32 $0xFFFFFFFF;
	p2 =	slt.u32 s8, $0xFFFFF086  }
0x1c: {  	p1 =	slt.u32 s9, $0xF7A;
	s5 =	simm.s32 @!p2 $0x0  }
0x1d: {  	s5 =	simm.s32 @p1 $0x1;
	p0 =	seq.s32 s7, s2  }
0x1e: {  	s7 =	smul.u32 @!p0 $0xF7A, s2;
	p2 =	seq.s32 @!p0 s5, $0x0  }
0x1f: {  	s9 =	smul.u32 $0xF7A, s1;
	s8 =	simm.s32 @!p0 $0x1BF5;
	p2 =	por !p2, p0  }
0x20: {  	[sflag:s8] =	ssyncset.s32 @!p0 $0xFFFFF086;
	s6 =	sadd.s32 @!p0 s3, s7;
	s7 =	simm.s32 @!p0 $0x108  }
0x21: {  	s3 =	sadd.s32 s3, s9;
	s6 =	sadd.s32 @!p0 $0x88, s6;
	s7 =	simm.s32 @p2 $0x1082  }
0x22: {  	[simem:s7], [sflag:s8] =	dma.local @!p0 [hbm:s6], $0xF7A  }
0x23: {  	s9 =	sor.u32 $0xD0000000, s2;
	s6 =	simm.s32 $0x108;
	_ =	swait.ge @!p0 [sflag:s8], $0x0  }
0x24: {  	s3 =	sadd.s32 $0x88, s3;
	s6 =	simm.s32 @!p1 $0x1082;
	[sflag:s4] =	ssyncset.s32 $0xFFFFF086  }
0x25: {  	[simem:s6], [sflag:s4] =	dma.local [hbm:s3], $0xF7A  }
0x26: {  	[smem:$0x3F91] =	sst s1;
	(tag) =	ssettag s2;
	_ =	strace s9  }
0x27: {  	s1 =	sld [smem:$0x3FA1]  }
0x28: {  	s2 =	sld [smem:$0x3FA2]  }
0x29: {  	s4 =	sld [smem:$0x3FA4]  }
0x2a: {  	p0 =	seq.s32 s5, $0x0;
	s5 =	sld [smem:$0x3FA5]  }
0x2b: {  	s6 =	sld [smem:$0x3FA6]  }
0x2c: {  	s7 =	sld [smem:$0x3FA7]  }
0x2d: {  	s3 =	simm.s32 $0x108;
	s8 =	sld [smem:$0x3FA8]  }
0x2e: {  	s3 =	simm.s32 @!p0 $0x1082;
	s9 =	sld [smem:$0x3FA9]  }
0x2f: {  	lr =	sadd.s32 s0, s3;
	s0 =	sld [smem:$0x3FA0]  }
0x30: {  	s3 =	sld [smem:$0x3FA3]  }
0x31: {  	[smem:$0x3FAC] =	sst s10  }
0x32: {  	s10 =	sld [smem:$0x3FAA];
	_ =	sdelay $0x3  }
0x33: {  	p0 =	seq.s32 s10, $0x1;
	s10 =	sld [smem:$0x3FAC];
	_ =	sdelay $0x3  }
0x34: {  	[smem:$0x3FAC] =	sst s10  }
0x35: {  	s10 =	sld [smem:$0x3FAB];
	_ =	sdelay $0x3  }
0x36: {  	p1 =	seq.s32 s10, $0x1;
	s10 =	sld [smem:$0x3FAC];
	_ =	sdelay $0x3  }
0x37: {  	[smem:$0x3FAC] =	sst s10  }
0x38: {  	s10 =	sld [smem:$0x3FAD]  }
0x39: {  	_ = 	snop;
	(pc) =	sbr.ind lr, $3  }
0x3a: {  	_ = 	snop  }
0x3b: {  	_ = 	snop  }
0x3c: {  	p2 =	seq.s32 s10, $0x1;
	s10 =	sld [smem:$0x3FAC]  }
0x3d: {  	_ =	shalt  }
0x3e: {  	_ =	shalt  }
0x3f: {  	_ =	shalt  }
0x40: {  	_ =	shalt  }
0x41: {  	_ =	shalt  }
0x42: {  	_ =	shalt  }
0x43: {  	_ =	shalt  }
0x44: {  	_ =	shalt  }
0x45: {  	_ =	shalt  }
0x46: {  	_ =	shalt  }
0x47: {  	_ =	shalt  }
0x48: {  	_ =	shalt  }
0x49: {  	_ =	shalt  }
0x4a: {  	_ =	shalt  }
0x4b: {  	_ =	shalt  }
0x4c: {  	_ =	shalt  }
0x4d: {  	_ =	shalt  }
0x4e: {  	_ =	shalt  }
0x4f: {  	_ =	shalt  }
0x50: {  	_ =	shalt  }
0x51: {  	_ =	shalt  }
0x52: {  	_ =	shalt  }
0x53: {  	_ =	shalt  }
0x54: {  	_ =	shalt  }
0x55: {  	_ =	shalt  }
0x56: {  	_ =	shalt  }
0x57: {  	_ =	shalt  }
0x58: {  	_ =	shalt  }
0x59: {  	_ =	shalt  }
0x5a: {  	_ =	shalt  }
0x5b: {  	_ =	shalt  }
0x5c: {  	_ =	shalt  }
0x5d: {  	_ =	shalt  }
0x5e: {  	_ =	shalt  }
0x5f: {  	_ =	shalt  }
0x60: {  	_ =	shalt  }
0x61: {  	_ =	shalt  }
0x62: {  	_ =	shalt  }
0x63: {  	_ =	shalt  }
0x64: {  	_ =	shalt  }
0x65: {  	_ =	shalt  }
0x66: {  	_ =	shalt  }
0x67: {  	_ =	shalt  }
0x68: {  	_ =	shalt  }
0x69: {  	_ =	shalt  }
0x6a: {  	_ =	shalt  }
0x6b: {  	_ =	shalt  }
0x6c: {  	_ =	shalt  }
0x6d: {  	_ =	shalt  }
0x6e: {  	_ =	shalt  }
0x6f: {  	_ =	shalt  }
0x70: {  	_ =	shalt  }
0x71: {  	_ =	shalt  }
0x72: {  	_ =	shalt  }
0x73: {  	_ =	shalt  }
0x74: {  	_ =	shalt  }
0x75: {  	_ =	shalt  }
0x76: {  	_ =	shalt  }
0x77: {  	_ =	shalt  }
0x78: {  	_ =	shalt  }
0x79: {  	_ =	shalt  }
0x7a: {  	_ =	shalt  }
0x7b: {  	_ =	shalt  }
0x7c: {  	_ =	shalt  }
0x7d: {  	_ =	shalt  }
0x7e: {  	_ =	shalt  }
0x7f: {  	_ =	shalt  }
0x80: {  	_ =	shalt  }
0x81: {  	_ =	shalt  }
0x82: {  	_ =	shalt  }
0x83: {  	_ =	shalt  }
0x84: {  	_ =	shalt  }
0x85: {  	_ =	shalt  }
0x86: {  	_ =	shalt  }
0x87: {  	_ =	shalt  }
.Lfunc_end0:
.L_simem_size_0:
called_computation.3_lowered:
.L_overlay_start_0:
0x88: {  	s2 =	sld [smem:$0x3FD9]  }
0x89: {  	s3 =	sld [smem:$0x3FFE];
	_ =	sdelay $0x1  }
0x8a: {  	s1 =	srdreg.scid  }
0x8b: {  	s0 =	sand.u32 $0x1, s1  }
0x8c: {  	s16 =	sshll.u32 s0, $0xA;
	s2 =	sadd.s32 s3, s2  }
0x8d: {  	s2 =	sadd.s32 s2, s16  }
0x8e: {  	[smem:$0x3FB8] =	sst s2  }
0x8f: {  	_ = 	snop  }
0x90: {  	(tm) =	ssettm $0x1  }
0x91: {  	s17 =	sld [smem:$0x3FFB];
	_ =	sdelay $0x3  }
0x92: {  	_ =	strace s17  }
0x93: {  	s2 =	sld [smem:$0x3FFC];
	_ =	sdelay $0x3  }
0x94: {  	_ =	strace s2  }
0x95: {  	s2 =	sld [smem:$0x3FFD];
	_ =	sdelay $0x3  }
0x96: {  	_ =	strace s2  }
0x97: {  	_ =	strace $0x8FFFFFFF  }
0x98: {  	s18 =	sld [smem:$0x3FDB];
	_ =	sdelay $0x1  }
0x99: {  	s19 =	simm.s32 $_scs_section_size  }
0x9a: {  	s4 =	simm.s32 $_size__tile_overlayer_lowered;
	s5 =	simm.s32 $_tile_overlayer_lowered  }
0x9b: {  	s22 =	simm.s32 $0x1BFF;
	s21 =	sshll.u32 s5, $0x1;
	s2 =	sadd.s32 s19, s18  }
0x9c: {  	s6 =	simm.s32 $0x0;
	s20 =	sshll.u32 s4, $0x1;
	s4 =	sadd.s32 s21, s2  }
0x9d: {  	[timem:s6], [sflag:s22] =	dma.local [hbm:s4], s20  }
0x9e: {  	_ =	swait.ge [sflag:s22], s20  }
0x9f: {  	s3 =	ssub.s32 $0x0, s20;
	[sflag:s22] =	ssyncset.done $0x0  }
0xa0: {  	[sflag:s22] =	ssyncadd.s32 s3;
	_ =	sdelay $0x1  }
0xa1: {  	s23 =	simm.s32 $0x1B8B  }
0xa2: {  	_ =	swait.ge [sflag:s23], $0x1  }
0xa3: {  	[sflag:s23] =	ssyncset.done $0x0  }
0xa4: {  	s25 =	simm.s32 $0x1B8E;
	s24 =	sld [smem:$0x3FFE];
	[sflag:s23] =	ssyncadd.s32 $0xFFFFFFFF  }
0xa5: {  	s26 =	simm.s32 $execute0_lowered;
	[smem:$0x3FD2] =	sst s25  }
0xa6: {  	s4 =	sshll.u32 s26, $0x1;
	_ =	strace $0x80000052;
	[dreg:$0x1] =	wrdreg $0xFFFFFFFF  }
0xa7: {  	s28 =	simm.s32 $_size_execute0_lowered;
	s2 =	sadd.s32 s2, s4;
	[dreg:$0x0] =	wrdreg $0x0  }
0xa8: {  	s4 =	sshll.u32 s28, $0x1;
	[dreg:$0x2] =	wrdreg s2  }
0xa9: {  	[dreg:$0x3] =	wrdreg s4  }
0xaa: {  	[dreg:$0x4] =	wrdreg $0xC0  }
0xab: {  	_ =	task [dreg:s6], $0x5FFFF  }
0xac: {  	[dreg:$0x1] =	wrdreg $0xFFFFFFFF  }
0xad: {  	[dreg:$0x0] =	wrdreg $0x60  }
0xae: {  	[dreg:$0x2] =	wrdreg s24  }
0xaf: {  	[dreg:$0x3] =	wrdreg $0x9  }
0xb0: {  	_ =	task.clear_ibuf [dreg:s6], $0x4FFFF;
	_ =	strace $0x90000052  }
0xb1: {  	s29 =	simm.s32 $0x9;
	_ =	strace $0x80000054  }
0xb2: {  	_ =	swait.ge [sflag:s29], $0x1  }
0xb3: {  	[sflag:s29] =	ssyncadd.s32 $0xFFFFFFFF  }
0xb4: {  	_ =	strace $0x90000054  }
0xb5: {  	_ =	sfence  }
0xb6: {  	s30 =	sld [smem:$0x0];
	_ =	sdelay $0x2  }
0xb7: {  	s31 =	sshll.u32 s1, $0xD;
	s1 =	sshrl.u32 s1, $0x2  }
0xb8: {  	s3 =	sand.u32 $0x4000, s31;
	s1 =	sadd.s32 s1, s30  }
0xb9: {  	s0 =	sor.u32 s3, s0;
	s1 =	sshll.u32 s1, $0x11  }
0xba: {  	s0 =	sor.u32 s1, s0  }
0xbb: {  	s0 =	sadd.s32 $0x8F2B, s0  }
0xbc: {  	[sflag:s0] =	ssyncadd.remote.s32 $0x1  }
0xbd: {  	_ =	sfence.sel $0xFFFF  }
0xbe: {  	[dreg:$0x0] =	wrdreg $0xFFFFFFFF;
	(pc) =	sbr.abs _section_cstart, $3  }
0xbf: {  	[dreg:$0x1] =	wrdreg $0xFFFFFFFF  }
0xc0: {  	_ =	task.clear_ibuf [dreg:s6], $0x2FFFF;
	_ =	strace $0x9FFFFFFF  }
0xc1: {  	(tm) =	ssettm $0x7FFFFFFF  }
tec
execute0_lowered:
.L_overlay_start_1:
0x0: {  	(tag) =	ssettag $0x1  }
0x1: {  	s2 =	rddreg [dreg:$0x0]  }
0x2: {  	s0 =	rddreg [dreg:$0x1]  }
0x3: {  	s1 =	srdreg.scid;
	_ =	strace $0x80000053;
	s4 =	simm.s32 $0x1  }
0x4: {  	s9 =	simm.s32 $0x3;
	s12 =	simm.s32 $0x0;
	s5 =	sshll.u32 s1, $0x4  }
.Ltmp0:
0x5: {  	s1 =	stileid.u32;
	s5 =	sand.u32 $0x10, s5;
	(pc) =	sbr.rel .LBB2_1-.Ltmp0, $4  }
0x6: {  	s10 =	simm.s32 $0x0;
	s3 =	sadd.s32 $0x18200, s2;
	s6 =	sor.u32 s1, s5  }
0x7: {  	[sflag:s4] =	ssyncpa.u1 $0x0;
	s5 =	simm.s32 $0x2;
	s6 =	sshll.u32 s6, $0x6  }
0x8: {  	s7 =	sadd.s32 $0x8000, s2;
	[sflag:s5] =	ssyncpa.u1 $0x0;
	s8 =	sadd.s32 $0x40, s6  }
0x9: {  	vm0 =	vmmov $0xff;
	vm1 =	vcmask $0x3F20;
	[sflag:s9] =	ssyncpa.u1 $0x0;
	s9 =	simm.s32 $0x40;
	s11 =	smov.u32 s6  }
.LBB2_9:
0xa: {  	p0 =	seq.s32 s10, $0x2  }
.Ltmp1:
0xb: {  	_ = 	snop;
	(pc) =	sbr.rel @p0 .LBB2_11-.Ltmp1, $1  }
0xc: {  	_ =	sdelay $0x3  }
.LBB2_10:
0xd: {  	s12 =	sadd.s32 $0x40, s11  }
0xe: {  	s13 =	smov.u32 s6;
	p0 =	slt.s32 s12, s8  }
0xf: {  	s13 =	smov.u32 @p0 s12  }
0x10: {  	s10 =	sadd.s32 $0x1, s10;
	s12 =	smov.u32 s11;
	s11 =	smov.u32 s13  }
.LBB2_1:
0x11: {  	p0 =	sne.s32 s10, $0x0  }
.Ltmp2:
0x12: {  	_ = 	snop;
	(pc) =	sbr.rel @!p0 .LBB2_2-.Ltmp2, $1  }
0x13: {  	_ =	sdelay $0x3  }
0x14: {  	s13 =	sand.u32 $0x1, s10  }
0x15: {  	p0 =	seq.s32 s13, $0x0  }
.Ltmp3:
0x16: {  	_ = 	snop;
	(pc) =	sbr.rel @p0 .LBB2_9-.Ltmp3, $1  }
0x17: {  	_ =	sdelay $0x3  }
0x18: {  	_ =	swait.ge [sflag:s5], $0x40  }
0x19: {  	[sflag:s5] =	ssyncset.done $0x0  }
0x1a: {  	s13 =	simm.s32 $0x0;
	[sflag:s5] =	ssyncadd.s32 $0xFFFFFFC0  }
0x1b: {  	v0 =	vld.msk [tilespmem:s13+$0x40 ss:$0x1], $0xffff;
	_ =	sdelay $0x4  }
0x1c: {  	vm2 =	vgt.s32 v0, $0x0  }
0x1d: {  	v0 =	vnsel vm2, $0x0, v0  }
0x1e: {  	v0 =	vmin.u32 v0, $0x7FF  }
0x1f: {  	v0 =	vshll.u32 v0, $0x4;
	_ =	sdelay $0x3  }
0x20: {  	s13 =	simm.s32 $0x2080  }
0x21: {  	[tilespmem:s13], [sflag:$0x1] =	stream.indirect_vreg.gather [hbm:s2], $0x80, v0, vm0, $0x38;
	[tilespmem:$0x4080] =	vst v63  }
0x22: {  	s14 =	simm.s32 $0x2480;
	s31 =	simm.s32 $0x10  }
0x23: {  	[tilespmem:s14], [sflag:$0x1] =	stream.indirect_vreg.gather [hbm:s2], $0x80, v0, vm1, $0x38;
	[tilespmem:$0x4080] =	vst v63  }
0x24: {  	s14 =	simm.s32 $0x80;
	v0 =	vld.msk [tilespmem:s31+$0x40 ss:$0x1], $0xffff  }
.LBB2_5:
0x25: {  	p0 =	sne.s32 s14, $0xC0;
	_ =	sdelay $0x4  }
0x26: {  	vm2 =	vgt.s32 v0, $0x0  }
0x27: {  	v0 =	vnsel vm2, $0x0, v0  }
0x28: {  	v0 =	vmin.u32 v0, $0x7FF  }
0x29: {  	v0 =	vshll.u32 v0, $0x4;
	_ =	sdelay $0x3  }
.Ltmp4:
0x2a: {  	s13 =	sadd.s32 $0x800, s13;
	(pc) =	sbr.rel @p0 .LBB2_5-.Ltmp4, $4  }
0x2b: {  	[tilespmem:s13], [sflag:$0x1] =	stream.indirect_vreg.gather [hbm:s2], $0x80, v0, vm0, $0x38;
	[tilespmem:$0x4080] =	vst v63  }
0x2c: {  	s15 =	sshra.s32 s14, $0x2;
	s16 =	sadd.s32 $0x400, s13  }
0x2d: {  	[tilespmem:s16], [sflag:$0x1] =	stream.indirect_vreg.gather [hbm:s2], $0x80, v0, vm1, $0x38;
	[tilespmem:$0x4080] =	vst v63  }
0x2e: {  	s14 =	sadd.s32 $0x40, s14;
	v0 =	vld.msk [tilespmem:s15+$0x40 ss:$0x1], $0xffff  }
0x2f: {  	_ =	sdelay $0x3  }
0x30: {  	vm2 =	vgt.s32 v0, $0x0  }
0x31: {  	v0 =	vnsel vm2, $0x0, v0  }
0x32: {  	v0 =	vmin.u32 v0, $0x7FF  }
0x33: {  	v0 =	vshll.u32 v0, $0x4;
	_ =	sdelay $0x3  }
0x34: {  	s13 =	sadd.s32 $0x800, s13  }
0x35: {  	[tilespmem:s13], [sflag:$0x1] =	stream.indirect_vreg.gather [hbm:s2], $0x80, v0, vm0, $0x38;
	[tilespmem:$0x4080] =	vst v63  }
0x36: {  	s13 =	sadd.s32 $0x400, s13  }
0x37: {  	[tilespmem:s13], [sflag:$0x1] =	stream.indirect_vreg.gather [hbm:s2], $0x80, v0, vm1, $0x38;
	[tilespmem:$0x4080] =	vst v63  }
0x38: {  	s12 =	sshll.u32 s12, $0x4;
	s14 =	simm.s32 $0x80;
	_ =	swait.ge [sflag:s4], $0x2000  }
0x39: {  	s15 =	simm.s32 $0x2480;
	s12 =	sadd.s32 s12, s7;
	[sflag:s4] =	ssyncset.done $0x0  }
0x3a: {  	s16 =	sadd.s32 $0x0, s12;
	s13 =	simm.s32 $0x2080;
	[sflag:s4] =	ssyncadd.s32 $0xFFFFE000  }
.LBB2_7:
0x3b: {  	[hbm:s16] =	stream.linear.scatter [tilespmem:s13], [sflag:$0x3], $0x400, $0x38;
	[tilespmem:$0x4080] =	vst v63  }
0x3c: {  	s16 =	smov.u32 s14;
	s13 =	smov.u32 s15;
	p0 =	sne.s32 s14, $0x380  }
.Ltmp5:
0x3d: {  	s14 =	sadd.s32 $0x80, s14;
	(pc) =	sbr.rel @p0 .LBB2_7-.Ltmp5, $2  }
0x3e: {  	_ =	sdelay $0x2  }
0x3f: {  	s15 =	sadd.s32 $0x400, s15;
	s16 =	sadd.s32 s16, s12  }
.Ltmp6:
0x40: {  	(pc) =	sbr.rel .LBB2_9-.Ltmp6, $2  }
0x41: {  	_ =	sdelay $0x2  }
0x42: {  	[hbm:s16] =	stream.linear.scatter [tilespmem:s13], [sflag:$0x3], $0x400, $0x38;
	[tilespmem:$0x4080] =	vst v63  }
.LBB2_2:
.Ltmp7:
0x43: {  	(pc) =	sbr.rel .LBB2_10-.Ltmp7, $4  }
0x44: {  	_ = 	snop  }
0x45: {  	s12 =	sshrl.u32 s11, $0x3  }
0x46: {  	s13 =	sand.u32 $0x7, s11;
	s12 =	sadd.s32 s3, s12  }
0x47: {  	[tilespmem:s9], [sflag:$0x2] =	stream.linear.gather [hbm4b:s12+s13], $0x40, $0x38;
	[tilespmem:$0x4080] =	vst v63  }
.LBB2_11:
0x48: {  	s2 =	simm.s32 $0x3  }
0x49: {  	_ =	swait.ge [sflag:s2], $0x2000  }
0x4a: {  	[sflag:s2] =	ssyncset.done $0x0  }
0x4b: {  	[sflag:s2] =	ssyncadd.s32 $0xFFFFE000  }
0x4c: {  	_ =	sfence.sel $0x180000  }
0x4d: {  	s3 =	simm.s32 $0x2;
	[bflag:$0x0] =	sbarrier.arrive $0xFFFF  }
0x4e: {  	[sflag:s3] =	ssyncpa.u1 $0x1  }
0x4f: {  	s31 =	simm.s32 $0x1;
	[sflag:s2] =	ssyncpa.u1 $0x1  }
0x50: {  	[sflag:s31] =	ssyncpa.u1 $0x1  }
0x51: {  	p0 =	sne.s32 s1, $0x0;
	_ =	strace $0x90000053  }
0x52: {  	s0 =	sadd.s32 @!p0 $0x100000, s0;
	[bflag:$0x2] =	sbarrier.arrive $0xFFFF  }
0x53: {  	[sflag:s0] =	ssyncadd.tile.s32 @!p0 $0x1;
	_ =	shalt  }
.Lfunc_end2:
_tile_overlayer_lowered:
.L_overlay_start_2:
0x54: {  	(tag) =	ssettag $0x2  }
0x55: {  	s0 =	rddreg [dreg:$0x0];
	s2 =	stileid.u32  }
0x56: {  	s1 =	rddreg [dreg:$0x1];
	p0 =	sne.s32 s2, $0x0  }
0x57: {  	s3 =	rddreg [dreg:$0x2];
	[bflag:$0x3] =	sbarrier.arrive $0xFFFF;
	s2 =	simm.s32 @!p0 $0x1C01  }
0x58: {  	[timem:s3], [sflag:s2] =	dma.local @!p0 [hbm:s0], s1  }
0x59: {  	s0 =	simm.s32 @!p0 $0x1  }
0x5a: {  	_ =	swait.ge @!p0 [sflag:s0], s1  }
0x5b: {  	s1 =	ssub.s32 @!p0 $0x0, s1;
	[sflag:s0] =	ssyncset.done @!p0 $0x0  }
0x5c: {  	[sflag:s0] =	ssyncadd.s32 @!p0 s1  }
0x5d: {  	[bflag:$0x3] =	sbarrier.arrive $0xFFFF  }
0x5e: {  	_ =	shalt  }

// kernel: gather_offload_async_start.4
scs
__scs_entry_jumppad:
0x0: {  	(pc) =	sbr.rel $0x88, $3  }
0x1: {  	(tag) =	ssettag $0x0;
	lr =	simm.s32 $0x1  }
0x2: {  	[smem:$0x3F91] =	sst lr;
	_ =	strace $0xD0000000  }
0x3: {  	_ = 	snop  }
0x4: {  	_ = 	snop  }
0x5: {  	_ = 	snop  }
0x6: {  	_ = 	snop  }
0x7: {  	_ = 	snop  }
__scs_overlays_trampoline_lowered:
0x8: {  	[smem:$0x3FA0] =	sst s0  }
0x9: {  	[smem:$0x3FA1] =	sst s1  }
0xa: {  	[smem:$0x3FA2] =	sst s2  }
0xb: {  	[smem:$0x3FA3] =	sst s3  }
0xc: {  	[smem:$0x3FA4] =	sst s4  }
0xd: {  	[smem:$0x3FA5] =	sst s5  }
0xe: {  	[smem:$0x3FA6] =	sst s6  }
0xf: {  	[smem:$0x3FA7] =	sst s7  }
0x10: {  	[smem:$0x3FA8] =	sst s8  }
0x11: {  	[smem:$0x3FA9] =	sst s9;
	s0 =	simm.s32 @!p0 $0x0  }
0x12: {  	s1 =	sld [smem:$0x3F8F];
	s0 =	simm.s32 @p0 $0x1  }
0x13: {  	[smem:$0x3FAA] =	sst s0;
	s0 =	simm.s32 @!p1 $0x0  }
0x14: {  	s2 =	sld [smem:$0x3F8E];
	s0 =	simm.s32 @p1 $0x1  }
0x15: {  	[smem:$0x3FAB] =	sst s0;
	s0 =	simm.s32 @!p2 $0x0  }
0x16: {  	s3 =	sld [smem:$0x3FDB];
	s0 =	simm.s32 @p2 $0x1  }
0x17: {  	s4 =	simm.s32 $0x1BF5;
	[smem:$0x3FAD] =	sst s0  }
0x18: {  	s0 =	sld [smem:$0x3F90];
	_ =	swait.ge [sflag:s4], $0x0  }
0x19: {  	s7 =	sld [smem:$0x3F91]  }
0x1a: {  	s8 =	sadd.s32 $0xFFFFE003, lr  }
0x1b: {  	s9 =	sadd.s32 $0xFFFFFEF7, lr;
	s5 =	simm.s32 $0xFFFFFFFF;
	p2 =	slt.u32 s8, $0xFFFFF086  }
0x1c: {  	p1 =	slt.u32 s9, $0xF7A;
	s5 =	simm.s32 @!p2 $0x0  }
0x1d: {  	s5 =	simm.s32 @p1 $0x1;
	p0 =	seq.s32 s7, s2  }
0x1e: {  	s7 =	smul.u32 @!p0 $0xF7A, s2;
	p2 =	seq.s32 @!p0 s5, $0x0  }
0x1f: {  	s9 =	smul.u32 $0xF7A, s1;
	s8 =	simm.s32 @!p0 $0x1BF5;
	p2 =	por !p2, p0  }
0x20: {  	[sflag:s8] =	ssyncset.s32 @!p0 $0xFFFFF086;
	s6 =	sadd.s32 @!p0 s3, s7;
	s7 =	simm.s32 @!p0 $0x108  }
0x21: {  	s3 =	sadd.s32 s3, s9;
	s6 =	sadd.s32 @!p0 $0x88, s6;
	s7 =	simm.s32 @p2 $0x1082  }
0x22: {  	[simem:s7], [sflag:s8] =	dma.local @!p0 [hbm:s6], $0xF7A  }
0x23: {  	s9 =	sor.u32 $0xD0000000, s2;
	s6 =	simm.s32 $0x108;
	_ =	swait.ge @!p0 [sflag:s8], $0x0  }
0x24: {  	s3 =	sadd.s32 $0x88, s3;
	s6 =	simm.s32 @!p1 $0x1082;
	[sflag:s4] =	ssyncset.s32 $0xFFFFF086  }
0x25: {  	[simem:s6], [sflag:s4] =	dma.local [hbm:s3], $0xF7A  }
0x26: {  	[smem:$0x3F91] =	sst s1;
	(tag) =	ssettag s2;
	_ =	strace s9  }
0x27: {  	s1 =	sld [smem:$0x3FA1]  }
0x28: {  	s2 =	sld [smem:$0x3FA2]  }
0x29: {  	s4 =	sld [smem:$0x3FA4]  }
0x2a: {  	p0 =	seq.s32 s5, $0x0;
	s5 =	sld [smem:$0x3FA5]  }
0x2b: {  	s6 =	sld [smem:$0x3FA6]  }
0x2c: {  	s7 =	sld [smem:$0x3FA7]  }
0x2d: {  	s3 =	simm.s32 $0x108;
	s8 =	sld [smem:$0x3FA8]  }
0x2e: {  	s3 =	simm.s32 @!p0 $0x1082;
	s9 =	sld [smem:$0x3FA9]  }
0x2f: {  	lr =	sadd.s32 s0, s3;
	s0 =	sld [smem:$0x3FA0]  }
0x30: {  	s3 =	sld [smem:$0x3FA3]  }
0x31: {  	[smem:$0x3FAC] =	sst s10  }
0x32: {  	s10 =	sld [smem:$0x3FAA];
	_ =	sdelay $0x3  }
0x33: {  	p0 =	seq.s32 s10, $0x1;
	s10 =	sld [smem:$0x3FAC];
	_ =	sdelay $0x3  }
0x34: {  	[smem:$0x3FAC] =	sst s10  }
0x35: {  	s10 =	sld [smem:$0x3FAB];
	_ =	sdelay $0x3  }
0x36: {  	p1 =	seq.s32 s10, $0x1;
	s10 =	sld [smem:$0x3FAC];
	_ =	sdelay $0x3  }
0x37: {  	[smem:$0x3FAC] =	sst s10  }
0x38: {  	s10 =	sld [smem:$0x3FAD]  }
0x39: {  	_ = 	snop;
	(pc) =	sbr.ind lr, $3  }
0x3a: {  	_ = 	snop  }
0x3b: {  	_ = 	snop  }
0x3c: {  	p2 =	seq.s32 s10, $0x1;
	s10 =	sld [smem:$0x3FAC]  }
0x3d: {  	_ =	shalt  }
0x3e: {  	_ =	shalt  }
0x3f: {  	_ =	shalt  }
0x40: {  	_ =	shalt  }
0x41: {  	_ =	shalt  }
0x42: {  	_ =	shalt  }
0x43: {  	_ =	shalt  }
0x44: {  	_ =	shalt  }
0x45: {  	_ =	shalt  }
0x46: {  	_ =	shalt  }
0x47: {  	_ =	shalt  }
0x48: {  	_ =	shalt  }
0x49: {  	_ =	shalt  }
0x4a: {  	_ =	shalt  }
0x4b: {  	_ =	shalt  }
0x4c: {  	_ =	shalt  }
0x4d: {  	_ =	shalt  }
0x4e: {  	_ =	shalt  }
0x4f: {  	_ =	shalt  }
0x50: {  	_ =	shalt  }
0x51: {  	_ =	shalt  }
0x52: {  	_ =	shalt  }
0x53: {  	_ =	shalt  }
0x54: {  	_ =	shalt  }
0x55: {  	_ =	shalt  }
0x56: {  	_ =	shalt  }
0x57: {  	_ =	shalt  }
0x58: {  	_ =	shalt  }
0x59: {  	_ =	shalt  }
0x5a: {  	_ =	shalt  }
0x5b: {  	_ =	shalt  }
0x5c: {  	_ =	shalt  }
0x5d: {  	_ =	shalt  }
0x5e: {  	_ =	shalt  }
0x5f: {  	_ =	shalt  }
0x60: {  	_ =	shalt  }
0x61: {  	_ =	shalt  }
0x62: {  	_ =	shalt  }
0x63: {  	_ =	shalt  }
0x64: {  	_ =	shalt  }
0x65: {  	_ =	shalt  }
0x66: {  	_ =	shalt  }
0x67: {  	_ =	shalt  }
0x68: {  	_ =	shalt  }
0x69: {  	_ =	shalt  }
0x6a: {  	_ =	shalt  }
0x6b: {  	_ =	shalt  }
0x6c: {  	_ =	shalt  }
0x6d: {  	_ =	shalt  }
0x6e: {  	_ =	shalt  }
0x6f: {  	_ =	shalt  }
0x70: {  	_ =	shalt  }
0x71: {  	_ =	shalt  }
0x72: {  	_ =	shalt  }
0x73: {  	_ =	shalt  }
0x74: {  	_ =	shalt  }
0x75: {  	_ =	shalt  }
0x76: {  	_ =	shalt  }
0x77: {  	_ =	shalt  }
0x78: {  	_ =	shalt  }
0x79: {  	_ =	shalt  }
0x7a: {  	_ =	shalt  }
0x7b: {  	_ =	shalt  }
0x7c: {  	_ =	shalt  }
0x7d: {  	_ =	shalt  }
0x7e: {  	_ =	shalt  }
0x7f: {  	_ =	shalt  }
0x80: {  	_ =	shalt  }
0x81: {  	_ =	shalt  }
0x82: {  	_ =	shalt  }
0x83: {  	_ =	shalt  }
0x84: {  	_ =	shalt  }
0x85: {  	_ =	shalt  }
0x86: {  	_ =	shalt  }
0x87: {  	_ =	shalt  }
.Lfunc_end0:
.L_simem_size_0:
called_computation.4_lowered:
.L_overlay_start_0:
0x88: {  	s2 =	sld [smem:$0x3FD9]  }
0x89: {  	s3 =	sld [smem:$0x3FFE];
	_ =	sdelay $0x1  }
0x8a: {  	s1 =	srdreg.scid  }
0x8b: {  	s0 =	sand.u32 $0x1, s1  }
0x8c: {  	s16 =	sshll.u32 s0, $0xA;
	s2 =	sadd.s32 s3, s2  }
0x8d: {  	s2 =	sadd.s32 s2, s16  }
0x8e: {  	[smem:$0x3FB8] =	sst s2  }
0x8f: {  	_ = 	snop  }
0x90: {  	(tm) =	ssettm $0x1  }
0x91: {  	s17 =	sld [smem:$0x3FFB];
	_ =	sdelay $0x3  }
0x92: {  	_ =	strace s17  }
0x93: {  	s2 =	sld [smem:$0x3FFC];
	_ =	sdelay $0x3  }
0x94: {  	_ =	strace s2  }
0x95: {  	s2 =	sld [smem:$0x3FFD];
	_ =	sdelay $0x3  }
0x96: {  	_ =	strace s2  }
0x97: {  	_ =	strace $0x8FFFFFFF  }
0x98: {  	s18 =	sld [smem:$0x3FDB];
	_ =	sdelay $0x1  }
0x99: {  	s19 =	simm.s32 $_scs_section_size  }
0x9a: {  	s4 =	simm.s32 $_size__tile_overlayer_lowered;
	s5 =	simm.s32 $_tile_overlayer_lowered  }
0x9b: {  	s22 =	simm.s32 $0x1BFF;
	s21 =	sshll.u32 s5, $0x1;
	s2 =	sadd.s32 s19, s18  }
0x9c: {  	s6 =	simm.s32 $0x0;
	s20 =	sshll.u32 s4, $0x1;
	s4 =	sadd.s32 s21, s2  }
0x9d: {  	[timem:s6], [sflag:s22] =	dma.local [hbm:s4], s20  }
0x9e: {  	_ =	swait.ge [sflag:s22], s20  }
0x9f: {  	s3 =	ssub.s32 $0x0, s20;
	[sflag:s22] =	ssyncset.done $0x0  }
0xa0: {  	[sflag:s22] =	ssyncadd.s32 s3;
	_ =	sdelay $0x1  }
0xa1: {  	s23 =	simm.s32 $0x1B8B  }
0xa2: {  	_ =	swait.ge [sflag:s23], $0x1  }
0xa3: {  	[sflag:s23] =	ssyncset.done $0x0  }
0xa4: {  	s25 =	simm.s32 $0x1B8E;
	s24 =	sld [smem:$0x3FFE];
	[sflag:s23] =	ssyncadd.s32 $0xFFFFFFFF  }
0xa5: {  	s26 =	simm.s32 $execute0_lowered;
	[smem:$0x3FD2] =	sst s25  }
0xa6: {  	s4 =	sshll.u32 s26, $0x1;
	_ =	strace $0x80000046;
	[dreg:$0x1] =	wrdreg $0xFFFFFFFF  }
0xa7: {  	s28 =	simm.s32 $_size_execute0_lowered;
	s2 =	sadd.s32 s2, s4;
	[dreg:$0x0] =	wrdreg $0x0  }
0xa8: {  	s4 =	sshll.u32 s28, $0x1;
	[dreg:$0x2] =	wrdreg s2  }
0xa9: {  	[dreg:$0x3] =	wrdreg s4  }
0xaa: {  	[dreg:$0x4] =	wrdreg $0xC0  }
0xab: {  	_ =	task [dreg:s6], $0x5FFFF  }
0xac: {  	[dreg:$0x1] =	wrdreg $0xFFFFFFFF  }
0xad: {  	[dreg:$0x0] =	wrdreg $0x60  }
0xae: {  	[dreg:$0x2] =	wrdreg s24  }
0xaf: {  	[dreg:$0x3] =	wrdreg $0x9  }
0xb0: {  	_ =	task.clear_ibuf [dreg:s6], $0x4FFFF;
	_ =	strace $0x90000046  }
0xb1: {  	s29 =	simm.s32 $0x9;
	_ =	strace $0x80000048  }
0xb2: {  	_ =	swait.ge [sflag:s29], $0x1  }
0xb3: {  	[sflag:s29] =	ssyncadd.s32 $0xFFFFFFFF  }
0xb4: {  	_ =	strace $0x90000048  }
0xb5: {  	_ =	sfence  }
0xb6: {  	s30 =	sld [smem:$0x0];
	_ =	sdelay $0x2  }
0xb7: {  	s31 =	sshll.u32 s1, $0xD;
	s1 =	sshrl.u32 s1, $0x2  }
0xb8: {  	s3 =	sand.u32 $0x4000, s31;
	s1 =	sadd.s32 s1, s30  }
0xb9: {  	s0 =	sor.u32 s3, s0;
	s1 =	sshll.u32 s1, $0x11  }
0xba: {  	s0 =	sor.u32 s1, s0  }
0xbb: {  	s0 =	sadd.s32 $0x8F2B, s0  }
0xbc: {  	[sflag:s0] =	ssyncadd.remote.s32 $0x1  }
0xbd: {  	_ =	sfence.sel $0xFFFF  }
0xbe: {  	[dreg:$0x0] =	wrdreg $0xFFFFFFFF;
	(pc) =	sbr.abs _section_cstart, $3  }
0xbf: {  	[dreg:$0x1] =	wrdreg $0xFFFFFFFF  }
0xc0: {  	_ =	task.clear_ibuf [dreg:s6], $0x2FFFF;
	_ =	strace $0x9FFFFFFF  }
0xc1: {  	(tm) =	ssettm $0x7FFFFFFF  }
tec
execute0_lowered:
.L_overlay_start_1:
0x0: {  	(tag) =	ssettag $0x1  }
0x1: {  	s2 =	rddreg [dreg:$0x0]  }
0x2: {  	s0 =	rddreg [dreg:$0x1]  }
0x3: {  	s1 =	srdreg.scid;
	_ =	strace $0x80000047;
	s4 =	simm.s32 $0x1  }
0x4: {  	s9 =	simm.s32 $0x3;
	s12 =	simm.s32 $0x0;
	s5 =	sshll.u32 s1, $0x4  }
.Ltmp0:
0x5: {  	s1 =	stileid.u32;
	s5 =	sand.u32 $0x10, s5;
	(pc) =	sbr.rel .LBB2_1-.Ltmp0, $4  }
0x6: {  	s10 =	simm.s32 $0x0;
	s3 =	sadd.s32 $0x10000, s2;
	s6 =	sor.u32 s1, s5  }
0x7: {  	[sflag:s4] =	ssyncpa.u1 $0x0;
	s5 =	simm.s32 $0x2;
	s6 =	sshll.u32 s6, $0x7  }
0x8: {  	s7 =	sadd.s32 $0x10200, s2;
	[sflag:s5] =	ssyncpa.u1 $0x0;
	s8 =	sadd.s32 $0x80, s6  }
0x9: {  	vm0 =	vmmov $0xff;
	vm1 =	vcmask $0x3F20;
	[sflag:s9] =	ssyncpa.u1 $0x0;
	s9 =	simm.s32 $0x80;
	s11 =	smov.u32 s6  }
.LBB2_9:
0xa: {  	p0 =	seq.s32 s10, $0x2  }
.Ltmp1:
0xb: {  	_ = 	snop;
	(pc) =	sbr.rel @p0 .LBB2_11-.Ltmp1, $1  }
0xc: {  	_ =	sdelay $0x3  }
.LBB2_10:
0xd: {  	s12 =	sadd.s32 $0x80, s11  }
0xe: {  	s13 =	smov.u32 s6;
	p0 =	slt.s32 s12, s8  }
0xf: {  	s13 =	smov.u32 @p0 s12  }
0x10: {  	s10 =	sadd.s32 $0x1, s10;
	s12 =	smov.u32 s11;
	s11 =	smov.u32 s13  }
.LBB2_1:
0x11: {  	p0 =	sne.s32 s10, $0x0  }
.Ltmp2:
0x12: {  	_ = 	snop;
	(pc) =	sbr.rel @!p0 .LBB2_2-.Ltmp2, $1  }
0x13: {  	_ =	sdelay $0x3  }
0x14: {  	s13 =	sand.u32 $0x1, s10  }
0x15: {  	p0 =	seq.s32 s13, $0x0  }
.Ltmp3:
0x16: {  	_ = 	snop;
	(pc) =	sbr.rel @p0 .LBB2_9-.Ltmp3, $1  }
0x17: {  	_ =	sdelay $0x3  }
0x18: {  	_ =	swait.ge [sflag:s5], $0x80  }
0x19: {  	[sflag:s5] =	ssyncset.done $0x0  }
0x1a: {  	s13 =	simm.s32 $0x0;
	[sflag:s5] =	ssyncadd.s32 $0xFFFFFF80  }
0x1b: {  	v0 =	vld.msk [tilespmem:s13+$0x80 ss:$0x1], $0xffff;
	_ =	sdelay $0x4  }
0x1c: {  	vm2 =	vgt.s32 v0, $0x0  }
0x1d: {  	v0 =	vnsel vm2, $0x0, v0  }
0x1e: {  	v0 =	vmin.u32 v0, $0xFFF  }
0x1f: {  	v0 =	vshll.u32 v0, $0x4;
	_ =	sdelay $0x3  }
0x20: {  	s13 =	simm.s32 $0x4100  }
0x21: {  	[tilespmem:s13], [sflag:$0x1] =	stream.indirect_vreg.gather [hbm:s2], $0x80, v0, vm0, $0x38;
	[tilespmem:$0x8100] =	vst v63  }
0x22: {  	s14 =	simm.s32 $0x4500;
	s31 =	simm.s32 $0x10  }
0x23: {  	[tilespmem:s14], [sflag:$0x1] =	stream.indirect_vreg.gather [hbm:s2], $0x80, v0, vm1, $0x38;
	[tilespmem:$0x8100] =	vst v63  }
0x24: {  	s14 =	simm.s32 $0x80;
	v0 =	vld.msk [tilespmem:s31+$0x80 ss:$0x1], $0xffff  }
.LBB2_5:
0x25: {  	p0 =	sne.s32 s14, $0x1C0;
	_ =	sdelay $0x4  }
0x26: {  	vm2 =	vgt.s32 v0, $0x0  }
0x27: {  	v0 =	vnsel vm2, $0x0, v0  }
0x28: {  	v0 =	vmin.u32 v0, $0xFFF  }
0x29: {  	v0 =	vshll.u32 v0, $0x4;
	_ =	sdelay $0x3  }
.Ltmp4:
0x2a: {  	s13 =	sadd.s32 $0x800, s13;
	(pc) =	sbr.rel @p0 .LBB2_5-.Ltmp4, $4  }
0x2b: {  	[tilespmem:s13], [sflag:$0x1] =	stream.indirect_vreg.gather [hbm:s2], $0x80, v0, vm0, $0x38;
	[tilespmem:$0x8100] =	vst v63  }
0x2c: {  	s15 =	sshra.s32 s14, $0x2;
	s16 =	sadd.s32 $0x400, s13  }
0x2d: {  	[tilespmem:s16], [sflag:$0x1] =	stream.indirect_vreg.gather [hbm:s2], $0x80, v0, vm1, $0x38;
	[tilespmem:$0x8100] =	vst v63  }
0x2e: {  	s14 =	sadd.s32 $0x40, s14;
	v0 =	vld.msk [tilespmem:s15+$0x80 ss:$0x1], $0xffff  }
0x2f: {  	_ =	sdelay $0x3  }
0x30: {  	vm2 =	vgt.s32 v0, $0x0  }
0x31: {  	v0 =	vnsel vm2, $0x0, v0  }
0x32: {  	v0 =	vmin.u32 v0, $0xFFF  }
0x33: {  	v0 =	vshll.u32 v0, $0x4;
	_ =	sdelay $0x3  }
0x34: {  	s13 =	sadd.s32 $0x800, s13  }
0x35: {  	[tilespmem:s13], [sflag:$0x1] =	stream.indirect_vreg.gather [hbm:s2], $0x80, v0, vm0, $0x38;
	[tilespmem:$0x8100] =	vst v63  }
0x36: {  	s13 =	sadd.s32 $0x400, s13  }
0x37: {  	[tilespmem:s13], [sflag:$0x1] =	stream.indirect_vreg.gather [hbm:s2], $0x80, v0, vm1, $0x38;
	[tilespmem:$0x8100] =	vst v63  }
0x38: {  	s12 =	sshll.u32 s12, $0x4;
	s14 =	simm.s32 $0x80;
	_ =	swait.ge [sflag:s4], $0x4000  }
0x39: {  	s15 =	simm.s32 $0x4500;
	s12 =	sadd.s32 s12, s7;
	[sflag:s4] =	ssyncset.done $0x0  }
0x3a: {  	s16 =	sadd.s32 $0x0, s12;
	s13 =	simm.s32 $0x4100;
	[sflag:s4] =	ssyncadd.s32 $0xFFFFC000  }
.LBB2_7:
0x3b: {  	[hbm:s16] =	stream.linear.scatter [tilespmem:s13], [sflag:$0x3], $0x400, $0x38;
	[tilespmem:$0x8100] =	vst v63  }
0x3c: {  	s16 =	smov.u32 s14;
	s13 =	smov.u32 s15;
	p0 =	sne.s32 s14, $0x780  }
.Ltmp5:
0x3d: {  	s14 =	sadd.s32 $0x80, s14;
	(pc) =	sbr.rel @p0 .LBB2_7-.Ltmp5, $2  }
0x3e: {  	_ =	sdelay $0x2  }
0x3f: {  	s15 =	sadd.s32 $0x400, s15;
	s16 =	sadd.s32 s16, s12  }
.Ltmp6:
0x40: {  	(pc) =	sbr.rel .LBB2_9-.Ltmp6, $2  }
0x41: {  	_ =	sdelay $0x2  }
0x42: {  	[hbm:s16] =	stream.linear.scatter [tilespmem:s13], [sflag:$0x3], $0x400, $0x38;
	[tilespmem:$0x8100] =	vst v63  }
.LBB2_2:
.Ltmp7:
0x43: {  	(pc) =	sbr.rel .LBB2_10-.Ltmp7, $4  }
0x44: {  	_ = 	snop  }
0x45: {  	s12 =	sshrl.u32 s11, $0x3  }
0x46: {  	s13 =	sand.u32 $0x7, s11;
	s12 =	sadd.s32 s3, s12  }
0x47: {  	[tilespmem:s9], [sflag:$0x2] =	stream.linear.gather [hbm4b:s12+s13], $0x80, $0x38;
	[tilespmem:$0x8100] =	vst v63  }
.LBB2_11:
0x48: {  	s2 =	simm.s32 $0x3  }
0x49: {  	_ =	swait.ge [sflag:s2], $0x4000  }
0x4a: {  	[sflag:s2] =	ssyncset.done $0x0  }
0x4b: {  	[sflag:s2] =	ssyncadd.s32 $0xFFFFC000  }
0x4c: {  	_ =	sfence.sel $0x180000  }
0x4d: {  	s3 =	simm.s32 $0x2;
	[bflag:$0x0] =	sbarrier.arrive $0xFFFF  }
0x4e: {  	[sflag:s3] =	ssyncpa.u1 $0x1  }
0x4f: {  	s31 =	simm.s32 $0x1;
	[sflag:s2] =	ssyncpa.u1 $0x1  }
0x50: {  	[sflag:s31] =	ssyncpa.u1 $0x1  }
0x51: {  	p0 =	sne.s32 s1, $0x0;
	_ =	strace $0x90000047  }
0x52: {  	s0 =	sadd.s32 @!p0 $0x100000, s0;
	[bflag:$0x2] =	sbarrier.arrive $0xFFFF  }
0x53: {  	[sflag:s0] =	ssyncadd.tile.s32 @!p0 $0x1;
	_ =	shalt  }
.Lfunc_end2:
_tile_overlayer_lowered:
.L_overlay_start_2:
0x54: {  	(tag) =	ssettag $0x2  }
0x55: {  	s0 =	rddreg [dreg:$0x0];
	s2 =	stileid.u32  }
0x56: {  	s1 =	rddreg [dreg:$0x1];
	p0 =	sne.s32 s2, $0x0  }
0x57: {  	s3 =	rddreg [dreg:$0x2];
	[bflag:$0x3] =	sbarrier.arrive $0xFFFF;
	s2 =	simm.s32 @!p0 $0x1C01  }
0x58: {  	[timem:s3], [sflag:s2] =	dma.local @!p0 [hbm:s0], s1  }
0x59: {  	s0 =	simm.s32 @!p0 $0x1  }
0x5a: {  	_ =	swait.ge @!p0 [sflag:s0], s1  }
0x5b: {  	s1 =	ssub.s32 @!p0 $0x0, s1;
	[sflag:s0] =	ssyncset.done @!p0 $0x0  }
0x5c: {  	[sflag:s0] =	ssyncadd.s32 @!p0 s1  }
0x5d: {  	[bflag:$0x3] =	sbarrier.arrive $0xFFFF  }
0x5e: {  	_ =	shalt  }

// kernel: gather_offload_async_start
scs
__scs_entry_jumppad:
0x0: {  	(pc) =	sbr.rel $0x88, $3  }
0x1: {  	(tag) =	ssettag $0x0;
	lr =	simm.s32 $0x1  }
0x2: {  	[smem:$0x3F91] =	sst lr;
	_ =	strace $0xD0000000  }
0x3: {  	_ = 	snop  }
0x4: {  	_ = 	snop  }
0x5: {  	_ = 	snop  }
0x6: {  	_ = 	snop  }
0x7: {  	_ = 	snop  }
__scs_overlays_trampoline_lowered:
0x8: {  	[smem:$0x3FA0] =	sst s0  }
0x9: {  	[smem:$0x3FA1] =	sst s1  }
0xa: {  	[smem:$0x3FA2] =	sst s2  }
0xb: {  	[smem:$0x3FA3] =	sst s3  }
0xc: {  	[smem:$0x3FA4] =	sst s4  }
0xd: {  	[smem:$0x3FA5] =	sst s5  }
0xe: {  	[smem:$0x3FA6] =	sst s6  }
0xf: {  	[smem:$0x3FA7] =	sst s7  }
0x10: {  	[smem:$0x3FA8] =	sst s8  }
0x11: {  	[smem:$0x3FA9] =	sst s9;
	s0 =	simm.s32 @!p0 $0x0  }
0x12: {  	s1 =	sld [smem:$0x3F8F];
	s0 =	simm.s32 @p0 $0x1  }
0x13: {  	[smem:$0x3FAA] =	sst s0;
	s0 =	simm.s32 @!p1 $0x0  }
0x14: {  	s2 =	sld [smem:$0x3F8E];
	s0 =	simm.s32 @p1 $0x1  }
0x15: {  	[smem:$0x3FAB] =	sst s0;
	s0 =	simm.s32 @!p2 $0x0  }
0x16: {  	s3 =	sld [smem:$0x3FDB];
	s0 =	simm.s32 @p2 $0x1  }
0x17: {  	s4 =	simm.s32 $0x1BF5;
	[smem:$0x3FAD] =	sst s0  }
0x18: {  	s0 =	sld [smem:$0x3F90];
	_ =	swait.ge [sflag:s4], $0x0  }
0x19: {  	s7 =	sld [smem:$0x3F91]  }
0x1a: {  	s8 =	sadd.s32 $0xFFFFE003, lr  }
0x1b: {  	s9 =	sadd.s32 $0xFFFFFEF7, lr;
	s5 =	simm.s32 $0xFFFFFFFF;
	p2 =	slt.u32 s8, $0xFFFFF086  }
0x1c: {  	p1 =	slt.u32 s9, $0xF7A;
	s5 =	simm.s32 @!p2 $0x0  }
0x1d: {  	s5 =	simm.s32 @p1 $0x1;
	p0 =	seq.s32 s7, s2  }
0x1e: {  	s7 =	smul.u32 @!p0 $0xF7A, s2;
	p2 =	seq.s32 @!p0 s5, $0x0  }
0x1f: {  	s9 =	smul.u32 $0xF7A, s1;
	s8 =	simm.s32 @!p0 $0x1BF5;
	p2 =	por !p2, p0  }
0x20: {  	[sflag:s8] =	ssyncset.s32 @!p0 $0xFFFFF086;
	s6 =	sadd.s32 @!p0 s3, s7;
	s7 =	simm.s32 @!p0 $0x108  }
0x21: {  	s3 =	sadd.s32 s3, s9;
	s6 =	sadd.s32 @!p0 $0x88, s6;
	s7 =	simm.s32 @p2 $0x1082  }
0x22: {  	[simem:s7], [sflag:s8] =	dma.local @!p0 [hbm:s6], $0xF7A  }
0x23: {  	s9 =	sor.u32 $0xD0000000, s2;
	s6 =	simm.s32 $0x108;
	_ =	swait.ge @!p0 [sflag:s8], $0x0  }
0x24: {  	s3 =	sadd.s32 $0x88, s3;
	s6 =	simm.s32 @!p1 $0x1082;
	[sflag:s4] =	ssyncset.s32 $0xFFFFF086  }
0x25: {  	[simem:s6], [sflag:s4] =	dma.local [hbm:s3], $0xF7A  }
0x26: {  	[smem:$0x3F91] =	sst s1;
	(tag) =	ssettag s2;
	_ =	strace s9  }
0x27: {  	s1 =	sld [smem:$0x3FA1]  }
0x28: {  	s2 =	sld [smem:$0x3FA2]  }
0x29: {  	s4 =	sld [smem:$0x3FA4]  }
0x2a: {  	p0 =	seq.s32 s5, $0x0;
	s5 =	sld [smem:$0x3FA5]  }
0x2b: {  	s6 =	sld [smem:$0x3FA6]  }
0x2c: {  	s7 =	sld [smem:$0x3FA7]  }
0x2d: {  	s3 =	simm.s32 $0x108;
	s8 =	sld [smem:$0x3FA8]  }
0x2e: {  	s3 =	simm.s32 @!p0 $0x1082;
	s9 =	sld [smem:$0x3FA9]  }
0x2f: {  	lr =	sadd.s32 s0, s3;
	s0 =	sld [smem:$0x3FA0]  }
0x30: {  	s3 =	sld [smem:$0x3FA3]  }
0x31: {  	[smem:$0x3FAC] =	sst s10  }
0x32: {  	s10 =	sld [smem:$0x3FAA];
	_ =	sdelay $0x3  }
0x33: {  	p0 =	seq.s32 s10, $0x1;
	s10 =	sld [smem:$0x3FAC];
	_ =	sdelay $0x3  }
0x34: {  	[smem:$0x3FAC] =	sst s10  }
0x35: {  	s10 =	sld [smem:$0x3FAB];
	_ =	sdelay $0x3  }
0x36: {  	p1 =	seq.s32 s10, $0x1;
	s10 =	sld [smem:$0x3FAC];
	_ =	sdelay $0x3  }
0x37: {  	[smem:$0x3FAC] =	sst s10  }
0x38: {  	s10 =	sld [smem:$0x3FAD]  }
0x39: {  	_ = 	snop;
	(pc) =	sbr.ind lr, $3  }
0x3a: {  	_ = 	snop  }
0x3b: {  	_ = 	snop  }
0x3c: {  	p2 =	seq.s32 s10, $0x1;
	s10 =	sld [smem:$0x3FAC]  }
0x3d: {  	_ =	shalt  }
0x3e: {  	_ =	shalt  }
0x3f: {  	_ =	shalt  }
0x40: {  	_ =	shalt  }
0x41: {  	_ =	shalt  }
0x42: {  	_ =	shalt  }
0x43: {  	_ =	shalt  }
0x44: {  	_ =	shalt  }
0x45: {  	_ =	shalt  }
0x46: {  	_ =	shalt  }
0x47: {  	_ =	shalt  }
0x48: {  	_ =	shalt  }
0x49: {  	_ =	shalt  }
0x4a: {  	_ =	shalt  }
0x4b: {  	_ =	shalt  }
0x4c: {  	_ =	shalt  }
0x4d: {  	_ =	shalt  }
0x4e: {  	_ =	shalt  }
0x4f: {  	_ =	shalt  }
0x50: {  	_ =	shalt  }
0x51: {  	_ =	shalt  }
0x52: {  	_ =	shalt  }
0x53: {  	_ =	shalt  }
0x54: {  	_ =	shalt  }
0x55: {  	_ =	shalt  }
0x56: {  	_ =	shalt  }
0x57: {  	_ =	shalt  }
0x58: {  	_ =	shalt  }
0x59: {  	_ =	shalt  }
0x5a: {  	_ =	shalt  }
0x5b: {  	_ =	shalt  }
0x5c: {  	_ =	shalt  }
0x5d: {  	_ =	shalt  }
0x5e: {  	_ =	shalt  }
0x5f: {  	_ =	shalt  }
0x60: {  	_ =	shalt  }
0x61: {  	_ =	shalt  }
0x62: {  	_ =	shalt  }
0x63: {  	_ =	shalt  }
0x64: {  	_ =	shalt  }
0x65: {  	_ =	shalt  }
0x66: {  	_ =	shalt  }
0x67: {  	_ =	shalt  }
0x68: {  	_ =	shalt  }
0x69: {  	_ =	shalt  }
0x6a: {  	_ =	shalt  }
0x6b: {  	_ =	shalt  }
0x6c: {  	_ =	shalt  }
0x6d: {  	_ =	shalt  }
0x6e: {  	_ =	shalt  }
0x6f: {  	_ =	shalt  }
0x70: {  	_ =	shalt  }
0x71: {  	_ =	shalt  }
0x72: {  	_ =	shalt  }
0x73: {  	_ =	shalt  }
0x74: {  	_ =	shalt  }
0x75: {  	_ =	shalt  }
0x76: {  	_ =	shalt  }
0x77: {  	_ =	shalt  }
0x78: {  	_ =	shalt  }
0x79: {  	_ =	shalt  }
0x7a: {  	_ =	shalt  }
0x7b: {  	_ =	shalt  }
0x7c: {  	_ =	shalt  }
0x7d: {  	_ =	shalt  }
0x7e: {  	_ =	shalt  }
0x7f: {  	_ =	shalt  }
0x80: {  	_ =	shalt  }
0x81: {  	_ =	shalt  }
0x82: {  	_ =	shalt  }
0x83: {  	_ =	shalt  }
0x84: {  	_ =	shalt  }
0x85: {  	_ =	shalt  }
0x86: {  	_ =	shalt  }
0x87: {  	_ =	shalt  }
.Lfunc_end0:
.L_simem_size_0:
called_computation_lowered:
.L_overlay_start_0:
0x88: {  	s2 =	sld [smem:$0x3FD9]  }
0x89: {  	s3 =	sld [smem:$0x3FFE];
	_ =	sdelay $0x1  }
0x8a: {  	s1 =	srdreg.scid  }
0x8b: {  	s0 =	sand.u32 $0x1, s1  }
0x8c: {  	s16 =	sshll.u32 s0, $0xA;
	s2 =	sadd.s32 s3, s2  }
0x8d: {  	s2 =	sadd.s32 s2, s16  }
0x8e: {  	[smem:$0x3FB8] =	sst s2  }
0x8f: {  	_ = 	snop  }
0x90: {  	(tm) =	ssettm $0x1  }
0x91: {  	s17 =	sld [smem:$0x3FFB];
	_ =	sdelay $0x3  }
0x92: {  	_ =	strace s17  }
0x93: {  	s2 =	sld [smem:$0x3FFC];
	_ =	sdelay $0x3  }
0x94: {  	_ =	strace s2  }
0x95: {  	s2 =	sld [smem:$0x3FFD];
	_ =	sdelay $0x3  }
0x96: {  	_ =	strace s2  }
0x97: {  	_ =	strace $0x8FFFFFFF  }
0x98: {  	s18 =	sld [smem:$0x3FDB];
	_ =	sdelay $0x1  }
0x99: {  	s19 =	simm.s32 $_scs_section_size  }
0x9a: {  	s4 =	simm.s32 $_size__tile_overlayer_lowered;
	s5 =	simm.s32 $_tile_overlayer_lowered  }
0x9b: {  	s22 =	simm.s32 $0x1BFF;
	s21 =	sshll.u32 s5, $0x1;
	s2 =	sadd.s32 s19, s18  }
0x9c: {  	s6 =	simm.s32 $0x0;
	s20 =	sshll.u32 s4, $0x1;
	s4 =	sadd.s32 s21, s2  }
0x9d: {  	[timem:s6], [sflag:s22] =	dma.local [hbm:s4], s20  }
0x9e: {  	_ =	swait.ge [sflag:s22], s20  }
0x9f: {  	s3 =	ssub.s32 $0x0, s20;
	[sflag:s22] =	ssyncset.done $0x0  }
0xa0: {  	[sflag:s22] =	ssyncadd.s32 s3;
	_ =	sdelay $0x1  }
0xa1: {  	s23 =	simm.s32 $0x1B8B  }
0xa2: {  	_ =	swait.ge [sflag:s23], $0x1  }
0xa3: {  	[sflag:s23] =	ssyncset.done $0x0  }
0xa4: {  	s25 =	simm.s32 $0x1B8E;
	s24 =	sld [smem:$0x3FFE];
	[sflag:s23] =	ssyncadd.s32 $0xFFFFFFFF  }
0xa5: {  	s26 =	simm.s32 $execute0_lowered;
	[smem:$0x3FD2] =	sst s25  }
0xa6: {  	s4 =	sshll.u32 s26, $0x1;
	_ =	strace $0x80000049;
	[dreg:$0x1] =	wrdreg $0xFFFFFFFF  }
0xa7: {  	s28 =	simm.s32 $_size_execute0_lowered;
	s2 =	sadd.s32 s2, s4;
	[dreg:$0x0] =	wrdreg $0x0  }
0xa8: {  	s4 =	sshll.u32 s28, $0x1;
	[dreg:$0x2] =	wrdreg s2  }
0xa9: {  	[dreg:$0x3] =	wrdreg s4  }
0xaa: {  	[dreg:$0x4] =	wrdreg $0xC0  }
0xab: {  	_ =	task [dreg:s6], $0x5FFFF  }
0xac: {  	[dreg:$0x1] =	wrdreg $0xFFFFFFFF  }
0xad: {  	[dreg:$0x0] =	wrdreg $0x60  }
0xae: {  	[dreg:$0x2] =	wrdreg s24  }
0xaf: {  	[dreg:$0x3] =	wrdreg $0x9  }
0xb0: {  	_ =	task.clear_ibuf [dreg:s6], $0x4FFFF;
	_ =	strace $0x90000049  }
0xb1: {  	s29 =	simm.s32 $0x9;
	_ =	strace $0x8000004B  }
0xb2: {  	_ =	swait.ge [sflag:s29], $0x1  }
0xb3: {  	[sflag:s29] =	ssyncadd.s32 $0xFFFFFFFF  }
0xb4: {  	_ =	strace $0x9000004B  }
0xb5: {  	_ =	sfence  }
0xb6: {  	s30 =	sld [smem:$0x0];
	_ =	sdelay $0x2  }
0xb7: {  	s31 =	sshll.u32 s1, $0xD;
	s1 =	sshrl.u32 s1, $0x2  }
0xb8: {  	s3 =	sand.u32 $0x4000, s31;
	s1 =	sadd.s32 s1, s30  }
0xb9: {  	s0 =	sor.u32 s3, s0;
	s1 =	sshll.u32 s1, $0x11  }
0xba: {  	s0 =	sor.u32 s1, s0  }
0xbb: {  	s0 =	sadd.s32 $0x8F2B, s0  }
0xbc: {  	[sflag:s0] =	ssyncadd.remote.s32 $0x1  }
0xbd: {  	_ =	sfence.sel $0xFFFF  }
0xbe: {  	[dreg:$0x0] =	wrdreg $0xFFFFFFFF;
	(pc) =	sbr.abs _section_cstart, $3  }
0xbf: {  	[dreg:$0x1] =	wrdreg $0xFFFFFFFF  }
0xc0: {  	_ =	task.clear_ibuf [dreg:s6], $0x2FFFF;
	_ =	strace $0x9FFFFFFF  }
0xc1: {  	(tm) =	ssettm $0x7FFFFFFF  }
tec
execute0_lowered:
.L_overlay_start_1:
0x0: {  	(tag) =	ssettag $0x1  }
0x1: {  	s2 =	rddreg [dreg:$0x0]  }
0x2: {  	s0 =	rddreg [dreg:$0x1]  }
0x3: {  	s1 =	srdreg.scid;
	_ =	strace $0x8000004A;
	s4 =	simm.s32 $0x1  }
0x4: {  	s9 =	simm.s32 $0x3;
	s12 =	simm.s32 $0x0;
	s5 =	sshll.u32 s1, $0x4  }
.Ltmp0:
0x5: {  	s1 =	stileid.u32;
	s5 =	sand.u32 $0x10, s5;
	(pc) =	sbr.rel .LBB2_1-.Ltmp0, $4  }
0x6: {  	s10 =	simm.s32 $0x0;
	s3 =	sadd.s32 $0x20200, s2;
	s6 =	sor.u32 s1, s5  }
0x7: {  	[sflag:s4] =	ssyncpa.u1 $0x0;
	s5 =	simm.s32 $0x2;
	s6 =	sshll.u32 s6, $0x7  }
0x8: {  	s7 =	sadd.s32 $0x10000, s2;
	[sflag:s5] =	ssyncpa.u1 $0x0;
	s8 =	sadd.s32 $0x80, s6  }
0x9: {  	vm0 =	vmmov $0xff;
	vm1 =	vcmask $0x3F20;
	[sflag:s9] =	ssyncpa.u1 $0x0;
	s9 =	simm.s32 $0x80;
	s11 =	smov.u32 s6  }
.LBB2_9:
0xa: {  	p0 =	seq.s32 s10, $0x2  }
.Ltmp1:
0xb: {  	_ = 	snop;
	(pc) =	sbr.rel @p0 .LBB2_11-.Ltmp1, $1  }
0xc: {  	_ =	sdelay $0x3  }
.LBB2_10:
0xd: {  	s12 =	sadd.s32 $0x80, s11  }
0xe: {  	s13 =	smov.u32 s6;
	p0 =	slt.s32 s12, s8  }
0xf: {  	s13 =	smov.u32 @p0 s12  }
0x10: {  	s10 =	sadd.s32 $0x1, s10;
	s12 =	smov.u32 s11;
	s11 =	smov.u32 s13  }
.LBB2_1:
0x11: {  	p0 =	sne.s32 s10, $0x0  }
.Ltmp2:
0x12: {  	_ = 	snop;
	(pc) =	sbr.rel @!p0 .LBB2_2-.Ltmp2, $1  }
0x13: {  	_ =	sdelay $0x3  }
0x14: {  	s13 =	sand.u32 $0x1, s10  }
0x15: {  	p0 =	seq.s32 s13, $0x0  }
.Ltmp3:
0x16: {  	_ = 	snop;
	(pc) =	sbr.rel @p0 .LBB2_9-.Ltmp3, $1  }
0x17: {  	_ =	sdelay $0x3  }
0x18: {  	_ =	swait.ge [sflag:s5], $0x80  }
0x19: {  	[sflag:s5] =	ssyncset.done $0x0  }
0x1a: {  	s13 =	simm.s32 $0x0;
	[sflag:s5] =	ssyncadd.s32 $0xFFFFFF80  }
0x1b: {  	v0 =	vld.msk [tilespmem:s13+$0x80 ss:$0x1], $0xffff;
	_ =	sdelay $0x4  }
0x1c: {  	vm2 =	vgt.s32 v0, $0x0  }
0x1d: {  	v0 =	vnsel vm2, $0x0, v0  }
0x1e: {  	v0 =	vmin.u32 v0, $0xFFF  }
0x1f: {  	v0 =	vshll.u32 v0, $0x4;
	_ =	sdelay $0x3  }
0x20: {  	s13 =	simm.s32 $0x4100  }
0x21: {  	[tilespmem:s13], [sflag:$0x1] =	stream.indirect_vreg.gather [hbm:s2], $0x80, v0, vm0, $0x38;
	[tilespmem:$0x8100] =	vst v63  }
0x22: {  	s14 =	simm.s32 $0x4500;
	s31 =	simm.s32 $0x10  }
0x23: {  	[tilespmem:s14], [sflag:$0x1] =	stream.indirect_vreg.gather [hbm:s2], $0x80, v0, vm1, $0x38;
	[tilespmem:$0x8100] =	vst v63  }
0x24: {  	s14 =	simm.s32 $0x80;
	v0 =	vld.msk [tilespmem:s31+$0x80 ss:$0x1], $0xffff  }
.LBB2_5:
0x25: {  	p0 =	sne.s32 s14, $0x1C0;
	_ =	sdelay $0x4  }
0x26: {  	vm2 =	vgt.s32 v0, $0x0  }
0x27: {  	v0 =	vnsel vm2, $0x0, v0  }
0x28: {  	v0 =	vmin.u32 v0, $0xFFF  }
0x29: {  	v0 =	vshll.u32 v0, $0x4;
	_ =	sdelay $0x3  }
.Ltmp4:
0x2a: {  	s13 =	sadd.s32 $0x800, s13;
	(pc) =	sbr.rel @p0 .LBB2_5-.Ltmp4, $4  }
0x2b: {  	[tilespmem:s13], [sflag:$0x1] =	stream.indirect_vreg.gather [hbm:s2], $0x80, v0, vm0, $0x38;
	[tilespmem:$0x8100] =	vst v63  }
0x2c: {  	s15 =	sshra.s32 s14, $0x2;
	s16 =	sadd.s32 $0x400, s13  }
0x2d: {  	[tilespmem:s16], [sflag:$0x1] =	stream.indirect_vreg.gather [hbm:s2], $0x80, v0, vm1, $0x38;
	[tilespmem:$0x8100] =	vst v63  }
0x2e: {  	s14 =	sadd.s32 $0x40, s14;
	v0 =	vld.msk [tilespmem:s15+$0x80 ss:$0x1], $0xffff  }
0x2f: {  	_ =	sdelay $0x3  }
0x30: {  	vm2 =	vgt.s32 v0, $0x0  }
0x31: {  	v0 =	vnsel vm2, $0x0, v0  }
0x32: {  	v0 =	vmin.u32 v0, $0xFFF  }
0x33: {  	v0 =	vshll.u32 v0, $0x4;
	_ =	sdelay $0x3  }
0x34: {  	s13 =	sadd.s32 $0x800, s13  }
0x35: {  	[tilespmem:s13], [sflag:$0x1] =	stream.indirect_vreg.gather [hbm:s2], $0x80, v0, vm0, $0x38;
	[tilespmem:$0x8100] =	vst v63  }
0x36: {  	s13 =	sadd.s32 $0x400, s13  }
0x37: {  	[tilespmem:s13], [sflag:$0x1] =	stream.indirect_vreg.gather [hbm:s2], $0x80, v0, vm1, $0x38;
	[tilespmem:$0x8100] =	vst v63  }
0x38: {  	s12 =	sshll.u32 s12, $0x4;
	s14 =	simm.s32 $0x80;
	_ =	swait.ge [sflag:s4], $0x4000  }
0x39: {  	s15 =	simm.s32 $0x4500;
	s12 =	sadd.s32 s12, s7;
	[sflag:s4] =	ssyncset.done $0x0  }
0x3a: {  	s16 =	sadd.s32 $0x0, s12;
	s13 =	simm.s32 $0x4100;
	[sflag:s4] =	ssyncadd.s32 $0xFFFFC000  }
.LBB2_7:
0x3b: {  	[hbm:s16] =	stream.linear.scatter [tilespmem:s13], [sflag:$0x3], $0x400, $0x38;
	[tilespmem:$0x8100] =	vst v63  }
0x3c: {  	s16 =	smov.u32 s14;
	s13 =	smov.u32 s15;
	p0 =	sne.s32 s14, $0x780  }
.Ltmp5:
0x3d: {  	s14 =	sadd.s32 $0x80, s14;
	(pc) =	sbr.rel @p0 .LBB2_7-.Ltmp5, $2  }
0x3e: {  	_ =	sdelay $0x2  }
0x3f: {  	s15 =	sadd.s32 $0x400, s15;
	s16 =	sadd.s32 s16, s12  }
.Ltmp6:
0x40: {  	(pc) =	sbr.rel .LBB2_9-.Ltmp6, $2  }
0x41: {  	_ =	sdelay $0x2  }
0x42: {  	[hbm:s16] =	stream.linear.scatter [tilespmem:s13], [sflag:$0x3], $0x400, $0x38;
	[tilespmem:$0x8100] =	vst v63  }
.LBB2_2:
.Ltmp7:
0x43: {  	(pc) =	sbr.rel .LBB2_10-.Ltmp7, $4  }
0x44: {  	_ = 	snop  }
0x45: {  	s12 =	sshrl.u32 s11, $0x3  }
0x46: {  	s13 =	sand.u32 $0x7, s11;
	s12 =	sadd.s32 s3, s12  }
0x47: {  	[tilespmem:s9], [sflag:$0x2] =	stream.linear.gather [hbm4b:s12+s13], $0x80, $0x38;
	[tilespmem:$0x8100] =	vst v63  }
.LBB2_11:
0x48: {  	s2 =	simm.s32 $0x3  }
0x49: {  	_ =	swait.ge [sflag:s2], $0x4000  }
0x4a: {  	[sflag:s2] =	ssyncset.done $0x0  }
0x4b: {  	[sflag:s2] =	ssyncadd.s32 $0xFFFFC000  }
0x4c: {  	_ =	sfence.sel $0x180000  }
0x4d: {  	s3 =	simm.s32 $0x2;
	[bflag:$0x0] =	sbarrier.arrive $0xFFFF  }
0x4e: {  	[sflag:s3] =	ssyncpa.u1 $0x1  }
0x4f: {  	s31 =	simm.s32 $0x1;
	[sflag:s2] =	ssyncpa.u1 $0x1  }
0x50: {  	[sflag:s31] =	ssyncpa.u1 $0x1  }
0x51: {  	p0 =	sne.s32 s1, $0x0;
	_ =	strace $0x9000004A  }
0x52: {  	s0 =	sadd.s32 @!p0 $0x100000, s0;
	[bflag:$0x2] =	sbarrier.arrive $0xFFFF  }
0x53: {  	[sflag:s0] =	ssyncadd.tile.s32 @!p0 $0x1;
	_ =	shalt  }
.Lfunc_end2:
_tile_overlayer_lowered:
.L_overlay_start_2:
0x54: {  	(tag) =	ssettag $0x2  }
0x55: {  	s0 =	rddreg [dreg:$0x0];
	s2 =	stileid.u32  }
0x56: {  	s1 =	rddreg [dreg:$0x1];
	p0 =	sne.s32 s2, $0x0  }
0x57: {  	s3 =	rddreg [dreg:$0x2];
	[bflag:$0x3] =	sbarrier.arrive $0xFFFF;
	s2 =	simm.s32 @!p0 $0x1C01  }
0x58: {  	[timem:s3], [sflag:s2] =	dma.local @!p0 [hbm:s0], s1  }
0x59: {  	s0 =	simm.s32 @!p0 $0x1  }
0x5a: {  	_ =	swait.ge @!p0 [sflag:s0], s1  }
0x5b: {  	s1 =	ssub.s32 @!p0 $0x0, s1;
	[sflag:s0] =	ssyncset.done @!p0 $0x0  }
0x5c: {  	[sflag:s0] =	ssyncadd.s32 @!p0 s1  }
0x5d: {  	[bflag:$0x3] =	sbarrier.arrive $0xFFFF  }
0x5e: {  	_ =	shalt  }

</sc_bundles>
